<compile_context>
chip_gen: v7x
topology: tpu7x:2x2x1
jax: 0.10.2.dev20260603
libtpu: 0.0.44.dev20260713+nightly
codegen_flags: <defaults>
</compile_context>

<pallas_src>
import dataclasses
import functools

import jax
import jax.numpy as jnp
from jax import lax
from jax.experimental import pallas as pl
from jax.experimental.pallas import tpu as pltpu
from jax.experimental.pallas import tpu_sc as plsc

_NC = 2
_NS = 16
_NW = _NC * _NS
_B = 128
_W = 128
_DEN = 16
_GP = 2
_NPAD_SUB = 640


def _sc_compiler_params():
    cp = pltpu.CompilerParams()
    if "needs_layout_passes" in pltpu.CompilerParams.__dataclass_fields__:
        cp = dataclasses.replace(cp, needs_layout_passes=False)
    return cp


def _tc_mm2_pair(x, wl, wr):
    n, d = x.shape
    h = wl.shape[1]
    nb = 1000

    def body(x_ref, wl_ref, wr_ref, xl_ref, xr_ref):
        xv = x_ref[...]
        xl_ref[...] = jnp.dot(xv, wl_ref[...], preferred_element_type=jnp.float32)
        xr_ref[...] = jnp.dot(xv, wr_ref[...], preferred_element_type=jnp.float32)

    return pl.pallas_call(
        body,
        grid=(n // nb,),
        in_specs=[
            pl.BlockSpec((nb, d), lambda i: (i, 0)),
            pl.BlockSpec((d, h), lambda i: (0, 0)),
            pl.BlockSpec((d, h), lambda i: (0, 0)),
        ],
        out_specs=[
            pl.BlockSpec((nb, h), lambda i: (i, 0)),
            pl.BlockSpec((nb, h), lambda i: (i, 0)),
        ],
        out_shape=[jax.ShapeDtypeStruct((n, h), jnp.float32)] * 2,
    )(x, wl, wr)


def _mm2c_body(x_ref, wl_ref, wr_ref, o_ref, *, h):
    x = x_ref[...]
    o_ref[:, :h] = jnp.dot(x, wl_ref[...], preferred_element_type=jnp.float32)
    o_ref[:, h:2 * h] = jnp.dot(x, wr_ref[...],
                                preferred_element_type=jnp.float32)
    if 2 * h < _W:
        o_ref[:, 2 * h:] = jnp.zeros_like(o_ref[:, 2 * h:])


def _tc_mm2_combined(x, wl, wr):
    n, d = x.shape
    h = wl.shape[1]
    nb = 1000
    body = functools.partial(_mm2c_body, h=h)
    return pl.pallas_call(
        body,
        grid=(n // nb,),
        in_specs=[
            pl.BlockSpec((nb, d), lambda i: (i, 0)),
            pl.BlockSpec((d, h), lambda i: (0, 0)),
            pl.BlockSpec((d, h), lambda i: (0, 0)),
        ],
        out_specs=pl.BlockSpec((nb, _W), lambda i: (i, 0)),
        out_shape=jax.ShapeDtypeStruct((n, _W), jnp.float32),
    )(x, wl, wr)


def _edge1_body(gs_ref, gd_ref, att_ref, w_ref, aw_ref, *, e_total, eb):
    i = pl.program_id(0)
    gs = gs_ref[...]
    m = gs + gd_ref[...].astype(jnp.float32)
    m = jnp.where(m > 0, m, 0.2 * m)
    e = jnp.sum(m * att_ref[...], axis=1, keepdims=True)
    rows = i * eb + lax.broadcasted_iota(jnp.int32, (eb, 1), 0)
    a = jnp.where(rows < e_total, jnp.exp(e), 0.0)
    w_ref[...] = a * gs
    aw_ref[...] = jnp.broadcast_to(a, (eb, _W))


def _tc_edge1(gs, gd, att, e_total):
    ep = gs.shape[0]
    eb = 4096
    body = functools.partial(_edge1_body, e_total=e_total, eb=eb)
    return pl.pallas_call(
        body,
        grid=(ep // eb,),
        in_specs=[
            pl.BlockSpec((eb, _W), lambda i: (i, 0)),
            pl.BlockSpec((eb, _W), lambda i: (i, 0)),
            pl.BlockSpec((1, _W), lambda i: (0, 0)),
        ],
        out_specs=[
            pl.BlockSpec((eb, _W), lambda i: (i, 0)),
            pl.BlockSpec((eb, _W), lambda i: (i, 0)),
        ],
        out_shape=[jax.ShapeDtypeStruct((ep, _W), jnp.float32)] * 2,
    )(gs, gd, att.reshape(1, _W))


def _finish1_body(o1_ref, o2_ref, b_ref, o_ref):
    out = o1_ref[...] / o2_ref[:, 0:1] + b_ref[...]
    o_ref[...] = jnp.maximum(out, 0.0)


def _tc_finish1(o1, o2, b, n):
    nb = 1000
    blk = pl.BlockSpec((nb, _W), lambda i: (i, 0))
    return pl.pallas_call(
        _finish1_body,
        grid=(n // nb,),
        in_specs=[blk, blk, pl.BlockSpec((1, _W), lambda i: (0, 0))],
        out_specs=blk,
        out_shape=jax.ShapeDtypeStruct((n, _W), jnp.float32),
    )(o1, o2, b.reshape(1, _W))


def _finish23_body(p_ref, b_ref, o_ref, *, h, last):
    acc = p_ref[0] + p_ref[1]
    out = acc[:, :h] / acc[:, h:h + 1] + b_ref[...]
    if last:
        mx = jnp.max(out, axis=1, keepdims=True)
        s = out - mx
        out = s - jnp.log(jnp.sum(jnp.exp(s), axis=1, keepdims=True))
    else:
        out = jnp.maximum(out, 0.0)
    o_ref[...] = out


def _tc_finish23(p, b, n, h, last):
    nb = 1000
    body = functools.partial(_finish23_body, h=h, last=last)
    return pl.pallas_call(
        body,
        grid=(n // nb,),
        in_specs=[
            pl.BlockSpec((2, nb, _W), lambda i: (0, i, 0)),
            pl.BlockSpec((1, h), lambda i: (0, 0)),
        ],
        out_specs=pl.BlockSpec((nb, h), lambda i: (i, 0)),
        out_shape=jax.ShapeDtypeStruct((n, h), jnp.float32),
    )(p, b.reshape(1, h))


def _sc_gather(tab_a, tab_b, src3, dst3):
    chunks = src3.shape[1]
    ep = _NW * chunks * _B
    mesh = plsc.VectorSubcoreMesh(core_axis_name="c", subcore_axis_name="s")
    row_t = pltpu.VMEM((_B, _W), jnp.float32)

    @functools.partial(
        pl.kernel,
        out_type=[jax.ShapeDtypeStruct((ep, _W), jnp.float32)] * 2,
        mesh=mesh,
        scratch_types=(
            [pltpu.VMEM((chunks, _B), jnp.int32)] * 2
            + [row_t] * (2 * _GP)
            + [pltpu.SemaphoreType.DMA] * (4 * _GP)
        ),
    )
    def k(ta_hbm, tb_hbm, si_hbm, di_hbm, gs_hbm, gd_hbm, si_v, di_v, *bufs):
        bl = bufs[0:_GP]
        br = bufs[_GP:2 * _GP]
        gl = bufs[2 * _GP:3 * _GP]
        gr = bufs[3 * _GP:4 * _GP]
        wl = bufs[4 * _GP:5 * _GP]
        wr = bufs[5 * _GP:6 * _GP]
        wid = lax.axis_index("s") * _NC + lax.axis_index("c")
        row0 = wid * chunks
        pltpu.sync_copy(si_hbm.at[wid], si_v)
        pltpu.sync_copy(di_hbm.at[wid], di_v)

        @pl.loop(0, chunks, step=_GP)
        def _(i0):
            hg = []
            for j in range(_GP):
                hg.append(pltpu.async_copy(ta_hbm.at[si_v.at[i0 + j]],
                                           bl[j], gl[j]))
                hg.append(pltpu.async_copy(tb_hbm.at[di_v.at[i0 + j]],
                                           br[j], gr[j]))
            hw = []
            for j in range(_GP):
                base = (row0 + i0 + j) * _B
                hg[2 * j].wait()
                hw.append(pltpu.async_copy(bl[j], gs_hbm.at[pl.ds(base, _B)],
                                           wl[j]))
                hg[2 * j + 1].wait()
                hw.append(pltpu.async_copy(br[j], gd_hbm.at[pl.ds(base, _B)],
                                           wr[j]))
            for hh in hw:
                hh.wait()

    return k(tab_a, tab_b, src3, dst3)


def _sc_fused23(tab, attv, src3, dst3, h):
    chunks = src3.shape[1]
    ep = _NW * chunks * _B
    nq = h // 16
    mesh = plsc.VectorSubcoreMesh(core_axis_name="c", subcore_axis_name="s")
    row_t = pltpu.VMEM((_B, _W), jnp.float32)

    @functools.partial(
        pl.kernel,
        out_type=jax.ShapeDtypeStruct((ep, _W), jnp.float32),
        mesh=mesh,
        compiler_params=_sc_compiler_params(),
        scratch_types=(
            [pltpu.VMEM((chunks, _B), jnp.int32)] * 2
            + [row_t] * 6
            + [pltpu.VMEM((8, 16), jnp.float32)]
            + [pltpu.SemaphoreType.DMA] * 6
        ),
    )
    def k(t_hbm, att_hbm, si_hbm, di_hbm, w_hbm, si_v, di_v,
          bl0, bl1, br0, br1, wv0, wv1, att_v, gl0, gl1, gr0, gr1, ws0, ws1):
        wid = lax.axis_index("s") * _NC + lax.axis_index("c")
        row0 = wid * chunks
        pltpu.sync_copy(si_hbm.at[wid], si_v)
        pltpu.sync_copy(di_hbm.at[wid], di_v)
        pltpu.sync_copy(att_hbm, att_v)
        atts = [att_v[q, :] for q in range(nq)]
        bl, br, wv = (bl0, bl1), (br0, br1), (wv0, wv1)
        gl, gr, ws = (gl0, gl1), (gr0, gr1), (ws0, ws1)

        @pl.loop(0, chunks, step=2)
        def _(i0):
            hg = []
            for j in range(2):
                hg.append(pltpu.async_copy(t_hbm.at[si_v.at[i0 + j]],
                                           bl[j], gl[j]))
                hg.append(pltpu.async_copy(t_hbm.at[di_v.at[i0 + j]],
                                           br[j], gr[j]))
            hw = []
            for j in range(2):
                hg[2 * j].wait()
                hg[2 * j + 1].wait()
                blj, brj, wvj = bl[j], br[j], wv[j]

                @pl.loop(0, _B)
                def _(r):
                    us = []
                    acc = jnp.zeros((16,), jnp.float32)
                    for q in range(nq):
                        u = blj[r, pl.ds(16 * q, 16)]
                        v = brj[r, pl.ds(h + 16 * q, 16)]
                        us.append(u)
                        mq = u + v
                        mq = jnp.where(mq > 0, mq, 0.2 * mq)
                        acc = acc + mq * atts[q]
                    e = jnp.sum(acc)
                    av = jnp.exp(lax.broadcast_in_dim(e, (16,), ()))
                    for q in range(nq):
                        wvj[r, pl.ds(16 * q, 16)] = us[q] * av
                    wvj[r, pl.ds(h, 16)] = av

                base = (row0 + i0 + j) * _B
                hw.append(pltpu.async_copy(wvj, w_hbm.at[pl.ds(base, _B)],
                                           ws[j]))
            for hh in hw:
                hh.wait()

    return k(tab, attv, src3, dst3)


def _sc_scatter_dual(w, aw, dstd, z):
    ep = w.shape[0]
    npad = z.shape[0]
    halves = dstd.shape[1]
    chunks = dstd.shape[2]
    mesh = plsc.VectorSubcoreMesh(core_axis_name="c", subcore_axis_name="s")

    @functools.partial(
        pl.kernel,
        out_type=[jax.ShapeDtypeStruct((npad, _W), jnp.float32)] * 2,
        mesh=mesh,
        scratch_types=[
            pltpu.VMEM((chunks, _B), jnp.int32),
            pltpu.VMEM_SHARED((npad, _W), jnp.float32),
            pltpu.VMEM((_B, _W), jnp.float32),
            pltpu.VMEM((_B, _W), jnp.float32),
            pltpu.SemaphoreType.DMA, pltpu.SemaphoreType.DMA,
            pltpu.SemaphoreType.DMA, pltpu.SemaphoreType.DMA,
        ],
    )
    def k(w_hbm, aw_hbm, di_hbm, z_hbm, o1_hbm, o2_hbm, di_v, acc,
          wv0, wv1, ls0, ls1, ss0, ss1):
        cid = lax.axis_index("c")
        sid = lax.axis_index("s")
        r0 = sid * _NPAD_SUB
        pltpu.sync_copy(z_hbm.at[pl.ds(r0, _NPAD_SUB)],
                        acc.at[pl.ds(r0, _NPAD_SUB)])
        plsc.subcore_barrier()
        wv, lsem, ssem = (wv0, wv1), (ls0, ls1), (ss0, ss1)

        def scat(src_hbm):
            for half in range(halves):
                pltpu.sync_copy(di_hbm.at[sid, half], di_v)
                row0 = (sid * halves + half) * chunks

                @pl.loop(0, chunks, step=2)
                def _(i0):
                    hl = []
                    for j in range(2):
                        base = (row0 + i0 + j) * _B
                        hl.append(pltpu.async_copy(
                            src_hbm.at[pl.ds(base, _B)], wv[j], lsem[j]))
                    hs = []
                    for j in range(2):
                        hl[j].wait()
                        hs.append(pltpu.async_copy(
                            wv[j], acc.at[di_v.at[i0 + j]], ssem[j], add=True))
                    for hh in hs:
                        hh.wait()

        @pl.when(cid == 0)
        def _():
            scat(w_hbm)

        @pl.when(cid == 1)
        def _():
            scat(aw_hbm)

        plsc.subcore_barrier()

        @pl.when(cid == 0)
        def _():
            pltpu.sync_copy(acc.at[pl.ds(r0, _NPAD_SUB)],
                            o1_hbm.at[pl.ds(r0, _NPAD_SUB)])

        @pl.when(cid == 1)
        def _():
            pltpu.sync_copy(acc.at[pl.ds(r0, _NPAD_SUB)],
                            o2_hbm.at[pl.ds(r0, _NPAD_SUB)])

    return k(w, aw, dstd, z)


def _sc_scatter_half(w, dst3, z):
    ep = w.shape[0]
    npad = z.shape[0]
    chunks = dst3.shape[1]
    mesh = plsc.VectorSubcoreMesh(core_axis_name="c", subcore_axis_name="s")

    @functools.partial(
        pl.kernel,
        out_type=jax.ShapeDtypeStruct((_NC, npad, _W), jnp.float32),
        mesh=mesh,
        scratch_types=[
            pltpu.VMEM((chunks, _B), jnp.int32),
            pltpu.VMEM_SHARED((npad, _W), jnp.float32),
            pltpu.VMEM((_B, _W), jnp.float32),
            pltpu.VMEM((_B, _W), jnp.float32),
            pltpu.SemaphoreType.DMA, pltpu.SemaphoreType.DMA,
            pltpu.SemaphoreType.DMA, pltpu.SemaphoreType.DMA,
        ],
    )
    def k(w_hbm, di_hbm, z_hbm, o_hbm, di_v, acc, wv0, wv1, ls0, ls1, ss0, ss1):
        cid = lax.axis_index("c")
        sid = lax.axis_index("s")
        r0 = sid * _NPAD_SUB
        pltpu.sync_copy(z_hbm.at[pl.ds(r0, _NPAD_SUB)],
                        acc.at[pl.ds(r0, _NPAD_SUB)])
        wid = sid * _NC + cid
        row0 = wid * chunks
        pltpu.sync_copy(di_hbm.at[wid], di_v)
        plsc.subcore_barrier()
        wv, lsem, ssem = (wv0, wv1), (ls0, ls1), (ss0, ss1)

        @pl.loop(0, chunks, step=2)
        def _(i0):
            hl = []
            for j in range(2):
                base = (row0 + i0 + j) * _B
                hl.append(pltpu.async_copy(
                    w_hbm.at[pl.ds(base, _B)], wv[j], lsem[j]))
            hs = []
            for j in range(2):
                hl[j].wait()
                hs.append(pltpu.async_copy(
                    wv[j], acc.at[di_v.at[i0 + j]], ssem[j], add=True))
            for hh in hs:
                hh.wait()

        plsc.subcore_barrier()
        pltpu.sync_copy(acc.at[pl.ds(r0, _NPAD_SUB)],
                        o_hbm.at[cid, pl.ds(r0, _NPAD_SUB)])

    return k(w, dst3, z)


def kernel(x, edge_index, W1l, W1r, a1, b1, W2l, W2r, a2, b2, W3l, W3r, a3, b3):
    n = x.shape[0]
    e = edge_index.shape[1]
    npad = _NS * _NPAD_SUB
    loops = jnp.arange(n, dtype=edge_index.dtype)
    src = jnp.concatenate([edge_index[0], loops])
    dst = jnp.concatenate([edge_index[1], loops])
    et = e + n
    grain = _NW * _B * _GP
    ep = ((et + grain - 1) // grain) * grain
    pad = ep - et
    srcp = jnp.concatenate([src, jnp.zeros((pad,), src.dtype)])
    dstp = jnp.concatenate([dst, jnp.full((pad,), npad - 1, dst.dtype)])
    src3 = srcp.reshape(_NW, -1, _B)
    dst3 = dstp.reshape(_NW, -1, _B)
    dstd = dstp.reshape(_NS, 2, -1, _B)
    z = jnp.zeros((npad, _W), jnp.float32)

    xl, xr = _tc_mm2_pair(x, W1l, W1r)
    gs, gd = _sc_gather(xl, xr, src3, dst3)
    w, aw = _tc_edge1(gs, gd, a1, et)
    o1, o2 = _sc_scatter_dual(w, aw, dstd, z)
    h = _tc_finish1(o1, o2, b1, n)

    for wl, wr, att, b, last in ((W2l, W2r, a2, b2, False),
                                 (W3l, W3r, a3, b3, True)):
        hdim = wl.shape[1]
        t = _tc_mm2_combined(h, wl, wr)
        att_p = jnp.zeros((_W,), jnp.float32).at[:hdim].set(att).reshape(8, 16)
        w = _sc_fused23(t, att_p, src3, dst3, hdim)
        p = _sc_scatter_half(w, dst3, z)
        h = _tc_finish23(p, b, n, hdim, last)
    return h

# --- scband reference (transcript-rebuilt; emitter-appended) ---
"""Pipeline reference for scband-gnnmodel-12661563589030 (READ-ONLY COPY).

The authoritative reference and input builder live on the scoring server;
editing this copy changes nothing except your own understanding.
"""

import jax, jax.numpy as jnp
import numpy as np

N = 10000
E = 320000
D_IN = 128
H1 = 128
H2 = 64
C = 16


def _gatv2_layer(x, src, dst, Wl, Wr, att, b, n):
    # GATv2Conv, heads=1, concat=True, negative_slope=0.2, add_self_loops handled by caller
    xl = x @ Wl  # lin_l applied to source nodes
    xr = x @ Wr  # lin_r applied to target nodes
    m = xl[src] + xr[dst]
    m = jnp.where(m > 0, m, 0.2 * m)  # LeakyReLU(0.2)
    e = m @ att  # [E] unnormalized attention logits
    emax = jax.ops.segment_max(e, dst, num_segments=n)
    alpha = jnp.exp(e - emax[dst])
    denom = jax.ops.segment_sum(alpha, dst, num_segments=n)
    alpha = alpha / denom[dst]
    out = jax.ops.segment_sum(alpha[:, None] * xl[src], dst, num_segments=n)
    return out + b


def setup_inputs(seed: int = 0):
    key = jax.random.key(seed)
    ks = jax.random.split(key, 16)

    def w(k, i, o):
        return jax.random.normal(k, (i, o), dtype=jnp.float32) * (1.0 / np.sqrt(i))

    inp = {}
    inp["x"] = jax.random.normal(ks[0], (N, D_IN), dtype=jnp.float32)
    inp["edge_index"] = jax.random.randint(ks[1], (2, E), 0, N, dtype=jnp.int32)
    inp["W1l"] = w(ks[2], D_IN, H1)
    inp["W1r"] = w(ks[3], D_IN, H1)
    inp["a1"] = jax.random.normal(ks[4], (H1,), dtype=jnp.float32) * 0.1
    inp["b1"] = jnp.zeros((H1,), dtype=jnp.float32)
    inp["W2l"] = w(ks[5], H1, H2)
    inp["W2r"] = w(ks[6], H1, H2)
    inp["a2"] = jax.random.normal(ks[7], (H2,), dtype=jnp.float32) * 0.1
    inp["b2"] = jnp.zeros((H2,), dtype=jnp.float32)
    inp["W3l"] = w(ks[8], H2, C)
    inp["W3r"] = w(ks[9], H2, C)
    inp["a3"] = jax.random.normal(ks[10], (C,), dtype=jnp.float32) * 0.1
    inp["b3"] = jnp.zeros((C,), dtype=jnp.float32)
    return inp


def reference(x, edge_index, W1l, W1r, a1, b1, W2l, W2r, a2, b2, W3l, W3r, a3, b3):
    n = x.shape[0]
    loops = jnp.arange(n, dtype=edge_index.dtype)
    src = jnp.concatenate([edge_index[0], loops])  # add_self_loops=True
    dst = jnp.concatenate([edge_index[1], loops])
    h = _gatv2_layer(x, src, dst, W1l, W1r, a1, b1, n)
    h = jax.nn.relu(h)
    h = _gatv2_layer(h, src, dst, W2l, W2r, a2, b2, n)
    h = jax.nn.relu(h)
    h = _gatv2_layer(h, src, dst, W3l, W3r, a3, b3, n)
    return jax.nn.log_softmax(h, axis=1)

if __name__ == "__main__":
    import jax
    _d = setup_inputs()
    print(jax.jit(kernel)(*tuple(_d.values())))

</pallas_src>

<mosaic_0001>
#map = affine_map<(d0, d1) -> (0, 0)>
#map1 = affine_map<(d0, d1) -> (0, 0, 0)>
module attributes {stable_mosaic.version = 14 : i64} {
  func.func @k(%arg0: i32, %arg1: i32, %arg2: memref<10000x128xf32, #tpu.memory_space<hbm>>, %arg3: memref<10000x128xf32, #tpu.memory_space<hbm>>, %arg4: memref<32x82x128xi32, #tpu.memory_space<hbm>>, %arg5: memref<32x82x128xi32, #tpu.memory_space<hbm>>, %arg6: memref<335872x128xf32, #tpu.memory_space<hbm>>, %arg7: memref<335872x128xf32, #tpu.memory_space<hbm>>, %arg8: memref<82x128xi32, #tpu.memory_space<vmem>>, %arg9: memref<82x128xi32, #tpu.memory_space<vmem>>, %arg10: memref<128x128xf32, #tpu.memory_space<vmem>>, %arg11: memref<128x128xf32, #tpu.memory_space<vmem>>, %arg12: memref<128x128xf32, #tpu.memory_space<vmem>>, %arg13: memref<128x128xf32, #tpu.memory_space<vmem>>, %arg14: memref<!tpu.dma_semaphore, #tpu.memory_space<semaphore_mem>>, %arg15: memref<!tpu.dma_semaphore, #tpu.memory_space<semaphore_mem>>, %arg16: memref<!tpu.dma_semaphore, #tpu.memory_space<semaphore_mem>>, %arg17: memref<!tpu.dma_semaphore, #tpu.memory_space<semaphore_mem>>, %arg18: memref<!tpu.dma_semaphore, #tpu.memory_space<semaphore_mem>>, %arg19: memref<!tpu.dma_semaphore, #tpu.memory_space<semaphore_mem>>, %arg20: memref<!tpu.dma_semaphore, #tpu.memory_space<semaphore_mem>>, %arg21: memref<!tpu.dma_semaphore, #tpu.memory_space<semaphore_mem>>) attributes {dimension_semantics = [#tpu.dimension_semantics<core_parallel>, #tpu.dimension_semantics<subcore_parallel>], iteration_bounds = array<i64: 2, 16>, scalar_prefetch = 0 : i64, scratch_operands = 14 : i64, tpu.core_type = #tpu.core_type<sc_vector_subcore>, window_params = [{transform_indices = #map}, {transform_indices = #map}, {transform_indices = #map1}, {transform_indices = #map1}, {transform_indices = #map}, {transform_indices = #map}]} {
    %mul3A = arith.constant 2 : i32
    %mul3A_0 = arith.muli %arg1, %mul3A : i32
    %add3A = arith.addi %mul3A_0, %arg0 : i32
    %mul3A_1 = arith.constant 82 : i32
    %mul3A_2 = arith.muli %add3A, %mul3A_1 : i32
    "tpu.region"() ({
      %run_scoped3A = tpu.sem_alloc : memref<!tpu.dma_semaphore, #tpu.memory_space<semaphore_mem>>
      %dma_start3A = arith.constant 0 : i32
      %dma_start3A_7 = arith.constant 0 : i32
      %dma_start3A_8 = tpu.memref_slice %arg4[%add3A, %dma_start3A, %dma_start3A_7] : memref<32x82x128xi32, #tpu.memory_space<hbm>> -> memref<1x82x128xi32, #tpu.memory_space<hbm>>
      %dma_start3A_9 = tpu.memref_squeeze %dma_start3A_8 : memref<1x82x128xi32, #tpu.memory_space<hbm>> -> memref<82x128xi32, #tpu.memory_space<hbm>>
      %dma_start3A_10 = arith.constant 0 : i32
      %dma_start3A_11 = arith.constant 0 : i32
      %dma_start3A_12 = tpu.memref_slice %arg4[%add3A, %dma_start3A_10, %dma_start3A_11] : memref<32x82x128xi32, #tpu.memory_space<hbm>> -> memref<1x82x128xi32, #tpu.memory_space<hbm>>
      %dma_start3A_13 = tpu.memref_squeeze %dma_start3A_12 : memref<1x82x128xi32, #tpu.memory_space<hbm>> -> memref<82x128xi32, #tpu.memory_space<hbm>>
      tpu.enqueue_dma source(%dma_start3A_13 : memref<82x128xi32, #tpu.memory_space<hbm>>) target(%arg8 : memref<82x128xi32, #tpu.memory_space<vmem>>) target_semaphore(%run_scoped3A : memref<!tpu.dma_semaphore, #tpu.memory_space<semaphore_mem>>)
      %dma_wait3A = arith.constant 0 : i32
      %dma_wait3A_14 = arith.constant 0 : i32
      %dma_wait3A_15 = tpu.memref_slice %arg4[%add3A, %dma_wait3A, %dma_wait3A_14] : memref<32x82x128xi32, #tpu.memory_space<hbm>> -> memref<1x82x128xi32, #tpu.memory_space<hbm>>
      %dma_wait3A_16 = tpu.memref_squeeze %dma_wait3A_15 : memref<1x82x128xi32, #tpu.memory_space<hbm>> -> memref<82x128xi32, #tpu.memory_space<hbm>>
      %dma_wait3A_17 = arith.constant 0 : i32
      %dma_wait3A_18 = arith.constant 0 : i32
      %dma_wait3A_19 = tpu.memref_slice %arg4[%add3A, %dma_wait3A_17, %dma_wait3A_18] : memref<32x82x128xi32, #tpu.memory_space<hbm>> -> memref<1x82x128xi32, #tpu.memory_space<hbm>>
      %dma_wait3A_20 = tpu.memref_squeeze %dma_wait3A_19 : memref<1x82x128xi32, #tpu.memory_space<hbm>> -> memref<82x128xi32, #tpu.memory_space<hbm>>
      tpu.wait_dma2 semaphore(%run_scoped3A : memref<!tpu.dma_semaphore, #tpu.memory_space<semaphore_mem>>) src(%dma_wait3A_20 : memref<82x128xi32, #tpu.memory_space<hbm>>) dst(%arg8 : memref<82x128xi32, #tpu.memory_space<vmem>>)
      tpu.yield
    }) : () -> ()
    "tpu.region"() ({
      %run_scoped3A = tpu.sem_alloc : memref<!tpu.dma_semaphore, #tpu.memory_space<semaphore_mem>>
      %dma_start3A = arith.constant 0 : i32
      %dma_start3A_7 = arith.constant 0 : i32
      %dma_start3A_8 = tpu.memref_slice %arg5[%add3A, %dma_start3A, %dma_start3A_7] : memref<32x82x128xi32, #tpu.memory_space<hbm>> -> memref<1x82x128xi32, #tpu.memory_space<hbm>>
      %dma_start3A_9 = tpu.memref_squeeze %dma_start3A_8 : memref<1x82x128xi32, #tpu.memory_space<hbm>> -> memref<82x128xi32, #tpu.memory_space<hbm>>
      %dma_start3A_10 = arith.constant 0 : i32
      %dma_start3A_11 = arith.constant 0 : i32
      %dma_start3A_12 = tpu.memref_slice %arg5[%add3A, %dma_start3A_10, %dma_start3A_11] : memref<32x82x128xi32, #tpu.memory_space<hbm>> -> memref<1x82x128xi32, #tpu.memory_space<hbm>>
      %dma_start3A_13 = tpu.memref_squeeze %dma_start3A_12 : memref<1x82x128xi32, #tpu.memory_space<hbm>> -> memref<82x128xi32, #tpu.memory_space<hbm>>
      tpu.enqueue_dma source(%dma_start3A_13 : memref<82x128xi32, #tpu.memory_space<hbm>>) target(%arg9 : memref<82x128xi32, #tpu.memory_space<vmem>>) target_semaphore(%run_scoped3A : memref<!tpu.dma_semaphore, #tpu.memory_space<semaphore_mem>>)
      %dma_wait3A = arith.constant 0 : i32
      %dma_wait3A_14 = arith.constant 0 : i32
      %dma_wait3A_15 = tpu.memref_slice %arg5[%add3A, %dma_wait3A, %dma_wait3A_14] : memref<32x82x128xi32, #tpu.memory_space<hbm>> -> memref<1x82x128xi32, #tpu.memory_space<hbm>>
      %dma_wait3A_16 = tpu.memref_squeeze %dma_wait3A_15 : memref<1x82x128xi32, #tpu.memory_space<hbm>> -> memref<82x128xi32, #tpu.memory_space<hbm>>
      %dma_wait3A_17 = arith.constant 0 : i32
      %dma_wait3A_18 = arith.constant 0 : i32
      %dma_wait3A_19 = tpu.memref_slice %arg5[%add3A, %dma_wait3A_17, %dma_wait3A_18] : memref<32x82x128xi32, #tpu.memory_space<hbm>> -> memref<1x82x128xi32, #tpu.memory_space<hbm>>
      %dma_wait3A_20 = tpu.memref_squeeze %dma_wait3A_19 : memref<1x82x128xi32, #tpu.memory_space<hbm>> -> memref<82x128xi32, #tpu.memory_space<hbm>>
      tpu.wait_dma2 semaphore(%run_scoped3A : memref<!tpu.dma_semaphore, #tpu.memory_space<semaphore_mem>>) src(%dma_wait3A_20 : memref<82x128xi32, #tpu.memory_space<hbm>>) dst(%arg9 : memref<82x128xi32, #tpu.memory_space<vmem>>)
      tpu.yield
    }) : () -> ()
    %scan3A = arith.constant 0 : i32
    %scan3A_3 = arith.constant 41 : i32
    %scan3A_4 = arith.addi %scan3A, %scan3A_3 : i32
    %scan3A_5 = arith.constant 1 : i32
    scf.for %scan3A_7 = %scan3A to %scan3A_4 step %scan3A_5  : i32 {
      %mul3A_8 = arith.constant 2 : i32
      %mul3A_9 = arith.muli %scan3A_7, %mul3A_8 : i32
      %add3A_10 = arith.constant 0 : i32
      %add3A_11 = arith.addi %add3A_10, %mul3A_9 : i32
      %add3A_12 = arith.constant 0 : i32
      %add3A_13 = arith.addi %add3A_11, %add3A_12 : i32
      %dma_start3A = arith.constant 0 : i32
      %dma_start3A_14 = tpu.memref_slice %arg8[%add3A_13, %dma_start3A] : memref<82x128xi32, #tpu.memory_space<vmem>> -> memref<1x128xi32, #tpu.memory_space<vmem>>
      %dma_start3A_15 = tpu.memref_squeeze %dma_start3A_14 : memref<1x128xi32, #tpu.memory_space<vmem>> -> memref<128xi32, #tpu.memory_space<vmem>>
      %dma_start3A_16 = arith.constant 0 : i32
      %dma_start3A_17 = arith.constant 0 : i32
      %dma_start3A_18 = tpu.memref_slice %arg2[%dma_start3A_16, %dma_start3A_17] : memref<10000x128xf32, #tpu.memory_space<hbm>> -> memref<10000x128xf32, #tpu.memory_space<hbm>>
      tpu.enqueue_indirect_dma source(%dma_start3A_18 : memref<10000x128xf32, #tpu.memory_space<hbm>>) target(%arg10 : memref<128x128xf32, #tpu.memory_space<vmem>>) offsets(%dma_start3A_15 : memref<128xi32, #tpu.memory_space<vmem>>) semaphore(%arg14 : memref<!tpu.dma_semaphore, #tpu.memory_space<semaphore_mem>>)
      %add3A_19 = arith.constant 0 : i32
      %add3A_20 = arith.addi %add3A_11, %add3A_19 : i32
      %dma_start3A_21 = arith.constant 0 : i32
      %dma_start3A_22 = tpu.memref_slice %arg9[%add3A_20, %dma_start3A_21] : memref<82x128xi32, #tpu.memory_space<vmem>> -> memref<1x128xi32, #tpu.memory_space<vmem>>
      %dma_start3A_23 = tpu.memref_squeeze %dma_start3A_22 : memref<1x128xi32, #tpu.memory_space<vmem>> -> memref<128xi32, #tpu.memory_space<vmem>>
      %dma_start3A_24 = arith.constant 0 : i32
      %dma_start3A_25 = arith.constant 0 : i32
      %dma_start3A_26 = tpu.memref_slice %arg3[%dma_start3A_24, %dma_start3A_25] : memref<10000x128xf32, #tpu.memory_space<hbm>> -> memref<10000x128xf32, #tpu.memory_space<hbm>>
      tpu.enqueue_indirect_dma source(%dma_start3A_26 : memref<10000x128xf32, #tpu.memory_space<hbm>>) target(%arg12 : memref<128x128xf32, #tpu.memory_space<vmem>>) offsets(%dma_start3A_23 : memref<128xi32, #tpu.memory_space<vmem>>) semaphore(%arg16 : memref<!tpu.dma_semaphore, #tpu.memory_space<semaphore_mem>>)
      %add3A_27 = arith.constant 1 : i32
      %add3A_28 = arith.addi %add3A_11, %add3A_27 : i32
      %dma_start3A_29 = arith.constant 0 : i32
      %dma_start3A_30 = tpu.memref_slice %arg8[%add3A_28, %dma_start3A_29] : memref<82x128xi32, #tpu.memory_space<vmem>> -> memref<1x128xi32, #tpu.memory_space<vmem>>
      %dma_start3A_31 = tpu.memref_squeeze %dma_start3A_30 : memref<1x128xi32, #tpu.memory_space<vmem>> -> memref<128xi32, #tpu.memory_space<vmem>>
      %dma_start3A_32 = arith.constant 0 : i32
      %dma_start3A_33 = arith.constant 0 : i32
      %dma_start3A_34 = tpu.memref_slice %arg2[%dma_start3A_32, %dma_start3A_33] : memref<10000x128xf32, #tpu.memory_space<hbm>> -> memref<10000x128xf32, #tpu.memory_space<hbm>>
      tpu.enqueue_indirect_dma source(%dma_start3A_34 : memref<10000x128xf32, #tpu.memory_space<hbm>>) target(%arg11 : memref<128x128xf32, #tpu.memory_space<vmem>>) offsets(%dma_start3A_31 : memref<128xi32, #tpu.memory_space<vmem>>) semaphore(%arg15 : memref<!tpu.dma_semaphore, #tpu.memory_space<semaphore_mem>>)
      %add3A_35 = arith.constant 1 : i32
      %add3A_36 = arith.addi %add3A_11, %add3A_35 : i32
      %dma_start3A_37 = arith.constant 0 : i32
      %dma_start3A_38 = tpu.memref_slice %arg9[%add3A_36, %dma_start3A_37] : memref<82x128xi32, #tpu.memory_space<vmem>> -> memref<1x128xi32, #tpu.memory_space<vmem>>
      %dma_start3A_39 = tpu.memref_squeeze %dma_start3A_38 : memref<1x128xi32, #tpu.memory_space<vmem>> -> memref<128xi32, #tpu.memory_space<vmem>>
      %dma_start3A_40 = arith.constant 0 : i32
      %dma_start3A_41 = arith.constant 0 : i32
      %dma_start3A_42 = tpu.memref_slice %arg3[%dma_start3A_40, %dma_start3A_41] : memref<10000x128xf32, #tpu.memory_space<hbm>> -> memref<10000x128xf32, #tpu.memory_space<hbm>>
      tpu.enqueue_indirect_dma source(%dma_start3A_42 : memref<10000x128xf32, #tpu.memory_space<hbm>>) target(%arg13 : memref<128x128xf32, #tpu.memory_space<vmem>>) offsets(%dma_start3A_39 : memref<128xi32, #tpu.memory_space<vmem>>) semaphore(%arg17 : memref<!tpu.dma_semaphore, #tpu.memory_space<semaphore_mem>>)
      %add3A_43 = arith.addi %mul3A_2, %add3A_11 : i32
      %add3A_44 = arith.constant 0 : i32
      %add3A_45 = arith.addi %add3A_43, %add3A_44 : i32
      %mul3A_46 = arith.constant 128 : i32
      %mul3A_47 = arith.muli %add3A_45, %mul3A_46 : i32
      %dma_wait3A = arith.constant 0 : i32
      %dma_wait3A_48 = tpu.memref_slice %arg8[%add3A_13, %dma_wait3A] : memref<82x128xi32, #tpu.memory_space<vmem>> -> memref<1x128xi32, #tpu.memory_space<vmem>>
      %dma_wait3A_49 = tpu.memref_squeeze %dma_wait3A_48 : memref<1x128xi32, #tpu.memory_space<vmem>> -> memref<128xi32, #tpu.memory_space<vmem>>
      %dma_wait3A_50 = arith.constant 0 : i32
      %dma_wait3A_51 = arith.constant 0 : i32
      %dma_wait3A_52 = tpu.memref_slice %arg2[%dma_wait3A_50, %dma_wait3A_51] : memref<10000x128xf32, #tpu.memory_space<hbm>> -> memref<10000x128xf32, #tpu.memory_space<hbm>>
      tpu.wait_indirect_dma semaphore(%arg14 : memref<!tpu.dma_semaphore, #tpu.memory_space<semaphore_mem>>) src(%dma_wait3A_52 : memref<10000x128xf32, #tpu.memory_space<hbm>>) dst(%arg10 : memref<128x128xf32, #tpu.memory_space<vmem>>)
      %dma_start3A_53 = arith.constant 0 : i32
      %dma_start3A_54 = tpu.memref_slice %arg6[%mul3A_47, %dma_start3A_53] : memref<335872x128xf32, #tpu.memory_space<hbm>> -> memref<128x128xf32, #tpu.memory_space<hbm>>
      %dma_start3A_55 = arith.constant 0 : i32
      %dma_start3A_56 = tpu.memref_slice %arg6[%mul3A_47, %dma_start3A_55] : memref<335872x128xf32, #tpu.memory_space<hbm>> -> memref<128x128xf32, #tpu.memory_space<hbm>>
      tpu.enqueue_dma source(%arg10 : memref<128x128xf32, #tpu.memory_space<vmem>>) target(%dma_start3A_56 : memref<128x128xf32, #tpu.memory_space<hbm>>) target_semaphore(%arg18 : memref<!tpu.dma_semaphore, #tpu.memory_space<semaphore_mem>>)
      %dma_wait3A_57 = arith.constant 0 : i32
      %dma_wait3A_58 = tpu.memref_slice %arg9[%add3A_20, %dma_wait3A_57] : memref<82x128xi32, #tpu.memory_space<vmem>> -> memref<1x128xi32, #tpu.memory_space<vmem>>
      %dma_wait3A_59 = tpu.memref_squeeze %dma_wait3A_58 : memref<1x128xi32, #tpu.memory_space<vmem>> -> memref<128xi32, #tpu.memory_space<vmem>>
      %dma_wait3A_60 = arith.constant 0 : i32
      %dma_wait3A_61 = arith.constant 0 : i32
      %dma_wait3A_62 = tpu.memref_slice %arg3[%dma_wait3A_60, %dma_wait3A_61] : memref<10000x128xf32, #tpu.memory_space<hbm>> -> memref<10000x128xf32, #tpu.memory_space<hbm>>
      tpu.wait_indirect_dma semaphore(%arg16 : memref<!tpu.dma_semaphore, #tpu.memory_space<semaphore_mem>>) src(%dma_wait3A_62 : memref<10000x128xf32, #tpu.memory_space<hbm>>) dst(%arg12 : memref<128x128xf32, #tpu.memory_space<vmem>>)
      %dma_start3A_63 = arith.constant 0 : i32
      %dma_start3A_64 = tpu.memref_slice %arg7[%mul3A_47, %dma_start3A_63] : memref<335872x128xf32, #tpu.memory_space<hbm>> -> memref<128x128xf32, #tpu.memory_space<hbm>>
      %dma_start3A_65 = arith.constant 0 : i32
      %dma_start3A_66 = tpu.memref_slice %arg7[%mul3A_47, %dma_start3A_65] : memref<335872x128xf32, #tpu.memory_space<hbm>> -> memref<128x128xf32, #tpu.memory_space<hbm>>
      tpu.enqueue_dma source(%arg12 : memref<128x128xf32, #tpu.memory_space<vmem>>) target(%dma_start3A_66 : memref<128x128xf32, #tpu.memory_space<hbm>>) target_semaphore(%arg20 : memref<!tpu.dma_semaphore, #tpu.memory_space<semaphore_mem>>)
      %add3A_67 = arith.addi %mul3A_2, %add3A_11 : i32
      %add3A_68 = arith.constant 1 : i32
      %add3A_69 = arith.addi %add3A_67, %add3A_68 : i32
      %mul3A_70 = arith.constant 128 : i32
      %mul3A_71 = arith.muli %add3A_69, %mul3A_70 : i32
      %dma_wait3A_72 = arith.constant 0 : i32
      %dma_wait3A_73 = tpu.memref_slice %arg8[%add3A_28, %dma_wait3A_72] : memref<82x128xi32, #tpu.memory_space<vmem>> -> memref<1x128xi32, #tpu.memory_space<vmem>>
      %dma_wait3A_74 = tpu.memref_squeeze %dma_wait3A_73 : memref<1x128xi32, #tpu.memory_space<vmem>> -> memref<128xi32, #tpu.memory_space<vmem>>
      %dma_wait3A_75 = arith.constant 0 : i32
      %dma_wait3A_76 = arith.constant 0 : i32
      %dma_wait3A_77 = tpu.memref_slice %arg2[%dma_wait3A_75, %dma_wait3A_76] : memref<10000x128xf32, #tpu.memory_space<hbm>> -> memref<10000x128xf32, #tpu.memory_space<hbm>>
      tpu.wait_indirect_dma semaphore(%arg15 : memref<!tpu.dma_semaphore, #tpu.memory_space<semaphore_mem>>) src(%dma_wait3A_77 : memref<10000x128xf32, #tpu.memory_space<hbm>>) dst(%arg11 : memref<128x128xf32, #tpu.memory_space<vmem>>)
      %dma_start3A_78 = arith.constant 0 : i32
      %dma_start3A_79 = tpu.memref_slice %arg6[%mul3A_71, %dma_start3A_78] : memref<335872x128xf32, #tpu.memory_space<hbm>> -> memref<128x128xf32, #tpu.memory_space<hbm>>
      %dma_start3A_80 = arith.constant 0 : i32
      %dma_start3A_81 = tpu.memref_slice %arg6[%mul3A_71, %dma_start3A_80] : memref<335872x128xf32, #tpu.memory_space<hbm>> -> memref<128x128xf32, #tpu.memory_space<hbm>>
      tpu.enqueue_dma source(%arg11 : memref<128x128xf32, #tpu.memory_space<vmem>>) target(%dma_start3A_81 : memref<128x128xf32, #tpu.memory_space<hbm>>) target_semaphore(%arg19 : memref<!tpu.dma_semaphore, #tpu.memory_space<semaphore_mem>>)
      %dma_wait3A_82 = arith.constant 0 : i32
      %dma_wait3A_83 = tpu.memref_slice %arg9[%add3A_36, %dma_wait3A_82] : memref<82x128xi32, #tpu.memory_space<vmem>> -> memref<1x128xi32, #tpu.memory_space<vmem>>
      %dma_wait3A_84 = tpu.memref_squeeze %dma_wait3A_83 : memref<1x128xi32, #tpu.memory_space<vmem>> -> memref<128xi32, #tpu.memory_space<vmem>>
      %dma_wait3A_85 = arith.constant 0 : i32
      %dma_wait3A_86 = arith.constant 0 : i32
      %dma_wait3A_87 = tpu.memref_slice %arg3[%dma_wait3A_85, %dma_wait3A_86] : memref<10000x128xf32, #tpu.memory_space<hbm>> -> memref<10000x128xf32, #tpu.memory_space<hbm>>
      tpu.wait_indirect_dma semaphore(%arg17 : memref<!tpu.dma_semaphore, #tpu.memory_space<semaphore_mem>>) src(%dma_wait3A_87 : memref<10000x128xf32, #tpu.memory_space<hbm>>) dst(%arg13 : memref<128x128xf32, #tpu.memory_space<vmem>>)
      %dma_start3A_88 = arith.constant 0 : i32
      %dma_start3A_89 = tpu.memref_slice %arg7[%mul3A_71, %dma_start3A_88] : memref<335872x128xf32, #tpu.memory_space<hbm>> -> memref<128x128xf32, #tpu.memory_space<hbm>>
      %dma_start3A_90 = arith.constant 0 : i32
      %dma_start3A_91 = tpu.memref_slice %arg7[%mul3A_71, %dma_start3A_90] : memref<335872x128xf32, #tpu.memory_space<hbm>> -> memref<128x128xf32, #tpu.memory_space<hbm>>
      tpu.enqueue_dma source(%arg13 : memref<128x128xf32, #tpu.memory_space<vmem>>) target(%dma_start3A_91 : memref<128x128xf32, #tpu.memory_space<hbm>>) target_semaphore(%arg21 : memref<!tpu.dma_semaphore, #tpu.memory_space<semaphore_mem>>)
      %dma_wait3A_92 = arith.constant 0 : i32
      %dma_wait3A_93 = tpu.memref_slice %arg6[%mul3A_47, %dma_wait3A_92] : memref<335872x128xf32, #tpu.memory_space<hbm>> -> memref<128x128xf32, #tpu.memory_space<hbm>>
      %dma_wait3A_94 = arith.constant 0 : i32
      %dma_wait3A_95 = tpu.memref_slice %arg6[%mul3A_47, %dma_wait3A_94] : memref<335872x128xf32, #tpu.memory_space<hbm>> -> memref<128x128xf32, #tpu.memory_space<hbm>>
      tpu.wait_dma2 semaphore(%arg18 : memref<!tpu.dma_semaphore, #tpu.memory_space<semaphore_mem>>) src(%arg10 : memref<128x128xf32, #tpu.memory_space<vmem>>) dst(%dma_wait3A_95 : memref<128x128xf32, #tpu.memory_space<hbm>>)
      %dma_wait3A_96 = arith.constant 0 : i32
      %dma_wait3A_97 = tpu.memref_slice %arg7[%mul3A_47, %dma_wait3A_96] : memref<335872x128xf32, #tpu.memory_space<hbm>> -> memref<128x128xf32, #tpu.memory_space<hbm>>
      %dma_wait3A_98 = arith.constant 0 : i32
      %dma_wait3A_99 = tpu.memref_slice %arg7[%mul3A_47, %dma_wait3A_98] : memref<335872x128xf32, #tpu.memory_space<hbm>> -> memref<128x128xf32, #tpu.memory_space<hbm>>
      tpu.wait_dma2 semaphore(%arg20 : memref<!tpu.dma_semaphore, #tpu.memory_space<semaphore_mem>>) src(%arg12 : memref<128x128xf32, #tpu.memory_space<vmem>>) dst(%dma_wait3A_99 : memref<128x128xf32, #tpu.memory_space<hbm>>)
      %dma_wait3A_100 = arith.constant 0 : i32
      %dma_wait3A_101 = tpu.memref_slice %arg6[%mul3A_71, %dma_wait3A_100] : memref<335872x128xf32, #tpu.memory_space<hbm>> -> memref<128x128xf32, #tpu.memory_space<hbm>>
      %dma_wait3A_102 = arith.constant 0 : i32
      %dma_wait3A_103 = tpu.memref_slice %arg6[%mul3A_71, %dma_wait3A_102] : memref<335872x128xf32, #tpu.memory_space<hbm>> -> memref<128x128xf32, #tpu.memory_space<hbm>>
      tpu.wait_dma2 semaphore(%arg19 : memref<!tpu.dma_semaphore, #tpu.memory_space<semaphore_mem>>) src(%arg11 : memref<128x128xf32, #tpu.memory_space<vmem>>) dst(%dma_wait3A_103 : memref<128x128xf32, #tpu.memory_space<hbm>>)
      %dma_wait3A_104 = arith.constant 0 : i32
      %dma_wait3A_105 = tpu.memref_slice %arg7[%mul3A_71, %dma_wait3A_104] : memref<335872x128xf32, #tpu.memory_space<hbm>> -> memref<128x128xf32, #tpu.memory_space<hbm>>
      %dma_wait3A_106 = arith.constant 0 : i32
      %dma_wait3A_107 = tpu.memref_slice %arg7[%mul3A_71, %dma_wait3A_106] : memref<335872x128xf32, #tpu.memory_space<hbm>> -> memref<128x128xf32, #tpu.memory_space<hbm>>
      tpu.wait_dma2 semaphore(%arg21 : memref<!tpu.dma_semaphore, #tpu.memory_space<semaphore_mem>>) src(%arg13 : memref<128x128xf32, #tpu.memory_space<vmem>>) dst(%dma_wait3A_107 : memref<128x128xf32, #tpu.memory_space<hbm>>)
    }
    %scan3A_6 = arith.constant 41 : i32
    return
  }
}

#map = affine_map<(d0, d1) -> (0, 0)>
#map1 = affine_map<(d0, d1) -> (0, 0, 0)>
module attributes {stable_mosaic.version = 14 : i64} {
  func.func @k(%arg0: i32, %arg1: i32, %arg2: memref<335872x128xf32, #tpu.memory_space<hbm>>, %arg3: memref<32x82x128xi32, #tpu.memory_space<hbm>>, %arg4: memref<10240x128xf32, #tpu.memory_space<hbm>>, %arg5: memref<2x10240x128xf32, #tpu.memory_space<hbm>>, %arg6: memref<82x128xi32, #tpu.memory_space<vmem>>, %arg7: memref<10240x128xf32, #tpu.memory_space<vmem_shared>>, %arg8: memref<128x128xf32, #tpu.memory_space<vmem>>, %arg9: memref<128x128xf32, #tpu.memory_space<vmem>>, %arg10: memref<!tpu.dma_semaphore, #tpu.memory_space<semaphore_mem>>, %arg11: memref<!tpu.dma_semaphore, #tpu.memory_space<semaphore_mem>>, %arg12: memref<!tpu.dma_semaphore, #tpu.memory_space<semaphore_mem>>, %arg13: memref<!tpu.dma_semaphore, #tpu.memory_space<semaphore_mem>>) attributes {dimension_semantics = [#tpu.dimension_semantics<core_parallel>, #tpu.dimension_semantics<subcore_parallel>], iteration_bounds = array<i64: 2, 16>, scalar_prefetch = 0 : i64, scratch_operands = 8 : i64, tpu.core_type = #tpu.core_type<sc_vector_subcore>, window_params = [{transform_indices = #map}, {transform_indices = #map1}, {transform_indices = #map}, {transform_indices = #map1}]} {
    %mul3A = arith.constant 640 : i32
    %mul3A_0 = arith.muli %arg1, %mul3A : i32
    "tpu.region"() ({
      %run_scoped3A = tpu.sem_alloc : memref<!tpu.dma_semaphore, #tpu.memory_space<semaphore_mem>>
      %dma_start3A = arith.constant 0 : i32
      %dma_start3A_10 = tpu.memref_slice %arg7[%mul3A_0, %dma_start3A] : memref<10240x128xf32, #tpu.memory_space<vmem_shared>> -> memref<640x128xf32, #tpu.memory_space<vmem_shared>>
      %dma_start3A_11 = arith.constant 0 : i32
      %dma_start3A_12 = tpu.memref_slice %arg4[%mul3A_0, %dma_start3A_11] : memref<10240x128xf32, #tpu.memory_space<hbm>> -> memref<640x128xf32, #tpu.memory_space<hbm>>
      tpu.enqueue_dma source(%dma_start3A_12 : memref<640x128xf32, #tpu.memory_space<hbm>>) target(%dma_start3A_10 : memref<640x128xf32, #tpu.memory_space<vmem_shared>>) target_semaphore(%run_scoped3A : memref<!tpu.dma_semaphore, #tpu.memory_space<semaphore_mem>>)
      %dma_wait3A = arith.constant 0 : i32
      %dma_wait3A_13 = tpu.memref_slice %arg7[%mul3A_0, %dma_wait3A] : memref<10240x128xf32, #tpu.memory_space<vmem_shared>> -> memref<640x128xf32, #tpu.memory_space<vmem_shared>>
      %dma_wait3A_14 = arith.constant 0 : i32
      %dma_wait3A_15 = tpu.memref_slice %arg4[%mul3A_0, %dma_wait3A_14] : memref<10240x128xf32, #tpu.memory_space<hbm>> -> memref<640x128xf32, #tpu.memory_space<hbm>>
      tpu.wait_dma2 semaphore(%run_scoped3A : memref<!tpu.dma_semaphore, #tpu.memory_space<semaphore_mem>>) src(%dma_wait3A_15 : memref<640x128xf32, #tpu.memory_space<hbm>>) dst(%dma_wait3A_13 : memref<640x128xf32, #tpu.memory_space<vmem_shared>>)
      tpu.yield
    }) : () -> ()
    %mul3A_1 = arith.constant 2 : i32
    %mul3A_2 = arith.muli %arg1, %mul3A_1 : i32
    %add3A = arith.addi %mul3A_2, %arg0 : i32
    %mul3A_3 = arith.constant 82 : i32
    %mul3A_4 = arith.muli %add3A, %mul3A_3 : i32
    "tpu.region"() ({
      %run_scoped3A = tpu.sem_alloc : memref<!tpu.dma_semaphore, #tpu.memory_space<semaphore_mem>>
      %dma_start3A = arith.constant 0 : i32
      %dma_start3A_10 = arith.constant 0 : i32
      %dma_start3A_11 = tpu.memref_slice %arg3[%add3A, %dma_start3A, %dma_start3A_10] : memref<32x82x128xi32, #tpu.memory_space<hbm>> -> memref<1x82x128xi32, #tpu.memory_space<hbm>>
      %dma_start3A_12 = tpu.memref_squeeze %dma_start3A_11 : memref<1x82x128xi32, #tpu.memory_space<hbm>> -> memref<82x128xi32, #tpu.memory_space<hbm>>
      %dma_start3A_13 = arith.constant 0 : i32
      %dma_start3A_14 = arith.constant 0 : i32
      %dma_start3A_15 = tpu.memref_slice %arg3[%add3A, %dma_start3A_13, %dma_start3A_14] : memref<32x82x128xi32, #tpu.memory_space<hbm>> -> memref<1x82x128xi32, #tpu.memory_space<hbm>>
      %dma_start3A_16 = tpu.memref_squeeze %dma_start3A_15 : memref<1x82x128xi32, #tpu.memory_space<hbm>> -> memref<82x128xi32, #tpu.memory_space<hbm>>
      tpu.enqueue_dma source(%dma_start3A_16 : memref<82x128xi32, #tpu.memory_space<hbm>>) target(%arg6 : memref<82x128xi32, #tpu.memory_space<vmem>>) target_semaphore(%run_scoped3A : memref<!tpu.dma_semaphore, #tpu.memory_space<semaphore_mem>>)
      %dma_wait3A = arith.constant 0 : i32
      %dma_wait3A_17 = arith.constant 0 : i32
      %dma_wait3A_18 = tpu.memref_slice %arg3[%add3A, %dma_wait3A, %dma_wait3A_17] : memref<32x82x128xi32, #tpu.memory_space<hbm>> -> memref<1x82x128xi32, #tpu.memory_space<hbm>>
      %dma_wait3A_19 = tpu.memref_squeeze %dma_wait3A_18 : memref<1x82x128xi32, #tpu.memory_space<hbm>> -> memref<82x128xi32, #tpu.memory_space<hbm>>
      %dma_wait3A_20 = arith.constant 0 : i32
      %dma_wait3A_21 = arith.constant 0 : i32
      %dma_wait3A_22 = tpu.memref_slice %arg3[%add3A, %dma_wait3A_20, %dma_wait3A_21] : memref<32x82x128xi32, #tpu.memory_space<hbm>> -> memref<1x82x128xi32, #tpu.memory_space<hbm>>
      %dma_wait3A_23 = tpu.memref_squeeze %dma_wait3A_22 : memref<1x82x128xi32, #tpu.memory_space<hbm>> -> memref<82x128xi32, #tpu.memory_space<hbm>>
      tpu.wait_dma2 semaphore(%run_scoped3A : memref<!tpu.dma_semaphore, #tpu.memory_space<semaphore_mem>>) src(%dma_wait3A_23 : memref<82x128xi32, #tpu.memory_space<hbm>>) dst(%arg6 : memref<82x128xi32, #tpu.memory_space<vmem>>)
      tpu.yield
    }) : () -> ()
    %barrier3A = arith.constant 0 : index
    tpu.barrier barrier_id(%barrier3A)
    %scan3A = arith.constant 0 : i32
    %scan3A_5 = arith.constant 41 : i32
    %scan3A_6 = arith.addi %scan3A, %scan3A_5 : i32
    %scan3A_7 = arith.constant 1 : i32
    scf.for %scan3A_10 = %scan3A to %scan3A_6 step %scan3A_7  : i32 {
      %mul3A_11 = arith.constant 2 : i32
      %mul3A_12 = arith.muli %scan3A_10, %mul3A_11 : i32
      %add3A_13 = arith.constant 0 : i32
      %add3A_14 = arith.addi %add3A_13, %mul3A_12 : i32
      %add3A_15 = arith.addi %mul3A_4, %add3A_14 : i32
      %add3A_16 = arith.constant 0 : i32
      %add3A_17 = arith.addi %add3A_15, %add3A_16 : i32
      %mul3A_18 = arith.constant 128 : i32
      %mul3A_19 = arith.muli %add3A_17, %mul3A_18 : i32
      %dma_start3A = arith.constant 0 : i32
      %dma_start3A_20 = tpu.memref_slice %arg2[%mul3A_19, %dma_start3A] : memref<335872x128xf32, #tpu.memory_space<hbm>> -> memref<128x128xf32, #tpu.memory_space<hbm>>
      %dma_start3A_21 = arith.constant 0 : i32
      %dma_start3A_22 = tpu.memref_slice %arg2[%mul3A_19, %dma_start3A_21] : memref<335872x128xf32, #tpu.memory_space<hbm>> -> memref<128x128xf32, #tpu.memory_space<hbm>>
      tpu.enqueue_dma source(%dma_start3A_22 : memref<128x128xf32, #tpu.memory_space<hbm>>) target(%arg8 : memref<128x128xf32, #tpu.memory_space<vmem>>) target_semaphore(%arg10 : memref<!tpu.dma_semaphore, #tpu.memory_space<semaphore_mem>>)
      %add3A_23 = arith.addi %mul3A_4, %add3A_14 : i32
      %add3A_24 = arith.constant 1 : i32
      %add3A_25 = arith.addi %add3A_23, %add3A_24 : i32
      %mul3A_26 = arith.constant 128 : i32
      %mul3A_27 = arith.muli %add3A_25, %mul3A_26 : i32
      %dma_start3A_28 = arith.constant 0 : i32
      %dma_start3A_29 = tpu.memref_slice %arg2[%mul3A_27, %dma_start3A_28] : memref<335872x128xf32, #tpu.memory_space<hbm>> -> memref<128x128xf32, #tpu.memory_space<hbm>>
      %dma_start3A_30 = arith.constant 0 : i32
      %dma_start3A_31 = tpu.memref_slice %arg2[%mul3A_27, %dma_start3A_30] : memref<335872x128xf32, #tpu.memory_space<hbm>> -> memref<128x128xf32, #tpu.memory_space<hbm>>
      tpu.enqueue_dma source(%dma_start3A_31 : memref<128x128xf32, #tpu.memory_space<hbm>>) target(%arg9 : memref<128x128xf32, #tpu.memory_space<vmem>>) target_semaphore(%arg11 : memref<!tpu.dma_semaphore, #tpu.memory_space<semaphore_mem>>)
      %dma_wait3A = arith.constant 0 : i32
      %dma_wait3A_32 = tpu.memref_slice %arg2[%mul3A_19, %dma_wait3A] : memref<335872x128xf32, #tpu.memory_space<hbm>> -> memref<128x128xf32, #tpu.memory_space<hbm>>
      %dma_wait3A_33 = arith.constant 0 : i32
      %dma_wait3A_34 = tpu.memref_slice %arg2[%mul3A_19, %dma_wait3A_33] : memref<335872x128xf32, #tpu.memory_space<hbm>> -> memref<128x128xf32, #tpu.memory_space<hbm>>
      tpu.wait_dma2 semaphore(%arg10 : memref<!tpu.dma_semaphore, #tpu.memory_space<semaphore_mem>>) src(%dma_wait3A_34 : memref<128x128xf32, #tpu.memory_space<hbm>>) dst(%arg8 : memref<128x128xf32, #tpu.memory_space<vmem>>)
      %add3A_35 = arith.constant 0 : i32
      %add3A_36 = arith.addi %add3A_14, %add3A_35 : i32
      %dma_start3A_37 = arith.constant 0 : i32
      %dma_start3A_38 = tpu.memref_slice %arg6[%add3A_36, %dma_start3A_37] : memref<82x128xi32, #tpu.memory_space<vmem>> -> memref<1x128xi32, #tpu.memory_space<vmem>>
      %dma_start3A_39 = tpu.memref_squeeze %dma_start3A_38 : memref<1x128xi32, #tpu.memory_space<vmem>> -> memref<128xi32, #tpu.memory_space<vmem>>
      %dma_start3A_40 = arith.constant 0 : i32
      %dma_start3A_41 = arith.constant 0 : i32
      %dma_start3A_42 = tpu.memref_slice %arg7[%dma_start3A_40, %dma_start3A_41] : memref<10240x128xf32, #tpu.memory_space<vmem_shared>> -> memref<10240x128xf32, #tpu.memory_space<vmem_shared>>
      tpu.enqueue_indirect_dma source(%arg8 : memref<128x128xf32, #tpu.memory_space<vmem>>) target(%dma_start3A_42 : memref<10240x128xf32, #tpu.memory_space<vmem_shared>>) offsets(%dma_start3A_39 : memref<128xi32, #tpu.memory_space<vmem>>) semaphore(%arg12 : memref<!tpu.dma_semaphore, #tpu.memory_space<semaphore_mem>>) {add = true}
      %dma_wait3A_43 = arith.constant 0 : i32
      %dma_wait3A_44 = tpu.memref_slice %arg2[%mul3A_27, %dma_wait3A_43] : memref<335872x128xf32, #tpu.memory_space<hbm>> -> memref<128x128xf32, #tpu.memory_space<hbm>>
      %dma_wait3A_45 = arith.constant 0 : i32
      %dma_wait3A_46 = tpu.memref_slice %arg2[%mul3A_27, %dma_wait3A_45] : memref<335872x128xf32, #tpu.memory_space<hbm>> -> memref<128x128xf32, #tpu.memory_space<hbm>>
      tpu.wait_dma2 semaphore(%arg11 : memref<!tpu.dma_semaphore, #tpu.memory_space<semaphore_mem>>) src(%dma_wait3A_46 : memref<128x128xf32, #tpu.memory_space<hbm>>) dst(%arg9 : memref<128x128xf32, #tpu.memory_space<vmem>>)
      %add3A_47 = arith.constant 1 : i32
      %add3A_48 = arith.addi %add3A_14, %add3A_47 : i32
      %dma_start3A_49 = arith.constant 0 : i32
      %dma_start3A_50 = tpu.memref_slice %arg6[%add3A_48, %dma_start3A_49] : memref<82x128xi32, #tpu.memory_space<vmem>> -> memref<1x128xi32, #tpu.memory_space<vmem>>
      %dma_start3A_51 = tpu.memref_squeeze %dma_start3A_50 : memref<1x128xi32, #tpu.memory_space<vmem>> -> memref<128xi32, #tpu.memory_space<vmem>>
      %dma_start3A_52 = arith.constant 0 : i32
      %dma_start3A_53 = arith.constant 0 : i32
      %dma_start3A_54 = tpu.memref_slice %arg7[%dma_start3A_52, %dma_start3A_53] : memref<10240x128xf32, #tpu.memory_space<vmem_shared>> -> memref<10240x128xf32, #tpu.memory_space<vmem_shared>>
      tpu.enqueue_indirect_dma source(%arg9 : memref<128x128xf32, #tpu.memory_space<vmem>>) target(%dma_start3A_54 : memref<10240x128xf32, #tpu.memory_space<vmem_shared>>) offsets(%dma_start3A_51 : memref<128xi32, #tpu.memory_space<vmem>>) semaphore(%arg13 : memref<!tpu.dma_semaphore, #tpu.memory_space<semaphore_mem>>) {add = true}
      %dma_wait3A_55 = arith.constant 0 : i32
      %dma_wait3A_56 = tpu.memref_slice %arg6[%add3A_36, %dma_wait3A_55] : memref<82x128xi32, #tpu.memory_space<vmem>> -> memref<1x128xi32, #tpu.memory_space<vmem>>
      %dma_wait3A_57 = tpu.memref_squeeze %dma_wait3A_56 : memref<1x128xi32, #tpu.memory_space<vmem>> -> memref<128xi32, #tpu.memory_space<vmem>>
      %dma_wait3A_58 = arith.constant 0 : i32
      %dma_wait3A_59 = arith.constant 0 : i32
      %dma_wait3A_60 = tpu.memref_slice %arg7[%dma_wait3A_58, %dma_wait3A_59] : memref<10240x128xf32, #tpu.memory_space<vmem_shared>> -> memref<10240x128xf32, #tpu.memory_space<vmem_shared>>
      tpu.wait_indirect_dma semaphore(%arg12 : memref<!tpu.dma_semaphore, #tpu.memory_space<semaphore_mem>>) src(%arg8 : memref<128x128xf32, #tpu.memory_space<vmem>>) dst(%dma_wait3A_60 : memref<10240x128xf32, #tpu.memory_space<vmem_shared>>)
      %dma_wait3A_61 = arith.constant 0 : i32
      %dma_wait3A_62 = tpu.memref_slice %arg6[%add3A_48, %dma_wait3A_61] : memref<82x128xi32, #tpu.memory_space<vmem>> -> memref<1x128xi32, #tpu.memory_space<vmem>>
      %dma_wait3A_63 = tpu.memref_squeeze %dma_wait3A_62 : memref<1x128xi32, #tpu.memory_space<vmem>> -> memref<128xi32, #tpu.memory_space<vmem>>
      %dma_wait3A_64 = arith.constant 0 : i32
      %dma_wait3A_65 = arith.constant 0 : i32
      %dma_wait3A_66 = tpu.memref_slice %arg7[%dma_wait3A_64, %dma_wait3A_65] : memref<10240x128xf32, #tpu.memory_space<vmem_shared>> -> memref<10240x128xf32, #tpu.memory_space<vmem_shared>>
      tpu.wait_indirect_dma semaphore(%arg13 : memref<!tpu.dma_semaphore, #tpu.memory_space<semaphore_mem>>) src(%arg9 : memref<128x128xf32, #tpu.memory_space<vmem>>) dst(%dma_wait3A_66 : memref<10240x128xf32, #tpu.memory_space<vmem_shared>>)
    }
    %scan3A_8 = arith.constant 41 : i32
    %barrier3A_9 = arith.constant 0 : index
    tpu.barrier barrier_id(%barrier3A_9)
    "tpu.region"() ({
      %run_scoped3A = tpu.sem_alloc : memref<!tpu.dma_semaphore, #tpu.memory_space<semaphore_mem>>
      %dma_start3A = arith.constant 0 : i32
      %dma_start3A_10 = tpu.memref_slice %arg5[%arg0, %mul3A_0, %dma_start3A] : memref<2x10240x128xf32, #tpu.memory_space<hbm>> -> memref<1x640x128xf32, #tpu.memory_space<hbm>>
      %dma_start3A_11 = tpu.memref_squeeze %dma_start3A_10 : memref<1x640x128xf32, #tpu.memory_space<hbm>> -> memref<640x128xf32, #tpu.memory_space<hbm>>
      %dma_start3A_12 = arith.constant 0 : i32
      %dma_start3A_13 = tpu.memref_slice %arg7[%mul3A_0, %dma_start3A_12] : memref<10240x128xf32, #tpu.memory_space<vmem_shared>> -> memref<640x128xf32, #tpu.memory_space<vmem_shared>>
      tpu.enqueue_dma source(%dma_start3A_13 : memref<640x128xf32, #tpu.memory_space<vmem_shared>>) target(%dma_start3A_11 : memref<640x128xf32, #tpu.memory_space<hbm>>) target_semaphore(%run_scoped3A : memref<!tpu.dma_semaphore, #tpu.memory_space<semaphore_mem>>)
      %dma_wait3A = arith.constant 0 : i32
      %dma_wait3A_14 = tpu.memref_slice %arg5[%arg0, %mul3A_0, %dma_wait3A] : memref<2x10240x128xf32, #tpu.memory_space<hbm>> -> memref<1x640x128xf32, #tpu.memory_space<hbm>>
      %dma_wait3A_15 = tpu.memref_squeeze %dma_wait3A_14 : memref<1x640x128xf32, #tpu.memory_space<hbm>> -> memref<640x128xf32, #tpu.memory_space<hbm>>
      %dma_wait3A_16 = arith.constant 0 : i32
      %dma_wait3A_17 = tpu.memref_slice %arg7[%mul3A_0, %dma_wait3A_16] : memref<10240x128xf32, #tpu.memory_space<vmem_shared>> -> memref<640x128xf32, #tpu.memory_space<vmem_shared>>
      tpu.wait_dma2 semaphore(%run_scoped3A : memref<!tpu.dma_semaphore, #tpu.memory_space<semaphore_mem>>) src(%dma_wait3A_17 : memref<640x128xf32, #tpu.memory_space<vmem_shared>>) dst(%dma_wait3A_15 : memref<640x128xf32, #tpu.memory_space<hbm>>)
      tpu.yield
    }) : () -> ()
    return
  }
}

#map = affine_map<(d0, d1) -> (0, 0)>
#map1 = affine_map<(d0, d1) -> (0, 0, 0)>
module attributes {stable_mosaic.version = 14 : i64} {
  func.func @k(%arg0: i32, %arg1: i32, %arg2: memref<10000x128xf32, #tpu.memory_space<hbm>>, %arg3: memref<8x16xf32, #tpu.memory_space<hbm>>, %arg4: memref<32x82x128xi32, #tpu.memory_space<hbm>>, %arg5: memref<32x82x128xi32, #tpu.memory_space<hbm>>, %arg6: memref<335872x128xf32, #tpu.memory_space<hbm>>, %arg7: memref<82x128xi32, #tpu.memory_space<vmem>>, %arg8: memref<82x128xi32, #tpu.memory_space<vmem>>, %arg9: memref<128x128xf32, #tpu.memory_space<vmem>>, %arg10: memref<128x128xf32, #tpu.memory_space<vmem>>, %arg11: memref<128x128xf32, #tpu.memory_space<vmem>>, %arg12: memref<128x128xf32, #tpu.memory_space<vmem>>, %arg13: memref<128x128xf32, #tpu.memory_space<vmem>>, %arg14: memref<128x128xf32, #tpu.memory_space<vmem>>, %arg15: memref<8x16xf32, #tpu.memory_space<vmem>>, %arg16: memref<!tpu.dma_semaphore, #tpu.memory_space<semaphore_mem>>, %arg17: memref<!tpu.dma_semaphore, #tpu.memory_space<semaphore_mem>>, %arg18: memref<!tpu.dma_semaphore, #tpu.memory_space<semaphore_mem>>, %arg19: memref<!tpu.dma_semaphore, #tpu.memory_space<semaphore_mem>>, %arg20: memref<!tpu.dma_semaphore, #tpu.memory_space<semaphore_mem>>, %arg21: memref<!tpu.dma_semaphore, #tpu.memory_space<semaphore_mem>>) attributes {dimension_semantics = [#tpu.dimension_semantics<core_parallel>, #tpu.dimension_semantics<subcore_parallel>], iteration_bounds = array<i64: 2, 16>, scalar_prefetch = 0 : i64, scratch_operands = 15 : i64, tpu.core_type = #tpu.core_type<sc_vector_subcore>, window_params = [{transform_indices = #map}, {transform_indices = #map}, {transform_indices = #map1}, {transform_indices = #map1}, {transform_indices = #map}]} {
    %mul3A = arith.constant 2 : i32
    %mul3A_0 = arith.muli %arg1, %mul3A : i32
    %add3A = arith.addi %mul3A_0, %arg0 : i32
    %mul3A_1 = arith.constant 82 : i32
    %mul3A_2 = arith.muli %add3A, %mul3A_1 : i32
    "tpu.region"() ({
      %run_scoped3A = tpu.sem_alloc : memref<!tpu.dma_semaphore, #tpu.memory_space<semaphore_mem>>
      %dma_start3A = arith.constant 0 : i32
      %dma_start3A_22 = arith.constant 0 : i32
      %dma_start3A_23 = tpu.memref_slice %arg4[%add3A, %dma_start3A, %dma_start3A_22] : memref<32x82x128xi32, #tpu.memory_space<hbm>> -> memref<1x82x128xi32, #tpu.memory_space<hbm>>
      %dma_start3A_24 = tpu.memref_squeeze %dma_start3A_23 : memref<1x82x128xi32, #tpu.memory_space<hbm>> -> memref<82x128xi32, #tpu.memory_space<hbm>>
      %dma_start3A_25 = arith.constant 0 : i32
      %dma_start3A_26 = arith.constant 0 : i32
      %dma_start3A_27 = tpu.memref_slice %arg4[%add3A, %dma_start3A_25, %dma_start3A_26] : memref<32x82x128xi32, #tpu.memory_space<hbm>> -> memref<1x82x128xi32, #tpu.memory_space<hbm>>
      %dma_start3A_28 = tpu.memref_squeeze %dma_start3A_27 : memref<1x82x128xi32, #tpu.memory_space<hbm>> -> memref<82x128xi32, #tpu.memory_space<hbm>>
      tpu.enqueue_dma source(%dma_start3A_28 : memref<82x128xi32, #tpu.memory_space<hbm>>) target(%arg7 : memref<82x128xi32, #tpu.memory_space<vmem>>) target_semaphore(%run_scoped3A : memref<!tpu.dma_semaphore, #tpu.memory_space<semaphore_mem>>)
      %dma_wait3A = arith.constant 0 : i32
      %dma_wait3A_29 = arith.constant 0 : i32
      %dma_wait3A_30 = tpu.memref_slice %arg4[%add3A, %dma_wait3A, %dma_wait3A_29] : memref<32x82x128xi32, #tpu.memory_space<hbm>> -> memref<1x82x128xi32, #tpu.memory_space<hbm>>
      %dma_wait3A_31 = tpu.memref_squeeze %dma_wait3A_30 : memref<1x82x128xi32, #tpu.memory_space<hbm>> -> memref<82x128xi32, #tpu.memory_space<hbm>>
      %dma_wait3A_32 = arith.constant 0 : i32
      %dma_wait3A_33 = arith.constant 0 : i32
      %dma_wait3A_34 = tpu.memref_slice %arg4[%add3A, %dma_wait3A_32, %dma_wait3A_33] : memref<32x82x128xi32, #tpu.memory_space<hbm>> -> memref<1x82x128xi32, #tpu.memory_space<hbm>>
      %dma_wait3A_35 = tpu.memref_squeeze %dma_wait3A_34 : memref<1x82x128xi32, #tpu.memory_space<hbm>> -> memref<82x128xi32, #tpu.memory_space<hbm>>
      tpu.wait_dma2 semaphore(%run_scoped3A : memref<!tpu.dma_semaphore, #tpu.memory_space<semaphore_mem>>) src(%dma_wait3A_35 : memref<82x128xi32, #tpu.memory_space<hbm>>) dst(%arg7 : memref<82x128xi32, #tpu.memory_space<vmem>>)
      tpu.yield
    }) : () -> ()
    "tpu.region"() ({
      %run_scoped3A = tpu.sem_alloc : memref<!tpu.dma_semaphore, #tpu.memory_space<semaphore_mem>>
      %dma_start3A = arith.constant 0 : i32
      %dma_start3A_22 = arith.constant 0 : i32
      %dma_start3A_23 = tpu.memref_slice %arg5[%add3A, %dma_start3A, %dma_start3A_22] : memref<32x82x128xi32, #tpu.memory_space<hbm>> -> memref<1x82x128xi32, #tpu.memory_space<hbm>>
      %dma_start3A_24 = tpu.memref_squeeze %dma_start3A_23 : memref<1x82x128xi32, #tpu.memory_space<hbm>> -> memref<82x128xi32, #tpu.memory_space<hbm>>
      %dma_start3A_25 = arith.constant 0 : i32
      %dma_start3A_26 = arith.constant 0 : i32
      %dma_start3A_27 = tpu.memref_slice %arg5[%add3A, %dma_start3A_25, %dma_start3A_26] : memref<32x82x128xi32, #tpu.memory_space<hbm>> -> memref<1x82x128xi32, #tpu.memory_space<hbm>>
      %dma_start3A_28 = tpu.memref_squeeze %dma_start3A_27 : memref<1x82x128xi32, #tpu.memory_space<hbm>> -> memref<82x128xi32, #tpu.memory_space<hbm>>
      tpu.enqueue_dma source(%dma_start3A_28 : memref<82x128xi32, #tpu.memory_space<hbm>>) target(%arg8 : memref<82x128xi32, #tpu.memory_space<vmem>>) target_semaphore(%run_scoped3A : memref<!tpu.dma_semaphore, #tpu.memory_space<semaphore_mem>>)
      %dma_wait3A = arith.constant 0 : i32
      %dma_wait3A_29 = arith.constant 0 : i32
      %dma_wait3A_30 = tpu.memref_slice %arg5[%add3A, %dma_wait3A, %dma_wait3A_29] : memref<32x82x128xi32, #tpu.memory_space<hbm>> -> memref<1x82x128xi32, #tpu.memory_space<hbm>>
      %dma_wait3A_31 = tpu.memref_squeeze %dma_wait3A_30 : memref<1x82x128xi32, #tpu.memory_space<hbm>> -> memref<82x128xi32, #tpu.memory_space<hbm>>
      %dma_wait3A_32 = arith.constant 0 : i32
      %dma_wait3A_33 = arith.constant 0 : i32
      %dma_wait3A_34 = tpu.memref_slice %arg5[%add3A, %dma_wait3A_32, %dma_wait3A_33] : memref<32x82x128xi32, #tpu.memory_space<hbm>> -> memref<1x82x128xi32, #tpu.memory_space<hbm>>
      %dma_wait3A_35 = tpu.memref_squeeze %dma_wait3A_34 : memref<1x82x128xi32, #tpu.memory_space<hbm>> -> memref<82x128xi32, #tpu.memory_space<hbm>>
      tpu.wait_dma2 semaphore(%run_scoped3A : memref<!tpu.dma_semaphore, #tpu.memory_space<semaphore_mem>>) src(%dma_wait3A_35 : memref<82x128xi32, #tpu.memory_space<hbm>>) dst(%arg8 : memref<82x128xi32, #tpu.memory_space<vmem>>)
      tpu.yield
    }) : () -> ()
    "tpu.region"() ({
      %run_scoped3A = tpu.sem_alloc : memref<!tpu.dma_semaphore, #tpu.memory_space<semaphore_mem>>
      tpu.enqueue_dma source(%arg3 : memref<8x16xf32, #tpu.memory_space<hbm>>) target(%arg15 : memref<8x16xf32, #tpu.memory_space<vmem>>) target_semaphore(%run_scoped3A : memref<!tpu.dma_semaphore, #tpu.memory_space<semaphore_mem>>)
      tpu.wait_dma2 semaphore(%run_scoped3A : memref<!tpu.dma_semaphore, #tpu.memory_space<semaphore_mem>>) src(%arg3 : memref<8x16xf32, #tpu.memory_space<hbm>>) dst(%arg15 : memref<8x16xf32, #tpu.memory_space<vmem>>)
      tpu.yield
    }) : () -> ()
    %get3A = arith.constant 0 : i32
    %get3A_3 = arith.index_cast %get3A : i32 to index
    %get3A_4 = arith.constant 0 : index
    %get3A_5 = tpu.vector_load %arg15[%get3A_3, %get3A_4] {strides = array<i32>} : memref<8x16xf32, #tpu.memory_space<vmem>>, vector<16xf32>,
    %get3A_6 = arith.constant 1 : i32
    %get3A_7 = arith.index_cast %get3A_6 : i32 to index
    %get3A_8 = arith.constant 0 : index
    %get3A_9 = tpu.vector_load %arg15[%get3A_7, %get3A_8] {strides = array<i32>} : memref<8x16xf32, #tpu.memory_space<vmem>>, vector<16xf32>,
    %get3A_10 = arith.constant 2 : i32
    %get3A_11 = arith.index_cast %get3A_10 : i32 to index
    %get3A_12 = arith.constant 0 : index
    %get3A_13 = tpu.vector_load %arg15[%get3A_11, %get3A_12] {strides = array<i32>} : memref<8x16xf32, #tpu.memory_space<vmem>>, vector<16xf32>,
    %get3A_14 = arith.constant 3 : i32
    %get3A_15 = arith.index_cast %get3A_14 : i32 to index
    %get3A_16 = arith.constant 0 : index
    %get3A_17 = tpu.vector_load %arg15[%get3A_15, %get3A_16] {strides = array<i32>} : memref<8x16xf32, #tpu.memory_space<vmem>>, vector<16xf32>,
    %scan3A = arith.constant 0 : i32
    %scan3A_18 = arith.constant 41 : i32
    %scan3A_19 = arith.addi %scan3A, %scan3A_18 : i32
    %scan3A_20 = arith.constant 1 : i32
    scf.for %scan3A_22 = %scan3A to %scan3A_19 step %scan3A_20  : i32 {
      %mul3A_23 = arith.constant 2 : i32
      %mul3A_24 = arith.muli %scan3A_22, %mul3A_23 : i32
      %add3A_25 = arith.constant 0 : i32
      %add3A_26 = arith.addi %add3A_25, %mul3A_24 : i32
      %add3A_27 = arith.constant 0 : i32
      %add3A_28 = arith.addi %add3A_26, %add3A_27 : i32
      %dma_start3A = arith.constant 0 : i32
      %dma_start3A_29 = tpu.memref_slice %arg7[%add3A_28, %dma_start3A] : memref<82x128xi32, #tpu.memory_space<vmem>> -> memref<1x128xi32, #tpu.memory_space<vmem>>
      %dma_start3A_30 = tpu.memref_squeeze %dma_start3A_29 : memref<1x128xi32, #tpu.memory_space<vmem>> -> memref<128xi32, #tpu.memory_space<vmem>>
      %dma_start3A_31 = arith.constant 0 : i32
      %dma_start3A_32 = arith.constant 0 : i32
      %dma_start3A_33 = tpu.memref_slice %arg2[%dma_start3A_31, %dma_start3A_32] : memref<10000x128xf32, #tpu.memory_space<hbm>> -> memref<10000x128xf32, #tpu.memory_space<hbm>>
      tpu.enqueue_indirect_dma source(%dma_start3A_33 : memref<10000x128xf32, #tpu.memory_space<hbm>>) target(%arg9 : memref<128x128xf32, #tpu.memory_space<vmem>>) offsets(%dma_start3A_30 : memref<128xi32, #tpu.memory_space<vmem>>) semaphore(%arg16 : memref<!tpu.dma_semaphore, #tpu.memory_space<semaphore_mem>>)
      %add3A_34 = arith.constant 0 : i32
      %add3A_35 = arith.addi %add3A_26, %add3A_34 : i32
      %dma_start3A_36 = arith.constant 0 : i32
      %dma_start3A_37 = tpu.memref_slice %arg8[%add3A_35, %dma_start3A_36] : memref<82x128xi32, #tpu.memory_space<vmem>> -> memref<1x128xi32, #tpu.memory_space<vmem>>
      %dma_start3A_38 = tpu.memref_squeeze %dma_start3A_37 : memref<1x128xi32, #tpu.memory_space<vmem>> -> memref<128xi32, #tpu.memory_space<vmem>>
      %dma_start3A_39 = arith.constant 0 : i32
      %dma_start3A_40 = arith.constant 0 : i32
      %dma_start3A_41 = tpu.memref_slice %arg2[%dma_start3A_39, %dma_start3A_40] : memref<10000x128xf32, #tpu.memory_space<hbm>> -> memref<10000x128xf32, #tpu.memory_space<hbm>>
      tpu.enqueue_indirect_dma source(%dma_start3A_41 : memref<10000x128xf32, #tpu.memory_space<hbm>>) target(%arg11 : memref<128x128xf32, #tpu.memory_space<vmem>>) offsets(%dma_start3A_38 : memref<128xi32, #tpu.memory_space<vmem>>) semaphore(%arg18 : memref<!tpu.dma_semaphore, #tpu.memory_space<semaphore_mem>>)
      %add3A_42 = arith.constant 1 : i32
      %add3A_43 = arith.addi %add3A_26, %add3A_42 : i32
      %dma_start3A_44 = arith.constant 0 : i32
      %dma_start3A_45 = tpu.memref_slice %arg7[%add3A_43, %dma_start3A_44] : memref<82x128xi32, #tpu.memory_space<vmem>> -> memref<1x128xi32, #tpu.memory_space<vmem>>
      %dma_start3A_46 = tpu.memref_squeeze %dma_start3A_45 : memref<1x128xi32, #tpu.memory_space<vmem>> -> memref<128xi32, #tpu.memory_space<vmem>>
      %dma_start3A_47 = arith.constant 0 : i32
      %dma_start3A_48 = arith.constant 0 : i32
      %dma_start3A_49 = tpu.memref_slice %arg2[%dma_start3A_47, %dma_start3A_48] : memref<10000x128xf32, #tpu.memory_space<hbm>> -> memref<10000x128xf32, #tpu.memory_space<hbm>>
      tpu.enqueue_indirect_dma source(%dma_start3A_49 : memref<10000x128xf32, #tpu.memory_space<hbm>>) target(%arg10 : memref<128x128xf32, #tpu.memory_space<vmem>>) offsets(%dma_start3A_46 : memref<128xi32, #tpu.memory_space<vmem>>) semaphore(%arg17 : memref<!tpu.dma_semaphore, #tpu.memory_space<semaphore_mem>>)
      %add3A_50 = arith.constant 1 : i32
      %add3A_51 = arith.addi %add3A_26, %add3A_50 : i32
      %dma_start3A_52 = arith.constant 0 : i32
      %dma_start3A_53 = tpu.memref_slice %arg8[%add3A_51, %dma_start3A_52] : memref<82x128xi32, #tpu.memory_space<vmem>> -> memref<1x128xi32, #tpu.memory_space<vmem>>
      %dma_start3A_54 = tpu.memref_squeeze %dma_start3A_53 : memref<1x128xi32, #tpu.memory_space<vmem>> -> memref<128xi32, #tpu.memory_space<vmem>>
      %dma_start3A_55 = arith.constant 0 : i32
      %dma_start3A_56 = arith.constant 0 : i32
      %dma_start3A_57 = tpu.memref_slice %arg2[%dma_start3A_55, %dma_start3A_56] : memref<10000x128xf32, #tpu.memory_space<hbm>> -> memref<10000x128xf32, #tpu.memory_space<hbm>>
      tpu.enqueue_indirect_dma source(%dma_start3A_57 : memref<10000x128xf32, #tpu.memory_space<hbm>>) target(%arg12 : memref<128x128xf32, #tpu.memory_space<vmem>>) offsets(%dma_start3A_54 : memref<128xi32, #tpu.memory_space<vmem>>) semaphore(%arg19 : memref<!tpu.dma_semaphore, #tpu.memory_space<semaphore_mem>>)
      %dma_wait3A = arith.constant 0 : i32
      %dma_wait3A_58 = tpu.memref_slice %arg7[%add3A_28, %dma_wait3A] : memref<82x128xi32, #tpu.memory_space<vmem>> -> memref<1x128xi32, #tpu.memory_space<vmem>>
      %dma_wait3A_59 = tpu.memref_squeeze %dma_wait3A_58 : memref<1x128xi32, #tpu.memory_space<vmem>> -> memref<128xi32, #tpu.memory_space<vmem>>
      %dma_wait3A_60 = arith.constant 0 : i32
      %dma_wait3A_61 = arith.constant 0 : i32
      %dma_wait3A_62 = tpu.memref_slice %arg2[%dma_wait3A_60, %dma_wait3A_61] : memref<10000x128xf32, #tpu.memory_space<hbm>> -> memref<10000x128xf32, #tpu.memory_space<hbm>>
      tpu.wait_indirect_dma semaphore(%arg16 : memref<!tpu.dma_semaphore, #tpu.memory_space<semaphore_mem>>) src(%dma_wait3A_62 : memref<10000x128xf32, #tpu.memory_space<hbm>>) dst(%arg9 : memref<128x128xf32, #tpu.memory_space<vmem>>)
      %dma_wait3A_63 = arith.constant 0 : i32
      %dma_wait3A_64 = tpu.memref_slice %arg8[%add3A_35, %dma_wait3A_63] : memref<82x128xi32, #tpu.memory_space<vmem>> -> memref<1x128xi32, #tpu.memory_space<vmem>>
      %dma_wait3A_65 = tpu.memref_squeeze %dma_wait3A_64 : memref<1x128xi32, #tpu.memory_space<vmem>> -> memref<128xi32, #tpu.memory_space<vmem>>
      %dma_wait3A_66 = arith.constant 0 : i32
      %dma_wait3A_67 = arith.constant 0 : i32
      %dma_wait3A_68 = tpu.memref_slice %arg2[%dma_wait3A_66, %dma_wait3A_67] : memref<10000x128xf32, #tpu.memory_space<hbm>> -> memref<10000x128xf32, #tpu.memory_space<hbm>>
      tpu.wait_indirect_dma semaphore(%arg18 : memref<!tpu.dma_semaphore, #tpu.memory_space<semaphore_mem>>) src(%dma_wait3A_68 : memref<10000x128xf32, #tpu.memory_space<hbm>>) dst(%arg11 : memref<128x128xf32, #tpu.memory_space<vmem>>)
      %scan3A_69 = arith.constant 0 : i32
      %scan3A_70 = arith.constant 128 : i32
      %scan3A_71 = arith.addi %scan3A_69, %scan3A_70 : i32
      %scan3A_72 = arith.constant 1 : i32
      scf.for %scan3A_117 = %scan3A_69 to %scan3A_71 step %scan3A_72  : i32 {
        %mul3A_118 = arith.constant 1 : i32
        %mul3A_119 = arith.muli %scan3A_117, %mul3A_118 : i32
        %add3A_120 = arith.constant 0 : i32
        %add3A_121 = arith.addi %add3A_120, %mul3A_119 : i32
        %broadcast_in_dim3A = arith.constant 0.000000e+00 : f32
        %broadcast_in_dim3A_122 = vector.broadcast %broadcast_in_dim3A : f32 to vector<16xf32>
        %get3A_123 = arith.index_cast %add3A_121 : i32 to index
        %get3A_124 = arith.constant 0 : index
        %get3A_125 = tpu.vector_load %arg9[%get3A_123, %get3A_124] {strides = array<i32>} : memref<128x128xf32, #tpu.memory_space<vmem>>, vector<16xf32>,
        %get3A_126 = arith.index_cast %add3A_121 : i32 to index
        %get3A_127 = arith.constant 64 : index
        %get3A_128 = tpu.vector_load %arg11[%get3A_126, %get3A_127] {strides = array<i32>} : memref<128x128xf32, #tpu.memory_space<vmem>>, vector<16xf32>,
        %add3A_129 = arith.addf %get3A_125, %get3A_128 : vector<16xf32>
        %gt3A = arith.constant 0.000000e+00 : f32
        %gt3A_130 = vector.broadcast %gt3A : f32 to vector<16xf32>
        %gt3A_131 = arith.cmpf ogt, %add3A_129, %gt3A_130 : vector<16xf32>
        %mul3A_132 = arith.constant 2.000000e-01 : f32
        %mul3A_133 = vector.broadcast %mul3A_132 : f32 to vector<16xf32>
        %mul3A_134 = arith.mulf %mul3A_133, %add3A_129 : vector<16xf32>
        %select_n3A = arith.select %gt3A_131, %add3A_129, %mul3A_134 : vector<16xi1>, vector<16xf32>
        %mul3A_135 = arith.mulf %select_n3A, %get3A_5 : vector<16xf32>
        %add3A_136 = arith.addf %broadcast_in_dim3A_122, %mul3A_135 : vector<16xf32>
        %get3A_137 = arith.index_cast %add3A_121 : i32 to index
        %get3A_138 = arith.constant 16 : index
        %get3A_139 = tpu.vector_load %arg9[%get3A_137, %get3A_138] {strides = array<i32>} : memref<128x128xf32, #tpu.memory_space<vmem>>, vector<16xf32>,
        %get3A_140 = arith.index_cast %add3A_121 : i32 to index
        %get3A_141 = arith.constant 80 : index
        %get3A_142 = tpu.vector_load %arg11[%get3A_140, %get3A_141] {strides = array<i32>} : memref<128x128xf32, #tpu.memory_space<vmem>>, vector<16xf32>,
        %add3A_143 = arith.addf %get3A_139, %get3A_142 : vector<16xf32>
        %gt3A_144 = arith.constant 0.000000e+00 : f32
        %gt3A_145 = vector.broadcast %gt3A_144 : f32 to vector<16xf32>
        %gt3A_146 = arith.cmpf ogt, %add3A_143, %gt3A_145 : vector<16xf32>
        %mul3A_147 = arith.constant 2.000000e-01 : f32
        %mul3A_148 = vector.broadcast %mul3A_147 : f32 to vector<16xf32>
        %mul3A_149 = arith.mulf %mul3A_148, %add3A_143 : vector<16xf32>
        %select_n3A_150 = arith.select %gt3A_146, %add3A_143, %mul3A_149 : vector<16xi1>, vector<16xf32>
        %mul3A_151 = arith.mulf %select_n3A_150, %get3A_9 : vector<16xf32>
        %add3A_152 = arith.addf %add3A_136, %mul3A_151 : vector<16xf32>
        %get3A_153 = arith.index_cast %add3A_121 : i32 to index
        %get3A_154 = arith.constant 32 : index
        %get3A_155 = tpu.vector_load %arg9[%get3A_153, %get3A_154] {strides = array<i32>} : memref<128x128xf32, #tpu.memory_space<vmem>>, vector<16xf32>,
        %get3A_156 = arith.index_cast %add3A_121 : i32 to index
        %get3A_157 = arith.constant 96 : index
        %get3A_158 = tpu.vector_load %arg11[%get3A_156, %get3A_157] {strides = array<i32>} : memref<128x128xf32, #tpu.memory_space<vmem>>, vector<16xf32>,
        %add3A_159 = arith.addf %get3A_155, %get3A_158 : vector<16xf32>
        %gt3A_160 = arith.constant 0.000000e+00 : f32
        %gt3A_161 = vector.broadcast %gt3A_160 : f32 to vector<16xf32>
        %gt3A_162 = arith.cmpf ogt, %add3A_159, %gt3A_161 : vector<16xf32>
        %mul3A_163 = arith.constant 2.000000e-01 : f32
        %mul3A_164 = vector.broadcast %mul3A_163 : f32 to vector<16xf32>
        %mul3A_165 = arith.mulf %mul3A_164, %add3A_159 : vector<16xf32>
        %select_n3A_166 = arith.select %gt3A_162, %add3A_159, %mul3A_165 : vector<16xi1>, vector<16xf32>
        %mul3A_167 = arith.mulf %select_n3A_166, %get3A_13 : vector<16xf32>
        %add3A_168 = arith.addf %add3A_152, %mul3A_167 : vector<16xf32>
        %get3A_169 = arith.index_cast %add3A_121 : i32 to index
        %get3A_170 = arith.constant 48 : index
        %get3A_171 = tpu.vector_load %arg9[%get3A_169, %get3A_170] {strides = array<i32>} : memref<128x128xf32, #tpu.memory_space<vmem>>, vector<16xf32>,
        %get3A_172 = arith.index_cast %add3A_121 : i32 to index
        %get3A_173 = arith.constant 112 : index
        %get3A_174 = tpu.vector_load %arg11[%get3A_172, %get3A_173] {strides = array<i32>} : memref<128x128xf32, #tpu.memory_space<vmem>>, vector<16xf32>,
        %add3A_175 = arith.addf %get3A_171, %get3A_174 : vector<16xf32>
        %gt3A_176 = arith.constant 0.000000e+00 : f32
        %gt3A_177 = vector.broadcast %gt3A_176 : f32 to vector<16xf32>
        %gt3A_178 = arith.cmpf ogt, %add3A_175, %gt3A_177 : vector<16xf32>
        %mul3A_179 = arith.constant 2.000000e-01 : f32
        %mul3A_180 = vector.broadcast %mul3A_179 : f32 to vector<16xf32>
        %mul3A_181 = arith.mulf %mul3A_180, %add3A_175 : vector<16xf32>
        %select_n3A_182 = arith.select %gt3A_178, %add3A_175, %mul3A_181 : vector<16xi1>, vector<16xf32>
        %mul3A_183 = arith.mulf %select_n3A_182, %get3A_17 : vector<16xf32>
        %add3A_184 = arith.addf %add3A_168, %mul3A_183 : vector<16xf32>
        %reduce_sum3A = arith.constant true
        %reduce_sum3A_185 = vector.broadcast %reduce_sum3A : i1 to vector<16xi1>
        %reduce_sum3A_186 = tpu.scan <sum>, %add3A_184 masked %reduce_sum3A_185 : vector<16xf32>, vector<16xi1> -> vector<16xf32>
        %reduce_sum3A_187 = vector.extract %reduce_sum3A_186[15] : f32 from vector<16xf32>
        %broadcast_in_dim3A_188 = vector.broadcast %reduce_sum3A_187 : f32 to vector<16xf32>
        %exp3A = math.exp %broadcast_in_dim3A_188 : vector<16xf32>
        %mul3A_189 = arith.mulf %get3A_125, %exp3A : vector<16xf32>
        %swap3A = arith.index_cast %add3A_121 : i32 to index
        %swap3A_190 = arith.constant 0 : index
        %swap3A_191 = tpu.vector_load %arg13[%swap3A, %swap3A_190] {strides = array<i32>} : memref<128x128xf32, #tpu.memory_space<vmem>>, vector<16xf32>,
        tpu.vector_store %arg13[%swap3A, %swap3A_190], %mul3A_189 {strides = array<i32>} : memref<128x128xf32, #tpu.memory_space<vmem>>, vector<16xf32>,
        %mul3A_192 = arith.mulf %get3A_139, %exp3A : vector<16xf32>
        %swap3A_193 = arith.index_cast %add3A_121 : i32 to index
        %swap3A_194 = arith.constant 16 : index
        %swap3A_195 = tpu.vector_load %arg13[%swap3A_193, %swap3A_194] {strides = array<i32>} : memref<128x128xf32, #tpu.memory_space<vmem>>, vector<16xf32>,
        tpu.vector_store %arg13[%swap3A_193, %swap3A_194], %mul3A_192 {strides = array<i32>} : memref<128x128xf32, #tpu.memory_space<vmem>>, vector<16xf32>,
        %mul3A_196 = arith.mulf %get3A_155, %exp3A : vector<16xf32>
        %swap3A_197 = arith.index_cast %add3A_121 : i32 to index
        %swap3A_198 = arith.constant 32 : index
        %swap3A_199 = tpu.vector_load %arg13[%swap3A_197, %swap3A_198] {strides = array<i32>} : memref<128x128xf32, #tpu.memory_space<vmem>>, vector<16xf32>,
        tpu.vector_store %arg13[%swap3A_197, %swap3A_198], %mul3A_196 {strides = array<i32>} : memref<128x128xf32, #tpu.memory_space<vmem>>, vector<16xf32>,
        %mul3A_200 = arith.mulf %get3A_171, %exp3A : vector<16xf32>
        %swap3A_201 = arith.index_cast %add3A_121 : i32 to index
        %swap3A_202 = arith.constant 48 : index
        %swap3A_203 = tpu.vector_load %arg13[%swap3A_201, %swap3A_202] {strides = array<i32>} : memref<128x128xf32, #tpu.memory_space<vmem>>, vector<16xf32>,
        tpu.vector_store %arg13[%swap3A_201, %swap3A_202], %mul3A_200 {strides = array<i32>} : memref<128x128xf32, #tpu.memory_space<vmem>>, vector<16xf32>,
        %swap3A_204 = arith.index_cast %add3A_121 : i32 to index
        %swap3A_205 = arith.constant 64 : index
        %swap3A_206 = tpu.vector_load %arg13[%swap3A_204, %swap3A_205] {strides = array<i32>} : memref<128x128xf32, #tpu.memory_space<vmem>>, vector<16xf32>,
        tpu.vector_store %arg13[%swap3A_204, %swap3A_205], %exp3A {strides = array<i32>} : memref<128x128xf32, #tpu.memory_space<vmem>>, vector<16xf32>,
      }
      %scan3A_73 = arith.constant 128 : i32
      %add3A_74 = arith.addi %mul3A_2, %add3A_26 : i32
      %add3A_75 = arith.constant 0 : i32
      %add3A_76 = arith.addi %add3A_74, %add3A_75 : i32
      %mul3A_77 = arith.constant 128 : i32
      %mul3A_78 = arith.muli %add3A_76, %mul3A_77 : i32
      %dma_start3A_79 = arith.constant 0 : i32
      %dma_start3A_80 = tpu.memref_slice %arg6[%mul3A_78, %dma_start3A_79] : memref<335872x128xf32, #tpu.memory_space<hbm>> -> memref<128x128xf32, #tpu.memory_space<hbm>>
      %dma_start3A_81 = arith.constant 0 : i32
      %dma_start3A_82 = tpu.memref_slice %arg6[%mul3A_78, %dma_start3A_81] : memref<335872x128xf32, #tpu.memory_space<hbm>> -> memref<128x128xf32, #tpu.memory_space<hbm>>
      tpu.enqueue_dma source(%arg13 : memref<128x128xf32, #tpu.memory_space<vmem>>) target(%dma_start3A_82 : memref<128x128xf32, #tpu.memory_space<hbm>>) target_semaphore(%arg20 : memref<!tpu.dma_semaphore, #tpu.memory_space<semaphore_mem>>)
      %dma_wait3A_83 = arith.constant 0 : i32
      %dma_wait3A_84 = tpu.memref_slice %arg7[%add3A_43, %dma_wait3A_83] : memref<82x128xi32, #tpu.memory_space<vmem>> -> memref<1x128xi32, #tpu.memory_space<vmem>>
      %dma_wait3A_85 = tpu.memref_squeeze %dma_wait3A_84 : memref<1x128xi32, #tpu.memory_space<vmem>> -> memref<128xi32, #tpu.memory_space<vmem>>
      %dma_wait3A_86 = arith.constant 0 : i32
      %dma_wait3A_87 = arith.constant 0 : i32
      %dma_wait3A_88 = tpu.memref_slice %arg2[%dma_wait3A_86, %dma_wait3A_87] : memref<10000x128xf32, #tpu.memory_space<hbm>> -> memref<10000x128xf32, #tpu.memory_space<hbm>>
      tpu.wait_indirect_dma semaphore(%arg17 : memref<!tpu.dma_semaphore, #tpu.memory_space<semaphore_mem>>) src(%dma_wait3A_88 : memref<10000x128xf32, #tpu.memory_space<hbm>>) dst(%arg10 : memref<128x128xf32, #tpu.memory_space<vmem>>)
      %dma_wait3A_89 = arith.constant 0 : i32
      %dma_wait3A_90 = tpu.memref_slice %arg8[%add3A_51, %dma_wait3A_89] : memref<82x128xi32, #tpu.memory_space<vmem>> -> memref<1x128xi32, #tpu.memory_space<vmem>>
      %dma_wait3A_91 = tpu.memref_squeeze %dma_wait3A_90 : memref<1x128xi32, #tpu.memory_space<vmem>> -> memref<128xi32, #tpu.memory_space<vmem>>
      %dma_wait3A_92 = arith.constant 0 : i32
      %dma_wait3A_93 = arith.constant 0 : i32
      %dma_wait3A_94 = tpu.memref_slice %arg2[%dma_wait3A_92, %dma_wait3A_93] : memref<10000x128xf32, #tpu.memory_space<hbm>> -> memref<10000x128xf32, #tpu.memory_space<hbm>>
      tpu.wait_indirect_dma semaphore(%arg19 : memref<!tpu.dma_semaphore, #tpu.memory_space<semaphore_mem>>) src(%dma_wait3A_94 : memref<10000x128xf32, #tpu.memory_space<hbm>>) dst(%arg12 : memref<128x128xf32, #tpu.memory_space<vmem>>)
      %scan3A_95 = arith.constant 0 : i32
      %scan3A_96 = arith.constant 128 : i32
      %scan3A_97 = arith.addi %scan3A_95, %scan3A_96 : i32
      %scan3A_98 = arith.constant 1 : i32
      scf.for %scan3A_117 = %scan3A_95 to %scan3A_97 step %scan3A_98  : i32 {
        %mul3A_118 = arith.constant 1 : i32
        %mul3A_119 = arith.muli %scan3A_117, %mul3A_118 : i32
        %add3A_120 = arith.constant 0 : i32
        %add3A_121 = arith.addi %add3A_120, %mul3A_119 : i32
        %broadcast_in_dim3A = arith.constant 0.000000e+00 : f32
        %broadcast_in_dim3A_122 = vector.broadcast %broadcast_in_dim3A : f32 to vector<16xf32>
        %get3A_123 = arith.index_cast %add3A_121 : i32 to index
        %get3A_124 = arith.constant 0 : index
        %get3A_125 = tpu.vector_load %arg10[%get3A_123, %get3A_124] {strides = array<i32>} : memref<128x128xf32, #tpu.memory_space<vmem>>, vector<16xf32>,
        %get3A_126 = arith.index_cast %add3A_121 : i32 to index
        %get3A_127 = arith.constant 64 : index
        %get3A_128 = tpu.vector_load %arg12[%get3A_126, %get3A_127] {strides = array<i32>} : memref<128x128xf32, #tpu.memory_space<vmem>>, vector<16xf32>,
        %add3A_129 = arith.addf %get3A_125, %get3A_128 : vector<16xf32>
        %gt3A = arith.constant 0.000000e+00 : f32
        %gt3A_130 = vector.broadcast %gt3A : f32 to vector<16xf32>
        %gt3A_131 = arith.cmpf ogt, %add3A_129, %gt3A_130 : vector<16xf32>
        %mul3A_132 = arith.constant 2.000000e-01 : f32
        %mul3A_133 = vector.broadcast %mul3A_132 : f32 to vector<16xf32>
        %mul3A_134 = arith.mulf %mul3A_133, %add3A_129 : vector<16xf32>
        %select_n3A = arith.select %gt3A_131, %add3A_129, %mul3A_134 : vector<16xi1>, vector<16xf32>
        %mul3A_135 = arith.mulf %select_n3A, %get3A_5 : vector<16xf32>
        %add3A_136 = arith.addf %broadcast_in_dim3A_122, %mul3A_135 : vector<16xf32>
        %get3A_137 = arith.index_cast %add3A_121 : i32 to index
        %get3A_138 = arith.constant 16 : index
        %get3A_139 = tpu.vector_load %arg10[%get3A_137, %get3A_138] {strides = array<i32>} : memref<128x128xf32, #tpu.memory_space<vmem>>, vector<16xf32>,
        %get3A_140 = arith.index_cast %add3A_121 : i32 to index
        %get3A_141 = arith.constant 80 : index
        %get3A_142 = tpu.vector_load %arg12[%get3A_140, %get3A_141] {strides = array<i32>} : memref<128x128xf32, #tpu.memory_space<vmem>>, vector<16xf32>,
        %add3A_143 = arith.addf %get3A_139, %get3A_142 : vector<16xf32>
        %gt3A_144 = arith.constant 0.000000e+00 : f32
        %gt3A_145 = vector.broadcast %gt3A_144 : f32 to vector<16xf32>
        %gt3A_146 = arith.cmpf ogt, %add3A_143, %gt3A_145 : vector<16xf32>
        %mul3A_147 = arith.constant 2.000000e-01 : f32
        %mul3A_148 = vector.broadcast %mul3A_147 : f32 to vector<16xf32>
        %mul3A_149 = arith.mulf %mul3A_148, %add3A_143 : vector<16xf32>
        %select_n3A_150 = arith.select %gt3A_146, %add3A_143, %mul3A_149 : vector<16xi1>, vector<16xf32>
        %mul3A_151 = arith.mulf %select_n3A_150, %get3A_9 : vector<16xf32>
        %add3A_152 = arith.addf %add3A_136, %mul3A_151 : vector<16xf32>
        %get3A_153 = arith.index_cast %add3A_121 : i32 to index
        %get3A_154 = arith.constant 32 : index
        %get3A_155 = tpu.vector_load %arg10[%get3A_153, %get3A_154] {strides = array<i32>} : memref<128x128xf32, #tpu.memory_space<vmem>>, vector<16xf32>,
        %get3A_156 = arith.index_cast %add3A_121 : i32 to index
        %get3A_157 = arith.constant 96 : index
        %get3A_158 = tpu.vector_load %arg12[%get3A_156, %get3A_157] {strides = array<i32>} : memref<128x128xf32, #tpu.memory_space<vmem>>, vector<16xf32>,
        %add3A_159 = arith.addf %get3A_155, %get3A_158 : vector<16xf32>
        %gt3A_160 = arith.constant 0.000000e+00 : f32
        %gt3A_161 = vector.broadcast %gt3A_160 : f32 to vector<16xf32>
        %gt3A_162 = arith.cmpf ogt, %add3A_159, %gt3A_161 : vector<16xf32>
        %mul3A_163 = arith.constant 2.000000e-01 : f32
        %mul3A_164 = vector.broadcast %mul3A_163 : f32 to vector<16xf32>
        %mul3A_165 = arith.mulf %mul3A_164, %add3A_159 : vector<16xf32>
        %select_n3A_166 = arith.select %gt3A_162, %add3A_159, %mul3A_165 : vector<16xi1>, vector<16xf32>
        %mul3A_167 = arith.mulf %select_n3A_166, %get3A_13 : vector<16xf32>
        %add3A_168 = arith.addf %add3A_152, %mul3A_167 : vector<16xf32>
        %get3A_169 = arith.index_cast %add3A_121 : i32 to index
        %get3A_170 = arith.constant 48 : index
        %get3A_171 = tpu.vector_load %arg10[%get3A_169, %get3A_170] {strides = array<i32>} : memref<128x128xf32, #tpu.memory_space<vmem>>, vector<16xf32>,
        %get3A_172 = arith.index_cast %add3A_121 : i32 to index
        %get3A_173 = arith.constant 112 : index
        %get3A_174 = tpu.vector_load %arg12[%get3A_172, %get3A_173] {strides = array<i32>} : memref<128x128xf32, #tpu.memory_space<vmem>>, vector<16xf32>,
        %add3A_175 = arith.addf %get3A_171, %get3A_174 : vector<16xf32>
        %gt3A_176 = arith.constant 0.000000e+00 : f32
        %gt3A_177 = vector.broadcast %gt3A_176 : f32 to vector<16xf32>
        %gt3A_178 = arith.cmpf ogt, %add3A_175, %gt3A_177 : vector<16xf32>
        %mul3A_179 = arith.constant 2.000000e-01 : f32
        %mul3A_180 = vector.broadcast %mul3A_179 : f32 to vector<16xf32>
        %mul3A_181 = arith.mulf %mul3A_180, %add3A_175 : vector<16xf32>
        %select_n3A_182 = arith.select %gt3A_178, %add3A_175, %mul3A_181 : vector<16xi1>, vector<16xf32>
        %mul3A_183 = arith.mulf %select_n3A_182, %get3A_17 : vector<16xf32>
        %add3A_184 = arith.addf %add3A_168, %mul3A_183 : vector<16xf32>
        %reduce_sum3A = arith.constant true
        %reduce_sum3A_185 = vector.broadcast %reduce_sum3A : i1 to vector<16xi1>
        %reduce_sum3A_186 = tpu.scan <sum>, %add3A_184 masked %reduce_sum3A_185 : vector<16xf32>, vector<16xi1> -> vector<16xf32>
        %reduce_sum3A_187 = vector.extract %reduce_sum3A_186[15] : f32 from vector<16xf32>
        %broadcast_in_dim3A_188 = vector.broadcast %reduce_sum3A_187 : f32 to vector<16xf32>
        %exp3A = math.exp %broadcast_in_dim3A_188 : vector<16xf32>
        %mul3A_189 = arith.mulf %get3A_125, %exp3A : vector<16xf32>
        %swap3A = arith.index_cast %add3A_121 : i32 to index
        %swap3A_190 = arith.constant 0 : index
        %swap3A_191 = tpu.vector_load %arg14[%swap3A, %swap3A_190] {strides = array<i32>} : memref<128x128xf32, #tpu.memory_space<vmem>>, vector<16xf32>,
        tpu.vector_store %arg14[%swap3A, %swap3A_190], %mul3A_189 {strides = array<i32>} : memref<128x128xf32, #tpu.memory_space<vmem>>, vector<16xf32>,
        %mul3A_192 = arith.mulf %get3A_139, %exp3A : vector<16xf32>
        %swap3A_193 = arith.index_cast %add3A_121 : i32 to index
        %swap3A_194 = arith.constant 16 : index
        %swap3A_195 = tpu.vector_load %arg14[%swap3A_193, %swap3A_194] {strides = array<i32>} : memref<128x128xf32, #tpu.memory_space<vmem>>, vector<16xf32>,
        tpu.vector_store %arg14[%swap3A_193, %swap3A_194], %mul3A_192 {strides = array<i32>} : memref<128x128xf32, #tpu.memory_space<vmem>>, vector<16xf32>,
        %mul3A_196 = arith.mulf %get3A_155, %exp3A : vector<16xf32>
        %swap3A_197 = arith.index_cast %add3A_121 : i32 to index
        %swap3A_198 = arith.constant 32 : index
        %swap3A_199 = tpu.vector_load %arg14[%swap3A_197, %swap3A_198] {strides = array<i32>} : memref<128x128xf32, #tpu.memory_space<vmem>>, vector<16xf32>,
        tpu.vector_store %arg14[%swap3A_197, %swap3A_198], %mul3A_196 {strides = array<i32>} : memref<128x128xf32, #tpu.memory_space<vmem>>, vector<16xf32>,
        %mul3A_200 = arith.mulf %get3A_171, %exp3A : vector<16xf32>
        %swap3A_201 = arith.index_cast %add3A_121 : i32 to index
        %swap3A_202 = arith.constant 48 : index
        %swap3A_203 = tpu.vector_load %arg14[%swap3A_201, %swap3A_202] {strides = array<i32>} : memref<128x128xf32, #tpu.memory_space<vmem>>, vector<16xf32>,
        tpu.vector_store %arg14[%swap3A_201, %swap3A_202], %mul3A_200 {strides = array<i32>} : memref<128x128xf32, #tpu.memory_space<vmem>>, vector<16xf32>,
        %swap3A_204 = arith.index_cast %add3A_121 : i32 to index
        %swap3A_205 = arith.constant 64 : index
        %swap3A_206 = tpu.vector_load %arg14[%swap3A_204, %swap3A_205] {strides = array<i32>} : memref<128x128xf32, #tpu.memory_space<vmem>>, vector<16xf32>,
        tpu.vector_store %arg14[%swap3A_204, %swap3A_205], %exp3A {strides = array<i32>} : memref<128x128xf32, #tpu.memory_space<vmem>>, vector<16xf32>,
      }
      %scan3A_99 = arith.constant 128 : i32
      %add3A_100 = arith.addi %mul3A_2, %add3A_26 : i32
      %add3A_101 = arith.constant 1 : i32
      %add3A_102 = arith.addi %add3A_100, %add3A_101 : i32
      %mul3A_103 = arith.constant 128 : i32
      %mul3A_104 = arith.muli %add3A_102, %mul3A_103 : i32
      %dma_start3A_105 = arith.constant 0 : i32
      %dma_start3A_106 = tpu.memref_slice %arg6[%mul3A_104, %dma_start3A_105] : memref<335872x128xf32, #tpu.memory_space<hbm>> -> memref<128x128xf32, #tpu.memory_space<hbm>>
      %dma_start3A_107 = arith.constant 0 : i32
      %dma_start3A_108 = tpu.memref_slice %arg6[%mul3A_104, %dma_start3A_107] : memref<335872x128xf32, #tpu.memory_space<hbm>> -> memref<128x128xf32, #tpu.memory_space<hbm>>
      tpu.enqueue_dma source(%arg14 : memref<128x128xf32, #tpu.memory_space<vmem>>) target(%dma_start3A_108 : memref<128x128xf32, #tpu.memory_space<hbm>>) target_semaphore(%arg21 : memref<!tpu.dma_semaphore, #tpu.memory_space<semaphore_mem>>)
      %dma_wait3A_109 = arith.constant 0 : i32
      %dma_wait3A_110 = tpu.memref_slice %arg6[%mul3A_78, %dma_wait3A_109] : memref<335872x128xf32, #tpu.memory_space<hbm>> -> memref<128x128xf32, #tpu.memory_space<hbm>>
      %dma_wait3A_111 = arith.constant 0 : i32
      %dma_wait3A_112 = tpu.memref_slice %arg6[%mul3A_78, %dma_wait3A_111] : memref<335872x128xf32, #tpu.memory_space<hbm>> -> memref<128x128xf32, #tpu.memory_space<hbm>>
      tpu.wait_dma2 semaphore(%arg20 : memref<!tpu.dma_semaphore, #tpu.memory_space<semaphore_mem>>) src(%arg13 : memref<128x128xf32, #tpu.memory_space<vmem>>) dst(%dma_wait3A_112 : memref<128x128xf32, #tpu.memory_space<hbm>>)
      %dma_wait3A_113 = arith.constant 0 : i32
      %dma_wait3A_114 = tpu.memref_slice %arg6[%mul3A_104, %dma_wait3A_113] : memref<335872x128xf32, #tpu.memory_space<hbm>> -> memref<128x128xf32, #tpu.memory_space<hbm>>
      %dma_wait3A_115 = arith.constant 0 : i32
      %dma_wait3A_116 = tpu.memref_slice %arg6[%mul3A_104, %dma_wait3A_115] : memref<335872x128xf32, #tpu.memory_space<hbm>> -> memref<128x128xf32, #tpu.memory_space<hbm>>
      tpu.wait_dma2 semaphore(%arg21 : memref<!tpu.dma_semaphore, #tpu.memory_space<semaphore_mem>>) src(%arg14 : memref<128x128xf32, #tpu.memory_space<vmem>>) dst(%dma_wait3A_116 : memref<128x128xf32, #tpu.memory_space<hbm>>)
    }
    %scan3A_21 = arith.constant 41 : i32
    return
  }
}

#map = affine_map<(d0, d1) -> (0, 0)>
#map1 = affine_map<(d0, d1) -> (0, 0, 0, 0)>
module attributes {stable_mosaic.version = 14 : i64} {
  func.func @k(%arg0: i32, %arg1: i32, %arg2: memref<335872x128xf32, #tpu.memory_space<hbm>>, %arg3: memref<335872x128xf32, #tpu.memory_space<hbm>>, %arg4: memref<16x2x82x128xi32, #tpu.memory_space<hbm>>, %arg5: memref<10240x128xf32, #tpu.memory_space<hbm>>, %arg6: memref<10240x128xf32, #tpu.memory_space<hbm>>, %arg7: memref<10240x128xf32, #tpu.memory_space<hbm>>, %arg8: memref<82x128xi32, #tpu.memory_space<vmem>>, %arg9: memref<10240x128xf32, #tpu.memory_space<vmem_shared>>, %arg10: memref<128x128xf32, #tpu.memory_space<vmem>>, %arg11: memref<128x128xf32, #tpu.memory_space<vmem>>, %arg12: memref<!tpu.dma_semaphore, #tpu.memory_space<semaphore_mem>>, %arg13: memref<!tpu.dma_semaphore, #tpu.memory_space<semaphore_mem>>, %arg14: memref<!tpu.dma_semaphore, #tpu.memory_space<semaphore_mem>>, %arg15: memref<!tpu.dma_semaphore, #tpu.memory_space<semaphore_mem>>) attributes {dimension_semantics = [#tpu.dimension_semantics<core_parallel>, #tpu.dimension_semantics<subcore_parallel>], iteration_bounds = array<i64: 2, 16>, scalar_prefetch = 0 : i64, scratch_operands = 8 : i64, tpu.core_type = #tpu.core_type<sc_vector_subcore>, window_params = [{transform_indices = #map}, {transform_indices = #map}, {transform_indices = #map1}, {transform_indices = #map}, {transform_indices = #map}, {transform_indices = #map}]} {
    %mul3A = arith.constant 640 : i32
    %mul3A_0 = arith.muli %arg1, %mul3A : i32
    "tpu.region"() ({
      %run_scoped3A = tpu.sem_alloc : memref<!tpu.dma_semaphore, #tpu.memory_space<semaphore_mem>>
      %dma_start3A = arith.constant 0 : i32
      %dma_start3A_19 = tpu.memref_slice %arg9[%mul3A_0, %dma_start3A] : memref<10240x128xf32, #tpu.memory_space<vmem_shared>> -> memref<640x128xf32, #tpu.memory_space<vmem_shared>>
      %dma_start3A_20 = arith.constant 0 : i32
      %dma_start3A_21 = tpu.memref_slice %arg5[%mul3A_0, %dma_start3A_20] : memref<10240x128xf32, #tpu.memory_space<hbm>> -> memref<640x128xf32, #tpu.memory_space<hbm>>
      tpu.enqueue_dma source(%dma_start3A_21 : memref<640x128xf32, #tpu.memory_space<hbm>>) target(%dma_start3A_19 : memref<640x128xf32, #tpu.memory_space<vmem_shared>>) target_semaphore(%run_scoped3A : memref<!tpu.dma_semaphore, #tpu.memory_space<semaphore_mem>>)
      %dma_wait3A = arith.constant 0 : i32
      %dma_wait3A_22 = tpu.memref_slice %arg9[%mul3A_0, %dma_wait3A] : memref<10240x128xf32, #tpu.memory_space<vmem_shared>> -> memref<640x128xf32, #tpu.memory_space<vmem_shared>>
      %dma_wait3A_23 = arith.constant 0 : i32
      %dma_wait3A_24 = tpu.memref_slice %arg5[%mul3A_0, %dma_wait3A_23] : memref<10240x128xf32, #tpu.memory_space<hbm>> -> memref<640x128xf32, #tpu.memory_space<hbm>>
      tpu.wait_dma2 semaphore(%run_scoped3A : memref<!tpu.dma_semaphore, #tpu.memory_space<semaphore_mem>>) src(%dma_wait3A_24 : memref<640x128xf32, #tpu.memory_space<hbm>>) dst(%dma_wait3A_22 : memref<640x128xf32, #tpu.memory_space<vmem_shared>>)
      tpu.yield
    }) : () -> ()
    %barrier3A = arith.constant 0 : index
    tpu.barrier barrier_id(%barrier3A)
    %eq3A = arith.constant 0 : i32
    %eq3A_1 = arith.cmpi eq, %arg0, %eq3A : i32
    %convert_element_type3A = arith.extui %eq3A_1 : i1 to i32
    %cond3A = arith.constant 0 : i32
    %cond3A_2 = arith.cmpi ne, %convert_element_type3A, %cond3A : i32
    scf.if %cond3A_2 {
      %run_scoped3A = arith.constant 0 : i32
      "tpu.region"() ({
        %run_scoped3A_40 = tpu.sem_alloc : memref<!tpu.dma_semaphore, #tpu.memory_space<semaphore_mem>>
        %dma_start3A = arith.constant 0 : i32
        %dma_start3A_41 = arith.constant 0 : i32
        %dma_start3A_42 = tpu.memref_slice %arg4[%arg1, %run_scoped3A, %dma_start3A, %dma_start3A_41] : memref<16x2x82x128xi32, #tpu.memory_space<hbm>> -> memref<1x1x82x128xi32, #tpu.memory_space<hbm>>
        %dma_start3A_43 = tpu.memref_squeeze %dma_start3A_42 : memref<1x1x82x128xi32, #tpu.memory_space<hbm>> -> memref<82x128xi32, #tpu.memory_space<hbm>>
        %dma_start3A_44 = arith.constant 0 : i32
        %dma_start3A_45 = arith.constant 0 : i32
        %dma_start3A_46 = tpu.memref_slice %arg4[%arg1, %run_scoped3A, %dma_start3A_44, %dma_start3A_45] : memref<16x2x82x128xi32, #tpu.memory_space<hbm>> -> memref<1x1x82x128xi32, #tpu.memory_space<hbm>>
        %dma_start3A_47 = tpu.memref_squeeze %dma_start3A_46 : memref<1x1x82x128xi32, #tpu.memory_space<hbm>> -> memref<82x128xi32, #tpu.memory_space<hbm>>
        tpu.enqueue_dma source(%dma_start3A_47 : memref<82x128xi32, #tpu.memory_space<hbm>>) target(%arg8 : memref<82x128xi32, #tpu.memory_space<vmem>>) target_semaphore(%run_scoped3A_40 : memref<!tpu.dma_semaphore, #tpu.memory_space<semaphore_mem>>)
        %dma_wait3A = arith.constant 0 : i32
        %dma_wait3A_48 = arith.constant 0 : i32
        %dma_wait3A_49 = tpu.memref_slice %arg4[%arg1, %run_scoped3A, %dma_wait3A, %dma_wait3A_48] : memref<16x2x82x128xi32, #tpu.memory_space<hbm>> -> memref<1x1x82x128xi32, #tpu.memory_space<hbm>>
        %dma_wait3A_50 = tpu.memref_squeeze %dma_wait3A_49 : memref<1x1x82x128xi32, #tpu.memory_space<hbm>> -> memref<82x128xi32, #tpu.memory_space<hbm>>
        %dma_wait3A_51 = arith.constant 0 : i32
        %dma_wait3A_52 = arith.constant 0 : i32
        %dma_wait3A_53 = tpu.memref_slice %arg4[%arg1, %run_scoped3A, %dma_wait3A_51, %dma_wait3A_52] : memref<16x2x82x128xi32, #tpu.memory_space<hbm>> -> memref<1x1x82x128xi32, #tpu.memory_space<hbm>>
        %dma_wait3A_54 = tpu.memref_squeeze %dma_wait3A_53 : memref<1x1x82x128xi32, #tpu.memory_space<hbm>> -> memref<82x128xi32, #tpu.memory_space<hbm>>
        tpu.wait_dma2 semaphore(%run_scoped3A_40 : memref<!tpu.dma_semaphore, #tpu.memory_space<semaphore_mem>>) src(%dma_wait3A_54 : memref<82x128xi32, #tpu.memory_space<hbm>>) dst(%arg8 : memref<82x128xi32, #tpu.memory_space<vmem>>)
        tpu.yield
      }) : () -> ()
      %mul3A_19 = arith.constant 2 : i32
      %mul3A_20 = arith.muli %arg1, %mul3A_19 : i32
      %add3A = arith.constant 0 : i32
      %add3A_21 = arith.addi %mul3A_20, %add3A : i32
      %mul3A_22 = arith.constant 82 : i32
      %mul3A_23 = arith.muli %add3A_21, %mul3A_22 : i32
      %scan3A = arith.constant 0 : i32
      %scan3A_24 = arith.constant 41 : i32
      %scan3A_25 = arith.addi %scan3A, %scan3A_24 : i32
      %scan3A_26 = arith.constant 1 : i32
      scf.for %scan3A_40 = %scan3A to %scan3A_25 step %scan3A_26  : i32 {
        %mul3A_41 = arith.constant 2 : i32
        %mul3A_42 = arith.muli %scan3A_40, %mul3A_41 : i32
        %add3A_43 = arith.constant 0 : i32
        %add3A_44 = arith.addi %add3A_43, %mul3A_42 : i32
        %add3A_45 = arith.addi %mul3A_23, %add3A_44 : i32
        %add3A_46 = arith.constant 0 : i32
        %add3A_47 = arith.addi %add3A_45, %add3A_46 : i32
        %mul3A_48 = arith.constant 128 : i32
        %mul3A_49 = arith.muli %add3A_47, %mul3A_48 : i32
        %dma_start3A = arith.constant 0 : i32
        %dma_start3A_50 = tpu.memref_slice %arg2[%mul3A_49, %dma_start3A] : memref<335872x128xf32, #tpu.memory_space<hbm>> -> memref<128x128xf32, #tpu.memory_space<hbm>>
        %dma_start3A_51 = arith.constant 0 : i32
        %dma_start3A_52 = tpu.memref_slice %arg2[%mul3A_49, %dma_start3A_51] : memref<335872x128xf32, #tpu.memory_space<hbm>> -> memref<128x128xf32, #tpu.memory_space<hbm>>
        tpu.enqueue_dma source(%dma_start3A_52 : memref<128x128xf32, #tpu.memory_space<hbm>>) target(%arg10 : memref<128x128xf32, #tpu.memory_space<vmem>>) target_semaphore(%arg12 : memref<!tpu.dma_semaphore, #tpu.memory_space<semaphore_mem>>)
        %add3A_53 = arith.addi %mul3A_23, %add3A_44 : i32
        %add3A_54 = arith.constant 1 : i32
        %add3A_55 = arith.addi %add3A_53, %add3A_54 : i32
        %mul3A_56 = arith.constant 128 : i32
        %mul3A_57 = arith.muli %add3A_55, %mul3A_56 : i32
        %dma_start3A_58 = arith.constant 0 : i32
        %dma_start3A_59 = tpu.memref_slice %arg2[%mul3A_57, %dma_start3A_58] : memref<335872x128xf32, #tpu.memory_space<hbm>> -> memref<128x128xf32, #tpu.memory_space<hbm>>
        %dma_start3A_60 = arith.constant 0 : i32
        %dma_start3A_61 = tpu.memref_slice %arg2[%mul3A_57, %dma_start3A_60] : memref<335872x128xf32, #tpu.memory_space<hbm>> -> memref<128x128xf32, #tpu.memory_space<hbm>>
        tpu.enqueue_dma source(%dma_start3A_61 : memref<128x128xf32, #tpu.memory_space<hbm>>) target(%arg11 : memref<128x128xf32, #tpu.memory_space<vmem>>) target_semaphore(%arg13 : memref<!tpu.dma_semaphore, #tpu.memory_space<semaphore_mem>>)
        %dma_wait3A = arith.constant 0 : i32
        %dma_wait3A_62 = tpu.memref_slice %arg2[%mul3A_49, %dma_wait3A] : memref<335872x128xf32, #tpu.memory_space<hbm>> -> memref<128x128xf32, #tpu.memory_space<hbm>>
        %dma_wait3A_63 = arith.constant 0 : i32
        %dma_wait3A_64 = tpu.memref_slice %arg2[%mul3A_49, %dma_wait3A_63] : memref<335872x128xf32, #tpu.memory_space<hbm>> -> memref<128x128xf32, #tpu.memory_space<hbm>>
        tpu.wait_dma2 semaphore(%arg12 : memref<!tpu.dma_semaphore, #tpu.memory_space<semaphore_mem>>) src(%dma_wait3A_64 : memref<128x128xf32, #tpu.memory_space<hbm>>) dst(%arg10 : memref<128x128xf32, #tpu.memory_space<vmem>>)
        %add3A_65 = arith.constant 0 : i32
        %add3A_66 = arith.addi %add3A_44, %add3A_65 : i32
        %dma_start3A_67 = arith.constant 0 : i32
        %dma_start3A_68 = tpu.memref_slice %arg8[%add3A_66, %dma_start3A_67] : memref<82x128xi32, #tpu.memory_space<vmem>> -> memref<1x128xi32, #tpu.memory_space<vmem>>
        %dma_start3A_69 = tpu.memref_squeeze %dma_start3A_68 : memref<1x128xi32, #tpu.memory_space<vmem>> -> memref<128xi32, #tpu.memory_space<vmem>>
        %dma_start3A_70 = arith.constant 0 : i32
        %dma_start3A_71 = arith.constant 0 : i32
        %dma_start3A_72 = tpu.memref_slice %arg9[%dma_start3A_70, %dma_start3A_71] : memref<10240x128xf32, #tpu.memory_space<vmem_shared>> -> memref<10240x128xf32, #tpu.memory_space<vmem_shared>>
        tpu.enqueue_indirect_dma source(%arg10 : memref<128x128xf32, #tpu.memory_space<vmem>>) target(%dma_start3A_72 : memref<10240x128xf32, #tpu.memory_space<vmem_shared>>) offsets(%dma_start3A_69 : memref<128xi32, #tpu.memory_space<vmem>>) semaphore(%arg14 : memref<!tpu.dma_semaphore, #tpu.memory_space<semaphore_mem>>) {add = true}
        %dma_wait3A_73 = arith.constant 0 : i32
        %dma_wait3A_74 = tpu.memref_slice %arg2[%mul3A_57, %dma_wait3A_73] : memref<335872x128xf32, #tpu.memory_space<hbm>> -> memref<128x128xf32, #tpu.memory_space<hbm>>
        %dma_wait3A_75 = arith.constant 0 : i32
        %dma_wait3A_76 = tpu.memref_slice %arg2[%mul3A_57, %dma_wait3A_75] : memref<335872x128xf32, #tpu.memory_space<hbm>> -> memref<128x128xf32, #tpu.memory_space<hbm>>
        tpu.wait_dma2 semaphore(%arg13 : memref<!tpu.dma_semaphore, #tpu.memory_space<semaphore_mem>>) src(%dma_wait3A_76 : memref<128x128xf32, #tpu.memory_space<hbm>>) dst(%arg11 : memref<128x128xf32, #tpu.memory_space<vmem>>)
        %add3A_77 = arith.constant 1 : i32
        %add3A_78 = arith.addi %add3A_44, %add3A_77 : i32
        %dma_start3A_79 = arith.constant 0 : i32
        %dma_start3A_80 = tpu.memref_slice %arg8[%add3A_78, %dma_start3A_79] : memref<82x128xi32, #tpu.memory_space<vmem>> -> memref<1x128xi32, #tpu.memory_space<vmem>>
        %dma_start3A_81 = tpu.memref_squeeze %dma_start3A_80 : memref<1x128xi32, #tpu.memory_space<vmem>> -> memref<128xi32, #tpu.memory_space<vmem>>
        %dma_start3A_82 = arith.constant 0 : i32
        %dma_start3A_83 = arith.constant 0 : i32
        %dma_start3A_84 = tpu.memref_slice %arg9[%dma_start3A_82, %dma_start3A_83] : memref<10240x128xf32, #tpu.memory_space<vmem_shared>> -> memref<10240x128xf32, #tpu.memory_space<vmem_shared>>
        tpu.enqueue_indirect_dma source(%arg11 : memref<128x128xf32, #tpu.memory_space<vmem>>) target(%dma_start3A_84 : memref<10240x128xf32, #tpu.memory_space<vmem_shared>>) offsets(%dma_start3A_81 : memref<128xi32, #tpu.memory_space<vmem>>) semaphore(%arg15 : memref<!tpu.dma_semaphore, #tpu.memory_space<semaphore_mem>>) {add = true}
        %dma_wait3A_85 = arith.constant 0 : i32
        %dma_wait3A_86 = tpu.memref_slice %arg8[%add3A_66, %dma_wait3A_85] : memref<82x128xi32, #tpu.memory_space<vmem>> -> memref<1x128xi32, #tpu.memory_space<vmem>>
        %dma_wait3A_87 = tpu.memref_squeeze %dma_wait3A_86 : memref<1x128xi32, #tpu.memory_space<vmem>> -> memref<128xi32, #tpu.memory_space<vmem>>
        %dma_wait3A_88 = arith.constant 0 : i32
        %dma_wait3A_89 = arith.constant 0 : i32
        %dma_wait3A_90 = tpu.memref_slice %arg9[%dma_wait3A_88, %dma_wait3A_89] : memref<10240x128xf32, #tpu.memory_space<vmem_shared>> -> memref<10240x128xf32, #tpu.memory_space<vmem_shared>>
        tpu.wait_indirect_dma semaphore(%arg14 : memref<!tpu.dma_semaphore, #tpu.memory_space<semaphore_mem>>) src(%arg10 : memref<128x128xf32, #tpu.memory_space<vmem>>) dst(%dma_wait3A_90 : memref<10240x128xf32, #tpu.memory_space<vmem_shared>>)
        %dma_wait3A_91 = arith.constant 0 : i32
        %dma_wait3A_92 = tpu.memref_slice %arg8[%add3A_78, %dma_wait3A_91] : memref<82x128xi32, #tpu.memory_space<vmem>> -> memref<1x128xi32, #tpu.memory_space<vmem>>
        %dma_wait3A_93 = tpu.memref_squeeze %dma_wait3A_92 : memref<1x128xi32, #tpu.memory_space<vmem>> -> memref<128xi32, #tpu.memory_space<vmem>>
        %dma_wait3A_94 = arith.constant 0 : i32
        %dma_wait3A_95 = arith.constant 0 : i32
        %dma_wait3A_96 = tpu.memref_slice %arg9[%dma_wait3A_94, %dma_wait3A_95] : memref<10240x128xf32, #tpu.memory_space<vmem_shared>> -> memref<10240x128xf32, #tpu.memory_space<vmem_shared>>
        tpu.wait_indirect_dma semaphore(%arg15 : memref<!tpu.dma_semaphore, #tpu.memory_space<semaphore_mem>>) src(%arg11 : memref<128x128xf32, #tpu.memory_space<vmem>>) dst(%dma_wait3A_96 : memref<10240x128xf32, #tpu.memory_space<vmem_shared>>)
      }
      %scan3A_27 = arith.constant 41 : i32
      %run_scoped3A_28 = arith.constant 1 : i32
      "tpu.region"() ({
        %run_scoped3A_40 = tpu.sem_alloc : memref<!tpu.dma_semaphore, #tpu.memory_space<semaphore_mem>>
        %dma_start3A = arith.constant 0 : i32
        %dma_start3A_41 = arith.constant 0 : i32
        %dma_start3A_42 = tpu.memref_slice %arg4[%arg1, %run_scoped3A_28, %dma_start3A, %dma_start3A_41] : memref<16x2x82x128xi32, #tpu.memory_space<hbm>> -> memref<1x1x82x128xi32, #tpu.memory_space<hbm>>
        %dma_start3A_43 = tpu.memref_squeeze %dma_start3A_42 : memref<1x1x82x128xi32, #tpu.memory_space<hbm>> -> memref<82x128xi32, #tpu.memory_space<hbm>>
        %dma_start3A_44 = arith.constant 0 : i32
        %dma_start3A_45 = arith.constant 0 : i32
        %dma_start3A_46 = tpu.memref_slice %arg4[%arg1, %run_scoped3A_28, %dma_start3A_44, %dma_start3A_45] : memref<16x2x82x128xi32, #tpu.memory_space<hbm>> -> memref<1x1x82x128xi32, #tpu.memory_space<hbm>>
        %dma_start3A_47 = tpu.memref_squeeze %dma_start3A_46 : memref<1x1x82x128xi32, #tpu.memory_space<hbm>> -> memref<82x128xi32, #tpu.memory_space<hbm>>
        tpu.enqueue_dma source(%dma_start3A_47 : memref<82x128xi32, #tpu.memory_space<hbm>>) target(%arg8 : memref<82x128xi32, #tpu.memory_space<vmem>>) target_semaphore(%run_scoped3A_40 : memref<!tpu.dma_semaphore, #tpu.memory_space<semaphore_mem>>)
        %dma_wait3A = arith.constant 0 : i32
        %dma_wait3A_48 = arith.constant 0 : i32
        %dma_wait3A_49 = tpu.memref_slice %arg4[%arg1, %run_scoped3A_28, %dma_wait3A, %dma_wait3A_48] : memref<16x2x82x128xi32, #tpu.memory_space<hbm>> -> memref<1x1x82x128xi32, #tpu.memory_space<hbm>>
        %dma_wait3A_50 = tpu.memref_squeeze %dma_wait3A_49 : memref<1x1x82x128xi32, #tpu.memory_space<hbm>> -> memref<82x128xi32, #tpu.memory_space<hbm>>
        %dma_wait3A_51 = arith.constant 0 : i32
        %dma_wait3A_52 = arith.constant 0 : i32
        %dma_wait3A_53 = tpu.memref_slice %arg4[%arg1, %run_scoped3A_28, %dma_wait3A_51, %dma_wait3A_52] : memref<16x2x82x128xi32, #tpu.memory_space<hbm>> -> memref<1x1x82x128xi32, #tpu.memory_space<hbm>>
        %dma_wait3A_54 = tpu.memref_squeeze %dma_wait3A_53 : memref<1x1x82x128xi32, #tpu.memory_space<hbm>> -> memref<82x128xi32, #tpu.memory_space<hbm>>
        tpu.wait_dma2 semaphore(%run_scoped3A_40 : memref<!tpu.dma_semaphore, #tpu.memory_space<semaphore_mem>>) src(%dma_wait3A_54 : memref<82x128xi32, #tpu.memory_space<hbm>>) dst(%arg8 : memref<82x128xi32, #tpu.memory_space<vmem>>)
        tpu.yield
      }) : () -> ()
      %mul3A_29 = arith.constant 2 : i32
      %mul3A_30 = arith.muli %arg1, %mul3A_29 : i32
      %add3A_31 = arith.constant 1 : i32
      %add3A_32 = arith.addi %mul3A_30, %add3A_31 : i32
      %mul3A_33 = arith.constant 82 : i32
      %mul3A_34 = arith.muli %add3A_32, %mul3A_33 : i32
      %scan3A_35 = arith.constant 0 : i32
      %scan3A_36 = arith.constant 41 : i32
      %scan3A_37 = arith.addi %scan3A_35, %scan3A_36 : i32
      %scan3A_38 = arith.constant 1 : i32
      scf.for %scan3A_40 = %scan3A_35 to %scan3A_37 step %scan3A_38  : i32 {
        %mul3A_41 = arith.constant 2 : i32
        %mul3A_42 = arith.muli %scan3A_40, %mul3A_41 : i32
        %add3A_43 = arith.constant 0 : i32
        %add3A_44 = arith.addi %add3A_43, %mul3A_42 : i32
        %add3A_45 = arith.addi %mul3A_34, %add3A_44 : i32
        %add3A_46 = arith.constant 0 : i32
        %add3A_47 = arith.addi %add3A_45, %add3A_46 : i32
        %mul3A_48 = arith.constant 128 : i32
        %mul3A_49 = arith.muli %add3A_47, %mul3A_48 : i32
        %dma_start3A = arith.constant 0 : i32
        %dma_start3A_50 = tpu.memref_slice %arg2[%mul3A_49, %dma_start3A] : memref<335872x128xf32, #tpu.memory_space<hbm>> -> memref<128x128xf32, #tpu.memory_space<hbm>>
        %dma_start3A_51 = arith.constant 0 : i32
        %dma_start3A_52 = tpu.memref_slice %arg2[%mul3A_49, %dma_start3A_51] : memref<335872x128xf32, #tpu.memory_space<hbm>> -> memref<128x128xf32, #tpu.memory_space<hbm>>
        tpu.enqueue_dma source(%dma_start3A_52 : memref<128x128xf32, #tpu.memory_space<hbm>>) target(%arg10 : memref<128x128xf32, #tpu.memory_space<vmem>>) target_semaphore(%arg12 : memref<!tpu.dma_semaphore, #tpu.memory_space<semaphore_mem>>)
        %add3A_53 = arith.addi %mul3A_34, %add3A_44 : i32
        %add3A_54 = arith.constant 1 : i32
        %add3A_55 = arith.addi %add3A_53, %add3A_54 : i32
        %mul3A_56 = arith.constant 128 : i32
        %mul3A_57 = arith.muli %add3A_55, %mul3A_56 : i32
        %dma_start3A_58 = arith.constant 0 : i32
        %dma_start3A_59 = tpu.memref_slice %arg2[%mul3A_57, %dma_start3A_58] : memref<335872x128xf32, #tpu.memory_space<hbm>> -> memref<128x128xf32, #tpu.memory_space<hbm>>
        %dma_start3A_60 = arith.constant 0 : i32
        %dma_start3A_61 = tpu.memref_slice %arg2[%mul3A_57, %dma_start3A_60] : memref<335872x128xf32, #tpu.memory_space<hbm>> -> memref<128x128xf32, #tpu.memory_space<hbm>>
        tpu.enqueue_dma source(%dma_start3A_61 : memref<128x128xf32, #tpu.memory_space<hbm>>) target(%arg11 : memref<128x128xf32, #tpu.memory_space<vmem>>) target_semaphore(%arg13 : memref<!tpu.dma_semaphore, #tpu.memory_space<semaphore_mem>>)
        %dma_wait3A = arith.constant 0 : i32
        %dma_wait3A_62 = tpu.memref_slice %arg2[%mul3A_49, %dma_wait3A] : memref<335872x128xf32, #tpu.memory_space<hbm>> -> memref<128x128xf32, #tpu.memory_space<hbm>>
        %dma_wait3A_63 = arith.constant 0 : i32
        %dma_wait3A_64 = tpu.memref_slice %arg2[%mul3A_49, %dma_wait3A_63] : memref<335872x128xf32, #tpu.memory_space<hbm>> -> memref<128x128xf32, #tpu.memory_space<hbm>>
        tpu.wait_dma2 semaphore(%arg12 : memref<!tpu.dma_semaphore, #tpu.memory_space<semaphore_mem>>) src(%dma_wait3A_64 : memref<128x128xf32, #tpu.memory_space<hbm>>) dst(%arg10 : memref<128x128xf32, #tpu.memory_space<vmem>>)
        %add3A_65 = arith.constant 0 : i32
        %add3A_66 = arith.addi %add3A_44, %add3A_65 : i32
        %dma_start3A_67 = arith.constant 0 : i32
        %dma_start3A_68 = tpu.memref_slice %arg8[%add3A_66, %dma_start3A_67] : memref<82x128xi32, #tpu.memory_space<vmem>> -> memref<1x128xi32, #tpu.memory_space<vmem>>
        %dma_start3A_69 = tpu.memref_squeeze %dma_start3A_68 : memref<1x128xi32, #tpu.memory_space<vmem>> -> memref<128xi32, #tpu.memory_space<vmem>>
        %dma_start3A_70 = arith.constant 0 : i32
        %dma_start3A_71 = arith.constant 0 : i32
        %dma_start3A_72 = tpu.memref_slice %arg9[%dma_start3A_70, %dma_start3A_71] : memref<10240x128xf32, #tpu.memory_space<vmem_shared>> -> memref<10240x128xf32, #tpu.memory_space<vmem_shared>>
        tpu.enqueue_indirect_dma source(%arg10 : memref<128x128xf32, #tpu.memory_space<vmem>>) target(%dma_start3A_72 : memref<10240x128xf32, #tpu.memory_space<vmem_shared>>) offsets(%dma_start3A_69 : memref<128xi32, #tpu.memory_space<vmem>>) semaphore(%arg14 : memref<!tpu.dma_semaphore, #tpu.memory_space<semaphore_mem>>) {add = true}
        %dma_wait3A_73 = arith.constant 0 : i32
        %dma_wait3A_74 = tpu.memref_slice %arg2[%mul3A_57, %dma_wait3A_73] : memref<335872x128xf32, #tpu.memory_space<hbm>> -> memref<128x128xf32, #tpu.memory_space<hbm>>
        %dma_wait3A_75 = arith.constant 0 : i32
        %dma_wait3A_76 = tpu.memref_slice %arg2[%mul3A_57, %dma_wait3A_75] : memref<335872x128xf32, #tpu.memory_space<hbm>> -> memref<128x128xf32, #tpu.memory_space<hbm>>
        tpu.wait_dma2 semaphore(%arg13 : memref<!tpu.dma_semaphore, #tpu.memory_space<semaphore_mem>>) src(%dma_wait3A_76 : memref<128x128xf32, #tpu.memory_space<hbm>>) dst(%arg11 : memref<128x128xf32, #tpu.memory_space<vmem>>)
        %add3A_77 = arith.constant 1 : i32
        %add3A_78 = arith.addi %add3A_44, %add3A_77 : i32
        %dma_start3A_79 = arith.constant 0 : i32
        %dma_start3A_80 = tpu.memref_slice %arg8[%add3A_78, %dma_start3A_79] : memref<82x128xi32, #tpu.memory_space<vmem>> -> memref<1x128xi32, #tpu.memory_space<vmem>>
        %dma_start3A_81 = tpu.memref_squeeze %dma_start3A_80 : memref<1x128xi32, #tpu.memory_space<vmem>> -> memref<128xi32, #tpu.memory_space<vmem>>
        %dma_start3A_82 = arith.constant 0 : i32
        %dma_start3A_83 = arith.constant 0 : i32
        %dma_start3A_84 = tpu.memref_slice %arg9[%dma_start3A_82, %dma_start3A_83] : memref<10240x128xf32, #tpu.memory_space<vmem_shared>> -> memref<10240x128xf32, #tpu.memory_space<vmem_shared>>
        tpu.enqueue_indirect_dma source(%arg11 : memref<128x128xf32, #tpu.memory_space<vmem>>) target(%dma_start3A_84 : memref<10240x128xf32, #tpu.memory_space<vmem_shared>>) offsets(%dma_start3A_81 : memref<128xi32, #tpu.memory_space<vmem>>) semaphore(%arg15 : memref<!tpu.dma_semaphore, #tpu.memory_space<semaphore_mem>>) {add = true}
        %dma_wait3A_85 = arith.constant 0 : i32
        %dma_wait3A_86 = tpu.memref_slice %arg8[%add3A_66, %dma_wait3A_85] : memref<82x128xi32, #tpu.memory_space<vmem>> -> memref<1x128xi32, #tpu.memory_space<vmem>>
        %dma_wait3A_87 = tpu.memref_squeeze %dma_wait3A_86 : memref<1x128xi32, #tpu.memory_space<vmem>> -> memref<128xi32, #tpu.memory_space<vmem>>
        %dma_wait3A_88 = arith.constant 0 : i32
        %dma_wait3A_89 = arith.constant 0 : i32
        %dma_wait3A_90 = tpu.memref_slice %arg9[%dma_wait3A_88, %dma_wait3A_89] : memref<10240x128xf32, #tpu.memory_space<vmem_shared>> -> memref<10240x128xf32, #tpu.memory_space<vmem_shared>>
        tpu.wait_indirect_dma semaphore(%arg14 : memref<!tpu.dma_semaphore, #tpu.memory_space<semaphore_mem>>) src(%arg10 : memref<128x128xf32, #tpu.memory_space<vmem>>) dst(%dma_wait3A_90 : memref<10240x128xf32, #tpu.memory_space<vmem_shared>>)
        %dma_wait3A_91 = arith.constant 0 : i32
        %dma_wait3A_92 = tpu.memref_slice %arg8[%add3A_78, %dma_wait3A_91] : memref<82x128xi32, #tpu.memory_space<vmem>> -> memref<1x128xi32, #tpu.memory_space<vmem>>
        %dma_wait3A_93 = tpu.memref_squeeze %dma_wait3A_92 : memref<1x128xi32, #tpu.memory_space<vmem>> -> memref<128xi32, #tpu.memory_space<vmem>>
        %dma_wait3A_94 = arith.constant 0 : i32
        %dma_wait3A_95 = arith.constant 0 : i32
        %dma_wait3A_96 = tpu.memref_slice %arg9[%dma_wait3A_94, %dma_wait3A_95] : memref<10240x128xf32, #tpu.memory_space<vmem_shared>> -> memref<10240x128xf32, #tpu.memory_space<vmem_shared>>
        tpu.wait_indirect_dma semaphore(%arg15 : memref<!tpu.dma_semaphore, #tpu.memory_space<semaphore_mem>>) src(%arg11 : memref<128x128xf32, #tpu.memory_space<vmem>>) dst(%dma_wait3A_96 : memref<10240x128xf32, #tpu.memory_space<vmem_shared>>)
      }
      %scan3A_39 = arith.constant 41 : i32
    } else {
    }
    %eq3A_3 = arith.constant 1 : i32
    %eq3A_4 = arith.cmpi eq, %arg0, %eq3A_3 : i32
    %convert_element_type3A_5 = arith.extui %eq3A_4 : i1 to i32
    %cond3A_6 = arith.constant 0 : i32
    %cond3A_7 = arith.cmpi ne, %convert_element_type3A_5, %cond3A_6 : i32
    scf.if %cond3A_7 {
      %run_scoped3A = arith.constant 0 : i32
      "tpu.region"() ({
        %run_scoped3A_40 = tpu.sem_alloc : memref<!tpu.dma_semaphore, #tpu.memory_space<semaphore_mem>>
        %dma_start3A = arith.constant 0 : i32
        %dma_start3A_41 = arith.constant 0 : i32
        %dma_start3A_42 = tpu.memref_slice %arg4[%arg1, %run_scoped3A, %dma_start3A, %dma_start3A_41] : memref<16x2x82x128xi32, #tpu.memory_space<hbm>> -> memref<1x1x82x128xi32, #tpu.memory_space<hbm>>
        %dma_start3A_43 = tpu.memref_squeeze %dma_start3A_42 : memref<1x1x82x128xi32, #tpu.memory_space<hbm>> -> memref<82x128xi32, #tpu.memory_space<hbm>>
        %dma_start3A_44 = arith.constant 0 : i32
        %dma_start3A_45 = arith.constant 0 : i32
        %dma_start3A_46 = tpu.memref_slice %arg4[%arg1, %run_scoped3A, %dma_start3A_44, %dma_start3A_45] : memref<16x2x82x128xi32, #tpu.memory_space<hbm>> -> memref<1x1x82x128xi32, #tpu.memory_space<hbm>>
        %dma_start3A_47 = tpu.memref_squeeze %dma_start3A_46 : memref<1x1x82x128xi32, #tpu.memory_space<hbm>> -> memref<82x128xi32, #tpu.memory_space<hbm>>
        tpu.enqueue_dma source(%dma_start3A_47 : memref<82x128xi32, #tpu.memory_space<hbm>>) target(%arg8 : memref<82x128xi32, #tpu.memory_space<vmem>>) target_semaphore(%run_scoped3A_40 : memref<!tpu.dma_semaphore, #tpu.memory_space<semaphore_mem>>)
        %dma_wait3A = arith.constant 0 : i32
        %dma_wait3A_48 = arith.constant 0 : i32
        %dma_wait3A_49 = tpu.memref_slice %arg4[%arg1, %run_scoped3A, %dma_wait3A, %dma_wait3A_48] : memref<16x2x82x128xi32, #tpu.memory_space<hbm>> -> memref<1x1x82x128xi32, #tpu.memory_space<hbm>>
        %dma_wait3A_50 = tpu.memref_squeeze %dma_wait3A_49 : memref<1x1x82x128xi32, #tpu.memory_space<hbm>> -> memref<82x128xi32, #tpu.memory_space<hbm>>
        %dma_wait3A_51 = arith.constant 0 : i32
        %dma_wait3A_52 = arith.constant 0 : i32
        %dma_wait3A_53 = tpu.memref_slice %arg4[%arg1, %run_scoped3A, %dma_wait3A_51, %dma_wait3A_52] : memref<16x2x82x128xi32, #tpu.memory_space<hbm>> -> memref<1x1x82x128xi32, #tpu.memory_space<hbm>>
        %dma_wait3A_54 = tpu.memref_squeeze %dma_wait3A_53 : memref<1x1x82x128xi32, #tpu.memory_space<hbm>> -> memref<82x128xi32, #tpu.memory_space<hbm>>
        tpu.wait_dma2 semaphore(%run_scoped3A_40 : memref<!tpu.dma_semaphore, #tpu.memory_space<semaphore_mem>>) src(%dma_wait3A_54 : memref<82x128xi32, #tpu.memory_space<hbm>>) dst(%arg8 : memref<82x128xi32, #tpu.memory_space<vmem>>)
        tpu.yield
      }) : () -> ()
      %mul3A_19 = arith.constant 2 : i32
      %mul3A_20 = arith.muli %arg1, %mul3A_19 : i32
      %add3A = arith.constant 0 : i32
      %add3A_21 = arith.addi %mul3A_20, %add3A : i32
      %mul3A_22 = arith.constant 82 : i32
      %mul3A_23 = arith.muli %add3A_21, %mul3A_22 : i32
      %scan3A = arith.constant 0 : i32
      %scan3A_24 = arith.constant 41 : i32
      %scan3A_25 = arith.addi %scan3A, %scan3A_24 : i32
      %scan3A_26 = arith.constant 1 : i32
      scf.for %scan3A_40 = %scan3A to %scan3A_25 step %scan3A_26  : i32 {
        %mul3A_41 = arith.constant 2 : i32
        %mul3A_42 = arith.muli %scan3A_40, %mul3A_41 : i32
        %add3A_43 = arith.constant 0 : i32
        %add3A_44 = arith.addi %add3A_43, %mul3A_42 : i32
        %add3A_45 = arith.addi %mul3A_23, %add3A_44 : i32
        %add3A_46 = arith.constant 0 : i32
        %add3A_47 = arith.addi %add3A_45, %add3A_46 : i32
        %mul3A_48 = arith.constant 128 : i32
        %mul3A_49 = arith.muli %add3A_47, %mul3A_48 : i32
        %dma_start3A = arith.constant 0 : i32
        %dma_start3A_50 = tpu.memref_slice %arg3[%mul3A_49, %dma_start3A] : memref<335872x128xf32, #tpu.memory_space<hbm>> -> memref<128x128xf32, #tpu.memory_space<hbm>>
        %dma_start3A_51 = arith.constant 0 : i32
        %dma_start3A_52 = tpu.memref_slice %arg3[%mul3A_49, %dma_start3A_51] : memref<335872x128xf32, #tpu.memory_space<hbm>> -> memref<128x128xf32, #tpu.memory_space<hbm>>
        tpu.enqueue_dma source(%dma_start3A_52 : memref<128x128xf32, #tpu.memory_space<hbm>>) target(%arg10 : memref<128x128xf32, #tpu.memory_space<vmem>>) target_semaphore(%arg12 : memref<!tpu.dma_semaphore, #tpu.memory_space<semaphore_mem>>)
        %add3A_53 = arith.addi %mul3A_23, %add3A_44 : i32
        %add3A_54 = arith.constant 1 : i32
        %add3A_55 = arith.addi %add3A_53, %add3A_54 : i32
        %mul3A_56 = arith.constant 128 : i32
        %mul3A_57 = arith.muli %add3A_55, %mul3A_56 : i32
        %dma_start3A_58 = arith.constant 0 : i32
        %dma_start3A_59 = tpu.memref_slice %arg3[%mul3A_57, %dma_start3A_58] : memref<335872x128xf32, #tpu.memory_space<hbm>> -> memref<128x128xf32, #tpu.memory_space<hbm>>
        %dma_start3A_60 = arith.constant 0 : i32
        %dma_start3A_61 = tpu.memref_slice %arg3[%mul3A_57, %dma_start3A_60] : memref<335872x128xf32, #tpu.memory_space<hbm>> -> memref<128x128xf32, #tpu.memory_space<hbm>>
        tpu.enqueue_dma source(%dma_start3A_61 : memref<128x128xf32, #tpu.memory_space<hbm>>) target(%arg11 : memref<128x128xf32, #tpu.memory_space<vmem>>) target_semaphore(%arg13 : memref<!tpu.dma_semaphore, #tpu.memory_space<semaphore_mem>>)
        %dma_wait3A = arith.constant 0 : i32
        %dma_wait3A_62 = tpu.memref_slice %arg3[%mul3A_49, %dma_wait3A] : memref<335872x128xf32, #tpu.memory_space<hbm>> -> memref<128x128xf32, #tpu.memory_space<hbm>>
        %dma_wait3A_63 = arith.constant 0 : i32
        %dma_wait3A_64 = tpu.memref_slice %arg3[%mul3A_49, %dma_wait3A_63] : memref<335872x128xf32, #tpu.memory_space<hbm>> -> memref<128x128xf32, #tpu.memory_space<hbm>>
        tpu.wait_dma2 semaphore(%arg12 : memref<!tpu.dma_semaphore, #tpu.memory_space<semaphore_mem>>) src(%dma_wait3A_64 : memref<128x128xf32, #tpu.memory_space<hbm>>) dst(%arg10 : memref<128x128xf32, #tpu.memory_space<vmem>>)
        %add3A_65 = arith.constant 0 : i32
        %add3A_66 = arith.addi %add3A_44, %add3A_65 : i32
        %dma_start3A_67 = arith.constant 0 : i32
        %dma_start3A_68 = tpu.memref_slice %arg8[%add3A_66, %dma_start3A_67] : memref<82x128xi32, #tpu.memory_space<vmem>> -> memref<1x128xi32, #tpu.memory_space<vmem>>
        %dma_start3A_69 = tpu.memref_squeeze %dma_start3A_68 : memref<1x128xi32, #tpu.memory_space<vmem>> -> memref<128xi32, #tpu.memory_space<vmem>>
        %dma_start3A_70 = arith.constant 0 : i32
        %dma_start3A_71 = arith.constant 0 : i32
        %dma_start3A_72 = tpu.memref_slice %arg9[%dma_start3A_70, %dma_start3A_71] : memref<10240x128xf32, #tpu.memory_space<vmem_shared>> -> memref<10240x128xf32, #tpu.memory_space<vmem_shared>>
        tpu.enqueue_indirect_dma source(%arg10 : memref<128x128xf32, #tpu.memory_space<vmem>>) target(%dma_start3A_72 : memref<10240x128xf32, #tpu.memory_space<vmem_shared>>) offsets(%dma_start3A_69 : memref<128xi32, #tpu.memory_space<vmem>>) semaphore(%arg14 : memref<!tpu.dma_semaphore, #tpu.memory_space<semaphore_mem>>) {add = true}
        %dma_wait3A_73 = arith.constant 0 : i32
        %dma_wait3A_74 = tpu.memref_slice %arg3[%mul3A_57, %dma_wait3A_73] : memref<335872x128xf32, #tpu.memory_space<hbm>> -> memref<128x128xf32, #tpu.memory_space<hbm>>
        %dma_wait3A_75 = arith.constant 0 : i32
        %dma_wait3A_76 = tpu.memref_slice %arg3[%mul3A_57, %dma_wait3A_75] : memref<335872x128xf32, #tpu.memory_space<hbm>> -> memref<128x128xf32, #tpu.memory_space<hbm>>
        tpu.wait_dma2 semaphore(%arg13 : memref<!tpu.dma_semaphore, #tpu.memory_space<semaphore_mem>>) src(%dma_wait3A_76 : memref<128x128xf32, #tpu.memory_space<hbm>>) dst(%arg11 : memref<128x128xf32, #tpu.memory_space<vmem>>)
        %add3A_77 = arith.constant 1 : i32
        %add3A_78 = arith.addi %add3A_44, %add3A_77 : i32
        %dma_start3A_79 = arith.constant 0 : i32
        %dma_start3A_80 = tpu.memref_slice %arg8[%add3A_78, %dma_start3A_79] : memref<82x128xi32, #tpu.memory_space<vmem>> -> memref<1x128xi32, #tpu.memory_space<vmem>>
        %dma_start3A_81 = tpu.memref_squeeze %dma_start3A_80 : memref<1x128xi32, #tpu.memory_space<vmem>> -> memref<128xi32, #tpu.memory_space<vmem>>
        %dma_start3A_82 = arith.constant 0 : i32
        %dma_start3A_83 = arith.constant 0 : i32
        %dma_start3A_84 = tpu.memref_slice %arg9[%dma_start3A_82, %dma_start3A_83] : memref<10240x128xf32, #tpu.memory_space<vmem_shared>> -> memref<10240x128xf32, #tpu.memory_space<vmem_shared>>
        tpu.enqueue_indirect_dma source(%arg11 : memref<128x128xf32, #tpu.memory_space<vmem>>) target(%dma_start3A_84 : memref<10240x128xf32, #tpu.memory_space<vmem_shared>>) offsets(%dma_start3A_81 : memref<128xi32, #tpu.memory_space<vmem>>) semaphore(%arg15 : memref<!tpu.dma_semaphore, #tpu.memory_space<semaphore_mem>>) {add = true}
        %dma_wait3A_85 = arith.constant 0 : i32
        %dma_wait3A_86 = tpu.memref_slice %arg8[%add3A_66, %dma_wait3A_85] : memref<82x128xi32, #tpu.memory_space<vmem>> -> memref<1x128xi32, #tpu.memory_space<vmem>>
        %dma_wait3A_87 = tpu.memref_squeeze %dma_wait3A_86 : memref<1x128xi32, #tpu.memory_space<vmem>> -> memref<128xi32, #tpu.memory_space<vmem>>
        %dma_wait3A_88 = arith.constant 0 : i32
        %dma_wait3A_89 = arith.constant 0 : i32
        %dma_wait3A_90 = tpu.memref_slice %arg9[%dma_wait3A_88, %dma_wait3A_89] : memref<10240x128xf32, #tpu.memory_space<vmem_shared>> -> memref<10240x128xf32, #tpu.memory_space<vmem_shared>>
        tpu.wait_indirect_dma semaphore(%arg14 : memref<!tpu.dma_semaphore, #tpu.memory_space<semaphore_mem>>) src(%arg10 : memref<128x128xf32, #tpu.memory_space<vmem>>) dst(%dma_wait3A_90 : memref<10240x128xf32, #tpu.memory_space<vmem_shared>>)
        %dma_wait3A_91 = arith.constant 0 : i32
        %dma_wait3A_92 = tpu.memref_slice %arg8[%add3A_78, %dma_wait3A_91] : memref<82x128xi32, #tpu.memory_space<vmem>> -> memref<1x128xi32, #tpu.memory_space<vmem>>
        %dma_wait3A_93 = tpu.memref_squeeze %dma_wait3A_92 : memref<1x128xi32, #tpu.memory_space<vmem>> -> memref<128xi32, #tpu.memory_space<vmem>>
        %dma_wait3A_94 = arith.constant 0 : i32
        %dma_wait3A_95 = arith.constant 0 : i32
        %dma_wait3A_96 = tpu.memref_slice %arg9[%dma_wait3A_94, %dma_wait3A_95] : memref<10240x128xf32, #tpu.memory_space<vmem_shared>> -> memref<10240x128xf32, #tpu.memory_space<vmem_shared>>
        tpu.wait_indirect_dma semaphore(%arg15 : memref<!tpu.dma_semaphore, #tpu.memory_space<semaphore_mem>>) src(%arg11 : memref<128x128xf32, #tpu.memory_space<vmem>>) dst(%dma_wait3A_96 : memref<10240x128xf32, #tpu.memory_space<vmem_shared>>)
      }
      %scan3A_27 = arith.constant 41 : i32
      %run_scoped3A_28 = arith.constant 1 : i32
      "tpu.region"() ({
        %run_scoped3A_40 = tpu.sem_alloc : memref<!tpu.dma_semaphore, #tpu.memory_space<semaphore_mem>>
        %dma_start3A = arith.constant 0 : i32
        %dma_start3A_41 = arith.constant 0 : i32
        %dma_start3A_42 = tpu.memref_slice %arg4[%arg1, %run_scoped3A_28, %dma_start3A, %dma_start3A_41] : memref<16x2x82x128xi32, #tpu.memory_space<hbm>> -> memref<1x1x82x128xi32, #tpu.memory_space<hbm>>
        %dma_start3A_43 = tpu.memref_squeeze %dma_start3A_42 : memref<1x1x82x128xi32, #tpu.memory_space<hbm>> -> memref<82x128xi32, #tpu.memory_space<hbm>>
        %dma_start3A_44 = arith.constant 0 : i32
        %dma_start3A_45 = arith.constant 0 : i32
        %dma_start3A_46 = tpu.memref_slice %arg4[%arg1, %run_scoped3A_28, %dma_start3A_44, %dma_start3A_45] : memref<16x2x82x128xi32, #tpu.memory_space<hbm>> -> memref<1x1x82x128xi32, #tpu.memory_space<hbm>>
        %dma_start3A_47 = tpu.memref_squeeze %dma_start3A_46 : memref<1x1x82x128xi32, #tpu.memory_space<hbm>> -> memref<82x128xi32, #tpu.memory_space<hbm>>
        tpu.enqueue_dma source(%dma_start3A_47 : memref<82x128xi32, #tpu.memory_space<hbm>>) target(%arg8 : memref<82x128xi32, #tpu.memory_space<vmem>>) target_semaphore(%run_scoped3A_40 : memref<!tpu.dma_semaphore, #tpu.memory_space<semaphore_mem>>)
        %dma_wait3A = arith.constant 0 : i32
        %dma_wait3A_48 = arith.constant 0 : i32
        %dma_wait3A_49 = tpu.memref_slice %arg4[%arg1, %run_scoped3A_28, %dma_wait3A, %dma_wait3A_48] : memref<16x2x82x128xi32, #tpu.memory_space<hbm>> -> memref<1x1x82x128xi32, #tpu.memory_space<hbm>>
        %dma_wait3A_50 = tpu.memref_squeeze %dma_wait3A_49 : memref<1x1x82x128xi32, #tpu.memory_space<hbm>> -> memref<82x128xi32, #tpu.memory_space<hbm>>
        %dma_wait3A_51 = arith.constant 0 : i32
        %dma_wait3A_52 = arith.constant 0 : i32
        %dma_wait3A_53 = tpu.memref_slice %arg4[%arg1, %run_scoped3A_28, %dma_wait3A_51, %dma_wait3A_52] : memref<16x2x82x128xi32, #tpu.memory_space<hbm>> -> memref<1x1x82x128xi32, #tpu.memory_space<hbm>>
        %dma_wait3A_54 = tpu.memref_squeeze %dma_wait3A_53 : memref<1x1x82x128xi32, #tpu.memory_space<hbm>> -> memref<82x128xi32, #tpu.memory_space<hbm>>
        tpu.wait_dma2 semaphore(%run_scoped3A_40 : memref<!tpu.dma_semaphore, #tpu.memory_space<semaphore_mem>>) src(%dma_wait3A_54 : memref<82x128xi32, #tpu.memory_space<hbm>>) dst(%arg8 : memref<82x128xi32, #tpu.memory_space<vmem>>)
        tpu.yield
      }) : () -> ()
      %mul3A_29 = arith.constant 2 : i32
      %mul3A_30 = arith.muli %arg1, %mul3A_29 : i32
      %add3A_31 = arith.constant 1 : i32
      %add3A_32 = arith.addi %mul3A_30, %add3A_31 : i32
      %mul3A_33 = arith.constant 82 : i32
      %mul3A_34 = arith.muli %add3A_32, %mul3A_33 : i32
      %scan3A_35 = arith.constant 0 : i32
      %scan3A_36 = arith.constant 41 : i32
      %scan3A_37 = arith.addi %scan3A_35, %scan3A_36 : i32
      %scan3A_38 = arith.constant 1 : i32
      scf.for %scan3A_40 = %scan3A_35 to %scan3A_37 step %scan3A_38  : i32 {
        %mul3A_41 = arith.constant 2 : i32
        %mul3A_42 = arith.muli %scan3A_40, %mul3A_41 : i32
        %add3A_43 = arith.constant 0 : i32
        %add3A_44 = arith.addi %add3A_43, %mul3A_42 : i32
        %add3A_45 = arith.addi %mul3A_34, %add3A_44 : i32
        %add3A_46 = arith.constant 0 : i32
        %add3A_47 = arith.addi %add3A_45, %add3A_46 : i32
        %mul3A_48 = arith.constant 128 : i32
        %mul3A_49 = arith.muli %add3A_47, %mul3A_48 : i32
        %dma_start3A = arith.constant 0 : i32
        %dma_start3A_50 = tpu.memref_slice %arg3[%mul3A_49, %dma_start3A] : memref<335872x128xf32, #tpu.memory_space<hbm>> -> memref<128x128xf32, #tpu.memory_space<hbm>>
        %dma_start3A_51 = arith.constant 0 : i32
        %dma_start3A_52 = tpu.memref_slice %arg3[%mul3A_49, %dma_start3A_51] : memref<335872x128xf32, #tpu.memory_space<hbm>> -> memref<128x128xf32, #tpu.memory_space<hbm>>
        tpu.enqueue_dma source(%dma_start3A_52 : memref<128x128xf32, #tpu.memory_space<hbm>>) target(%arg10 : memref<128x128xf32, #tpu.memory_space<vmem>>) target_semaphore(%arg12 : memref<!tpu.dma_semaphore, #tpu.memory_space<semaphore_mem>>)
        %add3A_53 = arith.addi %mul3A_34, %add3A_44 : i32
        %add3A_54 = arith.constant 1 : i32
        %add3A_55 = arith.addi %add3A_53, %add3A_54 : i32
        %mul3A_56 = arith.constant 128 : i32
        %mul3A_57 = arith.muli %add3A_55, %mul3A_56 : i32
        %dma_start3A_58 = arith.constant 0 : i32
        %dma_start3A_59 = tpu.memref_slice %arg3[%mul3A_57, %dma_start3A_58] : memref<335872x128xf32, #tpu.memory_space<hbm>> -> memref<128x128xf32, #tpu.memory_space<hbm>>
        %dma_start3A_60 = arith.constant 0 : i32
        %dma_start3A_61 = tpu.memref_slice %arg3[%mul3A_57, %dma_start3A_60] : memref<335872x128xf32, #tpu.memory_space<hbm>> -> memref<128x128xf32, #tpu.memory_space<hbm>>
        tpu.enqueue_dma source(%dma_start3A_61 : memref<128x128xf32, #tpu.memory_space<hbm>>) target(%arg11 : memref<128x128xf32, #tpu.memory_space<vmem>>) target_semaphore(%arg13 : memref<!tpu.dma_semaphore, #tpu.memory_space<semaphore_mem>>)
        %dma_wait3A = arith.constant 0 : i32
        %dma_wait3A_62 = tpu.memref_slice %arg3[%mul3A_49, %dma_wait3A] : memref<335872x128xf32, #tpu.memory_space<hbm>> -> memref<128x128xf32, #tpu.memory_space<hbm>>
        %dma_wait3A_63 = arith.constant 0 : i32
        %dma_wait3A_64 = tpu.memref_slice %arg3[%mul3A_49, %dma_wait3A_63] : memref<335872x128xf32, #tpu.memory_space<hbm>> -> memref<128x128xf32, #tpu.memory_space<hbm>>
        tpu.wait_dma2 semaphore(%arg12 : memref<!tpu.dma_semaphore, #tpu.memory_space<semaphore_mem>>) src(%dma_wait3A_64 : memref<128x128xf32, #tpu.memory_space<hbm>>) dst(%arg10 : memref<128x128xf32, #tpu.memory_space<vmem>>)
        %add3A_65 = arith.constant 0 : i32
        %add3A_66 = arith.addi %add3A_44, %add3A_65 : i32
        %dma_start3A_67 = arith.constant 0 : i32
        %dma_start3A_68 = tpu.memref_slice %arg8[%add3A_66, %dma_start3A_67] : memref<82x128xi32, #tpu.memory_space<vmem>> -> memref<1x128xi32, #tpu.memory_space<vmem>>
        %dma_start3A_69 = tpu.memref_squeeze %dma_start3A_68 : memref<1x128xi32, #tpu.memory_space<vmem>> -> memref<128xi32, #tpu.memory_space<vmem>>
        %dma_start3A_70 = arith.constant 0 : i32
        %dma_start3A_71 = arith.constant 0 : i32
        %dma_start3A_72 = tpu.memref_slice %arg9[%dma_start3A_70, %dma_start3A_71] : memref<10240x128xf32, #tpu.memory_space<vmem_shared>> -> memref<10240x128xf32, #tpu.memory_space<vmem_shared>>
        tpu.enqueue_indirect_dma source(%arg10 : memref<128x128xf32, #tpu.memory_space<vmem>>) target(%dma_start3A_72 : memref<10240x128xf32, #tpu.memory_space<vmem_shared>>) offsets(%dma_start3A_69 : memref<128xi32, #tpu.memory_space<vmem>>) semaphore(%arg14 : memref<!tpu.dma_semaphore, #tpu.memory_space<semaphore_mem>>) {add = true}
        %dma_wait3A_73 = arith.constant 0 : i32
        %dma_wait3A_74 = tpu.memref_slice %arg3[%mul3A_57, %dma_wait3A_73] : memref<335872x128xf32, #tpu.memory_space<hbm>> -> memref<128x128xf32, #tpu.memory_space<hbm>>
        %dma_wait3A_75 = arith.constant 0 : i32
        %dma_wait3A_76 = tpu.memref_slice %arg3[%mul3A_57, %dma_wait3A_75] : memref<335872x128xf32, #tpu.memory_space<hbm>> -> memref<128x128xf32, #tpu.memory_space<hbm>>
        tpu.wait_dma2 semaphore(%arg13 : memref<!tpu.dma_semaphore, #tpu.memory_space<semaphore_mem>>) src(%dma_wait3A_76 : memref<128x128xf32, #tpu.memory_space<hbm>>) dst(%arg11 : memref<128x128xf32, #tpu.memory_space<vmem>>)
        %add3A_77 = arith.constant 1 : i32
        %add3A_78 = arith.addi %add3A_44, %add3A_77 : i32
        %dma_start3A_79 = arith.constant 0 : i32
        %dma_start3A_80 = tpu.memref_slice %arg8[%add3A_78, %dma_start3A_79] : memref<82x128xi32, #tpu.memory_space<vmem>> -> memref<1x128xi32, #tpu.memory_space<vmem>>
        %dma_start3A_81 = tpu.memref_squeeze %dma_start3A_80 : memref<1x128xi32, #tpu.memory_space<vmem>> -> memref<128xi32, #tpu.memory_space<vmem>>
        %dma_start3A_82 = arith.constant 0 : i32
        %dma_start3A_83 = arith.constant 0 : i32
        %dma_start3A_84 = tpu.memref_slice %arg9[%dma_start3A_82, %dma_start3A_83] : memref<10240x128xf32, #tpu.memory_space<vmem_shared>> -> memref<10240x128xf32, #tpu.memory_space<vmem_shared>>
        tpu.enqueue_indirect_dma source(%arg11 : memref<128x128xf32, #tpu.memory_space<vmem>>) target(%dma_start3A_84 : memref<10240x128xf32, #tpu.memory_space<vmem_shared>>) offsets(%dma_start3A_81 : memref<128xi32, #tpu.memory_space<vmem>>) semaphore(%arg15 : memref<!tpu.dma_semaphore, #tpu.memory_space<semaphore_mem>>) {add = true}
        %dma_wait3A_85 = arith.constant 0 : i32
        %dma_wait3A_86 = tpu.memref_slice %arg8[%add3A_66, %dma_wait3A_85] : memref<82x128xi32, #tpu.memory_space<vmem>> -> memref<1x128xi32, #tpu.memory_space<vmem>>
        %dma_wait3A_87 = tpu.memref_squeeze %dma_wait3A_86 : memref<1x128xi32, #tpu.memory_space<vmem>> -> memref<128xi32, #tpu.memory_space<vmem>>
        %dma_wait3A_88 = arith.constant 0 : i32
        %dma_wait3A_89 = arith.constant 0 : i32
        %dma_wait3A_90 = tpu.memref_slice %arg9[%dma_wait3A_88, %dma_wait3A_89] : memref<10240x128xf32, #tpu.memory_space<vmem_shared>> -> memref<10240x128xf32, #tpu.memory_space<vmem_shared>>
        tpu.wait_indirect_dma semaphore(%arg14 : memref<!tpu.dma_semaphore, #tpu.memory_space<semaphore_mem>>) src(%arg10 : memref<128x128xf32, #tpu.memory_space<vmem>>) dst(%dma_wait3A_90 : memref<10240x128xf32, #tpu.memory_space<vmem_shared>>)
        %dma_wait3A_91 = arith.constant 0 : i32
        %dma_wait3A_92 = tpu.memref_slice %arg8[%add3A_78, %dma_wait3A_91] : memref<82x128xi32, #tpu.memory_space<vmem>> -> memref<1x128xi32, #tpu.memory_space<vmem>>
        %dma_wait3A_93 = tpu.memref_squeeze %dma_wait3A_92 : memref<1x128xi32, #tpu.memory_space<vmem>> -> memref<128xi32, #tpu.memory_space<vmem>>
        %dma_wait3A_94 = arith.constant 0 : i32
        %dma_wait3A_95 = arith.constant 0 : i32
        %dma_wait3A_96 = tpu.memref_slice %arg9[%dma_wait3A_94, %dma_wait3A_95] : memref<10240x128xf32, #tpu.memory_space<vmem_shared>> -> memref<10240x128xf32, #tpu.memory_space<vmem_shared>>
        tpu.wait_indirect_dma semaphore(%arg15 : memref<!tpu.dma_semaphore, #tpu.memory_space<semaphore_mem>>) src(%arg11 : memref<128x128xf32, #tpu.memory_space<vmem>>) dst(%dma_wait3A_96 : memref<10240x128xf32, #tpu.memory_space<vmem_shared>>)
      }
      %scan3A_39 = arith.constant 41 : i32
    } else {
    }
    %barrier3A_8 = arith.constant 0 : index
    tpu.barrier barrier_id(%barrier3A_8)
    %eq3A_9 = arith.constant 0 : i32
    %eq3A_10 = arith.cmpi eq, %arg0, %eq3A_9 : i32
    %convert_element_type3A_11 = arith.extui %eq3A_10 : i1 to i32
    %cond3A_12 = arith.constant 0 : i32
    %cond3A_13 = arith.cmpi ne, %convert_element_type3A_11, %cond3A_12 : i32
    scf.if %cond3A_13 {
      "tpu.region"() ({
        %run_scoped3A = tpu.sem_alloc : memref<!tpu.dma_semaphore, #tpu.memory_space<semaphore_mem>>
        %dma_start3A = arith.constant 0 : i32
        %dma_start3A_19 = tpu.memref_slice %arg6[%mul3A_0, %dma_start3A] : memref<10240x128xf32, #tpu.memory_space<hbm>> -> memref<640x128xf32, #tpu.memory_space<hbm>>
        %dma_start3A_20 = arith.constant 0 : i32
        %dma_start3A_21 = tpu.memref_slice %arg9[%mul3A_0, %dma_start3A_20] : memref<10240x128xf32, #tpu.memory_space<vmem_shared>> -> memref<640x128xf32, #tpu.memory_space<vmem_shared>>
        tpu.enqueue_dma source(%dma_start3A_21 : memref<640x128xf32, #tpu.memory_space<vmem_shared>>) target(%dma_start3A_19 : memref<640x128xf32, #tpu.memory_space<hbm>>) target_semaphore(%run_scoped3A : memref<!tpu.dma_semaphore, #tpu.memory_space<semaphore_mem>>)
        %dma_wait3A = arith.constant 0 : i32
        %dma_wait3A_22 = tpu.memref_slice %arg6[%mul3A_0, %dma_wait3A] : memref<10240x128xf32, #tpu.memory_space<hbm>> -> memref<640x128xf32, #tpu.memory_space<hbm>>
        %dma_wait3A_23 = arith.constant 0 : i32
        %dma_wait3A_24 = tpu.memref_slice %arg9[%mul3A_0, %dma_wait3A_23] : memref<10240x128xf32, #tpu.memory_space<vmem_shared>> -> memref<640x128xf32, #tpu.memory_space<vmem_shared>>
        tpu.wait_dma2 semaphore(%run_scoped3A : memref<!tpu.dma_semaphore, #tpu.memory_space<semaphore_mem>>) src(%dma_wait3A_24 : memref<640x128xf32, #tpu.memory_space<vmem_shared>>) dst(%dma_wait3A_22 : memref<640x128xf32, #tpu.memory_space<hbm>>)
        tpu.yield
      }) : () -> ()
    } else {
    }
    %eq3A_14 = arith.constant 1 : i32
    %eq3A_15 = arith.cmpi eq, %arg0, %eq3A_14 : i32
    %convert_element_type3A_16 = arith.extui %eq3A_15 : i1 to i32
    %cond3A_17 = arith.constant 0 : i32
    %cond3A_18 = arith.cmpi ne, %convert_element_type3A_16, %cond3A_17 : i32
    scf.if %cond3A_18 {
      "tpu.region"() ({
        %run_scoped3A = tpu.sem_alloc : memref<!tpu.dma_semaphore, #tpu.memory_space<semaphore_mem>>
        %dma_start3A = arith.constant 0 : i32
        %dma_start3A_19 = tpu.memref_slice %arg7[%mul3A_0, %dma_start3A] : memref<10240x128xf32, #tpu.memory_space<hbm>> -> memref<640x128xf32, #tpu.memory_space<hbm>>
        %dma_start3A_20 = arith.constant 0 : i32
        %dma_start3A_21 = tpu.memref_slice %arg9[%mul3A_0, %dma_start3A_20] : memref<10240x128xf32, #tpu.memory_space<vmem_shared>> -> memref<640x128xf32, #tpu.memory_space<vmem_shared>>
        tpu.enqueue_dma source(%dma_start3A_21 : memref<640x128xf32, #tpu.memory_space<vmem_shared>>) target(%dma_start3A_19 : memref<640x128xf32, #tpu.memory_space<hbm>>) target_semaphore(%run_scoped3A : memref<!tpu.dma_semaphore, #tpu.memory_space<semaphore_mem>>)
        %dma_wait3A = arith.constant 0 : i32
        %dma_wait3A_22 = tpu.memref_slice %arg7[%mul3A_0, %dma_wait3A] : memref<10240x128xf32, #tpu.memory_space<hbm>> -> memref<640x128xf32, #tpu.memory_space<hbm>>
        %dma_wait3A_23 = arith.constant 0 : i32
        %dma_wait3A_24 = tpu.memref_slice %arg9[%mul3A_0, %dma_wait3A_23] : memref<10240x128xf32, #tpu.memory_space<vmem_shared>> -> memref<640x128xf32, #tpu.memory_space<vmem_shared>>
        tpu.wait_dma2 semaphore(%run_scoped3A : memref<!tpu.dma_semaphore, #tpu.memory_space<semaphore_mem>>) src(%dma_wait3A_24 : memref<640x128xf32, #tpu.memory_space<vmem_shared>>) dst(%dma_wait3A_22 : memref<640x128xf32, #tpu.memory_space<hbm>>)
        tpu.yield
      }) : () -> ()
    } else {
    }
    return
  }
}

#map = affine_map<(d0, d1) -> (0, 0)>
#map1 = affine_map<(d0, d1) -> (0, 0, 0)>
module attributes {stable_mosaic.version = 14 : i64} {
  func.func @k(%arg0: i32, %arg1: i32, %arg2: memref<10000x128xf32, #tpu.memory_space<hbm>>, %arg3: memref<8x16xf32, #tpu.memory_space<hbm>>, %arg4: memref<32x82x128xi32, #tpu.memory_space<hbm>>, %arg5: memref<32x82x128xi32, #tpu.memory_space<hbm>>, %arg6: memref<335872x128xf32, #tpu.memory_space<hbm>>, %arg7: memref<82x128xi32, #tpu.memory_space<vmem>>, %arg8: memref<82x128xi32, #tpu.memory_space<vmem>>, %arg9: memref<128x128xf32, #tpu.memory_space<vmem>>, %arg10: memref<128x128xf32, #tpu.memory_space<vmem>>, %arg11: memref<128x128xf32, #tpu.memory_space<vmem>>, %arg12: memref<128x128xf32, #tpu.memory_space<vmem>>, %arg13: memref<128x128xf32, #tpu.memory_space<vmem>>, %arg14: memref<128x128xf32, #tpu.memory_space<vmem>>, %arg15: memref<8x16xf32, #tpu.memory_space<vmem>>, %arg16: memref<!tpu.dma_semaphore, #tpu.memory_space<semaphore_mem>>, %arg17: memref<!tpu.dma_semaphore, #tpu.memory_space<semaphore_mem>>, %arg18: memref<!tpu.dma_semaphore, #tpu.memory_space<semaphore_mem>>, %arg19: memref<!tpu.dma_semaphore, #tpu.memory_space<semaphore_mem>>, %arg20: memref<!tpu.dma_semaphore, #tpu.memory_space<semaphore_mem>>, %arg21: memref<!tpu.dma_semaphore, #tpu.memory_space<semaphore_mem>>) attributes {dimension_semantics = [#tpu.dimension_semantics<core_parallel>, #tpu.dimension_semantics<subcore_parallel>], iteration_bounds = array<i64: 2, 16>, scalar_prefetch = 0 : i64, scratch_operands = 15 : i64, tpu.core_type = #tpu.core_type<sc_vector_subcore>, window_params = [{transform_indices = #map}, {transform_indices = #map}, {transform_indices = #map1}, {transform_indices = #map1}, {transform_indices = #map}]} {
    %mul3A = arith.constant 2 : i32
    %mul3A_0 = arith.muli %arg1, %mul3A : i32
    %add3A = arith.addi %mul3A_0, %arg0 : i32
    %mul3A_1 = arith.constant 82 : i32
    %mul3A_2 = arith.muli %add3A, %mul3A_1 : i32
    "tpu.region"() ({
      %run_scoped3A = tpu.sem_alloc : memref<!tpu.dma_semaphore, #tpu.memory_space<semaphore_mem>>
      %dma_start3A = arith.constant 0 : i32
      %dma_start3A_10 = arith.constant 0 : i32
      %dma_start3A_11 = tpu.memref_slice %arg4[%add3A, %dma_start3A, %dma_start3A_10] : memref<32x82x128xi32, #tpu.memory_space<hbm>> -> memref<1x82x128xi32, #tpu.memory_space<hbm>>
      %dma_start3A_12 = tpu.memref_squeeze %dma_start3A_11 : memref<1x82x128xi32, #tpu.memory_space<hbm>> -> memref<82x128xi32, #tpu.memory_space<hbm>>
      %dma_start3A_13 = arith.constant 0 : i32
      %dma_start3A_14 = arith.constant 0 : i32
      %dma_start3A_15 = tpu.memref_slice %arg4[%add3A, %dma_start3A_13, %dma_start3A_14] : memref<32x82x128xi32, #tpu.memory_space<hbm>> -> memref<1x82x128xi32, #tpu.memory_space<hbm>>
      %dma_start3A_16 = tpu.memref_squeeze %dma_start3A_15 : memref<1x82x128xi32, #tpu.memory_space<hbm>> -> memref<82x128xi32, #tpu.memory_space<hbm>>
      tpu.enqueue_dma source(%dma_start3A_16 : memref<82x128xi32, #tpu.memory_space<hbm>>) target(%arg7 : memref<82x128xi32, #tpu.memory_space<vmem>>) target_semaphore(%run_scoped3A : memref<!tpu.dma_semaphore, #tpu.memory_space<semaphore_mem>>)
      %dma_wait3A = arith.constant 0 : i32
      %dma_wait3A_17 = arith.constant 0 : i32
      %dma_wait3A_18 = tpu.memref_slice %arg4[%add3A, %dma_wait3A, %dma_wait3A_17] : memref<32x82x128xi32, #tpu.memory_space<hbm>> -> memref<1x82x128xi32, #tpu.memory_space<hbm>>
      %dma_wait3A_19 = tpu.memref_squeeze %dma_wait3A_18 : memref<1x82x128xi32, #tpu.memory_space<hbm>> -> memref<82x128xi32, #tpu.memory_space<hbm>>
      %dma_wait3A_20 = arith.constant 0 : i32
      %dma_wait3A_21 = arith.constant 0 : i32
      %dma_wait3A_22 = tpu.memref_slice %arg4[%add3A, %dma_wait3A_20, %dma_wait3A_21] : memref<32x82x128xi32, #tpu.memory_space<hbm>> -> memref<1x82x128xi32, #tpu.memory_space<hbm>>
      %dma_wait3A_23 = tpu.memref_squeeze %dma_wait3A_22 : memref<1x82x128xi32, #tpu.memory_space<hbm>> -> memref<82x128xi32, #tpu.memory_space<hbm>>
      tpu.wait_dma2 semaphore(%run_scoped3A : memref<!tpu.dma_semaphore, #tpu.memory_space<semaphore_mem>>) src(%dma_wait3A_23 : memref<82x128xi32, #tpu.memory_space<hbm>>) dst(%arg7 : memref<82x128xi32, #tpu.memory_space<vmem>>)
      tpu.yield
    }) : () -> ()
    "tpu.region"() ({
      %run_scoped3A = tpu.sem_alloc : memref<!tpu.dma_semaphore, #tpu.memory_space<semaphore_mem>>
      %dma_start3A = arith.constant 0 : i32
      %dma_start3A_10 = arith.constant 0 : i32
      %dma_start3A_11 = tpu.memref_slice %arg5[%add3A, %dma_start3A, %dma_start3A_10] : memref<32x82x128xi32, #tpu.memory_space<hbm>> -> memref<1x82x128xi32, #tpu.memory_space<hbm>>
      %dma_start3A_12 = tpu.memref_squeeze %dma_start3A_11 : memref<1x82x128xi32, #tpu.memory_space<hbm>> -> memref<82x128xi32, #tpu.memory_space<hbm>>
      %dma_start3A_13 = arith.constant 0 : i32
      %dma_start3A_14 = arith.constant 0 : i32
      %dma_start3A_15 = tpu.memref_slice %arg5[%add3A, %dma_start3A_13, %dma_start3A_14] : memref<32x82x128xi32, #tpu.memory_space<hbm>> -> memref<1x82x128xi32, #tpu.memory_space<hbm>>
      %dma_start3A_16 = tpu.memref_squeeze %dma_start3A_15 : memref<1x82x128xi32, #tpu.memory_space<hbm>> -> memref<82x128xi32, #tpu.memory_space<hbm>>
      tpu.enqueue_dma source(%dma_start3A_16 : memref<82x128xi32, #tpu.memory_space<hbm>>) target(%arg8 : memref<82x128xi32, #tpu.memory_space<vmem>>) target_semaphore(%run_scoped3A : memref<!tpu.dma_semaphore, #tpu.memory_space<semaphore_mem>>)
      %dma_wait3A = arith.constant 0 : i32
      %dma_wait3A_17 = arith.constant 0 : i32
      %dma_wait3A_18 = tpu.memref_slice %arg5[%add3A, %dma_wait3A, %dma_wait3A_17] : memref<32x82x128xi32, #tpu.memory_space<hbm>> -> memref<1x82x128xi32, #tpu.memory_space<hbm>>
      %dma_wait3A_19 = tpu.memref_squeeze %dma_wait3A_18 : memref<1x82x128xi32, #tpu.memory_space<hbm>> -> memref<82x128xi32, #tpu.memory_space<hbm>>
      %dma_wait3A_20 = arith.constant 0 : i32
      %dma_wait3A_21 = arith.constant 0 : i32
      %dma_wait3A_22 = tpu.memref_slice %arg5[%add3A, %dma_wait3A_20, %dma_wait3A_21] : memref<32x82x128xi32, #tpu.memory_space<hbm>> -> memref<1x82x128xi32, #tpu.memory_space<hbm>>
      %dma_wait3A_23 = tpu.memref_squeeze %dma_wait3A_22 : memref<1x82x128xi32, #tpu.memory_space<hbm>> -> memref<82x128xi32, #tpu.memory_space<hbm>>
      tpu.wait_dma2 semaphore(%run_scoped3A : memref<!tpu.dma_semaphore, #tpu.memory_space<semaphore_mem>>) src(%dma_wait3A_23 : memref<82x128xi32, #tpu.memory_space<hbm>>) dst(%arg8 : memref<82x128xi32, #tpu.memory_space<vmem>>)
      tpu.yield
    }) : () -> ()
    "tpu.region"() ({
      %run_scoped3A = tpu.sem_alloc : memref<!tpu.dma_semaphore, #tpu.memory_space<semaphore_mem>>
      tpu.enqueue_dma source(%arg3 : memref<8x16xf32, #tpu.memory_space<hbm>>) target(%arg15 : memref<8x16xf32, #tpu.memory_space<vmem>>) target_semaphore(%run_scoped3A : memref<!tpu.dma_semaphore, #tpu.memory_space<semaphore_mem>>)
      tpu.wait_dma2 semaphore(%run_scoped3A : memref<!tpu.dma_semaphore, #tpu.memory_space<semaphore_mem>>) src(%arg3 : memref<8x16xf32, #tpu.memory_space<hbm>>) dst(%arg15 : memref<8x16xf32, #tpu.memory_space<vmem>>)
      tpu.yield
    }) : () -> ()
    %get3A = arith.constant 0 : i32
    %get3A_3 = arith.index_cast %get3A : i32 to index
    %get3A_4 = arith.constant 0 : index
    %get3A_5 = tpu.vector_load %arg15[%get3A_3, %get3A_4] {strides = array<i32>} : memref<8x16xf32, #tpu.memory_space<vmem>>, vector<16xf32>,
    %scan3A = arith.constant 0 : i32
    %scan3A_6 = arith.constant 41 : i32
    %scan3A_7 = arith.addi %scan3A, %scan3A_6 : i32
    %scan3A_8 = arith.constant 1 : i32
    scf.for %scan3A_10 = %scan3A to %scan3A_7 step %scan3A_8  : i32 {
      %mul3A_11 = arith.constant 2 : i32
      %mul3A_12 = arith.muli %scan3A_10, %mul3A_11 : i32
      %add3A_13 = arith.constant 0 : i32
      %add3A_14 = arith.addi %add3A_13, %mul3A_12 : i32
      %add3A_15 = arith.constant 0 : i32
      %add3A_16 = arith.addi %add3A_14, %add3A_15 : i32
      %dma_start3A = arith.constant 0 : i32
      %dma_start3A_17 = tpu.memref_slice %arg7[%add3A_16, %dma_start3A] : memref<82x128xi32, #tpu.memory_space<vmem>> -> memref<1x128xi32, #tpu.memory_space<vmem>>
      %dma_start3A_18 = tpu.memref_squeeze %dma_start3A_17 : memref<1x128xi32, #tpu.memory_space<vmem>> -> memref<128xi32, #tpu.memory_space<vmem>>
      %dma_start3A_19 = arith.constant 0 : i32
      %dma_start3A_20 = arith.constant 0 : i32
      %dma_start3A_21 = tpu.memref_slice %arg2[%dma_start3A_19, %dma_start3A_20] : memref<10000x128xf32, #tpu.memory_space<hbm>> -> memref<10000x128xf32, #tpu.memory_space<hbm>>
      tpu.enqueue_indirect_dma source(%dma_start3A_21 : memref<10000x128xf32, #tpu.memory_space<hbm>>) target(%arg9 : memref<128x128xf32, #tpu.memory_space<vmem>>) offsets(%dma_start3A_18 : memref<128xi32, #tpu.memory_space<vmem>>) semaphore(%arg16 : memref<!tpu.dma_semaphore, #tpu.memory_space<semaphore_mem>>)
      %add3A_22 = arith.constant 0 : i32
      %add3A_23 = arith.addi %add3A_14, %add3A_22 : i32
      %dma_start3A_24 = arith.constant 0 : i32
      %dma_start3A_25 = tpu.memref_slice %arg8[%add3A_23, %dma_start3A_24] : memref<82x128xi32, #tpu.memory_space<vmem>> -> memref<1x128xi32, #tpu.memory_space<vmem>>
      %dma_start3A_26 = tpu.memref_squeeze %dma_start3A_25 : memref<1x128xi32, #tpu.memory_space<vmem>> -> memref<128xi32, #tpu.memory_space<vmem>>
      %dma_start3A_27 = arith.constant 0 : i32
      %dma_start3A_28 = arith.constant 0 : i32
      %dma_start3A_29 = tpu.memref_slice %arg2[%dma_start3A_27, %dma_start3A_28] : memref<10000x128xf32, #tpu.memory_space<hbm>> -> memref<10000x128xf32, #tpu.memory_space<hbm>>
      tpu.enqueue_indirect_dma source(%dma_start3A_29 : memref<10000x128xf32, #tpu.memory_space<hbm>>) target(%arg11 : memref<128x128xf32, #tpu.memory_space<vmem>>) offsets(%dma_start3A_26 : memref<128xi32, #tpu.memory_space<vmem>>) semaphore(%arg18 : memref<!tpu.dma_semaphore, #tpu.memory_space<semaphore_mem>>)
      %add3A_30 = arith.constant 1 : i32
      %add3A_31 = arith.addi %add3A_14, %add3A_30 : i32
      %dma_start3A_32 = arith.constant 0 : i32
      %dma_start3A_33 = tpu.memref_slice %arg7[%add3A_31, %dma_start3A_32] : memref<82x128xi32, #tpu.memory_space<vmem>> -> memref<1x128xi32, #tpu.memory_space<vmem>>
      %dma_start3A_34 = tpu.memref_squeeze %dma_start3A_33 : memref<1x128xi32, #tpu.memory_space<vmem>> -> memref<128xi32, #tpu.memory_space<vmem>>
      %dma_start3A_35 = arith.constant 0 : i32
      %dma_start3A_36 = arith.constant 0 : i32
      %dma_start3A_37 = tpu.memref_slice %arg2[%dma_start3A_35, %dma_start3A_36] : memref<10000x128xf32, #tpu.memory_space<hbm>> -> memref<10000x128xf32, #tpu.memory_space<hbm>>
      tpu.enqueue_indirect_dma source(%dma_start3A_37 : memref<10000x128xf32, #tpu.memory_space<hbm>>) target(%arg10 : memref<128x128xf32, #tpu.memory_space<vmem>>) offsets(%dma_start3A_34 : memref<128xi32, #tpu.memory_space<vmem>>) semaphore(%arg17 : memref<!tpu.dma_semaphore, #tpu.memory_space<semaphore_mem>>)
      %add3A_38 = arith.constant 1 : i32
      %add3A_39 = arith.addi %add3A_14, %add3A_38 : i32
      %dma_start3A_40 = arith.constant 0 : i32
      %dma_start3A_41 = tpu.memref_slice %arg8[%add3A_39, %dma_start3A_40] : memref<82x128xi32, #tpu.memory_space<vmem>> -> memref<1x128xi32, #tpu.memory_space<vmem>>
      %dma_start3A_42 = tpu.memref_squeeze %dma_start3A_41 : memref<1x128xi32, #tpu.memory_space<vmem>> -> memref<128xi32, #tpu.memory_space<vmem>>
      %dma_start3A_43 = arith.constant 0 : i32
      %dma_start3A_44 = arith.constant 0 : i32
      %dma_start3A_45 = tpu.memref_slice %arg2[%dma_start3A_43, %dma_start3A_44] : memref<10000x128xf32, #tpu.memory_space<hbm>> -> memref<10000x128xf32, #tpu.memory_space<hbm>>
      tpu.enqueue_indirect_dma source(%dma_start3A_45 : memref<10000x128xf32, #tpu.memory_space<hbm>>) target(%arg12 : memref<128x128xf32, #tpu.memory_space<vmem>>) offsets(%dma_start3A_42 : memref<128xi32, #tpu.memory_space<vmem>>) semaphore(%arg19 : memref<!tpu.dma_semaphore, #tpu.memory_space<semaphore_mem>>)
      %dma_wait3A = arith.constant 0 : i32
      %dma_wait3A_46 = tpu.memref_slice %arg7[%add3A_16, %dma_wait3A] : memref<82x128xi32, #tpu.memory_space<vmem>> -> memref<1x128xi32, #tpu.memory_space<vmem>>
      %dma_wait3A_47 = tpu.memref_squeeze %dma_wait3A_46 : memref<1x128xi32, #tpu.memory_space<vmem>> -> memref<128xi32, #tpu.memory_space<vmem>>
      %dma_wait3A_48 = arith.constant 0 : i32
      %dma_wait3A_49 = arith.constant 0 : i32
      %dma_wait3A_50 = tpu.memref_slice %arg2[%dma_wait3A_48, %dma_wait3A_49] : memref<10000x128xf32, #tpu.memory_space<hbm>> -> memref<10000x128xf32, #tpu.memory_space<hbm>>
      tpu.wait_indirect_dma semaphore(%arg16 : memref<!tpu.dma_semaphore, #tpu.memory_space<semaphore_mem>>) src(%dma_wait3A_50 : memref<10000x128xf32, #tpu.memory_space<hbm>>) dst(%arg9 : memref<128x128xf32, #tpu.memory_space<vmem>>)
      %dma_wait3A_51 = arith.constant 0 : i32
      %dma_wait3A_52 = tpu.memref_slice %arg8[%add3A_23, %dma_wait3A_51] : memref<82x128xi32, #tpu.memory_space<vmem>> -> memref<1x128xi32, #tpu.memory_space<vmem>>
      %dma_wait3A_53 = tpu.memref_squeeze %dma_wait3A_52 : memref<1x128xi32, #tpu.memory_space<vmem>> -> memref<128xi32, #tpu.memory_space<vmem>>
      %dma_wait3A_54 = arith.constant 0 : i32
      %dma_wait3A_55 = arith.constant 0 : i32
      %dma_wait3A_56 = tpu.memref_slice %arg2[%dma_wait3A_54, %dma_wait3A_55] : memref<10000x128xf32, #tpu.memory_space<hbm>> -> memref<10000x128xf32, #tpu.memory_space<hbm>>
      tpu.wait_indirect_dma semaphore(%arg18 : memref<!tpu.dma_semaphore, #tpu.memory_space<semaphore_mem>>) src(%dma_wait3A_56 : memref<10000x128xf32, #tpu.memory_space<hbm>>) dst(%arg11 : memref<128x128xf32, #tpu.memory_space<vmem>>)
      %scan3A_57 = arith.constant 0 : i32
      %scan3A_58 = arith.constant 128 : i32
      %scan3A_59 = arith.addi %scan3A_57, %scan3A_58 : i32
      %scan3A_60 = arith.constant 1 : i32
      scf.for %scan3A_105 = %scan3A_57 to %scan3A_59 step %scan3A_60  : i32 {
        %mul3A_106 = arith.constant 1 : i32
        %mul3A_107 = arith.muli %scan3A_105, %mul3A_106 : i32
        %add3A_108 = arith.constant 0 : i32
        %add3A_109 = arith.addi %add3A_108, %mul3A_107 : i32
        %broadcast_in_dim3A = arith.constant 0.000000e+00 : f32
        %broadcast_in_dim3A_110 = vector.broadcast %broadcast_in_dim3A : f32 to vector<16xf32>
        %get3A_111 = arith.index_cast %add3A_109 : i32 to index
        %get3A_112 = arith.constant 0 : index
        %get3A_113 = tpu.vector_load %arg9[%get3A_111, %get3A_112] {strides = array<i32>} : memref<128x128xf32, #tpu.memory_space<vmem>>, vector<16xf32>,
        %get3A_114 = arith.index_cast %add3A_109 : i32 to index
        %get3A_115 = arith.constant 16 : index
        %get3A_116 = tpu.vector_load %arg11[%get3A_114, %get3A_115] {strides = array<i32>} : memref<128x128xf32, #tpu.memory_space<vmem>>, vector<16xf32>,
        %add3A_117 = arith.addf %get3A_113, %get3A_116 : vector<16xf32>
        %gt3A = arith.constant 0.000000e+00 : f32
        %gt3A_118 = vector.broadcast %gt3A : f32 to vector<16xf32>
        %gt3A_119 = arith.cmpf ogt, %add3A_117, %gt3A_118 : vector<16xf32>
        %mul3A_120 = arith.constant 2.000000e-01 : f32
        %mul3A_121 = vector.broadcast %mul3A_120 : f32 to vector<16xf32>
        %mul3A_122 = arith.mulf %mul3A_121, %add3A_117 : vector<16xf32>
        %select_n3A = arith.select %gt3A_119, %add3A_117, %mul3A_122 : vector<16xi1>, vector<16xf32>
        %mul3A_123 = arith.mulf %select_n3A, %get3A_5 : vector<16xf32>
        %add3A_124 = arith.addf %broadcast_in_dim3A_110, %mul3A_123 : vector<16xf32>
        %reduce_sum3A = arith.constant true
        %reduce_sum3A_125 = vector.broadcast %reduce_sum3A : i1 to vector<16xi1>
        %reduce_sum3A_126 = tpu.scan <sum>, %add3A_124 masked %reduce_sum3A_125 : vector<16xf32>, vector<16xi1> -> vector<16xf32>
        %reduce_sum3A_127 = vector.extract %reduce_sum3A_126[15] : f32 from vector<16xf32>
        %broadcast_in_dim3A_128 = vector.broadcast %reduce_sum3A_127 : f32 to vector<16xf32>
        %exp3A = math.exp %broadcast_in_dim3A_128 : vector<16xf32>
        %mul3A_129 = arith.mulf %get3A_113, %exp3A : vector<16xf32>
        %swap3A = arith.index_cast %add3A_109 : i32 to index
        %swap3A_130 = arith.constant 0 : index
        %swap3A_131 = tpu.vector_load %arg13[%swap3A, %swap3A_130] {strides = array<i32>} : memref<128x128xf32, #tpu.memory_space<vmem>>, vector<16xf32>,
        tpu.vector_store %arg13[%swap3A, %swap3A_130], %mul3A_129 {strides = array<i32>} : memref<128x128xf32, #tpu.memory_space<vmem>>, vector<16xf32>,
        %swap3A_132 = arith.index_cast %add3A_109 : i32 to index
        %swap3A_133 = arith.constant 16 : index
        %swap3A_134 = tpu.vector_load %arg13[%swap3A_132, %swap3A_133] {strides = array<i32>} : memref<128x128xf32, #tpu.memory_space<vmem>>, vector<16xf32>,
        tpu.vector_store %arg13[%swap3A_132, %swap3A_133], %exp3A {strides = array<i32>} : memref<128x128xf32, #tpu.memory_space<vmem>>, vector<16xf32>,
      }
      %scan3A_61 = arith.constant 128 : i32
      %add3A_62 = arith.addi %mul3A_2, %add3A_14 : i32
      %add3A_63 = arith.constant 0 : i32
      %add3A_64 = arith.addi %add3A_62, %add3A_63 : i32
      %mul3A_65 = arith.constant 128 : i32
      %mul3A_66 = arith.muli %add3A_64, %mul3A_65 : i32
      %dma_start3A_67 = arith.constant 0 : i32
      %dma_start3A_68 = tpu.memref_slice %arg6[%mul3A_66, %dma_start3A_67] : memref<335872x128xf32, #tpu.memory_space<hbm>> -> memref<128x128xf32, #tpu.memory_space<hbm>>
      %dma_start3A_69 = arith.constant 0 : i32
      %dma_start3A_70 = tpu.memref_slice %arg6[%mul3A_66, %dma_start3A_69] : memref<335872x128xf32, #tpu.memory_space<hbm>> -> memref<128x128xf32, #tpu.memory_space<hbm>>
      tpu.enqueue_dma source(%arg13 : memref<128x128xf32, #tpu.memory_space<vmem>>) target(%dma_start3A_70 : memref<128x128xf32, #tpu.memory_space<hbm>>) target_semaphore(%arg20 : memref<!tpu.dma_semaphore, #tpu.memory_space<semaphore_mem>>)
      %dma_wait3A_71 = arith.constant 0 : i32
      %dma_wait3A_72 = tpu.memref_slice %arg7[%add3A_31, %dma_wait3A_71] : memref<82x128xi32, #tpu.memory_space<vmem>> -> memref<1x128xi32, #tpu.memory_space<vmem>>
      %dma_wait3A_73 = tpu.memref_squeeze %dma_wait3A_72 : memref<1x128xi32, #tpu.memory_space<vmem>> -> memref<128xi32, #tpu.memory_space<vmem>>
      %dma_wait3A_74 = arith.constant 0 : i32
      %dma_wait3A_75 = arith.constant 0 : i32
      %dma_wait3A_76 = tpu.memref_slice %arg2[%dma_wait3A_74, %dma_wait3A_75] : memref<10000x128xf32, #tpu.memory_space<hbm>> -> memref<10000x128xf32, #tpu.memory_space<hbm>>
      tpu.wait_indirect_dma semaphore(%arg17 : memref<!tpu.dma_semaphore, #tpu.memory_space<semaphore_mem>>) src(%dma_wait3A_76 : memref<10000x128xf32, #tpu.memory_space<hbm>>) dst(%arg10 : memref<128x128xf32, #tpu.memory_space<vmem>>)
      %dma_wait3A_77 = arith.constant 0 : i32
      %dma_wait3A_78 = tpu.memref_slice %arg8[%add3A_39, %dma_wait3A_77] : memref<82x128xi32, #tpu.memory_space<vmem>> -> memref<1x128xi32, #tpu.memory_space<vmem>>
      %dma_wait3A_79 = tpu.memref_squeeze %dma_wait3A_78 : memref<1x128xi32, #tpu.memory_space<vmem>> -> memref<128xi32, #tpu.memory_space<vmem>>
      %dma_wait3A_80 = arith.constant 0 : i32
      %dma_wait3A_81 = arith.constant 0 : i32
      %dma_wait3A_82 = tpu.memref_slice %arg2[%dma_wait3A_80, %dma_wait3A_81] : memref<10000x128xf32, #tpu.memory_space<hbm>> -> memref<10000x128xf32, #tpu.memory_space<hbm>>
      tpu.wait_indirect_dma semaphore(%arg19 : memref<!tpu.dma_semaphore, #tpu.memory_space<semaphore_mem>>) src(%dma_wait3A_82 : memref<10000x128xf32, #tpu.memory_space<hbm>>) dst(%arg12 : memref<128x128xf32, #tpu.memory_space<vmem>>)
      %scan3A_83 = arith.constant 0 : i32
      %scan3A_84 = arith.constant 128 : i32
      %scan3A_85 = arith.addi %scan3A_83, %scan3A_84 : i32
      %scan3A_86 = arith.constant 1 : i32
      scf.for %scan3A_105 = %scan3A_83 to %scan3A_85 step %scan3A_86  : i32 {
        %mul3A_106 = arith.constant 1 : i32
        %mul3A_107 = arith.muli %scan3A_105, %mul3A_106 : i32
        %add3A_108 = arith.constant 0 : i32
        %add3A_109 = arith.addi %add3A_108, %mul3A_107 : i32
        %broadcast_in_dim3A = arith.constant 0.000000e+00 : f32
        %broadcast_in_dim3A_110 = vector.broadcast %broadcast_in_dim3A : f32 to vector<16xf32>
        %get3A_111 = arith.index_cast %add3A_109 : i32 to index
        %get3A_112 = arith.constant 0 : index
        %get3A_113 = tpu.vector_load %arg10[%get3A_111, %get3A_112] {strides = array<i32>} : memref<128x128xf32, #tpu.memory_space<vmem>>, vector<16xf32>,
        %get3A_114 = arith.index_cast %add3A_109 : i32 to index
        %get3A_115 = arith.constant 16 : index
        %get3A_116 = tpu.vector_load %arg12[%get3A_114, %get3A_115] {strides = array<i32>} : memref<128x128xf32, #tpu.memory_space<vmem>>, vector<16xf32>,
        %add3A_117 = arith.addf %get3A_113, %get3A_116 : vector<16xf32>
        %gt3A = arith.constant 0.000000e+00 : f32
        %gt3A_118 = vector.broadcast %gt3A : f32 to vector<16xf32>
        %gt3A_119 = arith.cmpf ogt, %add3A_117, %gt3A_118 : vector<16xf32>
        %mul3A_120 = arith.constant 2.000000e-01 : f32
        %mul3A_121 = vector.broadcast %mul3A_120 : f32 to vector<16xf32>
        %mul3A_122 = arith.mulf %mul3A_121, %add3A_117 : vector<16xf32>
        %select_n3A = arith.select %gt3A_119, %add3A_117, %mul3A_122 : vector<16xi1>, vector<16xf32>
        %mul3A_123 = arith.mulf %select_n3A, %get3A_5 : vector<16xf32>
        %add3A_124 = arith.addf %broadcast_in_dim3A_110, %mul3A_123 : vector<16xf32>
        %reduce_sum3A = arith.constant true
        %reduce_sum3A_125 = vector.broadcast %reduce_sum3A : i1 to vector<16xi1>
        %reduce_sum3A_126 = tpu.scan <sum>, %add3A_124 masked %reduce_sum3A_125 : vector<16xf32>, vector<16xi1> -> vector<16xf32>
        %reduce_sum3A_127 = vector.extract %reduce_sum3A_126[15] : f32 from vector<16xf32>
        %broadcast_in_dim3A_128 = vector.broadcast %reduce_sum3A_127 : f32 to vector<16xf32>
        %exp3A = math.exp %broadcast_in_dim3A_128 : vector<16xf32>
        %mul3A_129 = arith.mulf %get3A_113, %exp3A : vector<16xf32>
        %swap3A = arith.index_cast %add3A_109 : i32 to index
        %swap3A_130 = arith.constant 0 : index
        %swap3A_131 = tpu.vector_load %arg14[%swap3A, %swap3A_130] {strides = array<i32>} : memref<128x128xf32, #tpu.memory_space<vmem>>, vector<16xf32>,
        tpu.vector_store %arg14[%swap3A, %swap3A_130], %mul3A_129 {strides = array<i32>} : memref<128x128xf32, #tpu.memory_space<vmem>>, vector<16xf32>,
        %swap3A_132 = arith.index_cast %add3A_109 : i32 to index
        %swap3A_133 = arith.constant 16 : index
        %swap3A_134 = tpu.vector_load %arg14[%swap3A_132, %swap3A_133] {strides = array<i32>} : memref<128x128xf32, #tpu.memory_space<vmem>>, vector<16xf32>,
        tpu.vector_store %arg14[%swap3A_132, %swap3A_133], %exp3A {strides = array<i32>} : memref<128x128xf32, #tpu.memory_space<vmem>>, vector<16xf32>,
      }
      %scan3A_87 = arith.constant 128 : i32
      %add3A_88 = arith.addi %mul3A_2, %add3A_14 : i32
      %add3A_89 = arith.constant 1 : i32
      %add3A_90 = arith.addi %add3A_88, %add3A_89 : i32
      %mul3A_91 = arith.constant 128 : i32
      %mul3A_92 = arith.muli %add3A_90, %mul3A_91 : i32
      %dma_start3A_93 = arith.constant 0 : i32
      %dma_start3A_94 = tpu.memref_slice %arg6[%mul3A_92, %dma_start3A_93] : memref<335872x128xf32, #tpu.memory_space<hbm>> -> memref<128x128xf32, #tpu.memory_space<hbm>>
      %dma_start3A_95 = arith.constant 0 : i32
      %dma_start3A_96 = tpu.memref_slice %arg6[%mul3A_92, %dma_start3A_95] : memref<335872x128xf32, #tpu.memory_space<hbm>> -> memref<128x128xf32, #tpu.memory_space<hbm>>
      tpu.enqueue_dma source(%arg14 : memref<128x128xf32, #tpu.memory_space<vmem>>) target(%dma_start3A_96 : memref<128x128xf32, #tpu.memory_space<hbm>>) target_semaphore(%arg21 : memref<!tpu.dma_semaphore, #tpu.memory_space<semaphore_mem>>)
      %dma_wait3A_97 = arith.constant 0 : i32
      %dma_wait3A_98 = tpu.memref_slice %arg6[%mul3A_66, %dma_wait3A_97] : memref<335872x128xf32, #tpu.memory_space<hbm>> -> memref<128x128xf32, #tpu.memory_space<hbm>>
      %dma_wait3A_99 = arith.constant 0 : i32
      %dma_wait3A_100 = tpu.memref_slice %arg6[%mul3A_66, %dma_wait3A_99] : memref<335872x128xf32, #tpu.memory_space<hbm>> -> memref<128x128xf32, #tpu.memory_space<hbm>>
      tpu.wait_dma2 semaphore(%arg20 : memref<!tpu.dma_semaphore, #tpu.memory_space<semaphore_mem>>) src(%arg13 : memref<128x128xf32, #tpu.memory_space<vmem>>) dst(%dma_wait3A_100 : memref<128x128xf32, #tpu.memory_space<hbm>>)
      %dma_wait3A_101 = arith.constant 0 : i32
      %dma_wait3A_102 = tpu.memref_slice %arg6[%mul3A_92, %dma_wait3A_101] : memref<335872x128xf32, #tpu.memory_space<hbm>> -> memref<128x128xf32, #tpu.memory_space<hbm>>
      %dma_wait3A_103 = arith.constant 0 : i32
      %dma_wait3A_104 = tpu.memref_slice %arg6[%mul3A_92, %dma_wait3A_103] : memref<335872x128xf32, #tpu.memory_space<hbm>> -> memref<128x128xf32, #tpu.memory_space<hbm>>
      tpu.wait_dma2 semaphore(%arg21 : memref<!tpu.dma_semaphore, #tpu.memory_space<semaphore_mem>>) src(%arg14 : memref<128x128xf32, #tpu.memory_space<vmem>>) dst(%dma_wait3A_104 : memref<128x128xf32, #tpu.memory_space<hbm>>)
    }
    %scan3A_9 = arith.constant 41 : i32
    return
  }
}

#map = affine_map<(d0, d1) -> (0, 0)>
#map1 = affine_map<(d0, d1) -> (0, 0, 0)>
module attributes {stable_mosaic.version = 14 : i64} {
  func.func @k(%arg0: i32, %arg1: i32, %arg2: memref<335872x128xf32, #tpu.memory_space<hbm>>, %arg3: memref<32x82x128xi32, #tpu.memory_space<hbm>>, %arg4: memref<10240x128xf32, #tpu.memory_space<hbm>>, %arg5: memref<2x10240x128xf32, #tpu.memory_space<hbm>>, %arg6: memref<82x128xi32, #tpu.memory_space<vmem>>, %arg7: memref<10240x128xf32, #tpu.memory_space<vmem_shared>>, %arg8: memref<128x128xf32, #tpu.memory_space<vmem>>, %arg9: memref<128x128xf32, #tpu.memory_space<vmem>>, %arg10: memref<!tpu.dma_semaphore, #tpu.memory_space<semaphore_mem>>, %arg11: memref<!tpu.dma_semaphore, #tpu.memory_space<semaphore_mem>>, %arg12: memref<!tpu.dma_semaphore, #tpu.memory_space<semaphore_mem>>, %arg13: memref<!tpu.dma_semaphore, #tpu.memory_space<semaphore_mem>>) attributes {dimension_semantics = [#tpu.dimension_semantics<core_parallel>, #tpu.dimension_semantics<subcore_parallel>], iteration_bounds = array<i64: 2, 16>, scalar_prefetch = 0 : i64, scratch_operands = 8 : i64, tpu.core_type = #tpu.core_type<sc_vector_subcore>, window_params = [{transform_indices = #map}, {transform_indices = #map1}, {transform_indices = #map}, {transform_indices = #map1}]} {
    %mul3A = arith.constant 640 : i32
    %mul3A_0 = arith.muli %arg1, %mul3A : i32
    "tpu.region"() ({
      %run_scoped3A = tpu.sem_alloc : memref<!tpu.dma_semaphore, #tpu.memory_space<semaphore_mem>>
      %dma_start3A = arith.constant 0 : i32
      %dma_start3A_10 = tpu.memref_slice %arg7[%mul3A_0, %dma_start3A] : memref<10240x128xf32, #tpu.memory_space<vmem_shared>> -> memref<640x128xf32, #tpu.memory_space<vmem_shared>>
      %dma_start3A_11 = arith.constant 0 : i32
      %dma_start3A_12 = tpu.memref_slice %arg4[%mul3A_0, %dma_start3A_11] : memref<10240x128xf32, #tpu.memory_space<hbm>> -> memref<640x128xf32, #tpu.memory_space<hbm>>
      tpu.enqueue_dma source(%dma_start3A_12 : memref<640x128xf32, #tpu.memory_space<hbm>>) target(%dma_start3A_10 : memref<640x128xf32, #tpu.memory_space<vmem_shared>>) target_semaphore(%run_scoped3A : memref<!tpu.dma_semaphore, #tpu.memory_space<semaphore_mem>>)
      %dma_wait3A = arith.constant 0 : i32
      %dma_wait3A_13 = tpu.memref_slice %arg7[%mul3A_0, %dma_wait3A] : memref<10240x128xf32, #tpu.memory_space<vmem_shared>> -> memref<640x128xf32, #tpu.memory_space<vmem_shared>>
      %dma_wait3A_14 = arith.constant 0 : i32
      %dma_wait3A_15 = tpu.memref_slice %arg4[%mul3A_0, %dma_wait3A_14] : memref<10240x128xf32, #tpu.memory_space<hbm>> -> memref<640x128xf32, #tpu.memory_space<hbm>>
      tpu.wait_dma2 semaphore(%run_scoped3A : memref<!tpu.dma_semaphore, #tpu.memory_space<semaphore_mem>>) src(%dma_wait3A_15 : memref<640x128xf32, #tpu.memory_space<hbm>>) dst(%dma_wait3A_13 : memref<640x128xf32, #tpu.memory_space<vmem_shared>>)
      tpu.yield
    }) : () -> ()
    %mul3A_1 = arith.constant 2 : i32
    %mul3A_2 = arith.muli %arg1, %mul3A_1 : i32
    %add3A = arith.addi %mul3A_2, %arg0 : i32
    %mul3A_3 = arith.constant 82 : i32
    %mul3A_4 = arith.muli %add3A, %mul3A_3 : i32
    "tpu.region"() ({
      %run_scoped3A = tpu.sem_alloc : memref<!tpu.dma_semaphore, #tpu.memory_space<semaphore_mem>>
      %dma_start3A = arith.constant 0 : i32
      %dma_start3A_10 = arith.constant 0 : i32
      %dma_start3A_11 = tpu.memref_slice %arg3[%add3A, %dma_start3A, %dma_start3A_10] : memref<32x82x128xi32, #tpu.memory_space<hbm>> -> memref<1x82x128xi32, #tpu.memory_space<hbm>>
      %dma_start3A_12 = tpu.memref_squeeze %dma_start3A_11 : memref<1x82x128xi32, #tpu.memory_space<hbm>> -> memref<82x128xi32, #tpu.memory_space<hbm>>
      %dma_start3A_13 = arith.constant 0 : i32
      %dma_start3A_14 = arith.constant 0 : i32
      %dma_start3A_15 = tpu.memref_slice %arg3[%add3A, %dma_start3A_13, %dma_start3A_14] : memref<32x82x128xi32, #tpu.memory_space<hbm>> -> memref<1x82x128xi32, #tpu.memory_space<hbm>>
      %dma_start3A_16 = tpu.memref_squeeze %dma_start3A_15 : memref<1x82x128xi32, #tpu.memory_space<hbm>> -> memref<82x128xi32, #tpu.memory_space<hbm>>
      tpu.enqueue_dma source(%dma_start3A_16 : memref<82x128xi32, #tpu.memory_space<hbm>>) target(%arg6 : memref<82x128xi32, #tpu.memory_space<vmem>>) target_semaphore(%run_scoped3A : memref<!tpu.dma_semaphore, #tpu.memory_space<semaphore_mem>>)
      %dma_wait3A = arith.constant 0 : i32
      %dma_wait3A_17 = arith.constant 0 : i32
      %dma_wait3A_18 = tpu.memref_slice %arg3[%add3A, %dma_wait3A, %dma_wait3A_17] : memref<32x82x128xi32, #tpu.memory_space<hbm>> -> memref<1x82x128xi32, #tpu.memory_space<hbm>>
      %dma_wait3A_19 = tpu.memref_squeeze %dma_wait3A_18 : memref<1x82x128xi32, #tpu.memory_space<hbm>> -> memref<82x128xi32, #tpu.memory_space<hbm>>
      %dma_wait3A_20 = arith.constant 0 : i32
      %dma_wait3A_21 = arith.constant 0 : i32
      %dma_wait3A_22 = tpu.memref_slice %arg3[%add3A, %dma_wait3A_20, %dma_wait3A_21] : memref<32x82x128xi32, #tpu.memory_space<hbm>> -> memref<1x82x128xi32, #tpu.memory_space<hbm>>
      %dma_wait3A_23 = tpu.memref_squeeze %dma_wait3A_22 : memref<1x82x128xi32, #tpu.memory_space<hbm>> -> memref<82x128xi32, #tpu.memory_space<hbm>>
      tpu.wait_dma2 semaphore(%run_scoped3A : memref<!tpu.dma_semaphore, #tpu.memory_space<semaphore_mem>>) src(%dma_wait3A_23 : memref<82x128xi32, #tpu.memory_space<hbm>>) dst(%arg6 : memref<82x128xi32, #tpu.memory_space<vmem>>)
      tpu.yield
    }) : () -> ()
    %barrier3A = arith.constant 0 : index
    tpu.barrier barrier_id(%barrier3A)
    %scan3A = arith.constant 0 : i32
    %scan3A_5 = arith.constant 41 : i32
    %scan3A_6 = arith.addi %scan3A, %scan3A_5 : i32
    %scan3A_7 = arith.constant 1 : i32
    scf.for %scan3A_10 = %scan3A to %scan3A_6 step %scan3A_7  : i32 {
      %mul3A_11 = arith.constant 2 : i32
      %mul3A_12 = arith.muli %scan3A_10, %mul3A_11 : i32
      %add3A_13 = arith.constant 0 : i32
      %add3A_14 = arith.addi %add3A_13, %mul3A_12 : i32
      %add3A_15 = arith.addi %mul3A_4, %add3A_14 : i32
      %add3A_16 = arith.constant 0 : i32
      %add3A_17 = arith.addi %add3A_15, %add3A_16 : i32
      %mul3A_18 = arith.constant 128 : i32
      %mul3A_19 = arith.muli %add3A_17, %mul3A_18 : i32
      %dma_start3A = arith.constant 0 : i32
      %dma_start3A_20 = tpu.memref_slice %arg2[%mul3A_19, %dma_start3A] : memref<335872x128xf32, #tpu.memory_space<hbm>> -> memref<128x128xf32, #tpu.memory_space<hbm>>
      %dma_start3A_21 = arith.constant 0 : i32
      %dma_start3A_22 = tpu.memref_slice %arg2[%mul3A_19, %dma_start3A_21] : memref<335872x128xf32, #tpu.memory_space<hbm>> -> memref<128x128xf32, #tpu.memory_space<hbm>>
      tpu.enqueue_dma source(%dma_start3A_22 : memref<128x128xf32, #tpu.memory_space<hbm>>) target(%arg8 : memref<128x128xf32, #tpu.memory_space<vmem>>) target_semaphore(%arg10 : memref<!tpu.dma_semaphore, #tpu.memory_space<semaphore_mem>>)
      %add3A_23 = arith.addi %mul3A_4, %add3A_14 : i32
      %add3A_24 = arith.constant 1 : i32
      %add3A_25 = arith.addi %add3A_23, %add3A_24 : i32
      %mul3A_26 = arith.constant 128 : i32
      %mul3A_27 = arith.muli %add3A_25, %mul3A_26 : i32
      %dma_start3A_28 = arith.constant 0 : i32
      %dma_start3A_29 = tpu.memref_slice %arg2[%mul3A_27, %dma_start3A_28] : memref<335872x128xf32, #tpu.memory_space<hbm>> -> memref<128x128xf32, #tpu.memory_space<hbm>>
      %dma_start3A_30 = arith.constant 0 : i32
      %dma_start3A_31 = tpu.memref_slice %arg2[%mul3A_27, %dma_start3A_30] : memref<335872x128xf32, #tpu.memory_space<hbm>> -> memref<128x128xf32, #tpu.memory_space<hbm>>
      tpu.enqueue_dma source(%dma_start3A_31 : memref<128x128xf32, #tpu.memory_space<hbm>>) target(%arg9 : memref<128x128xf32, #tpu.memory_space<vmem>>) target_semaphore(%arg11 : memref<!tpu.dma_semaphore, #tpu.memory_space<semaphore_mem>>)
      %dma_wait3A = arith.constant 0 : i32
      %dma_wait3A_32 = tpu.memref_slice %arg2[%mul3A_19, %dma_wait3A] : memref<335872x128xf32, #tpu.memory_space<hbm>> -> memref<128x128xf32, #tpu.memory_space<hbm>>
      %dma_wait3A_33 = arith.constant 0 : i32
      %dma_wait3A_34 = tpu.memref_slice %arg2[%mul3A_19, %dma_wait3A_33] : memref<335872x128xf32, #tpu.memory_space<hbm>> -> memref<128x128xf32, #tpu.memory_space<hbm>>
      tpu.wait_dma2 semaphore(%arg10 : memref<!tpu.dma_semaphore, #tpu.memory_space<semaphore_mem>>) src(%dma_wait3A_34 : memref<128x128xf32, #tpu.memory_space<hbm>>) dst(%arg8 : memref<128x128xf32, #tpu.memory_space<vmem>>)
      %add3A_35 = arith.constant 0 : i32
      %add3A_36 = arith.addi %add3A_14, %add3A_35 : i32
      %dma_start3A_37 = arith.constant 0 : i32
      %dma_start3A_38 = tpu.memref_slice %arg6[%add3A_36, %dma_start3A_37] : memref<82x128xi32, #tpu.memory_space<vmem>> -> memref<1x128xi32, #tpu.memory_space<vmem>>
      %dma_start3A_39 = tpu.memref_squeeze %dma_start3A_38 : memref<1x128xi32, #tpu.memory_space<vmem>> -> memref<128xi32, #tpu.memory_space<vmem>>
      %dma_start3A_40 = arith.constant 0 : i32
      %dma_start3A_41 = arith.constant 0 : i32
      %dma_start3A_42 = tpu.memref_slice %arg7[%dma_start3A_40, %dma_start3A_41] : memref<10240x128xf32, #tpu.memory_space<vmem_shared>> -> memref<10240x128xf32, #tpu.memory_space<vmem_shared>>
      tpu.enqueue_indirect_dma source(%arg8 : memref<128x128xf32, #tpu.memory_space<vmem>>) target(%dma_start3A_42 : memref<10240x128xf32, #tpu.memory_space<vmem_shared>>) offsets(%dma_start3A_39 : memref<128xi32, #tpu.memory_space<vmem>>) semaphore(%arg12 : memref<!tpu.dma_semaphore, #tpu.memory_space<semaphore_mem>>) {add = true}
      %dma_wait3A_43 = arith.constant 0 : i32
      %dma_wait3A_44 = tpu.memref_slice %arg2[%mul3A_27, %dma_wait3A_43] : memref<335872x128xf32, #tpu.memory_space<hbm>> -> memref<128x128xf32, #tpu.memory_space<hbm>>
      %dma_wait3A_45 = arith.constant 0 : i32
      %dma_wait3A_46 = tpu.memref_slice %arg2[%mul3A_27, %dma_wait3A_45] : memref<335872x128xf32, #tpu.memory_space<hbm>> -> memref<128x128xf32, #tpu.memory_space<hbm>>
      tpu.wait_dma2 semaphore(%arg11 : memref<!tpu.dma_semaphore, #tpu.memory_space<semaphore_mem>>) src(%dma_wait3A_46 : memref<128x128xf32, #tpu.memory_space<hbm>>) dst(%arg9 : memref<128x128xf32, #tpu.memory_space<vmem>>)
      %add3A_47 = arith.constant 1 : i32
      %add3A_48 = arith.addi %add3A_14, %add3A_47 : i32
      %dma_start3A_49 = arith.constant 0 : i32
      %dma_start3A_50 = tpu.memref_slice %arg6[%add3A_48, %dma_start3A_49] : memref<82x128xi32, #tpu.memory_space<vmem>> -> memref<1x128xi32, #tpu.memory_space<vmem>>
      %dma_start3A_51 = tpu.memref_squeeze %dma_start3A_50 : memref<1x128xi32, #tpu.memory_space<vmem>> -> memref<128xi32, #tpu.memory_space<vmem>>
      %dma_start3A_52 = arith.constant 0 : i32
      %dma_start3A_53 = arith.constant 0 : i32
      %dma_start3A_54 = tpu.memref_slice %arg7[%dma_start3A_52, %dma_start3A_53] : memref<10240x128xf32, #tpu.memory_space<vmem_shared>> -> memref<10240x128xf32, #tpu.memory_space<vmem_shared>>
      tpu.enqueue_indirect_dma source(%arg9 : memref<128x128xf32, #tpu.memory_space<vmem>>) target(%dma_start3A_54 : memref<10240x128xf32, #tpu.memory_space<vmem_shared>>) offsets(%dma_start3A_51 : memref<128xi32, #tpu.memory_space<vmem>>) semaphore(%arg13 : memref<!tpu.dma_semaphore, #tpu.memory_space<semaphore_mem>>) {add = true}
      %dma_wait3A_55 = arith.constant 0 : i32
      %dma_wait3A_56 = tpu.memref_slice %arg6[%add3A_36, %dma_wait3A_55] : memref<82x128xi32, #tpu.memory_space<vmem>> -> memref<1x128xi32, #tpu.memory_space<vmem>>
      %dma_wait3A_57 = tpu.memref_squeeze %dma_wait3A_56 : memref<1x128xi32, #tpu.memory_space<vmem>> -> memref<128xi32, #tpu.memory_space<vmem>>
      %dma_wait3A_58 = arith.constant 0 : i32
      %dma_wait3A_59 = arith.constant 0 : i32
      %dma_wait3A_60 = tpu.memref_slice %arg7[%dma_wait3A_58, %dma_wait3A_59] : memref<10240x128xf32, #tpu.memory_space<vmem_shared>> -> memref<10240x128xf32, #tpu.memory_space<vmem_shared>>
      tpu.wait_indirect_dma semaphore(%arg12 : memref<!tpu.dma_semaphore, #tpu.memory_space<semaphore_mem>>) src(%arg8 : memref<128x128xf32, #tpu.memory_space<vmem>>) dst(%dma_wait3A_60 : memref<10240x128xf32, #tpu.memory_space<vmem_shared>>)
      %dma_wait3A_61 = arith.constant 0 : i32
      %dma_wait3A_62 = tpu.memref_slice %arg6[%add3A_48, %dma_wait3A_61] : memref<82x128xi32, #tpu.memory_space<vmem>> -> memref<1x128xi32, #tpu.memory_space<vmem>>
      %dma_wait3A_63 = tpu.memref_squeeze %dma_wait3A_62 : memref<1x128xi32, #tpu.memory_space<vmem>> -> memref<128xi32, #tpu.memory_space<vmem>>
      %dma_wait3A_64 = arith.constant 0 : i32
      %dma_wait3A_65 = arith.constant 0 : i32
      %dma_wait3A_66 = tpu.memref_slice %arg7[%dma_wait3A_64, %dma_wait3A_65] : memref<10240x128xf32, #tpu.memory_space<vmem_shared>> -> memref<10240x128xf32, #tpu.memory_space<vmem_shared>>
      tpu.wait_indirect_dma semaphore(%arg13 : memref<!tpu.dma_semaphore, #tpu.memory_space<semaphore_mem>>) src(%arg9 : memref<128x128xf32, #tpu.memory_space<vmem>>) dst(%dma_wait3A_66 : memref<10240x128xf32, #tpu.memory_space<vmem_shared>>)
    }
    %scan3A_8 = arith.constant 41 : i32
    %barrier3A_9 = arith.constant 0 : index
    tpu.barrier barrier_id(%barrier3A_9)
    "tpu.region"() ({
      %run_scoped3A = tpu.sem_alloc : memref<!tpu.dma_semaphore, #tpu.memory_space<semaphore_mem>>
      %dma_start3A = arith.constant 0 : i32
      %dma_start3A_10 = tpu.memref_slice %arg5[%arg0, %mul3A_0, %dma_start3A] : memref<2x10240x128xf32, #tpu.memory_space<hbm>> -> memref<1x640x128xf32, #tpu.memory_space<hbm>>
      %dma_start3A_11 = tpu.memref_squeeze %dma_start3A_10 : memref<1x640x128xf32, #tpu.memory_space<hbm>> -> memref<640x128xf32, #tpu.memory_space<hbm>>
      %dma_start3A_12 = arith.constant 0 : i32
      %dma_start3A_13 = tpu.memref_slice %arg7[%mul3A_0, %dma_start3A_12] : memref<10240x128xf32, #tpu.memory_space<vmem_shared>> -> memref<640x128xf32, #tpu.memory_space<vmem_shared>>
      tpu.enqueue_dma source(%dma_start3A_13 : memref<640x128xf32, #tpu.memory_space<vmem_shared>>) target(%dma_start3A_11 : memref<640x128xf32, #tpu.memory_space<hbm>>) target_semaphore(%run_scoped3A : memref<!tpu.dma_semaphore, #tpu.memory_space<semaphore_mem>>)
      %dma_wait3A = arith.constant 0 : i32
      %dma_wait3A_14 = tpu.memref_slice %arg5[%arg0, %mul3A_0, %dma_wait3A] : memref<2x10240x128xf32, #tpu.memory_space<hbm>> -> memref<1x640x128xf32, #tpu.memory_space<hbm>>
      %dma_wait3A_15 = tpu.memref_squeeze %dma_wait3A_14 : memref<1x640x128xf32, #tpu.memory_space<hbm>> -> memref<640x128xf32, #tpu.memory_space<hbm>>
      %dma_wait3A_16 = arith.constant 0 : i32
      %dma_wait3A_17 = tpu.memref_slice %arg7[%mul3A_0, %dma_wait3A_16] : memref<10240x128xf32, #tpu.memory_space<vmem_shared>> -> memref<640x128xf32, #tpu.memory_space<vmem_shared>>
      tpu.wait_dma2 semaphore(%run_scoped3A : memref<!tpu.dma_semaphore, #tpu.memory_space<semaphore_mem>>) src(%dma_wait3A_17 : memref<640x128xf32, #tpu.memory_space<vmem_shared>>) dst(%dma_wait3A_15 : memref<640x128xf32, #tpu.memory_space<hbm>>)
      tpu.yield
    }) : () -> ()
    return
  }
}

module attributes {stable_mosaic.version = 14 : i64} {
  func.func @body(%arg0: i32, %arg1: memref<1000x128xf32, #tpu.memory_space<vmem>>, %arg2: memref<128x128xf32, #tpu.memory_space<vmem>>, %arg3: memref<128x128xf32, #tpu.memory_space<vmem>>, %arg4: memref<1000x128xf32, #tpu.memory_space<vmem>>, %arg5: memref<1000x128xf32, #tpu.memory_space<vmem>>) attributes {dimension_semantics = [#tpu.dimension_semantics<arbitrary>], iteration_bounds = array<i64: 10>, scalar_prefetch = 0 : i64, scratch_operands = 0 : i64, tpu.core_type = #tpu.core_type<tc>, window_params = [{transform_indices = @transform_0, window_bounds = array<i64: 1000, 128>}, {pipeline_mode = #tpu.pipeline_mode<synchronous>, transform_indices = @transform_1, window_bounds = array<i64: 128, 128>}, {pipeline_mode = #tpu.pipeline_mode<synchronous>, transform_indices = @transform_2, window_bounds = array<i64: 128, 128>}, {transform_indices = @transform_3, window_bounds = array<i64: 1000, 128>}, {transform_indices = @transform_4, window_bounds = array<i64: 1000, 128>}]} {
    %get3A = arith.constant 0 : index
    %get3A_0 = arith.constant 0 : index
    %get3A_1 = vector.load %arg1[%get3A, %get3A_0] : memref<1000x128xf32, #tpu.memory_space<vmem>>, vector<1000x128xf32>
    %get3A_2 = arith.constant 0 : index
    %get3A_3 = arith.constant 0 : index
    %get3A_4 = vector.load %arg2[%get3A_2, %get3A_3] : memref<128x128xf32, #tpu.memory_space<vmem>>, vector<128x128xf32>
    %dot_general3A = arith.constant dense<0.000000e+00> : vector<1000x128xf32>
    %dot_general3A_5 = tpu.matmul %get3A_1, %get3A_4, %dot_general3A {dimension_numbers = #tpu.dot_dimension_numbers<[1], [0], [0], [1], [0, 0, 1, 1], [], []>, transpose_lhs_hint = false} : vector<1000x128xf32>, vector<128x128xf32>, vector<1000x128xf32> -> vector<1000x128xf32>
    %swap3A = arith.constant 0 : index
    %swap3A_6 = arith.constant 0 : index
    %swap3A_7 = vector.load %arg4[%swap3A, %swap3A_6] : memref<1000x128xf32, #tpu.memory_space<vmem>>, vector<1000x128xf32>
    tpu.vector_store %arg4[%swap3A, %swap3A_6], %dot_general3A_5 {strides = array<i32>} : memref<1000x128xf32, #tpu.memory_space<vmem>>, vector<1000x128xf32>,
    %get3A_8 = arith.constant 0 : index
    %get3A_9 = arith.constant 0 : index
    %get3A_10 = vector.load %arg3[%get3A_8, %get3A_9] : memref<128x128xf32, #tpu.memory_space<vmem>>, vector<128x128xf32>
    %dot_general3A_11 = arith.constant dense<0.000000e+00> : vector<1000x128xf32>
    %dot_general3A_12 = tpu.matmul %get3A_1, %get3A_10, %dot_general3A_11 {dimension_numbers = #tpu.dot_dimension_numbers<[1], [0], [0], [1], [0, 0, 1, 1], [], []>, transpose_lhs_hint = false} : vector<1000x128xf32>, vector<128x128xf32>, vector<1000x128xf32> -> vector<1000x128xf32>
    %swap3A_13 = arith.constant 0 : index
    %swap3A_14 = arith.constant 0 : index
    %swap3A_15 = vector.load %arg5[%swap3A_13, %swap3A_14] : memref<1000x128xf32, #tpu.memory_space<vmem>>, vector<1000x128xf32>
    tpu.vector_store %arg5[%swap3A_13, %swap3A_14], %dot_general3A_12 {strides = array<i32>} : memref<1000x128xf32, #tpu.memory_space<vmem>>, vector<1000x128xf32>,
    return
  }
  func.func @transform_0(%arg0: i32) -> (i32, i32) {
    %c0_i32 = arith.constant 0 : i32
    %c0_i32_0 = arith.constant 0 : i32
    return %arg0, %c0_i32 : i32, i32
  }
  func.func @transform_1(%arg0: i32) -> (i32, i32) {
    %c0_i32 = arith.constant 0 : i32
    %c0_i32_0 = arith.constant 0 : i32
    %c0_i32_1 = arith.constant 0 : i32
    return %c0_i32, %c0_i32_0 : i32, i32
  }
  func.func @transform_2(%arg0: i32) -> (i32, i32) {
    %c0_i32 = arith.constant 0 : i32
    %c0_i32_0 = arith.constant 0 : i32
    %c0_i32_1 = arith.constant 0 : i32
    return %c0_i32, %c0_i32_0 : i32, i32
  }
  func.func @transform_3(%arg0: i32) -> (i32, i32) {
    %c0_i32 = arith.constant 0 : i32
    %c0_i32_0 = arith.constant 0 : i32
    return %arg0, %c0_i32 : i32, i32
  }
  func.func @transform_4(%arg0: i32) -> (i32, i32) {
    %c0_i32 = arith.constant 0 : i32
    %c0_i32_0 = arith.constant 0 : i32
    return %arg0, %c0_i32 : i32, i32
  }
}

module attributes {stable_mosaic.version = 14 : i64} {
  func.func @_edge1_body(%arg0: i32, %arg1: memref<4096x128xf32, #tpu.memory_space<vmem>>, %arg2: memref<4096x128xf32, #tpu.memory_space<vmem>>, %arg3: memref<1x128xf32, #tpu.memory_space<vmem>>, %arg4: memref<4096x128xf32, #tpu.memory_space<vmem>>, %arg5: memref<4096x128xf32, #tpu.memory_space<vmem>>) attributes {dimension_semantics = [#tpu.dimension_semantics<arbitrary>], iteration_bounds = array<i64: 82>, scalar_prefetch = 0 : i64, scratch_operands = 0 : i64, tpu.core_type = #tpu.core_type<tc>, window_params = [{transform_indices = @transform_0, window_bounds = array<i64: 4096, 128>}, {transform_indices = @transform_1, window_bounds = array<i64: 4096, 128>}, {pipeline_mode = #tpu.pipeline_mode<synchronous>, transform_indices = @transform_2, window_bounds = array<i64: 1, 128>}, {transform_indices = @transform_3, window_bounds = array<i64: 4096, 128>}, {transform_indices = @transform_4, window_bounds = array<i64: 4096, 128>}]} {
    %get3A = arith.constant 0 : index
    %get3A_0 = arith.constant 0 : index
    %get3A_1 = vector.load %arg1[%get3A, %get3A_0] : memref<4096x128xf32, #tpu.memory_space<vmem>>, vector<4096x128xf32>
    %get3A_2 = arith.constant 0 : index
    %get3A_3 = arith.constant 0 : index
    %get3A_4 = vector.load %arg2[%get3A_2, %get3A_3] : memref<4096x128xf32, #tpu.memory_space<vmem>>, vector<4096x128xf32>
    %add3A = arith.addf %get3A_1, %get3A_4 : vector<4096x128xf32>
    %gt3A = arith.constant 0.000000e+00 : f32
    %gt3A_5 = vector.broadcast %gt3A : f32 to vector<4096x128xf32>
    %gt3A_6 = arith.cmpf ogt, %add3A, %gt3A_5 : vector<4096x128xf32>
    %mul3A = arith.constant 2.000000e-01 : f32
    %mul3A_7 = vector.broadcast %mul3A : f32 to vector<4096x128xf32>
    %mul3A_8 = arith.mulf %mul3A_7, %add3A : vector<4096x128xf32>
    %select_n3A = arith.select %gt3A_6, %add3A, %mul3A_8 : vector<4096x128xi1>, vector<4096x128xf32>
    %get3A_9 = arith.constant 0 : index
    %get3A_10 = arith.constant 0 : index
    %get3A_11 = vector.load %arg3[%get3A_9, %get3A_10] : memref<1x128xf32, #tpu.memory_space<vmem>>, vector<1x128xf32>
    %mul3A_12 = vector.broadcast %get3A_11 : vector<1x128xf32> to vector<4096x128xf32>
    %mul3A_13 = arith.mulf %select_n3A, %mul3A_12 : vector<4096x128xf32>
    %reduce_sum3A = arith.constant dense<0.000000e+00> : vector<4096xf32>
    %reduce_sum3A_14 = vector.multi_reduction <add>, %mul3A_13, %reduce_sum3A [1] : vector<4096x128xf32> to vector<4096xf32>
    %broadcast_in_dim3A = vector.shape_cast %reduce_sum3A_14 : vector<4096xf32> to vector<4096x1xf32>
    %mul3A_15 = arith.constant 4096 : i32
    %mul3A_16 = arith.muli %arg0, %mul3A_15 : i32
    %iota3A = tpu.iota {dimensions = array<i32: 0>} : vector<4096x1xi32>
    %add3A_17 = vector.broadcast %mul3A_16 : i32 to vector<4096x1xi32>
    %add3A_18 = arith.addi %add3A_17, %iota3A : vector<4096x1xi32>
    %lt3A = arith.constant 330000 : i32
    %lt3A_19 = vector.broadcast %lt3A : i32 to vector<4096x1xi32>
    %lt3A_20 = arith.cmpi slt, %add3A_18, %lt3A_19 : vector<4096x1xi32>
    %exp3A = math.exp %broadcast_in_dim3A : vector<4096x1xf32>
    %jit3A = arith.constant 0.000000e+00 : f32
    %broadcast_in_dim3A_21 = vector.broadcast %jit3A : f32 to vector<4096x1xf32>
    %select_n3A_22 = arith.select %lt3A_20, %exp3A, %broadcast_in_dim3A_21 : vector<4096x1xi1>, vector<4096x1xf32>
    %mul3A_23 = vector.broadcast %select_n3A_22 : vector<4096x1xf32> to vector<4096x128xf32>
    %mul3A_24 = arith.mulf %mul3A_23, %get3A_1 : vector<4096x128xf32>
    %swap3A = arith.constant 0 : index
    %swap3A_25 = arith.constant 0 : index
    %swap3A_26 = vector.load %arg4[%swap3A, %swap3A_25] : memref<4096x128xf32, #tpu.memory_space<vmem>>, vector<4096x128xf32>
    tpu.vector_store %arg4[%swap3A, %swap3A_25], %mul3A_24 {strides = array<i32>} : memref<4096x128xf32, #tpu.memory_space<vmem>>, vector<4096x128xf32>,
    %broadcast_in_dim3A_27 = vector.shape_cast %select_n3A_22 : vector<4096x1xf32> to vector<4096x1xf32>
    %broadcast_in_dim3A_28 = vector.broadcast %broadcast_in_dim3A_27 : vector<4096x1xf32> to vector<4096x128xf32>
    %swap3A_29 = arith.constant 0 : index
    %swap3A_30 = arith.constant 0 : index
    %swap3A_31 = vector.load %arg5[%swap3A_29, %swap3A_30] : memref<4096x128xf32, #tpu.memory_space<vmem>>, vector<4096x128xf32>
    tpu.vector_store %arg5[%swap3A_29, %swap3A_30], %broadcast_in_dim3A_28 {strides = array<i32>} : memref<4096x128xf32, #tpu.memory_space<vmem>>, vector<4096x128xf32>,
    return
  }
  func.func @transform_0(%arg0: i32) -> (i32, i32) {
    %c0_i32 = arith.constant 0 : i32
    %c0_i32_0 = arith.constant 0 : i32
    return %arg0, %c0_i32 : i32, i32
  }
  func.func @transform_1(%arg0: i32) -> (i32, i32) {
    %c0_i32 = arith.constant 0 : i32
    %c0_i32_0 = arith.constant 0 : i32
    return %arg0, %c0_i32 : i32, i32
  }
  func.func @transform_2(%arg0: i32) -> (i32, i32) {
    %c0_i32 = arith.constant 0 : i32
    %c0_i32_0 = arith.constant 0 : i32
    %c0_i32_1 = arith.constant 0 : i32
    return %c0_i32, %c0_i32_0 : i32, i32
  }
  func.func @transform_3(%arg0: i32) -> (i32, i32) {
    %c0_i32 = arith.constant 0 : i32
    %c0_i32_0 = arith.constant 0 : i32
    return %arg0, %c0_i32 : i32, i32
  }
  func.func @transform_4(%arg0: i32) -> (i32, i32) {
    %c0_i32 = arith.constant 0 : i32
    %c0_i32_0 = arith.constant 0 : i32
    return %arg0, %c0_i32 : i32, i32
  }
}

module attributes {stable_mosaic.version = 14 : i64} {
  func.func @_finish1_body(%arg0: i32, %arg1: memref<1000x128xf32, #tpu.memory_space<vmem>>, %arg2: memref<1000x128xf32, #tpu.memory_space<vmem>>, %arg3: memref<1x128xf32, #tpu.memory_space<vmem>>, %arg4: memref<1000x128xf32, #tpu.memory_space<vmem>>) attributes {dimension_semantics = [#tpu.dimension_semantics<arbitrary>], iteration_bounds = array<i64: 10>, scalar_prefetch = 0 : i64, scratch_operands = 0 : i64, tpu.core_type = #tpu.core_type<tc>, window_params = [{transform_indices = @transform_0, window_bounds = array<i64: 1000, 128>}, {transform_indices = @transform_1, window_bounds = array<i64: 1000, 128>}, {pipeline_mode = #tpu.pipeline_mode<synchronous>, transform_indices = @transform_2, window_bounds = array<i64: 1, 128>}, {transform_indices = @transform_3, window_bounds = array<i64: 1000, 128>}]} {
    %get3A = arith.constant 0 : index
    %get3A_0 = arith.constant 0 : index
    %get3A_1 = vector.load %arg1[%get3A, %get3A_0] : memref<1000x128xf32, #tpu.memory_space<vmem>>, vector<1000x128xf32>
    %get3A_2 = arith.constant 0 : index
    %get3A_3 = arith.constant 0 : index
    %get3A_4 = vector.load %arg2[%get3A_2, %get3A_3] : memref<1000x128xf32, #tpu.memory_space<vmem>>, vector<1000x1xf32>
    %div3A = vector.broadcast %get3A_4 : vector<1000x1xf32> to vector<1000x128xf32>
    %div3A_5 = arith.divf %get3A_1, %div3A : vector<1000x128xf32>
    %get3A_6 = arith.constant 0 : index
    %get3A_7 = arith.constant 0 : index
    %get3A_8 = vector.load %arg3[%get3A_6, %get3A_7] : memref<1x128xf32, #tpu.memory_space<vmem>>, vector<1x128xf32>
    %add3A = vector.broadcast %get3A_8 : vector<1x128xf32> to vector<1000x128xf32>
    %add3A_9 = arith.addf %div3A_5, %add3A : vector<1000x128xf32>
    %max3A = arith.constant 0.000000e+00 : f32
    %max3A_10 = vector.broadcast %max3A : f32 to vector<1000x128xf32>
    %max3A_11 = arith.maximumf %add3A_9, %max3A_10 : vector<1000x128xf32>
    %swap3A = arith.constant 0 : index
    %swap3A_12 = arith.constant 0 : index
    %swap3A_13 = vector.load %arg4[%swap3A, %swap3A_12] : memref<1000x128xf32, #tpu.memory_space<vmem>>, vector<1000x128xf32>
    tpu.vector_store %arg4[%swap3A, %swap3A_12], %max3A_11 {strides = array<i32>} : memref<1000x128xf32, #tpu.memory_space<vmem>>, vector<1000x128xf32>,
    return
  }
  func.func @transform_0(%arg0: i32) -> (i32, i32) {
    %c0_i32 = arith.constant 0 : i32
    %c0_i32_0 = arith.constant 0 : i32
    return %arg0, %c0_i32 : i32, i32
  }
  func.func @transform_1(%arg0: i32) -> (i32, i32) {
    %c0_i32 = arith.constant 0 : i32
    %c0_i32_0 = arith.constant 0 : i32
    return %arg0, %c0_i32 : i32, i32
  }
  func.func @transform_2(%arg0: i32) -> (i32, i32) {
    %c0_i32 = arith.constant 0 : i32
    %c0_i32_0 = arith.constant 0 : i32
    %c0_i32_1 = arith.constant 0 : i32
    return %c0_i32, %c0_i32_0 : i32, i32
  }
  func.func @transform_3(%arg0: i32) -> (i32, i32) {
    %c0_i32 = arith.constant 0 : i32
    %c0_i32_0 = arith.constant 0 : i32
    return %arg0, %c0_i32 : i32, i32
  }
}

module attributes {stable_mosaic.version = 14 : i64} {
  func.func @_mm2c_body(%arg0: i32, %arg1: memref<1000x128xf32, #tpu.memory_space<vmem>>, %arg2: memref<128x64xf32, #tpu.memory_space<vmem>>, %arg3: memref<128x64xf32, #tpu.memory_space<vmem>>, %arg4: memref<1000x128xf32, #tpu.memory_space<vmem>>) attributes {dimension_semantics = [#tpu.dimension_semantics<arbitrary>], iteration_bounds = array<i64: 10>, scalar_prefetch = 0 : i64, scratch_operands = 0 : i64, tpu.core_type = #tpu.core_type<tc>, window_params = [{transform_indices = @transform_0, window_bounds = array<i64: 1000, 128>}, {pipeline_mode = #tpu.pipeline_mode<synchronous>, transform_indices = @transform_1, window_bounds = array<i64: 128, 64>}, {pipeline_mode = #tpu.pipeline_mode<synchronous>, transform_indices = @transform_2, window_bounds = array<i64: 128, 64>}, {transform_indices = @transform_3, window_bounds = array<i64: 1000, 128>}]} {
    %get3A = arith.constant 0 : index
    %get3A_0 = arith.constant 0 : index
    %get3A_1 = vector.load %arg1[%get3A, %get3A_0] : memref<1000x128xf32, #tpu.memory_space<vmem>>, vector<1000x128xf32>
    %get3A_2 = arith.constant 0 : index
    %get3A_3 = arith.constant 0 : index
    %get3A_4 = vector.load %arg2[%get3A_2, %get3A_3] : memref<128x64xf32, #tpu.memory_space<vmem>>, vector<128x64xf32>
    %dot_general3A = arith.constant dense<0.000000e+00> : vector<1000x64xf32>
    %dot_general3A_5 = tpu.matmul %get3A_1, %get3A_4, %dot_general3A {dimension_numbers = #tpu.dot_dimension_numbers<[1], [0], [0], [1], [0, 0, 1, 1], [], []>, transpose_lhs_hint = false} : vector<1000x128xf32>, vector<128x64xf32>, vector<1000x64xf32> -> vector<1000x64xf32>
    %swap3A = arith.constant 0 : index
    %swap3A_6 = arith.constant 0 : index
    %swap3A_7 = vector.load %arg4[%swap3A, %swap3A_6] : memref<1000x128xf32, #tpu.memory_space<vmem>>, vector<1000x64xf32>
    tpu.vector_store %arg4[%swap3A, %swap3A_6], %dot_general3A_5 {strides = array<i32>} : memref<1000x128xf32, #tpu.memory_space<vmem>>, vector<1000x64xf32>,
    %get3A_8 = arith.constant 0 : index
    %get3A_9 = arith.constant 0 : index
    %get3A_10 = vector.load %arg3[%get3A_8, %get3A_9] : memref<128x64xf32, #tpu.memory_space<vmem>>, vector<128x64xf32>
    %dot_general3A_11 = arith.constant dense<0.000000e+00> : vector<1000x64xf32>
    %dot_general3A_12 = tpu.matmul %get3A_1, %get3A_10, %dot_general3A_11 {dimension_numbers = #tpu.dot_dimension_numbers<[1], [0], [0], [1], [0, 0, 1, 1], [], []>, transpose_lhs_hint = false} : vector<1000x128xf32>, vector<128x64xf32>, vector<1000x64xf32> -> vector<1000x64xf32>
    %swap3A_13 = arith.constant 0 : index
    %swap3A_14 = arith.constant 64 : index
    %swap3A_15 = vector.load %arg4[%swap3A_13, %swap3A_14] : memref<1000x128xf32, #tpu.memory_space<vmem>>, vector<1000x64xf32>
    tpu.vector_store %arg4[%swap3A_13, %swap3A_14], %dot_general3A_12 {strides = array<i32>} : memref<1000x128xf32, #tpu.memory_space<vmem>>, vector<1000x64xf32>,
    return
  }
  func.func @transform_0(%arg0: i32) -> (i32, i32) {
    %c0_i32 = arith.constant 0 : i32
    %c0_i32_0 = arith.constant 0 : i32
    return %arg0, %c0_i32 : i32, i32
  }
  func.func @transform_1(%arg0: i32) -> (i32, i32) {
    %c0_i32 = arith.constant 0 : i32
    %c0_i32_0 = arith.constant 0 : i32
    %c0_i32_1 = arith.constant 0 : i32
    return %c0_i32, %c0_i32_0 : i32, i32
  }
  func.func @transform_2(%arg0: i32) -> (i32, i32) {
    %c0_i32 = arith.constant 0 : i32
    %c0_i32_0 = arith.constant 0 : i32
    %c0_i32_1 = arith.constant 0 : i32
    return %c0_i32, %c0_i32_0 : i32, i32
  }
  func.func @transform_3(%arg0: i32) -> (i32, i32) {
    %c0_i32 = arith.constant 0 : i32
    %c0_i32_0 = arith.constant 0 : i32
    return %arg0, %c0_i32 : i32, i32
  }
}

module attributes {stable_mosaic.version = 14 : i64} {
  func.func @_finish23_body(%arg0: i32, %arg1: memref<2x1000x128xf32, #tpu.memory_space<vmem>>, %arg2: memref<1x64xf32, #tpu.memory_space<vmem>>, %arg3: memref<1000x64xf32, #tpu.memory_space<vmem>>) attributes {dimension_semantics = [#tpu.dimension_semantics<arbitrary>], iteration_bounds = array<i64: 10>, scalar_prefetch = 0 : i64, scratch_operands = 0 : i64, tpu.core_type = #tpu.core_type<tc>, window_params = [{transform_indices = @transform_0, window_bounds = array<i64: 2, 1000, 128>}, {pipeline_mode = #tpu.pipeline_mode<synchronous>, transform_indices = @transform_1, window_bounds = array<i64: 1, 64>}, {transform_indices = @transform_2, window_bounds = array<i64: 1000, 64>}]} {
    %get3A = arith.constant 0 : index
    %get3A_0 = arith.constant 0 : index
    %get3A_1 = arith.constant 0 : index
    %get3A_2 = vector.load %arg1[%get3A, %get3A_0, %get3A_1] : memref<2x1000x128xf32, #tpu.memory_space<vmem>>, vector<1x1000x128xf32>
    %get3A_3 = vector.shape_cast %get3A_2 : vector<1x1000x128xf32> to vector<1000x128xf32>
    %get3A_4 = arith.constant 1 : index
    %get3A_5 = arith.constant 0 : index
    %get3A_6 = arith.constant 0 : index
    %get3A_7 = vector.load %arg1[%get3A_4, %get3A_5, %get3A_6] : memref<2x1000x128xf32, #tpu.memory_space<vmem>>, vector<1x1000x128xf32>
    %get3A_8 = vector.shape_cast %get3A_7 : vector<1x1000x128xf32> to vector<1000x128xf32>
    %add3A = arith.addf %get3A_3, %get3A_8 : vector<1000x128xf32>
    %slice3A = vector.extract_strided_slice %add3A {offsets = [0, 0], sizes = [1000, 64], strides = [1, 1]} : vector<1000x128xf32> to vector<1000x64xf32>
    %slice3A_9 = vector.extract_strided_slice %add3A {offsets = [0, 64], sizes = [1000, 1], strides = [1, 1]} : vector<1000x128xf32> to vector<1000x1xf32>
    %div3A = vector.broadcast %slice3A_9 : vector<1000x1xf32> to vector<1000x64xf32>
    %div3A_10 = arith.divf %slice3A, %div3A : vector<1000x64xf32>
    %get3A_11 = arith.constant 0 : index
    %get3A_12 = arith.constant 0 : index
    %get3A_13 = vector.load %arg2[%get3A_11, %get3A_12] : memref<1x64xf32, #tpu.memory_space<vmem>>, vector<1x64xf32>
    %add3A_14 = vector.broadcast %get3A_13 : vector<1x64xf32> to vector<1000x64xf32>
    %add3A_15 = arith.addf %div3A_10, %add3A_14 : vector<1000x64xf32>
    %max3A = arith.constant 0.000000e+00 : f32
    %max3A_16 = vector.broadcast %max3A : f32 to vector<1000x64xf32>
    %max3A_17 = arith.maximumf %add3A_15, %max3A_16 : vector<1000x64xf32>
    %swap3A = arith.constant 0 : index
    %swap3A_18 = arith.constant 0 : index
    %swap3A_19 = vector.load %arg3[%swap3A, %swap3A_18] : memref<1000x64xf32, #tpu.memory_space<vmem>>, vector<1000x64xf32>
    tpu.vector_store %arg3[%swap3A, %swap3A_18], %max3A_17 {strides = array<i32>} : memref<1000x64xf32, #tpu.memory_space<vmem>>, vector<1000x64xf32>,
    return
  }
  func.func @transform_0(%arg0: i32) -> (i32, i32, i32) {
    %c0_i32 = arith.constant 0 : i32
    %c0_i32_0 = arith.constant 0 : i32
    %c0_i32_1 = arith.constant 0 : i32
    return %c0_i32, %arg0, %c0_i32_0 : i32, i32, i32
  }
  func.func @transform_1(%arg0: i32) -> (i32, i32) {
    %c0_i32 = arith.constant 0 : i32
    %c0_i32_0 = arith.constant 0 : i32
    %c0_i32_1 = arith.constant 0 : i32
    return %c0_i32, %c0_i32_0 : i32, i32
  }
  func.func @transform_2(%arg0: i32) -> (i32, i32) {
    %c0_i32 = arith.constant 0 : i32
    %c0_i32_0 = arith.constant 0 : i32
    return %arg0, %c0_i32 : i32, i32
  }
}

module attributes {stable_mosaic.version = 14 : i64} {
  func.func @_mm2c_body(%arg0: i32, %arg1: memref<1000x64xf32, #tpu.memory_space<vmem>>, %arg2: memref<64x16xf32, #tpu.memory_space<vmem>>, %arg3: memref<64x16xf32, #tpu.memory_space<vmem>>, %arg4: memref<1000x128xf32, #tpu.memory_space<vmem>>) attributes {dimension_semantics = [#tpu.dimension_semantics<arbitrary>], iteration_bounds = array<i64: 10>, scalar_prefetch = 0 : i64, scratch_operands = 0 : i64, tpu.core_type = #tpu.core_type<tc>, window_params = [{transform_indices = @transform_0, window_bounds = array<i64: 1000, 64>}, {pipeline_mode = #tpu.pipeline_mode<synchronous>, transform_indices = @transform_1, window_bounds = array<i64: 64, 16>}, {pipeline_mode = #tpu.pipeline_mode<synchronous>, transform_indices = @transform_2, window_bounds = array<i64: 64, 16>}, {transform_indices = @transform_3, window_bounds = array<i64: 1000, 128>}]} {
    %get3A = arith.constant 0 : index
    %get3A_0 = arith.constant 0 : index
    %get3A_1 = vector.load %arg1[%get3A, %get3A_0] : memref<1000x64xf32, #tpu.memory_space<vmem>>, vector<1000x64xf32>
    %get3A_2 = arith.constant 0 : index
    %get3A_3 = arith.constant 0 : index
    %get3A_4 = vector.load %arg2[%get3A_2, %get3A_3] : memref<64x16xf32, #tpu.memory_space<vmem>>, vector<64x16xf32>
    %dot_general3A = arith.constant dense<0.000000e+00> : vector<1000x16xf32>
    %dot_general3A_5 = tpu.matmul %get3A_1, %get3A_4, %dot_general3A {dimension_numbers = #tpu.dot_dimension_numbers<[1], [0], [0], [1], [0, 0, 1, 1], [], []>, transpose_lhs_hint = false} : vector<1000x64xf32>, vector<64x16xf32>, vector<1000x16xf32> -> vector<1000x16xf32>
    %swap3A = arith.constant 0 : index
    %swap3A_6 = arith.constant 0 : index
    %swap3A_7 = vector.load %arg4[%swap3A, %swap3A_6] : memref<1000x128xf32, #tpu.memory_space<vmem>>, vector<1000x16xf32>
    tpu.vector_store %arg4[%swap3A, %swap3A_6], %dot_general3A_5 {strides = array<i32>} : memref<1000x128xf32, #tpu.memory_space<vmem>>, vector<1000x16xf32>,
    %get3A_8 = arith.constant 0 : index
    %get3A_9 = arith.constant 0 : index
    %get3A_10 = vector.load %arg3[%get3A_8, %get3A_9] : memref<64x16xf32, #tpu.memory_space<vmem>>, vector<64x16xf32>
    %dot_general3A_11 = arith.constant dense<0.000000e+00> : vector<1000x16xf32>
    %dot_general3A_12 = tpu.matmul %get3A_1, %get3A_10, %dot_general3A_11 {dimension_numbers = #tpu.dot_dimension_numbers<[1], [0], [0], [1], [0, 0, 1, 1], [], []>, transpose_lhs_hint = false} : vector<1000x64xf32>, vector<64x16xf32>, vector<1000x16xf32> -> vector<1000x16xf32>
    %swap3A_13 = arith.constant 0 : index
    %swap3A_14 = arith.constant 16 : index
    %swap3A_15 = vector.load %arg4[%swap3A_13, %swap3A_14] : memref<1000x128xf32, #tpu.memory_space<vmem>>, vector<1000x16xf32>
    tpu.vector_store %arg4[%swap3A_13, %swap3A_14], %dot_general3A_12 {strides = array<i32>} : memref<1000x128xf32, #tpu.memory_space<vmem>>, vector<1000x16xf32>,
    %broadcast_in_dim3A = arith.constant 0.000000e+00 : f32
    %broadcast_in_dim3A_16 = vector.broadcast %broadcast_in_dim3A : f32 to vector<1000x96xf32>
    %swap3A_17 = arith.constant 0 : index
    %swap3A_18 = arith.constant 32 : index
    %swap3A_19 = vector.load %arg4[%swap3A_17, %swap3A_18] : memref<1000x128xf32, #tpu.memory_space<vmem>>, vector<1000x96xf32>
    tpu.vector_store %arg4[%swap3A_17, %swap3A_18], %broadcast_in_dim3A_16 {strides = array<i32>} : memref<1000x128xf32, #tpu.memory_space<vmem>>, vector<1000x96xf32>,
    return
  }
  func.func @transform_0(%arg0: i32) -> (i32, i32) {
    %c0_i32 = arith.constant 0 : i32
    %c0_i32_0 = arith.constant 0 : i32
    return %arg0, %c0_i32 : i32, i32
  }
  func.func @transform_1(%arg0: i32) -> (i32, i32) {
    %c0_i32 = arith.constant 0 : i32
    %c0_i32_0 = arith.constant 0 : i32
    %c0_i32_1 = arith.constant 0 : i32
    return %c0_i32, %c0_i32_0 : i32, i32
  }
  func.func @transform_2(%arg0: i32) -> (i32, i32) {
    %c0_i32 = arith.constant 0 : i32
    %c0_i32_0 = arith.constant 0 : i32
    %c0_i32_1 = arith.constant 0 : i32
    return %c0_i32, %c0_i32_0 : i32, i32
  }
  func.func @transform_3(%arg0: i32) -> (i32, i32) {
    %c0_i32 = arith.constant 0 : i32
    %c0_i32_0 = arith.constant 0 : i32
    return %arg0, %c0_i32 : i32, i32
  }
}

module attributes {stable_mosaic.version = 14 : i64} {
  func.func @_finish23_body(%arg0: i32, %arg1: memref<2x1000x128xf32, #tpu.memory_space<vmem>>, %arg2: memref<1x16xf32, #tpu.memory_space<vmem>>, %arg3: memref<1000x16xf32, #tpu.memory_space<vmem>>) attributes {dimension_semantics = [#tpu.dimension_semantics<arbitrary>], iteration_bounds = array<i64: 10>, scalar_prefetch = 0 : i64, scratch_operands = 0 : i64, tpu.core_type = #tpu.core_type<tc>, window_params = [{transform_indices = @transform_0, window_bounds = array<i64: 2, 1000, 128>}, {pipeline_mode = #tpu.pipeline_mode<synchronous>, transform_indices = @transform_1, window_bounds = array<i64: 1, 16>}, {transform_indices = @transform_2, window_bounds = array<i64: 1000, 16>}]} {
    %get3A = arith.constant 0 : index
    %get3A_0 = arith.constant 0 : index
    %get3A_1 = arith.constant 0 : index
    %get3A_2 = vector.load %arg1[%get3A, %get3A_0, %get3A_1] : memref<2x1000x128xf32, #tpu.memory_space<vmem>>, vector<1x1000x128xf32>
    %get3A_3 = vector.shape_cast %get3A_2 : vector<1x1000x128xf32> to vector<1000x128xf32>
    %get3A_4 = arith.constant 1 : index
    %get3A_5 = arith.constant 0 : index
    %get3A_6 = arith.constant 0 : index
    %get3A_7 = vector.load %arg1[%get3A_4, %get3A_5, %get3A_6] : memref<2x1000x128xf32, #tpu.memory_space<vmem>>, vector<1x1000x128xf32>
    %get3A_8 = vector.shape_cast %get3A_7 : vector<1x1000x128xf32> to vector<1000x128xf32>
    %add3A = arith.addf %get3A_3, %get3A_8 : vector<1000x128xf32>
    %slice3A = vector.extract_strided_slice %add3A {offsets = [0, 0], sizes = [1000, 16], strides = [1, 1]} : vector<1000x128xf32> to vector<1000x16xf32>
    %slice3A_9 = vector.extract_strided_slice %add3A {offsets = [0, 16], sizes = [1000, 1], strides = [1, 1]} : vector<1000x128xf32> to vector<1000x1xf32>
    %div3A = vector.broadcast %slice3A_9 : vector<1000x1xf32> to vector<1000x16xf32>
    %div3A_10 = arith.divf %slice3A, %div3A : vector<1000x16xf32>
    %get3A_11 = arith.constant 0 : index
    %get3A_12 = arith.constant 0 : index
    %get3A_13 = vector.load %arg2[%get3A_11, %get3A_12] : memref<1x16xf32, #tpu.memory_space<vmem>>, vector<1x16xf32>
    %add3A_14 = vector.broadcast %get3A_13 : vector<1x16xf32> to vector<1000x16xf32>
    %add3A_15 = arith.addf %div3A_10, %add3A_14 : vector<1000x16xf32>
    %reduce_max3A = arith.constant dense<0xFF800000> : vector<1000xf32>
    %reduce_max3A_16 = vector.multi_reduction <maximumf>, %add3A_15, %reduce_max3A [1] : vector<1000x16xf32> to vector<1000xf32>
    %broadcast_in_dim3A = vector.shape_cast %reduce_max3A_16 : vector<1000xf32> to vector<1000x1xf32>
    %sub3A = vector.broadcast %broadcast_in_dim3A : vector<1000x1xf32> to vector<1000x16xf32>
    %sub3A_17 = arith.subf %add3A_15, %sub3A : vector<1000x16xf32>
    %exp3A = math.exp %sub3A_17 : vector<1000x16xf32>
    %reduce_sum3A = arith.constant dense<0.000000e+00> : vector<1000xf32>
    %reduce_sum3A_18 = vector.multi_reduction <add>, %exp3A, %reduce_sum3A [1] : vector<1000x16xf32> to vector<1000xf32>
    %broadcast_in_dim3A_19 = vector.shape_cast %reduce_sum3A_18 : vector<1000xf32> to vector<1000x1xf32>
    %log3A = math.log %broadcast_in_dim3A_19 : vector<1000x1xf32>
    %sub3A_20 = vector.broadcast %log3A : vector<1000x1xf32> to vector<1000x16xf32>
    %sub3A_21 = arith.subf %sub3A_17, %sub3A_20 : vector<1000x16xf32>
    %swap3A = arith.constant 0 : index
    %swap3A_22 = arith.constant 0 : index
    %swap3A_23 = vector.load %arg3[%swap3A, %swap3A_22] : memref<1000x16xf32, #tpu.memory_space<vmem>>, vector<1000x16xf32>
    tpu.vector_store %arg3[%swap3A, %swap3A_22], %sub3A_21 {strides = array<i32>} : memref<1000x16xf32, #tpu.memory_space<vmem>>, vector<1000x16xf32>,
    return
  }
  func.func @transform_0(%arg0: i32) -> (i32, i32, i32) {
    %c0_i32 = arith.constant 0 : i32
    %c0_i32_0 = arith.constant 0 : i32
    %c0_i32_1 = arith.constant 0 : i32
    return %c0_i32, %arg0, %c0_i32_0 : i32, i32, i32
  }
  func.func @transform_1(%arg0: i32) -> (i32, i32) {
    %c0_i32 = arith.constant 0 : i32
    %c0_i32_0 = arith.constant 0 : i32
    %c0_i32_1 = arith.constant 0 : i32
    return %c0_i32, %c0_i32_0 : i32, i32
  }
  func.func @transform_2(%arg0: i32) -> (i32, i32) {
    %c0_i32 = arith.constant 0 : i32
    %c0_i32_0 = arith.constant 0 : i32
    return %arg0, %c0_i32 : i32, i32
  }
}

</mosaic_0001>

<sc_bundles>
// kernel: kernel.15.cloned.1.call-start
scs
__scs_entry_jumppad:
0x0: {  	(pc) =	sbr.rel $0x88, $3  }
0x1: {  	(tag) =	ssettag $0x0;
	lr =	simm.s32 $0x1  }
0x2: {  	[smem:$0x3F93] =	sst lr;
	_ =	strace $0xD0000000  }
0x3: {  	_ = 	snop  }
0x4: {  	_ = 	snop  }
0x5: {  	_ = 	snop  }
0x6: {  	_ = 	snop  }
0x7: {  	_ = 	snop  }
__scs_overlays_trampoline_lowered:
0x8: {  	[smem:$0x3FA2] =	sst s0  }
0x9: {  	[smem:$0x3FA3] =	sst s1  }
0xa: {  	[smem:$0x3FA4] =	sst s2  }
0xb: {  	[smem:$0x3FA5] =	sst s3  }
0xc: {  	[smem:$0x3FA6] =	sst s4  }
0xd: {  	[smem:$0x3FA7] =	sst s5  }
0xe: {  	[smem:$0x3FA8] =	sst s6  }
0xf: {  	[smem:$0x3FA9] =	sst s7  }
0x10: {  	[smem:$0x3FAA] =	sst s8  }
0x11: {  	[smem:$0x3FAB] =	sst s9;
	s0 =	simm.s32 @!p0 $0x0  }
0x12: {  	s1 =	sld [smem:$0x3F91];
	s0 =	simm.s32 @p0 $0x1  }
0x13: {  	[smem:$0x3FAC] =	sst s0;
	s0 =	simm.s32 @!p1 $0x0  }
0x14: {  	s2 =	sld [smem:$0x3F90];
	s0 =	simm.s32 @p1 $0x1  }
0x15: {  	[smem:$0x3FAD] =	sst s0;
	s0 =	simm.s32 @!p2 $0x0  }
0x16: {  	s3 =	sld [smem:$0x3FDB];
	s0 =	simm.s32 @p2 $0x1  }
0x17: {  	s4 =	simm.s32 $0x1BF5;
	[smem:$0x3FAF] =	sst s0  }
0x18: {  	s0 =	sld [smem:$0x3F92];
	_ =	swait.ge [sflag:s4], $0x0  }
0x19: {  	s7 =	sld [smem:$0x3F93]  }
0x1a: {  	s8 =	sadd.s32 $0xFFFFE003, lr  }
0x1b: {  	s9 =	sadd.s32 $0xFFFFFEF7, lr;
	s5 =	simm.s32 $0xFFFFFFFF;
	p2 =	slt.u32 s8, $0xFFFFF086  }
0x1c: {  	p1 =	slt.u32 s9, $0xF7A;
	s5 =	simm.s32 @!p2 $0x0  }
0x1d: {  	s5 =	simm.s32 @p1 $0x1;
	p0 =	seq.s32 s7, s2  }
0x1e: {  	s7 =	smul.u32 @!p0 $0xF7A, s2;
	p2 =	seq.s32 @!p0 s5, $0x0  }
0x1f: {  	s9 =	smul.u32 $0xF7A, s1;
	s8 =	simm.s32 @!p0 $0x1BF5;
	p2 =	por !p2, p0  }
0x20: {  	[sflag:s8] =	ssyncset.s32 @!p0 $0xFFFFF086;
	s6 =	sadd.s32 @!p0 s3, s7;
	s7 =	simm.s32 @!p0 $0x108  }
0x21: {  	s3 =	sadd.s32 s3, s9;
	s6 =	sadd.s32 @!p0 $0x88, s6;
	s7 =	simm.s32 @p2 $0x1082  }
0x22: {  	[simem:s7], [sflag:s8] =	dma.local @!p0 [hbm:s6], $0xF7A  }
0x23: {  	s9 =	sor.u32 $0xD0000000, s2;
	s6 =	simm.s32 $0x108;
	_ =	swait.ge @!p0 [sflag:s8], $0x0  }
0x24: {  	s3 =	sadd.s32 $0x88, s3;
	s6 =	simm.s32 @!p1 $0x1082;
	[sflag:s4] =	ssyncset.s32 $0xFFFFF086  }
0x25: {  	[simem:s6], [sflag:s4] =	dma.local [hbm:s3], $0xF7A  }
0x26: {  	[smem:$0x3F93] =	sst s1;
	(tag) =	ssettag s2;
	_ =	strace s9  }
0x27: {  	s1 =	sld [smem:$0x3FA3]  }
0x28: {  	s2 =	sld [smem:$0x3FA4]  }
0x29: {  	s4 =	sld [smem:$0x3FA6]  }
0x2a: {  	p0 =	seq.s32 s5, $0x0;
	s5 =	sld [smem:$0x3FA7]  }
0x2b: {  	s6 =	sld [smem:$0x3FA8]  }
0x2c: {  	s7 =	sld [smem:$0x3FA9]  }
0x2d: {  	s3 =	simm.s32 $0x108;
	s8 =	sld [smem:$0x3FAA]  }
0x2e: {  	s3 =	simm.s32 @!p0 $0x1082;
	s9 =	sld [smem:$0x3FAB]  }
0x2f: {  	lr =	sadd.s32 s0, s3;
	s0 =	sld [smem:$0x3FA2]  }
0x30: {  	s3 =	sld [smem:$0x3FA5]  }
0x31: {  	[smem:$0x3FAE] =	sst s10  }
0x32: {  	s10 =	sld [smem:$0x3FAC];
	_ =	sdelay $0x3  }
0x33: {  	p0 =	seq.s32 s10, $0x1;
	s10 =	sld [smem:$0x3FAE];
	_ =	sdelay $0x3  }
0x34: {  	[smem:$0x3FAE] =	sst s10  }
0x35: {  	s10 =	sld [smem:$0x3FAD];
	_ =	sdelay $0x3  }
0x36: {  	p1 =	seq.s32 s10, $0x1;
	s10 =	sld [smem:$0x3FAE];
	_ =	sdelay $0x3  }
0x37: {  	[smem:$0x3FAE] =	sst s10  }
0x38: {  	s10 =	sld [smem:$0x3FAF]  }
0x39: {  	_ = 	snop;
	(pc) =	sbr.ind lr, $3  }
0x3a: {  	_ = 	snop  }
0x3b: {  	_ = 	snop  }
0x3c: {  	p2 =	seq.s32 s10, $0x1;
	s10 =	sld [smem:$0x3FAE]  }
0x3d: {  	_ =	shalt  }
0x3e: {  	_ =	shalt  }
0x3f: {  	_ =	shalt  }
0x40: {  	_ =	shalt  }
0x41: {  	_ =	shalt  }
0x42: {  	_ =	shalt  }
0x43: {  	_ =	shalt  }
0x44: {  	_ =	shalt  }
0x45: {  	_ =	shalt  }
0x46: {  	_ =	shalt  }
0x47: {  	_ =	shalt  }
0x48: {  	_ =	shalt  }
0x49: {  	_ =	shalt  }
0x4a: {  	_ =	shalt  }
0x4b: {  	_ =	shalt  }
0x4c: {  	_ =	shalt  }
0x4d: {  	_ =	shalt  }
0x4e: {  	_ =	shalt  }
0x4f: {  	_ =	shalt  }
0x50: {  	_ =	shalt  }
0x51: {  	_ =	shalt  }
0x52: {  	_ =	shalt  }
0x53: {  	_ =	shalt  }
0x54: {  	_ =	shalt  }
0x55: {  	_ =	shalt  }
0x56: {  	_ =	shalt  }
0x57: {  	_ =	shalt  }
0x58: {  	_ =	shalt  }
0x59: {  	_ =	shalt  }
0x5a: {  	_ =	shalt  }
0x5b: {  	_ =	shalt  }
0x5c: {  	_ =	shalt  }
0x5d: {  	_ =	shalt  }
0x5e: {  	_ =	shalt  }
0x5f: {  	_ =	shalt  }
0x60: {  	_ =	shalt  }
0x61: {  	_ =	shalt  }
0x62: {  	_ =	shalt  }
0x63: {  	_ =	shalt  }
0x64: {  	_ =	shalt  }
0x65: {  	_ =	shalt  }
0x66: {  	_ =	shalt  }
0x67: {  	_ =	shalt  }
0x68: {  	_ =	shalt  }
0x69: {  	_ =	shalt  }
0x6a: {  	_ =	shalt  }
0x6b: {  	_ =	shalt  }
0x6c: {  	_ =	shalt  }
0x6d: {  	_ =	shalt  }
0x6e: {  	_ =	shalt  }
0x6f: {  	_ =	shalt  }
0x70: {  	_ =	shalt  }
0x71: {  	_ =	shalt  }
0x72: {  	_ =	shalt  }
0x73: {  	_ =	shalt  }
0x74: {  	_ =	shalt  }
0x75: {  	_ =	shalt  }
0x76: {  	_ =	shalt  }
0x77: {  	_ =	shalt  }
0x78: {  	_ =	shalt  }
0x79: {  	_ =	shalt  }
0x7a: {  	_ =	shalt  }
0x7b: {  	_ =	shalt  }
0x7c: {  	_ =	shalt  }
0x7d: {  	_ =	shalt  }
0x7e: {  	_ =	shalt  }
0x7f: {  	_ =	shalt  }
0x80: {  	_ =	shalt  }
0x81: {  	_ =	shalt  }
0x82: {  	_ =	shalt  }
0x83: {  	_ =	shalt  }
0x84: {  	_ =	shalt  }
0x85: {  	_ =	shalt  }
0x86: {  	_ =	shalt  }
0x87: {  	_ =	shalt  }
.Lfunc_end0:
.L_simem_size_0:
called_computation_lowered:
.L_overlay_start_0:
0x88: {  	s2 =	sld [smem:$0x3FD9]  }
0x89: {  	s3 =	sld [smem:$0x3FFE];
	_ =	sdelay $0x1  }
0x8a: {  	s1 =	srdreg.scid  }
0x8b: {  	s0 =	sand.u32 $0x1, s1  }
0x8c: {  	s16 =	sshll.u32 s0, $0xA;
	s2 =	sadd.s32 s3, s2  }
0x8d: {  	s2 =	sadd.s32 s2, s16  }
0x8e: {  	[smem:$0x3FBA] =	sst s2  }
0x8f: {  	_ = 	snop  }
0x90: {  	(tm) =	ssettm $0x1  }
0x91: {  	s17 =	sld [smem:$0x3FFB];
	_ =	sdelay $0x3  }
0x92: {  	_ =	strace s17  }
0x93: {  	s2 =	sld [smem:$0x3FFC];
	_ =	sdelay $0x3  }
0x94: {  	_ =	strace s2  }
0x95: {  	s2 =	sld [smem:$0x3FFD];
	_ =	sdelay $0x3  }
0x96: {  	_ =	strace s2  }
0x97: {  	_ =	strace $0x8FFFFFFF  }
0x98: {  	s18 =	sld [smem:$0x3FDB];
	_ =	sdelay $0x1  }
0x99: {  	s19 =	simm.s32 $_scs_section_size  }
0x9a: {  	s4 =	simm.s32 $_size__tile_overlayer_lowered;
	s5 =	simm.s32 $_tile_overlayer_lowered  }
0x9b: {  	s22 =	simm.s32 $0x1BFF;
	s21 =	sshll.u32 s5, $0x1;
	s2 =	sadd.s32 s19, s18  }
0x9c: {  	s6 =	simm.s32 $0x0;
	s20 =	sshll.u32 s4, $0x1;
	s4 =	sadd.s32 s21, s2  }
0x9d: {  	[timem:s6], [sflag:s22] =	dma.local [hbm:s4], s20  }
0x9e: {  	_ =	swait.ge [sflag:s22], s20  }
0x9f: {  	s3 =	ssub.s32 $0x0, s20;
	[sflag:s22] =	ssyncset.done $0x0  }
0xa0: {  	[sflag:s22] =	ssyncadd.s32 s3;
	_ =	sdelay $0x1  }
0xa1: {  	s23 =	simm.s32 $0x1B8B  }
0xa2: {  	_ =	swait.ge [sflag:s23], $0x1  }
0xa3: {  	[sflag:s23] =	ssyncset.done $0x0  }
0xa4: {  	s25 =	simm.s32 $0x1B8E;
	s24 =	sld [smem:$0x3FFE];
	[sflag:s23] =	ssyncadd.s32 $0xFFFFFFFF  }
0xa5: {  	s26 =	simm.s32 $execute0_lowered;
	[smem:$0x3FD2] =	sst s25  }
0xa6: {  	s4 =	sshll.u32 s26, $0x1;
	_ =	strace $0x80000046;
	[dreg:$0x1] =	wrdreg $0xFFFFFFFF  }
0xa7: {  	s28 =	simm.s32 $_size_execute0_lowered;
	s2 =	sadd.s32 s2, s4;
	[dreg:$0x0] =	wrdreg $0x0  }
0xa8: {  	s4 =	sshll.u32 s28, $0x1;
	[dreg:$0x2] =	wrdreg s2  }
0xa9: {  	[dreg:$0x3] =	wrdreg s4  }
0xaa: {  	[dreg:$0x4] =	wrdreg $0xC0  }
0xab: {  	_ =	task [dreg:s6], $0x5FFFF  }
0xac: {  	[dreg:$0x1] =	wrdreg $0xFFFFFFFF  }
0xad: {  	[dreg:$0x0] =	wrdreg $0x60  }
0xae: {  	[dreg:$0x2] =	wrdreg s24  }
0xaf: {  	[dreg:$0x3] =	wrdreg $0x9  }
0xb0: {  	_ =	task.clear_ibuf [dreg:s6], $0x4FFFF;
	_ =	strace $0x90000046  }
0xb1: {  	s29 =	simm.s32 $0x9;
	_ =	strace $0x80000048  }
0xb2: {  	_ =	swait.ge [sflag:s29], $0x1  }
0xb3: {  	[sflag:s29] =	ssyncadd.s32 $0xFFFFFFFF  }
0xb4: {  	_ =	strace $0x90000048  }
0xb5: {  	_ =	sfence  }
0xb6: {  	s30 =	sld [smem:$0x0];
	_ =	sdelay $0x2  }
0xb7: {  	s31 =	sshll.u32 s1, $0xD;
	s1 =	sshrl.u32 s1, $0x2  }
0xb8: {  	s3 =	sand.u32 $0x4000, s31;
	s1 =	sadd.s32 s1, s30  }
0xb9: {  	s0 =	sor.u32 s3, s0;
	s1 =	sshll.u32 s1, $0x11  }
0xba: {  	s0 =	sor.u32 s1, s0  }
0xbb: {  	s0 =	sadd.s32 $0x8F2B, s0  }
0xbc: {  	[sflag:s0] =	ssyncadd.remote.s32 $0x1  }
0xbd: {  	_ =	sfence.sel $0xFFFF  }
0xbe: {  	[dreg:$0x0] =	wrdreg $0xFFFFFFFF;
	(pc) =	sbr.abs _section_cstart, $3  }
0xbf: {  	[dreg:$0x1] =	wrdreg $0xFFFFFFFF  }
0xc0: {  	_ =	task.clear_ibuf [dreg:s6], $0x2FFFF;
	_ =	strace $0x9FFFFFFF  }
0xc1: {  	(tm) =	ssettm $0x7FFFFFFF  }
tec
execute0_lowered:
.L_overlay_start_1:
0x0: {  	(tag) =	ssettag $0x1  }
0x1: {  	s5 =	rddreg [dreg:$0x0];
	s3 =	srdreg.scid  }
0x2: {  	s1 =	stileid.u32;
	s2 =	simm.s32 $0x0;
	s12 =	simm.s32 $0x80  }
0x3: {  	s13 =	simm.s32 $0x5800;
	s14 =	simm.s32 $0xD800;
	s15 =	simm.s32 $0x9800  }
0x4: {  	s16 =	simm.s32 $0x11800;
	s17 =	simm.s32 $0x1;
	s18 =	simm.s32 $0x3  }
0x5: {  	s19 =	simm.s32 $0x2;
	s20 =	simm.s32 $0x4;
	s21 =	simm.s32 $0x5  }
0x6: {  	s22 =	simm.s32 $0x7;
	s23 =	simm.s32 $0x6;
	s24 =	simm.s32 $0x8  }
0x7: {  	s25 =	simm.s32 $0x0;
	s6 =	sand.u32 $0x1, s3;
	s30 =	sshll.u32 s1, $0x1  }
0x8: {  	[smem:$0x7FF] =	sst s2;
	s3 =	sadd.s32 $0x1AC00, s5;
	s8 =	smul.u32 $0x52000, s1  }
0x9: {  	s4 =	sor.u32 s6, s30;
	s9 =	ssub.s32 $0x2, s6;
	s11 =	smul.u32 $0x29000, s6  }
0xa: {  	_ =	strace $0x80000047;
	s7 =	smul.u32 $0x580, s4;
	s10 =	sshrl.u32 s9, $0x1  }
0xb: {  	s4 =	sadd.s32 $0x41E00, s5;
	s8 =	sadd.s32 s8, s5;
	s9 =	ssub.s32 s9, s10  }
0xc: {  	s31 =	sadd.s32 s11, s8;
	s10 =	simm.s32 $0x9;
	s7 =	sadd.s32 s7, s5  }
0xd: {  	s11 =	simm.s32 $0x2C00;
	s8 =	sadd.s32 $0x589000, s31;
	s5 =	sadd.s32 $0xFC00, s7  }
0xe: {  	s6 =	sadd.s32 $0x4C00, s7;
	s7 =	smax.u32 s9, $0x1;
	s9 =	sadd.s32 $0x69000, s31  }
.LBB2_1:
0xf: {  	[tilespmem:s2], [sflag:$0x9] =	stream.linear.gather [hbm4b:s5+s2], $0x2900, $0x38;
	[tilespmem:$0x15800] =	vst v63  }
0x10: {  	_ =	swait.ge [sflag:s10], $0x2900  }
0x11: {  	[sflag:s10] =	ssyncset.done $0x0  }
0x12: {  	[sflag:s10] =	ssyncadd.s32 $0xFFFFD700  }
0x13: {  	[tilespmem:s11], [sflag:$0x9] =	stream.linear.gather [hbm4b:s6+s2], $0x2900, $0x38;
	[tilespmem:$0x15800] =	vst v63  }
0x14: {  	_ =	swait.ge [sflag:s10], $0x2900  }
0x15: {  	[sflag:s10] =	ssyncset.done $0x0  }
0x16: {  	s26 =	simm.s32 $0x0;
	[sflag:s10] =	ssyncadd.s32 $0xFFFFD700  }
0x17: {  	[tilespmem:s13], [sflag:$0x1] =	stream.indirect.gather [hbm4b:s3+s12], $0x80, s26, s12, $0xb8;
	[tilespmem:$0x15800] =	vst v63  }
0x18: {  	s30 =	simm.s32 $0x2C00  }
0x19: {  	[tilespmem:s14], [sflag:$0x3] =	stream.indirect.gather [hbm4b:s4+s12], $0x80, s30, s12, $0xb8;
	[tilespmem:$0x15800] =	vst v63  }
0x1a: {  	s0 =	simm.s32 $0x80  }
0x1b: {  	[tilespmem:s15], [sflag:$0x2] =	stream.indirect.gather [hbm4b:s3+s12], $0x80, s0, s12, $0xb8;
	[tilespmem:$0x15800] =	vst v63  }
0x1c: {  	s30 =	simm.s32 $0x2C80  }
0x1d: {  	[tilespmem:s16], [sflag:$0x4] =	stream.indirect.gather [hbm4b:s4+s12], $0x80, s30, s12, $0xb8;
	[tilespmem:$0x15800] =	vst v63  }
0x1e: {  	_ =	swait.ge [sflag:s17], $0x4000  }
0x1f: {  	[sflag:s17] =	ssyncset.done $0x0  }
0x20: {  	[sflag:s17] =	ssyncadd.s32 $0xFFFFC000  }
0x21: {  	[hbm4b:s9+s2] =	stream.linear.scatter [tilespmem:s13], [sflag:$0x5], $0x4000, $0x38;
	[tilespmem:$0x15800] =	vst v63  }
0x22: {  	_ =	swait.ge [sflag:s18], $0x4000  }
0x23: {  	[sflag:s18] =	ssyncset.done $0x0  }
0x24: {  	[sflag:s18] =	ssyncadd.s32 $0xFFFFC000  }
0x25: {  	[hbm4b:s8+s2] =	stream.linear.scatter [tilespmem:s14], [sflag:$0x7], $0x4000, $0x38;
	[tilespmem:$0x15800] =	vst v63  }
0x26: {  	_ =	swait.ge [sflag:s19], $0x4000  }
0x27: {  	[sflag:s19] =	ssyncset.done $0x0  }
0x28: {  	s0 =	sadd.s32 $0x800, s9;
	[sflag:s19] =	ssyncadd.s32 $0xFFFFC000  }
0x29: {  	[hbm4b:s0+s2] =	stream.linear.scatter [tilespmem:s15], [sflag:$0x6], $0x4000, $0x38;
	[tilespmem:$0x15800] =	vst v63  }
0x2a: {  	_ =	swait.ge [sflag:s20], $0x4000  }
0x2b: {  	[sflag:s20] =	ssyncset.done $0x0  }
0x2c: {  	s30 =	sadd.s32 $0x800, s8;
	[sflag:s20] =	ssyncadd.s32 $0xFFFFC000  }
0x2d: {  	[hbm4b:s30+s2] =	stream.linear.scatter [tilespmem:s16], [sflag:$0x8], $0x4000, $0x38;
	[tilespmem:$0x15800] =	vst v63  }
0x2e: {  	_ =	swait.ge [sflag:s21], $0x4000  }
0x2f: {  	[sflag:s21] =	ssyncset.done $0x0  }
0x30: {  	[sflag:s21] =	ssyncadd.s32 $0xFFFFC000  }
0x31: {  	_ =	swait.ge [sflag:s22], $0x4000  }
0x32: {  	[sflag:s22] =	ssyncset.done $0x0  }
0x33: {  	[sflag:s22] =	ssyncadd.s32 $0xFFFFC000  }
0x34: {  	_ =	swait.ge [sflag:s23], $0x4000  }
0x35: {  	[sflag:s23] =	ssyncset.done $0x0  }
0x36: {  	[sflag:s23] =	ssyncadd.s32 $0xFFFFC000  }
0x37: {  	s29 =	simm.s32 $0x400;
	s31 =	simm.s32 $0x800;
	_ =	swait.ge [sflag:s24], $0x4000  }
0x38: {  	s28 =	sadd.s32 $0x1000, s9;
	s26 =	sadd.s32 $0x1000, s8;
	[sflag:s24] =	ssyncset.done $0x0  }
.LBB2_2:
0x39: {  	s0 =	sshra.s32 s29, $0x2  }
0x3a: {  	[sflag:s24] =	ssyncadd.s32 $0xFFFFC000;
	s29 =	smov.u32 s31;
	s30 =	sadd.s32 $0x400, s31  }
0x3b: {  	[tilespmem:s13], [sflag:$0x1] =	stream.indirect.gather [hbm4b:s3+s12], $0x80, s0, s12, $0xb8;
	[tilespmem:$0x15800] =	vst v63  }
0x3c: {  	p0 =	sne.s32 s31, $0xA000;
	s31 =	sadd.s32 $0x2C00, s0  }
0x3d: {  	[tilespmem:s14], [sflag:$0x3] =	stream.indirect.gather [hbm4b:s4+s12], $0x80, s31, s12, $0xb8;
	[tilespmem:$0x15800] =	vst v63  }
0x3e: {  	s31 =	sadd.s32 $0x80, s0  }
0x3f: {  	[tilespmem:s15], [sflag:$0x2] =	stream.indirect.gather [hbm4b:s3+s12], $0x80, s31, s12, $0xb8;
	[tilespmem:$0x15800] =	vst v63  }
0x40: {  	s0 =	sadd.s32 $0x2C80, s0  }
0x41: {  	[tilespmem:s16], [sflag:$0x4] =	stream.indirect.gather [hbm4b:s4+s12], $0x80, s0, s12, $0xb8;
	[tilespmem:$0x15800] =	vst v63  }
0x42: {  	_ =	swait.ge [sflag:s17], $0x4000  }
0x43: {  	[sflag:s17] =	ssyncset.done $0x0  }
0x44: {  	[sflag:s17] =	ssyncadd.s32 $0xFFFFC000  }
0x45: {  	[hbm4b:s28+s2] =	stream.linear.scatter [tilespmem:s13], [sflag:$0x5], $0x4000, $0x38;
	[tilespmem:$0x15800] =	vst v63  }
0x46: {  	_ =	swait.ge [sflag:s18], $0x4000  }
0x47: {  	[sflag:s18] =	ssyncset.done $0x0  }
0x48: {  	[sflag:s18] =	ssyncadd.s32 $0xFFFFC000  }
0x49: {  	[hbm4b:s26+s2] =	stream.linear.scatter [tilespmem:s14], [sflag:$0x7], $0x4000, $0x38;
	[tilespmem:$0x15800] =	vst v63  }
0x4a: {  	_ =	swait.ge [sflag:s19], $0x4000  }
0x4b: {  	[sflag:s19] =	ssyncset.done $0x0  }
0x4c: {  	s0 =	sadd.s32 $0x800, s28;
	[sflag:s19] =	ssyncadd.s32 $0xFFFFC000  }
0x4d: {  	[hbm4b:s0+s2] =	stream.linear.scatter [tilespmem:s15], [sflag:$0x6], $0x4000, $0x38;
	[tilespmem:$0x15800] =	vst v63  }
0x4e: {  	_ =	swait.ge [sflag:s20], $0x4000  }
0x4f: {  	[sflag:s20] =	ssyncset.done $0x0  }
0x50: {  	s0 =	sadd.s32 $0x800, s26;
	[sflag:s20] =	ssyncadd.s32 $0xFFFFC000  }
0x51: {  	[hbm4b:s0+s2] =	stream.linear.scatter [tilespmem:s16], [sflag:$0x8], $0x4000, $0x38;
	[tilespmem:$0x15800] =	vst v63  }
0x52: {  	_ =	swait.ge [sflag:s21], $0x4000  }
0x53: {  	[sflag:s21] =	ssyncset.done $0x0  }
0x54: {  	[sflag:s21] =	ssyncadd.s32 $0xFFFFC000  }
0x55: {  	_ =	swait.ge [sflag:s22], $0x4000  }
0x56: {  	[sflag:s22] =	ssyncset.done $0x0  }
0x57: {  	[sflag:s22] =	ssyncadd.s32 $0xFFFFC000  }
.Ltmp0:
0x58: {  	_ =	swait.ge [sflag:s23], $0x4000;
	(pc) =	sbr.rel @p0 .LBB2_2-.Ltmp0, $4  }
0x59: {  	[sflag:s23] =	ssyncset.done $0x0  }
0x5a: {  	[sflag:s23] =	ssyncadd.s32 $0xFFFFC000  }
0x5b: {  	s31 =	smov.u32 s30;
	_ =	swait.ge [sflag:s24], $0x4000  }
0x5c: {  	s28 =	sadd.s32 $0x1000, s28;
	s26 =	sadd.s32 $0x1000, s26;
	[sflag:s24] =	ssyncset.done $0x0  }
0x5d: {  	s0 =	sshra.s32 s29, $0x2;
	[sflag:s24] =	ssyncadd.s32 $0xFFFFC000  }
0x5e: {  	[tilespmem:s13], [sflag:$0x1] =	stream.indirect.gather [hbm4b:s3+s12], $0x80, s0, s12, $0xb8;
	[tilespmem:$0x15800] =	vst v63  }
0x5f: {  	s29 =	sadd.s32 $0x2C00, s0  }
0x60: {  	[tilespmem:s14], [sflag:$0x3] =	stream.indirect.gather [hbm4b:s4+s12], $0x80, s29, s12, $0xb8;
	[tilespmem:$0x15800] =	vst v63  }
0x61: {  	s31 =	sadd.s32 $0x80, s0  }
0x62: {  	[tilespmem:s15], [sflag:$0x2] =	stream.indirect.gather [hbm4b:s3+s12], $0x80, s31, s12, $0xb8;
	[tilespmem:$0x15800] =	vst v63  }
0x63: {  	s0 =	sadd.s32 $0x2C80, s0  }
0x64: {  	[tilespmem:s16], [sflag:$0x4] =	stream.indirect.gather [hbm4b:s4+s12], $0x80, s0, s12, $0xb8;
	[tilespmem:$0x15800] =	vst v63  }
0x65: {  	_ =	swait.ge [sflag:s17], $0x4000  }
0x66: {  	[sflag:s17] =	ssyncset.done $0x0  }
0x67: {  	[sflag:s17] =	ssyncadd.s32 $0xFFFFC000  }
0x68: {  	[hbm4b:s28+s2] =	stream.linear.scatter [tilespmem:s13], [sflag:$0x5], $0x4000, $0x38;
	[tilespmem:$0x15800] =	vst v63  }
0x69: {  	_ =	swait.ge [sflag:s18], $0x4000  }
0x6a: {  	[sflag:s18] =	ssyncset.done $0x0  }
0x6b: {  	[sflag:s18] =	ssyncadd.s32 $0xFFFFC000  }
0x6c: {  	[hbm4b:s26+s2] =	stream.linear.scatter [tilespmem:s14], [sflag:$0x7], $0x4000, $0x38;
	[tilespmem:$0x15800] =	vst v63  }
0x6d: {  	_ =	swait.ge [sflag:s19], $0x4000  }
0x6e: {  	[sflag:s19] =	ssyncset.done $0x0  }
0x6f: {  	s30 =	sadd.s32 $0x800, s28;
	[sflag:s19] =	ssyncadd.s32 $0xFFFFC000  }
0x70: {  	[hbm4b:s30+s2] =	stream.linear.scatter [tilespmem:s15], [sflag:$0x6], $0x4000, $0x38;
	[tilespmem:$0x15800] =	vst v63  }
0x71: {  	_ =	swait.ge [sflag:s20], $0x4000  }
0x72: {  	[sflag:s20] =	ssyncset.done $0x0  }
0x73: {  	s31 =	sadd.s32 $0x800, s26;
	[sflag:s20] =	ssyncadd.s32 $0xFFFFC000  }
0x74: {  	[hbm4b:s31+s2] =	stream.linear.scatter [tilespmem:s16], [sflag:$0x8], $0x4000, $0x38;
	[tilespmem:$0x15800] =	vst v63  }
0x75: {  	_ =	swait.ge [sflag:s21], $0x4000  }
0x76: {  	[sflag:s21] =	ssyncset.done $0x0  }
0x77: {  	[sflag:s21] =	ssyncadd.s32 $0xFFFFC000  }
0x78: {  	_ =	swait.ge [sflag:s22], $0x4000  }
0x79: {  	[sflag:s22] =	ssyncset.done $0x0  }
0x7a: {  	s25 =	sadd.s32 $0x1, s25;
	[sflag:s22] =	ssyncadd.s32 $0xFFFFC000  }
0x7b: {  	p0 =	sne.s32 s25, s7;
	_ =	swait.ge [sflag:s23], $0x4000  }
.Ltmp1:
0x7c: {  	[sflag:s23] =	ssyncset.done $0x0;
	(pc) =	sbr.rel @p0 .LBB2_1-.Ltmp1, $4  }
0x7d: {  	[sflag:s23] =	ssyncadd.s32 $0xFFFFC000  }
0x7e: {  	_ =	swait.ge [sflag:s24], $0x4000  }
0x7f: {  	[sflag:s24] =	ssyncset.done $0x0  }
0x80: {  	[sflag:s24] =	ssyncadd.s32 $0xFFFFC000  }
0x81: {  	_ =	sfence.sel $0x180000  }
0x82: {  	[bflag:$0x0] =	sbarrier.arrive $0xFFFF  }
0x83: {  	_ =	strace $0x90000047  }
0x84: {  	[bflag:$0x2] =	sbarrier.arrive $0xFFFF  }
0x85: {  	p0 =	sne.s32 s1, $0x0;
	s0 =	rddreg [dreg:$0x1]  }
0x86: {  	s0 =	sadd.s32 @!p0 $0x100000, s0  }
0x87: {  	[sflag:s0] =	ssyncadd.tile.s32 @!p0 $0x1;
	_ =	shalt  }
.Lfunc_end2:
_tile_overlayer_lowered:
.L_overlay_start_2:
0x88: {  	(tag) =	ssettag $0x2  }
0x89: {  	s0 =	rddreg [dreg:$0x0];
	s2 =	stileid.u32  }
0x8a: {  	s1 =	rddreg [dreg:$0x1];
	p0 =	sne.s32 s2, $0x0  }
0x8b: {  	s3 =	rddreg [dreg:$0x2];
	[bflag:$0x3] =	sbarrier.arrive $0xFFFF;
	s2 =	simm.s32 @!p0 $0x1C09  }
0x8c: {  	[timem:s3], [sflag:s2] =	dma.local @!p0 [hbm:s0], s1  }
0x8d: {  	s0 =	simm.s32 @!p0 $0x9  }
0x8e: {  	_ =	swait.ge @!p0 [sflag:s0], s1  }
0x8f: {  	s1 =	ssub.s32 @!p0 $0x0, s1;
	[sflag:s0] =	ssyncset.done @!p0 $0x0  }
0x90: {  	[sflag:s0] =	ssyncadd.s32 @!p0 s1  }
0x91: {  	[bflag:$0x3] =	sbarrier.arrive $0xFFFF  }
0x92: {  	_ =	shalt  }

// kernel: kernel.18.cloned.1.call-start
scs
__scs_entry_jumppad:
0x0: {  	(pc) =	sbr.rel $0x88, $3  }
0x1: {  	(tag) =	ssettag $0x0;
	lr =	simm.s32 $0x1  }
0x2: {  	[smem:$0x3F93] =	sst lr;
	_ =	strace $0xD0000000  }
0x3: {  	_ = 	snop  }
0x4: {  	_ = 	snop  }
0x5: {  	_ = 	snop  }
0x6: {  	_ = 	snop  }
0x7: {  	_ = 	snop  }
__scs_overlays_trampoline_lowered:
0x8: {  	[smem:$0x3FA2] =	sst s0  }
0x9: {  	[smem:$0x3FA3] =	sst s1  }
0xa: {  	[smem:$0x3FA4] =	sst s2  }
0xb: {  	[smem:$0x3FA5] =	sst s3  }
0xc: {  	[smem:$0x3FA6] =	sst s4  }
0xd: {  	[smem:$0x3FA7] =	sst s5  }
0xe: {  	[smem:$0x3FA8] =	sst s6  }
0xf: {  	[smem:$0x3FA9] =	sst s7  }
0x10: {  	[smem:$0x3FAA] =	sst s8  }
0x11: {  	[smem:$0x3FAB] =	sst s9;
	s0 =	simm.s32 @!p0 $0x0  }
0x12: {  	s1 =	sld [smem:$0x3F91];
	s0 =	simm.s32 @p0 $0x1  }
0x13: {  	[smem:$0x3FAC] =	sst s0;
	s0 =	simm.s32 @!p1 $0x0  }
0x14: {  	s2 =	sld [smem:$0x3F90];
	s0 =	simm.s32 @p1 $0x1  }
0x15: {  	[smem:$0x3FAD] =	sst s0;
	s0 =	simm.s32 @!p2 $0x0  }
0x16: {  	s3 =	sld [smem:$0x3FDB];
	s0 =	simm.s32 @p2 $0x1  }
0x17: {  	s4 =	simm.s32 $0x1BF5;
	[smem:$0x3FAF] =	sst s0  }
0x18: {  	s0 =	sld [smem:$0x3F92];
	_ =	swait.ge [sflag:s4], $0x0  }
0x19: {  	s7 =	sld [smem:$0x3F93]  }
0x1a: {  	s8 =	sadd.s32 $0xFFFFE003, lr  }
0x1b: {  	s9 =	sadd.s32 $0xFFFFFEF7, lr;
	s5 =	simm.s32 $0xFFFFFFFF;
	p2 =	slt.u32 s8, $0xFFFFF086  }
0x1c: {  	p1 =	slt.u32 s9, $0xF7A;
	s5 =	simm.s32 @!p2 $0x0  }
0x1d: {  	s5 =	simm.s32 @p1 $0x1;
	p0 =	seq.s32 s7, s2  }
0x1e: {  	s7 =	smul.u32 @!p0 $0xF7A, s2;
	p2 =	seq.s32 @!p0 s5, $0x0  }
0x1f: {  	s9 =	smul.u32 $0xF7A, s1;
	s8 =	simm.s32 @!p0 $0x1BF5;
	p2 =	por !p2, p0  }
0x20: {  	[sflag:s8] =	ssyncset.s32 @!p0 $0xFFFFF086;
	s6 =	sadd.s32 @!p0 s3, s7;
	s7 =	simm.s32 @!p0 $0x108  }
0x21: {  	s3 =	sadd.s32 s3, s9;
	s6 =	sadd.s32 @!p0 $0x88, s6;
	s7 =	simm.s32 @p2 $0x1082  }
0x22: {  	[simem:s7], [sflag:s8] =	dma.local @!p0 [hbm:s6], $0xF7A  }
0x23: {  	s9 =	sor.u32 $0xD0000000, s2;
	s6 =	simm.s32 $0x108;
	_ =	swait.ge @!p0 [sflag:s8], $0x0  }
0x24: {  	s3 =	sadd.s32 $0x88, s3;
	s6 =	simm.s32 @!p1 $0x1082;
	[sflag:s4] =	ssyncset.s32 $0xFFFFF086  }
0x25: {  	[simem:s6], [sflag:s4] =	dma.local [hbm:s3], $0xF7A  }
0x26: {  	[smem:$0x3F93] =	sst s1;
	(tag) =	ssettag s2;
	_ =	strace s9  }
0x27: {  	s1 =	sld [smem:$0x3FA3]  }
0x28: {  	s2 =	sld [smem:$0x3FA4]  }
0x29: {  	s4 =	sld [smem:$0x3FA6]  }
0x2a: {  	p0 =	seq.s32 s5, $0x0;
	s5 =	sld [smem:$0x3FA7]  }
0x2b: {  	s6 =	sld [smem:$0x3FA8]  }
0x2c: {  	s7 =	sld [smem:$0x3FA9]  }
0x2d: {  	s3 =	simm.s32 $0x108;
	s8 =	sld [smem:$0x3FAA]  }
0x2e: {  	s3 =	simm.s32 @!p0 $0x1082;
	s9 =	sld [smem:$0x3FAB]  }
0x2f: {  	lr =	sadd.s32 s0, s3;
	s0 =	sld [smem:$0x3FA2]  }
0x30: {  	s3 =	sld [smem:$0x3FA5]  }
0x31: {  	[smem:$0x3FAE] =	sst s10  }
0x32: {  	s10 =	sld [smem:$0x3FAC];
	_ =	sdelay $0x3  }
0x33: {  	p0 =	seq.s32 s10, $0x1;
	s10 =	sld [smem:$0x3FAE];
	_ =	sdelay $0x3  }
0x34: {  	[smem:$0x3FAE] =	sst s10  }
0x35: {  	s10 =	sld [smem:$0x3FAD];
	_ =	sdelay $0x3  }
0x36: {  	p1 =	seq.s32 s10, $0x1;
	s10 =	sld [smem:$0x3FAE];
	_ =	sdelay $0x3  }
0x37: {  	[smem:$0x3FAE] =	sst s10  }
0x38: {  	s10 =	sld [smem:$0x3FAF]  }
0x39: {  	_ = 	snop;
	(pc) =	sbr.ind lr, $3  }
0x3a: {  	_ = 	snop  }
0x3b: {  	_ = 	snop  }
0x3c: {  	p2 =	seq.s32 s10, $0x1;
	s10 =	sld [smem:$0x3FAE]  }
0x3d: {  	_ =	shalt  }
0x3e: {  	_ =	shalt  }
0x3f: {  	_ =	shalt  }
0x40: {  	_ =	shalt  }
0x41: {  	_ =	shalt  }
0x42: {  	_ =	shalt  }
0x43: {  	_ =	shalt  }
0x44: {  	_ =	shalt  }
0x45: {  	_ =	shalt  }
0x46: {  	_ =	shalt  }
0x47: {  	_ =	shalt  }
0x48: {  	_ =	shalt  }
0x49: {  	_ =	shalt  }
0x4a: {  	_ =	shalt  }
0x4b: {  	_ =	shalt  }
0x4c: {  	_ =	shalt  }
0x4d: {  	_ =	shalt  }
0x4e: {  	_ =	shalt  }
0x4f: {  	_ =	shalt  }
0x50: {  	_ =	shalt  }
0x51: {  	_ =	shalt  }
0x52: {  	_ =	shalt  }
0x53: {  	_ =	shalt  }
0x54: {  	_ =	shalt  }
0x55: {  	_ =	shalt  }
0x56: {  	_ =	shalt  }
0x57: {  	_ =	shalt  }
0x58: {  	_ =	shalt  }
0x59: {  	_ =	shalt  }
0x5a: {  	_ =	shalt  }
0x5b: {  	_ =	shalt  }
0x5c: {  	_ =	shalt  }
0x5d: {  	_ =	shalt  }
0x5e: {  	_ =	shalt  }
0x5f: {  	_ =	shalt  }
0x60: {  	_ =	shalt  }
0x61: {  	_ =	shalt  }
0x62: {  	_ =	shalt  }
0x63: {  	_ =	shalt  }
0x64: {  	_ =	shalt  }
0x65: {  	_ =	shalt  }
0x66: {  	_ =	shalt  }
0x67: {  	_ =	shalt  }
0x68: {  	_ =	shalt  }
0x69: {  	_ =	shalt  }
0x6a: {  	_ =	shalt  }
0x6b: {  	_ =	shalt  }
0x6c: {  	_ =	shalt  }
0x6d: {  	_ =	shalt  }
0x6e: {  	_ =	shalt  }
0x6f: {  	_ =	shalt  }
0x70: {  	_ =	shalt  }
0x71: {  	_ =	shalt  }
0x72: {  	_ =	shalt  }
0x73: {  	_ =	shalt  }
0x74: {  	_ =	shalt  }
0x75: {  	_ =	shalt  }
0x76: {  	_ =	shalt  }
0x77: {  	_ =	shalt  }
0x78: {  	_ =	shalt  }
0x79: {  	_ =	shalt  }
0x7a: {  	_ =	shalt  }
0x7b: {  	_ =	shalt  }
0x7c: {  	_ =	shalt  }
0x7d: {  	_ =	shalt  }
0x7e: {  	_ =	shalt  }
0x7f: {  	_ =	shalt  }
0x80: {  	_ =	shalt  }
0x81: {  	_ =	shalt  }
0x82: {  	_ =	shalt  }
0x83: {  	_ =	shalt  }
0x84: {  	_ =	shalt  }
0x85: {  	_ =	shalt  }
0x86: {  	_ =	shalt  }
0x87: {  	_ =	shalt  }
.Lfunc_end0:
.L_simem_size_0:
called_computation.1_lowered:
.L_overlay_start_0:
0x88: {  	s2 =	sld [smem:$0x3FD9]  }
0x89: {  	s3 =	sld [smem:$0x3FFE];
	_ =	sdelay $0x1  }
0x8a: {  	s1 =	srdreg.scid  }
0x8b: {  	s0 =	sand.u32 $0x1, s1  }
0x8c: {  	s16 =	sshll.u32 s0, $0xA;
	s2 =	sadd.s32 s3, s2  }
0x8d: {  	s2 =	sadd.s32 s2, s16  }
0x8e: {  	[smem:$0x3FBA] =	sst s2  }
0x8f: {  	_ = 	snop  }
0x90: {  	(tm) =	ssettm $0x1  }
0x91: {  	s17 =	sld [smem:$0x3FFB];
	_ =	sdelay $0x3  }
0x92: {  	_ =	strace s17  }
0x93: {  	s2 =	sld [smem:$0x3FFC];
	_ =	sdelay $0x3  }
0x94: {  	_ =	strace s2  }
0x95: {  	s2 =	sld [smem:$0x3FFD];
	_ =	sdelay $0x3  }
0x96: {  	_ =	strace s2  }
0x97: {  	_ =	strace $0x8FFFFFFF  }
0x98: {  	s18 =	sld [smem:$0x3FDB];
	_ =	sdelay $0x1  }
0x99: {  	s19 =	simm.s32 $_scs_section_size  }
0x9a: {  	s4 =	simm.s32 $_size__tile_overlayer_lowered;
	s5 =	simm.s32 $_tile_overlayer_lowered  }
0x9b: {  	s22 =	simm.s32 $0x1BFF;
	s21 =	sshll.u32 s5, $0x1;
	s2 =	sadd.s32 s19, s18  }
0x9c: {  	s6 =	simm.s32 $0x0;
	s20 =	sshll.u32 s4, $0x1;
	s4 =	sadd.s32 s21, s2  }
0x9d: {  	[timem:s6], [sflag:s22] =	dma.local [hbm:s4], s20  }
0x9e: {  	_ =	swait.ge [sflag:s22], s20  }
0x9f: {  	s3 =	ssub.s32 $0x0, s20;
	[sflag:s22] =	ssyncset.done $0x0  }
0xa0: {  	[sflag:s22] =	ssyncadd.s32 s3;
	_ =	sdelay $0x1  }
0xa1: {  	s23 =	simm.s32 $0x1B8B  }
0xa2: {  	_ =	swait.ge [sflag:s23], $0x1  }
0xa3: {  	[sflag:s23] =	ssyncset.done $0x0  }
0xa4: {  	s25 =	simm.s32 $0x1B8E;
	s24 =	sld [smem:$0x3FFE];
	[sflag:s23] =	ssyncadd.s32 $0xFFFFFFFF  }
0xa5: {  	s26 =	simm.s32 $execute0_lowered;
	[smem:$0x3FD2] =	sst s25  }
0xa6: {  	s4 =	sshll.u32 s26, $0x1;
	_ =	strace $0x80000049;
	[dreg:$0x1] =	wrdreg $0xFFFFFFFF  }
0xa7: {  	s28 =	simm.s32 $_size_execute0_lowered;
	s2 =	sadd.s32 s2, s4;
	[dreg:$0x0] =	wrdreg $0x0  }
0xa8: {  	s4 =	sshll.u32 s28, $0x1;
	[dreg:$0x2] =	wrdreg s2  }
0xa9: {  	[dreg:$0x3] =	wrdreg s4  }
0xaa: {  	[dreg:$0x4] =	wrdreg $0xC0  }
0xab: {  	_ =	task [dreg:s6], $0x5FFFF  }
0xac: {  	[dreg:$0x1] =	wrdreg $0xFFFFFFFF  }
0xad: {  	[dreg:$0x0] =	wrdreg $0x60  }
0xae: {  	[dreg:$0x2] =	wrdreg s24  }
0xaf: {  	[dreg:$0x3] =	wrdreg $0x2C000  }
0xb0: {  	[dreg:$0x4] =	wrdreg $0x9  }
0xb1: {  	_ =	task.clear_ibuf [dreg:s6], $0x5FFFF;
	_ =	strace $0x90000049  }
0xb2: {  	s29 =	simm.s32 $0x9;
	_ =	strace $0x8000004B  }
0xb3: {  	_ =	swait.ge [sflag:s29], $0x1  }
0xb4: {  	[sflag:s29] =	ssyncadd.s32 $0xFFFFFFFF  }
0xb5: {  	_ =	strace $0x9000004B  }
0xb6: {  	_ =	sfence  }
0xb7: {  	s30 =	sld [smem:$0x0];
	_ =	sdelay $0x2  }
0xb8: {  	s31 =	sshll.u32 s1, $0xD;
	s1 =	sshrl.u32 s1, $0x2  }
0xb9: {  	s3 =	sand.u32 $0x4000, s31;
	s1 =	sadd.s32 s1, s30  }
0xba: {  	s0 =	sor.u32 s3, s0;
	s1 =	sshll.u32 s1, $0x11  }
0xbb: {  	s0 =	sor.u32 s1, s0  }
0xbc: {  	s0 =	sadd.s32 $0x8F2B, s0  }
0xbd: {  	[sflag:s0] =	ssyncadd.remote.s32 $0x1  }
0xbe: {  	_ =	sfence.sel $0xFFFF  }
0xbf: {  	[dreg:$0x0] =	wrdreg $0xFFFFFFFF;
	(pc) =	sbr.abs _section_cstart, $3  }
0xc0: {  	[dreg:$0x1] =	wrdreg $0xFFFFFFFF  }
0xc1: {  	_ =	task.clear_ibuf [dreg:s6], $0x2FFFF;
	_ =	strace $0x9FFFFFFF  }
0xc2: {  	(tm) =	ssettm $0x7FFFFFFF  }
0xc3: {  	_ =	shalt  }
tec
execute0_lowered:
.L_overlay_start_1:
0x0: {  	(tag) =	ssettag $0x1  }
0x1: {  	s6 =	rddreg [dreg:$0x0]  }
0x2: {  	s2 =	rddreg [dreg:$0x1]  }
0x3: {  	s0 =	rddreg [dreg:$0x2];
	s3 =	simm.s32 $0x0  }
0x4: {  	s1 =	stileid.u32;
	s8 =	srdreg.scid;
	s18 =	simm.s32 $0x16C00  }
0x5: {  	s19 =	simm.s32 $0x1AC00;
	s20 =	simm.s32 $0x1;
	s21 =	simm.s32 $0x80  }
0x6: {  	s22 =	simm.s32 $0x2;
	s23 =	simm.s32 $0x3;
	s4 =	smul.u32 $0x5800, s1  }
0x7: {  	s24 =	simm.s32 $0x4;
	s25 =	simm.s32 $0x0;
	s5 =	smul.u32 $0x52000, s1  }
0x8: {  	[smem:$0x7FF] =	sst s3;
	s16 =	sand.u32 $0x1, s8;
	s9 =	smul.u32 $0x50000, s1  }
0x9: {  	s31 =	sshll.u32 s1, $0x6;
	_ =	strace $0x8000004A;
	s8 =	ssub.s32 $0x2, s16  }
0xa: {  	p0 =	sne.s32 s16, $0x0;
	s7 =	sshrl.u32 s4, $0x3;
	s4 =	smul.u32 $0x2800, s1  }
0xb: {  	s15 =	sadd.s32 s5, s6;
	s5 =	sadd.s32 $0x42C00, s6;
	s11 =	sshrl.u32 s8, $0x1  }
0xc: {  	s30 =	sshrl.u32 s9, $0x2;
	s10 =	sadd.s32 s7, s6;
	s12 =	ssub.s32 s8, s11  }
.Ltmp0:
0xd: {  	s8 =	sor.u32 $0x1C05, s31;
	s11 =	sadd.s32 $0xFD4800, s15;
	(pc) =	sbr.rel .LBB2_1-.Ltmp0, $4  }
0xe: {  	s17 =	sadd.s32 s30, s2;
	s13 =	sadd.s32 $0xFFD800, s15;
	s14 =	sadd.s32 $0xAB4800, s15  }
0xf: {  	s15 =	sadd.s32 $0xADD800, s15;
	s29 =	sadd.s32 s4, s6;
	s6 =	sadd.s32 $0x6AC00, s6  }
0x10: {  	s9 =	sadd.s32 $0xAA9000, s10;
	s10 =	sadd.s32 $0xAA9580, s10;
	s12 =	smax.u32 s12, $0x1  }
0x11: {  	s16 =	sshrl.u32 s17, $0x3;
	s17 =	simm.s32 $0x5;
	s7 =	sadd.s32 $0x1AC00, s29  }
.LBB2_11:
0x12: {  	s29 =	sadd.s32 $0xFFFFF800, s28;
	[sflag:s24] =	ssyncadd.s32 $0xFFFFC000  }
0x13: {  	[tilespmem:s18], [sflag:$0x1] =	stream.linear.gather [hbm4b:s29+s3], $0x4000, $0x38;
	[tilespmem:$0x1EC00] =	vst v63  }
0x14: {  	_ = 	snop  }
0x15: {  	[tilespmem:s19], [sflag:$0x2] =	stream.linear.gather [hbm4b:s28+s3], $0x4000, $0x38;
	[tilespmem:$0x1EC00] =	vst v63  }
0x16: {  	_ =	swait.ge [sflag:s20], $0x4000  }
0x17: {  	[sflag:s20] =	ssyncset.done $0x0  }
0x18: {  	s26 =	sshra.s32 s26, $0x2;
	[sflag:s20] =	ssyncadd.s32 $0xFFFFC000  }
0x19: {  	[spmem:s2] =	stream.indirect.scatter.add.f32 [tilespmem:s18], [sflag:$0x3], $0x80, s26, s21, $0xb8;
	[tilespmem:$0x1EC00] =	vst v63  }
0x1a: {  	_ =	swait.ge [sflag:s22], $0x4000  }
0x1b: {  	[sflag:s22] =	ssyncset.done $0x0  }
0x1c: {  	s26 =	sadd.s32 $0x80, s26;
	[sflag:s22] =	ssyncadd.s32 $0xFFFFC000  }
0x1d: {  	[spmem:s2] =	stream.indirect.scatter.add.f32 [tilespmem:s19], [sflag:$0x4], $0x80, s26, s21, $0xb8;
	[tilespmem:$0x1EC00] =	vst v63  }
0x1e: {  	_ =	swait.ge [sflag:s23], $0x4000  }
0x1f: {  	[sflag:s23] =	ssyncset.done $0x0  }
0x20: {  	[sflag:s23] =	ssyncadd.s32 $0xFFFFC000  }
0x21: {  	_ =	swait.ge [sflag:s24], $0x4000  }
0x22: {  	[sflag:s24] =	ssyncset.done $0x0  }
0x23: {  	s26 =	smov.u32 s6;
	[sflag:s24] =	ssyncadd.s32 $0xFFFFC000  }
.LBB2_12:
0x24: {  	s25 =	sadd.s32 $0x1, s25  }
0x25: {  	p1 =	sne.s32 s25, s12  }
.Ltmp1:
0x26: {  	s26 =	sadd.s32 s26, s4;
	[bflag:$0x0] =	sbarrier.arrive $0xFFFF;
	(pc) =	sbr.rel @!p1 .LBB2_13-.Ltmp1, $4  }
0x27: {  	[hbm:s26], [sflag:s8] =	dma.local [spmem:s16], $0x2800  }
0x28: {  	_ =	swait.ge [sflag:s17], $0x2800  }
0x29: {  	[sflag:s17] =	ssyncset.done $0x0  }
0x2a: {  	[sflag:s17] =	ssyncadd.s32 $0xFFFFD800  }
.LBB2_1:
0x2b: {  	[spmem:s16], [sflag:s8] =	dma.local [hbm:s7], $0x2800  }
0x2c: {  	_ =	swait.ge [sflag:s17], $0x2800  }
0x2d: {  	[sflag:s17] =	ssyncset.done $0x0  }
0x2e: {  	[sflag:s17] =	ssyncadd.s32 $0xFFFFD800  }
.Ltmp2:
0x2f: {  	[bflag:$0x0] =	sbarrier.arrive $0xFFFF;
	(pc) =	sbr.rel @p0 .LBB2_7-.Ltmp2, $4  }
0x30: {  	[tilespmem:s3], [sflag:$0x5] =	stream.linear.gather [hbm4b:s9+s3], $0x2900, $0x38;
	[tilespmem:$0x1EC00] =	vst v63  }
0x31: {  	_ =	swait.ge [sflag:s17], $0x2900  }
0x32: {  	[sflag:s17] =	ssyncset.done $0x0  }
0x33: {  	[sflag:s17] =	ssyncadd.s32 $0xFFFFD700  }
0x34: {  	s26 =	sadd.s32 $0xFFFFF800, s14  }
0x35: {  	[tilespmem:s18], [sflag:$0x1] =	stream.linear.gather [hbm4b:s26+s3], $0x4000, $0x38;
	[tilespmem:$0x1EC00] =	vst v63  }
0x36: {  	_ = 	snop  }
0x37: {  	[tilespmem:s19], [sflag:$0x2] =	stream.linear.gather [hbm4b:s14+s3], $0x4000, $0x38;
	[tilespmem:$0x1EC00] =	vst v63  }
0x38: {  	_ =	swait.ge [sflag:s20], $0x4000  }
0x39: {  	[sflag:s20] =	ssyncset.done $0x0  }
0x3a: {  	s30 =	simm.s32 $0x0;
	[sflag:s20] =	ssyncadd.s32 $0xFFFFC000  }
0x3b: {  	[spmem:s2] =	stream.indirect.scatter.add.f32 [tilespmem:s18], [sflag:$0x3], $0x80, s30, s21, $0xb8;
	[tilespmem:$0x1EC00] =	vst v63  }
0x3c: {  	_ =	swait.ge [sflag:s22], $0x4000  }
0x3d: {  	[sflag:s22] =	ssyncset.done $0x0  }
0x3e: {  	s31 =	simm.s32 $0x80;
	[sflag:s22] =	ssyncadd.s32 $0xFFFFC000  }
0x3f: {  	[spmem:s2] =	stream.indirect.scatter.add.f32 [tilespmem:s19], [sflag:$0x4], $0x80, s31, s21, $0xb8;
	[tilespmem:$0x1EC00] =	vst v63  }
0x40: {  	_ =	swait.ge [sflag:s23], $0x4000  }
0x41: {  	[sflag:s23] =	ssyncset.done $0x0  }
0x42: {  	[sflag:s23] =	ssyncadd.s32 $0xFFFFC000  }
0x43: {  	s29 =	simm.s32 $0x800;
	_ =	swait.ge [sflag:s24], $0x4000  }
0x44: {  	s28 =	sadd.s32 $0x1000, s14;
	s26 =	simm.s32 $0x400;
	[sflag:s24] =	ssyncset.done $0x0  }
.LBB2_3:
0x45: {  	p1 =	sne.s32 s29, $0xA000;
	s30 =	sadd.s32 $0xFFFFF800, s28;
	[sflag:s24] =	ssyncadd.s32 $0xFFFFC000  }
0x46: {  	[tilespmem:s18], [sflag:$0x1] =	stream.linear.gather [hbm4b:s30+s3], $0x4000, $0x38;
	[tilespmem:$0x1EC00] =	vst v63  }
0x47: {  	s30 =	smov.u32 s29;
	s29 =	sadd.s32 $0x400, s29  }
0x48: {  	[tilespmem:s19], [sflag:$0x2] =	stream.linear.gather [hbm4b:s28+s3], $0x4000, $0x38;
	[tilespmem:$0x1EC00] =	vst v63  }
0x49: {  	_ =	swait.ge [sflag:s20], $0x4000  }
0x4a: {  	[sflag:s20] =	ssyncset.done $0x0  }
0x4b: {  	s31 =	sshra.s32 s26, $0x2;
	s26 =	smov.u32 s30;
	[sflag:s20] =	ssyncadd.s32 $0xFFFFC000  }
0x4c: {  	[spmem:s2] =	stream.indirect.scatter.add.f32 [tilespmem:s18], [sflag:$0x3], $0x80, s31, s21, $0xb8;
	[tilespmem:$0x1EC00] =	vst v63  }
0x4d: {  	_ =	swait.ge [sflag:s22], $0x4000  }
0x4e: {  	[sflag:s22] =	ssyncset.done $0x0  }
0x4f: {  	s30 =	sadd.s32 $0x80, s31;
	[sflag:s22] =	ssyncadd.s32 $0xFFFFC000  }
0x50: {  	[spmem:s2] =	stream.indirect.scatter.add.f32 [tilespmem:s19], [sflag:$0x4], $0x80, s30, s21, $0xb8;
	[tilespmem:$0x1EC00] =	vst v63  }
.Ltmp3:
0x51: {  	_ =	swait.ge [sflag:s23], $0x4000;
	(pc) =	sbr.rel @p1 .LBB2_3-.Ltmp3, $4  }
0x52: {  	[sflag:s23] =	ssyncset.done $0x0  }
0x53: {  	[sflag:s23] =	ssyncadd.s32 $0xFFFFC000  }
0x54: {  	_ =	swait.ge [sflag:s24], $0x4000  }
0x55: {  	s28 =	sadd.s32 $0x1000, s28;
	[sflag:s24] =	ssyncset.done $0x0  }
0x56: {  	s29 =	sadd.s32 $0xFFFFF800, s28;
	[sflag:s24] =	ssyncadd.s32 $0xFFFFC000  }
0x57: {  	[tilespmem:s18], [sflag:$0x1] =	stream.linear.gather [hbm4b:s29+s3], $0x4000, $0x38;
	[tilespmem:$0x1EC00] =	vst v63  }
0x58: {  	_ = 	snop  }
0x59: {  	[tilespmem:s19], [sflag:$0x2] =	stream.linear.gather [hbm4b:s28+s3], $0x4000, $0x38;
	[tilespmem:$0x1EC00] =	vst v63  }
0x5a: {  	_ =	swait.ge [sflag:s20], $0x4000  }
0x5b: {  	[sflag:s20] =	ssyncset.done $0x0  }
0x5c: {  	s26 =	sshra.s32 s26, $0x2;
	[sflag:s20] =	ssyncadd.s32 $0xFFFFC000  }
0x5d: {  	[spmem:s2] =	stream.indirect.scatter.add.f32 [tilespmem:s18], [sflag:$0x3], $0x80, s26, s21, $0xb8;
	[tilespmem:$0x1EC00] =	vst v63  }
0x5e: {  	_ =	swait.ge [sflag:s22], $0x4000  }
0x5f: {  	[sflag:s22] =	ssyncset.done $0x0  }
0x60: {  	s26 =	sadd.s32 $0x80, s26;
	[sflag:s22] =	ssyncadd.s32 $0xFFFFC000  }
0x61: {  	[spmem:s2] =	stream.indirect.scatter.add.f32 [tilespmem:s19], [sflag:$0x4], $0x80, s26, s21, $0xb8;
	[tilespmem:$0x1EC00] =	vst v63  }
0x62: {  	_ =	swait.ge [sflag:s23], $0x4000  }
0x63: {  	[sflag:s23] =	ssyncset.done $0x0  }
0x64: {  	[sflag:s23] =	ssyncadd.s32 $0xFFFFC000  }
0x65: {  	_ =	swait.ge [sflag:s24], $0x4000  }
0x66: {  	[sflag:s24] =	ssyncset.done $0x0  }
0x67: {  	s30 =	simm.s32 $0x0;
	[sflag:s24] =	ssyncadd.s32 $0xFFFFC000  }
0x68: {  	[tilespmem:s30], [sflag:$0x5] =	stream.linear.gather [hbm4b:s10+s30], $0x2900, $0x38;
	[tilespmem:$0x1EC00] =	vst v63  }
0x69: {  	_ =	swait.ge [sflag:s17], $0x2900  }
0x6a: {  	[sflag:s17] =	ssyncset.done $0x0  }
0x6b: {  	s31 =	sadd.s32 $0xFFFFF800, s15;
	[sflag:s17] =	ssyncadd.s32 $0xFFFFD700  }
0x6c: {  	[tilespmem:s18], [sflag:$0x1] =	stream.linear.gather [hbm4b:s31+s3], $0x4000, $0x38;
	[tilespmem:$0x1EC00] =	vst v63  }
0x6d: {  	_ = 	snop  }
0x6e: {  	[tilespmem:s19], [sflag:$0x2] =	stream.linear.gather [hbm4b:s15+s3], $0x4000, $0x38;
	[tilespmem:$0x1EC00] =	vst v63  }
0x6f: {  	_ =	swait.ge [sflag:s20], $0x4000  }
0x70: {  	[sflag:s20] =	ssyncset.done $0x0  }
0x71: {  	s30 =	simm.s32 $0x0;
	[sflag:s20] =	ssyncadd.s32 $0xFFFFC000  }
0x72: {  	[spmem:s2] =	stream.indirect.scatter.add.f32 [tilespmem:s18], [sflag:$0x3], $0x80, s30, s21, $0xb8;
	[tilespmem:$0x1EC00] =	vst v63  }
0x73: {  	_ =	swait.ge [sflag:s22], $0x4000  }
0x74: {  	[sflag:s22] =	ssyncset.done $0x0  }
0x75: {  	s31 =	simm.s32 $0x80;
	[sflag:s22] =	ssyncadd.s32 $0xFFFFC000  }
0x76: {  	[spmem:s2] =	stream.indirect.scatter.add.f32 [tilespmem:s19], [sflag:$0x4], $0x80, s31, s21, $0xb8;
	[tilespmem:$0x1EC00] =	vst v63  }
0x77: {  	_ =	swait.ge [sflag:s23], $0x4000  }
0x78: {  	[sflag:s23] =	ssyncset.done $0x0  }
0x79: {  	[sflag:s23] =	ssyncadd.s32 $0xFFFFC000  }
0x7a: {  	s29 =	simm.s32 $0x800;
	_ =	swait.ge [sflag:s24], $0x4000  }
0x7b: {  	s28 =	sadd.s32 $0x1000, s15;
	s26 =	simm.s32 $0x400;
	[sflag:s24] =	ssyncset.done $0x0  }
.LBB2_5:
0x7c: {  	p1 =	seq.s32 s29, $0xA000;
	s30 =	sadd.s32 $0xFFFFF800, s28;
	[sflag:s24] =	ssyncadd.s32 $0xFFFFC000  }
0x7d: {  	[tilespmem:s18], [sflag:$0x1] =	stream.linear.gather [hbm4b:s30+s3], $0x4000, $0x38;
	[tilespmem:$0x1EC00] =	vst v63  }
0x7e: {  	s30 =	smov.u32 s29;
	s29 =	sadd.s32 $0x400, s29  }
0x7f: {  	[tilespmem:s19], [sflag:$0x2] =	stream.linear.gather [hbm4b:s28+s3], $0x4000, $0x38;
	[tilespmem:$0x1EC00] =	vst v63  }
0x80: {  	_ =	swait.ge [sflag:s20], $0x4000  }
0x81: {  	[sflag:s20] =	ssyncset.done $0x0  }
0x82: {  	s31 =	sshra.s32 s26, $0x2;
	s26 =	smov.u32 s30;
	[sflag:s20] =	ssyncadd.s32 $0xFFFFC000  }
0x83: {  	[spmem:s2] =	stream.indirect.scatter.add.f32 [tilespmem:s18], [sflag:$0x3], $0x80, s31, s21, $0xb8;
	[tilespmem:$0x1EC00] =	vst v63  }
0x84: {  	_ =	swait.ge [sflag:s22], $0x4000  }
0x85: {  	[sflag:s22] =	ssyncset.done $0x0  }
0x86: {  	s30 =	sadd.s32 $0x80, s31;
	[sflag:s22] =	ssyncadd.s32 $0xFFFFC000  }
0x87: {  	[spmem:s2] =	stream.indirect.scatter.add.f32 [tilespmem:s19], [sflag:$0x4], $0x80, s30, s21, $0xb8;
	[tilespmem:$0x1EC00] =	vst v63  }
.Ltmp4:
0x88: {  	_ =	swait.ge [sflag:s23], $0x4000;
	(pc) =	sbr.rel @!p1 .LBB2_5-.Ltmp4, $4  }
0x89: {  	[sflag:s23] =	ssyncset.done $0x0  }
0x8a: {  	[sflag:s23] =	ssyncadd.s32 $0xFFFFC000  }
0x8b: {  	_ =	swait.ge [sflag:s24], $0x4000  }
0x8c: {  	s28 =	sadd.s32 $0x1000, s28;
	[sflag:s24] =	ssyncset.done $0x0  }
0x8d: {  	s29 =	sadd.s32 $0xFFFFF800, s28;
	[sflag:s24] =	ssyncadd.s32 $0xFFFFC000  }
0x8e: {  	[tilespmem:s18], [sflag:$0x1] =	stream.linear.gather [hbm4b:s29+s3], $0x4000, $0x38;
	[tilespmem:$0x1EC00] =	vst v63  }
0x8f: {  	_ = 	snop  }
0x90: {  	[tilespmem:s19], [sflag:$0x2] =	stream.linear.gather [hbm4b:s28+s3], $0x4000, $0x38;
	[tilespmem:$0x1EC00] =	vst v63  }
0x91: {  	_ =	swait.ge [sflag:s20], $0x4000  }
0x92: {  	[sflag:s20] =	ssyncset.done $0x0  }
0x93: {  	s26 =	sshra.s32 s26, $0x2;
	[sflag:s20] =	ssyncadd.s32 $0xFFFFC000  }
0x94: {  	[spmem:s2] =	stream.indirect.scatter.add.f32 [tilespmem:s18], [sflag:$0x3], $0x80, s26, s21, $0xb8;
	[tilespmem:$0x1EC00] =	vst v63  }
0x95: {  	_ =	swait.ge [sflag:s22], $0x4000  }
0x96: {  	[sflag:s22] =	ssyncset.done $0x0  }
0x97: {  	s26 =	sadd.s32 $0x80, s26;
	[sflag:s22] =	ssyncadd.s32 $0xFFFFC000  }
0x98: {  	[spmem:s2] =	stream.indirect.scatter.add.f32 [tilespmem:s19], [sflag:$0x4], $0x80, s26, s21, $0xb8;
	[tilespmem:$0x1EC00] =	vst v63  }
0x99: {  	_ =	swait.ge [sflag:s23], $0x4000  }
.Ltmp5:
0x9a: {  	[sflag:s23] =	ssyncset.done $0x0;
	(pc) =	sbr.rel .LBB2_12-.Ltmp5, $4  }
0x9b: {  	[sflag:s23] =	ssyncadd.s32 $0xFFFFC000  }
0x9c: {  	_ =	swait.ge [sflag:s24], $0x4000  }
0x9d: {  	[sflag:s24] =	ssyncset.done $0x0  }
0x9e: {  	s26 =	smov.u32 s5;
	[sflag:s24] =	ssyncadd.s32 $0xFFFFC000  }
.LBB2_7:
0x9f: {  	s26 =	sadd.s32 $0xFFFFF800, s11  }
0xa0: {  	[tilespmem:s18], [sflag:$0x1] =	stream.linear.gather [hbm4b:s26+s3], $0x4000, $0x38;
	[tilespmem:$0x1EC00] =	vst v63  }
0xa1: {  	_ = 	snop  }
0xa2: {  	[tilespmem:s19], [sflag:$0x2] =	stream.linear.gather [hbm4b:s11+s3], $0x4000, $0x38;
	[tilespmem:$0x1EC00] =	vst v63  }
0xa3: {  	_ =	swait.ge [sflag:s20], $0x4000  }
0xa4: {  	[sflag:s20] =	ssyncset.done $0x0  }
0xa5: {  	s30 =	simm.s32 $0x0;
	[sflag:s20] =	ssyncadd.s32 $0xFFFFC000  }
0xa6: {  	[spmem:s2] =	stream.indirect.scatter.add.f32 [tilespmem:s18], [sflag:$0x3], $0x80, s30, s21, $0xb8;
	[tilespmem:$0x1EC00] =	vst v63  }
0xa7: {  	_ =	swait.ge [sflag:s22], $0x4000  }
0xa8: {  	[sflag:s22] =	ssyncset.done $0x0  }
0xa9: {  	s31 =	simm.s32 $0x80;
	[sflag:s22] =	ssyncadd.s32 $0xFFFFC000  }
0xaa: {  	[spmem:s2] =	stream.indirect.scatter.add.f32 [tilespmem:s19], [sflag:$0x4], $0x80, s31, s21, $0xb8;
	[tilespmem:$0x1EC00] =	vst v63  }
0xab: {  	_ =	swait.ge [sflag:s23], $0x4000  }
0xac: {  	[sflag:s23] =	ssyncset.done $0x0  }
0xad: {  	[sflag:s23] =	ssyncadd.s32 $0xFFFFC000  }
0xae: {  	s29 =	simm.s32 $0x800;
	_ =	swait.ge [sflag:s24], $0x4000  }
0xaf: {  	s28 =	sadd.s32 $0x1000, s11;
	s26 =	simm.s32 $0x400;
	[sflag:s24] =	ssyncset.done $0x0  }
.LBB2_8:
0xb0: {  	p1 =	sne.s32 s29, $0xA000;
	s30 =	sadd.s32 $0xFFFFF800, s28;
	[sflag:s24] =	ssyncadd.s32 $0xFFFFC000  }
0xb1: {  	[tilespmem:s18], [sflag:$0x1] =	stream.linear.gather [hbm4b:s30+s3], $0x4000, $0x38;
	[tilespmem:$0x1EC00] =	vst v63  }
0xb2: {  	s30 =	smov.u32 s29;
	s29 =	sadd.s32 $0x400, s29  }
0xb3: {  	[tilespmem:s19], [sflag:$0x2] =	stream.linear.gather [hbm4b:s28+s3], $0x4000, $0x38;
	[tilespmem:$0x1EC00] =	vst v63  }
0xb4: {  	_ =	swait.ge [sflag:s20], $0x4000  }
0xb5: {  	[sflag:s20] =	ssyncset.done $0x0  }
0xb6: {  	s31 =	sshra.s32 s26, $0x2;
	s26 =	smov.u32 s30;
	[sflag:s20] =	ssyncadd.s32 $0xFFFFC000  }
0xb7: {  	[spmem:s2] =	stream.indirect.scatter.add.f32 [tilespmem:s18], [sflag:$0x3], $0x80, s31, s21, $0xb8;
	[tilespmem:$0x1EC00] =	vst v63  }
0xb8: {  	_ =	swait.ge [sflag:s22], $0x4000  }
0xb9: {  	[sflag:s22] =	ssyncset.done $0x0  }
0xba: {  	s30 =	sadd.s32 $0x80, s31;
	[sflag:s22] =	ssyncadd.s32 $0xFFFFC000  }
0xbb: {  	[spmem:s2] =	stream.indirect.scatter.add.f32 [tilespmem:s19], [sflag:$0x4], $0x80, s30, s21, $0xb8;
	[tilespmem:$0x1EC00] =	vst v63  }
.Ltmp6:
0xbc: {  	_ =	swait.ge [sflag:s23], $0x4000;
	(pc) =	sbr.rel @p1 .LBB2_8-.Ltmp6, $4  }
0xbd: {  	[sflag:s23] =	ssyncset.done $0x0  }
0xbe: {  	[sflag:s23] =	ssyncadd.s32 $0xFFFFC000  }
0xbf: {  	_ =	swait.ge [sflag:s24], $0x4000  }
0xc0: {  	s28 =	sadd.s32 $0x1000, s28;
	[sflag:s24] =	ssyncset.done $0x0  }
0xc1: {  	s29 =	sadd.s32 $0xFFFFF800, s28;
	[sflag:s24] =	ssyncadd.s32 $0xFFFFC000  }
0xc2: {  	[tilespmem:s18], [sflag:$0x1] =	stream.linear.gather [hbm4b:s29+s3], $0x4000, $0x38;
	[tilespmem:$0x1EC00] =	vst v63  }
0xc3: {  	_ = 	snop  }
0xc4: {  	[tilespmem:s19], [sflag:$0x2] =	stream.linear.gather [hbm4b:s28+s3], $0x4000, $0x38;
	[tilespmem:$0x1EC00] =	vst v63  }
0xc5: {  	_ =	swait.ge [sflag:s20], $0x4000  }
0xc6: {  	[sflag:s20] =	ssyncset.done $0x0  }
0xc7: {  	s26 =	sshra.s32 s26, $0x2;
	[sflag:s20] =	ssyncadd.s32 $0xFFFFC000  }
0xc8: {  	[spmem:s2] =	stream.indirect.scatter.add.f32 [tilespmem:s18], [sflag:$0x3], $0x80, s26, s21, $0xb8;
	[tilespmem:$0x1EC00] =	vst v63  }
0xc9: {  	_ =	swait.ge [sflag:s22], $0x4000  }
0xca: {  	[sflag:s22] =	ssyncset.done $0x0  }
0xcb: {  	s26 =	sadd.s32 $0x80, s26;
	[sflag:s22] =	ssyncadd.s32 $0xFFFFC000  }
0xcc: {  	[spmem:s2] =	stream.indirect.scatter.add.f32 [tilespmem:s19], [sflag:$0x4], $0x80, s26, s21, $0xb8;
	[tilespmem:$0x1EC00] =	vst v63  }
0xcd: {  	_ =	swait.ge [sflag:s23], $0x4000  }
0xce: {  	[sflag:s23] =	ssyncset.done $0x0  }
0xcf: {  	[sflag:s23] =	ssyncadd.s32 $0xFFFFC000  }
0xd0: {  	_ =	swait.ge [sflag:s24], $0x4000  }
0xd1: {  	[sflag:s24] =	ssyncset.done $0x0  }
0xd2: {  	s30 =	simm.s32 $0x0;
	[sflag:s24] =	ssyncadd.s32 $0xFFFFC000  }
0xd3: {  	[tilespmem:s30], [sflag:$0x5] =	stream.linear.gather [hbm4b:s10+s30], $0x2900, $0x38;
	[tilespmem:$0x1EC00] =	vst v63  }
0xd4: {  	_ =	swait.ge [sflag:s17], $0x2900  }
0xd5: {  	[sflag:s17] =	ssyncset.done $0x0  }
0xd6: {  	s31 =	sadd.s32 $0xFFFFF800, s13;
	[sflag:s17] =	ssyncadd.s32 $0xFFFFD700  }
0xd7: {  	[tilespmem:s18], [sflag:$0x1] =	stream.linear.gather [hbm4b:s31+s3], $0x4000, $0x38;
	[tilespmem:$0x1EC00] =	vst v63  }
0xd8: {  	_ = 	snop  }
0xd9: {  	[tilespmem:s19], [sflag:$0x2] =	stream.linear.gather [hbm4b:s13+s3], $0x4000, $0x38;
	[tilespmem:$0x1EC00] =	vst v63  }
0xda: {  	_ =	swait.ge [sflag:s20], $0x4000  }
0xdb: {  	[sflag:s20] =	ssyncset.done $0x0  }
0xdc: {  	s30 =	simm.s32 $0x0;
	[sflag:s20] =	ssyncadd.s32 $0xFFFFC000  }
0xdd: {  	[spmem:s2] =	stream.indirect.scatter.add.f32 [tilespmem:s18], [sflag:$0x3], $0x80, s30, s21, $0xb8;
	[tilespmem:$0x1EC00] =	vst v63  }
0xde: {  	_ =	swait.ge [sflag:s22], $0x4000  }
0xdf: {  	[sflag:s22] =	ssyncset.done $0x0  }
0xe0: {  	s31 =	simm.s32 $0x80;
	[sflag:s22] =	ssyncadd.s32 $0xFFFFC000  }
0xe1: {  	[spmem:s2] =	stream.indirect.scatter.add.f32 [tilespmem:s19], [sflag:$0x4], $0x80, s31, s21, $0xb8;
	[tilespmem:$0x1EC00] =	vst v63  }
0xe2: {  	_ =	swait.ge [sflag:s23], $0x4000  }
0xe3: {  	[sflag:s23] =	ssyncset.done $0x0  }
0xe4: {  	[sflag:s23] =	ssyncadd.s32 $0xFFFFC000  }
0xe5: {  	s29 =	simm.s32 $0x800;
	_ =	swait.ge [sflag:s24], $0x4000  }
0xe6: {  	s28 =	sadd.s32 $0x1000, s13;
	s26 =	simm.s32 $0x400;
	[sflag:s24] =	ssyncset.done $0x0  }
.LBB2_10:
0xe7: {  	p1 =	sne.s32 s29, $0xA000;
	s30 =	sadd.s32 $0xFFFFF800, s28;
	[sflag:s24] =	ssyncadd.s32 $0xFFFFC000  }
0xe8: {  	[tilespmem:s18], [sflag:$0x1] =	stream.linear.gather [hbm4b:s30+s3], $0x4000, $0x38;
	[tilespmem:$0x1EC00] =	vst v63  }
0xe9: {  	s30 =	smov.u32 s29;
	s29 =	sadd.s32 $0x400, s29  }
0xea: {  	[tilespmem:s19], [sflag:$0x2] =	stream.linear.gather [hbm4b:s28+s3], $0x4000, $0x38;
	[tilespmem:$0x1EC00] =	vst v63  }
0xeb: {  	_ =	swait.ge [sflag:s20], $0x4000  }
0xec: {  	[sflag:s20] =	ssyncset.done $0x0  }
0xed: {  	s31 =	sshra.s32 s26, $0x2;
	s26 =	smov.u32 s30;
	[sflag:s20] =	ssyncadd.s32 $0xFFFFC000  }
0xee: {  	[spmem:s2] =	stream.indirect.scatter.add.f32 [tilespmem:s18], [sflag:$0x3], $0x80, s31, s21, $0xb8;
	[tilespmem:$0x1EC00] =	vst v63  }
0xef: {  	_ =	swait.ge [sflag:s22], $0x4000  }
0xf0: {  	[sflag:s22] =	ssyncset.done $0x0  }
0xf1: {  	s30 =	sadd.s32 $0x80, s31;
	[sflag:s22] =	ssyncadd.s32 $0xFFFFC000  }
0xf2: {  	[spmem:s2] =	stream.indirect.scatter.add.f32 [tilespmem:s19], [sflag:$0x4], $0x80, s30, s21, $0xb8;
	[tilespmem:$0x1EC00] =	vst v63  }
.Ltmp7:
0xf3: {  	_ =	swait.ge [sflag:s23], $0x4000;
	(pc) =	sbr.rel @p1 .LBB2_10-.Ltmp7, $4  }
0xf4: {  	[sflag:s23] =	ssyncset.done $0x0  }
0xf5: {  	[sflag:s23] =	ssyncadd.s32 $0xFFFFC000  }
0xf6: {  	_ =	swait.ge [sflag:s24], $0x4000  }
0xf7: {  	s28 =	sadd.s32 $0x1000, s28;
	[sflag:s24] =	ssyncset.done $0x0  }
.Ltmp8:
0xf8: {  	_ = 	snop;
	(pc) =	sbr.rel .LBB2_11-.Ltmp8, $1  }
0xf9: {  	_ =	sdelay $0x3  }
.LBB2_13:
0xfa: {  	_ =	sfence.sel $0x180000  }
0xfb: {  	[bflag:$0x0] =	sbarrier.arrive $0xFFFF  }
0xfc: {  	p0 =	sne.s32 s1, $0x0;
	_ =	strace $0x9000004A  }
0xfd: {  	s0 =	sadd.s32 @!p0 $0x100000, s0;
	[bflag:$0x2] =	sbarrier.arrive $0xFFFF  }
0xfe: {  	[sflag:s0] =	ssyncadd.tile.s32 @!p0 $0x1;
	_ =	shalt  }
.Lfunc_end2:
_tile_overlayer_lowered:
.L_overlay_start_2:
0xff: {  	(tag) =	ssettag $0x2  }
0x100: {  	s0 =	rddreg [dreg:$0x0];
	s2 =	stileid.u32  }
0x101: {  	s1 =	rddreg [dreg:$0x1];
	p0 =	sne.s32 s2, $0x0  }
0x102: {  	s3 =	rddreg [dreg:$0x2];
	[bflag:$0x3] =	sbarrier.arrive $0xFFFF;
	s2 =	simm.s32 @!p0 $0x1C05  }
0x103: {  	[timem:s3], [sflag:s2] =	dma.local @!p0 [hbm:s0], s1  }
0x104: {  	s0 =	simm.s32 @!p0 $0x5  }
0x105: {  	_ =	swait.ge @!p0 [sflag:s0], s1  }
0x106: {  	s1 =	ssub.s32 @!p0 $0x0, s1;
	[sflag:s0] =	ssyncset.done @!p0 $0x0  }
0x107: {  	[sflag:s0] =	ssyncadd.s32 @!p0 s1  }
0x108: {  	[bflag:$0x3] =	sbarrier.arrive $0xFFFF  }
0x109: {  	_ =	shalt  }

// kernel: kernel.21.cloned.1.call-start
scs
__scs_entry_jumppad:
0x0: {  	(pc) =	sbr.rel $0x88, $3  }
0x1: {  	(tag) =	ssettag $0x0;
	lr =	simm.s32 $0x1  }
0x2: {  	[smem:$0x3F93] =	sst lr;
	_ =	strace $0xD0000000  }
0x3: {  	_ = 	snop  }
0x4: {  	_ = 	snop  }
0x5: {  	_ = 	snop  }
0x6: {  	_ = 	snop  }
0x7: {  	_ = 	snop  }
__scs_overlays_trampoline_lowered:
0x8: {  	[smem:$0x3FA2] =	sst s0  }
0x9: {  	[smem:$0x3FA3] =	sst s1  }
0xa: {  	[smem:$0x3FA4] =	sst s2  }
0xb: {  	[smem:$0x3FA5] =	sst s3  }
0xc: {  	[smem:$0x3FA6] =	sst s4  }
0xd: {  	[smem:$0x3FA7] =	sst s5  }
0xe: {  	[smem:$0x3FA8] =	sst s6  }
0xf: {  	[smem:$0x3FA9] =	sst s7  }
0x10: {  	[smem:$0x3FAA] =	sst s8  }
0x11: {  	[smem:$0x3FAB] =	sst s9;
	s0 =	simm.s32 @!p0 $0x0  }
0x12: {  	s1 =	sld [smem:$0x3F91];
	s0 =	simm.s32 @p0 $0x1  }
0x13: {  	[smem:$0x3FAC] =	sst s0;
	s0 =	simm.s32 @!p1 $0x0  }
0x14: {  	s2 =	sld [smem:$0x3F90];
	s0 =	simm.s32 @p1 $0x1  }
0x15: {  	[smem:$0x3FAD] =	sst s0;
	s0 =	simm.s32 @!p2 $0x0  }
0x16: {  	s3 =	sld [smem:$0x3FDB];
	s0 =	simm.s32 @p2 $0x1  }
0x17: {  	s4 =	simm.s32 $0x1BF5;
	[smem:$0x3FAF] =	sst s0  }
0x18: {  	s0 =	sld [smem:$0x3F92];
	_ =	swait.ge [sflag:s4], $0x0  }
0x19: {  	s7 =	sld [smem:$0x3F93]  }
0x1a: {  	s8 =	sadd.s32 $0xFFFFE003, lr  }
0x1b: {  	s9 =	sadd.s32 $0xFFFFFEF7, lr;
	s5 =	simm.s32 $0xFFFFFFFF;
	p2 =	slt.u32 s8, $0xFFFFF086  }
0x1c: {  	p1 =	slt.u32 s9, $0xF7A;
	s5 =	simm.s32 @!p2 $0x0  }
0x1d: {  	s5 =	simm.s32 @p1 $0x1;
	p0 =	seq.s32 s7, s2  }
0x1e: {  	s7 =	smul.u32 @!p0 $0xF7A, s2;
	p2 =	seq.s32 @!p0 s5, $0x0  }
0x1f: {  	s9 =	smul.u32 $0xF7A, s1;
	s8 =	simm.s32 @!p0 $0x1BF5;
	p2 =	por !p2, p0  }
0x20: {  	[sflag:s8] =	ssyncset.s32 @!p0 $0xFFFFF086;
	s6 =	sadd.s32 @!p0 s3, s7;
	s7 =	simm.s32 @!p0 $0x108  }
0x21: {  	s3 =	sadd.s32 s3, s9;
	s6 =	sadd.s32 @!p0 $0x88, s6;
	s7 =	simm.s32 @p2 $0x1082  }
0x22: {  	[simem:s7], [sflag:s8] =	dma.local @!p0 [hbm:s6], $0xF7A  }
0x23: {  	s9 =	sor.u32 $0xD0000000, s2;
	s6 =	simm.s32 $0x108;
	_ =	swait.ge @!p0 [sflag:s8], $0x0  }
0x24: {  	s3 =	sadd.s32 $0x88, s3;
	s6 =	simm.s32 @!p1 $0x1082;
	[sflag:s4] =	ssyncset.s32 $0xFFFFF086  }
0x25: {  	[simem:s6], [sflag:s4] =	dma.local [hbm:s3], $0xF7A  }
0x26: {  	[smem:$0x3F93] =	sst s1;
	(tag) =	ssettag s2;
	_ =	strace s9  }
0x27: {  	s1 =	sld [smem:$0x3FA3]  }
0x28: {  	s2 =	sld [smem:$0x3FA4]  }
0x29: {  	s4 =	sld [smem:$0x3FA6]  }
0x2a: {  	p0 =	seq.s32 s5, $0x0;
	s5 =	sld [smem:$0x3FA7]  }
0x2b: {  	s6 =	sld [smem:$0x3FA8]  }
0x2c: {  	s7 =	sld [smem:$0x3FA9]  }
0x2d: {  	s3 =	simm.s32 $0x108;
	s8 =	sld [smem:$0x3FAA]  }
0x2e: {  	s3 =	simm.s32 @!p0 $0x1082;
	s9 =	sld [smem:$0x3FAB]  }
0x2f: {  	lr =	sadd.s32 s0, s3;
	s0 =	sld [smem:$0x3FA2]  }
0x30: {  	s3 =	sld [smem:$0x3FA5]  }
0x31: {  	[smem:$0x3FAE] =	sst s10  }
0x32: {  	s10 =	sld [smem:$0x3FAC];
	_ =	sdelay $0x3  }
0x33: {  	p0 =	seq.s32 s10, $0x1;
	s10 =	sld [smem:$0x3FAE];
	_ =	sdelay $0x3  }
0x34: {  	[smem:$0x3FAE] =	sst s10  }
0x35: {  	s10 =	sld [smem:$0x3FAD];
	_ =	sdelay $0x3  }
0x36: {  	p1 =	seq.s32 s10, $0x1;
	s10 =	sld [smem:$0x3FAE];
	_ =	sdelay $0x3  }
0x37: {  	[smem:$0x3FAE] =	sst s10  }
0x38: {  	s10 =	sld [smem:$0x3FAF]  }
0x39: {  	_ = 	snop;
	(pc) =	sbr.ind lr, $3  }
0x3a: {  	_ = 	snop  }
0x3b: {  	_ = 	snop  }
0x3c: {  	p2 =	seq.s32 s10, $0x1;
	s10 =	sld [smem:$0x3FAE]  }
0x3d: {  	_ =	shalt  }
0x3e: {  	_ =	shalt  }
0x3f: {  	_ =	shalt  }
0x40: {  	_ =	shalt  }
0x41: {  	_ =	shalt  }
0x42: {  	_ =	shalt  }
0x43: {  	_ =	shalt  }
0x44: {  	_ =	shalt  }
0x45: {  	_ =	shalt  }
0x46: {  	_ =	shalt  }
0x47: {  	_ =	shalt  }
0x48: {  	_ =	shalt  }
0x49: {  	_ =	shalt  }
0x4a: {  	_ =	shalt  }
0x4b: {  	_ =	shalt  }
0x4c: {  	_ =	shalt  }
0x4d: {  	_ =	shalt  }
0x4e: {  	_ =	shalt  }
0x4f: {  	_ =	shalt  }
0x50: {  	_ =	shalt  }
0x51: {  	_ =	shalt  }
0x52: {  	_ =	shalt  }
0x53: {  	_ =	shalt  }
0x54: {  	_ =	shalt  }
0x55: {  	_ =	shalt  }
0x56: {  	_ =	shalt  }
0x57: {  	_ =	shalt  }
0x58: {  	_ =	shalt  }
0x59: {  	_ =	shalt  }
0x5a: {  	_ =	shalt  }
0x5b: {  	_ =	shalt  }
0x5c: {  	_ =	shalt  }
0x5d: {  	_ =	shalt  }
0x5e: {  	_ =	shalt  }
0x5f: {  	_ =	shalt  }
0x60: {  	_ =	shalt  }
0x61: {  	_ =	shalt  }
0x62: {  	_ =	shalt  }
0x63: {  	_ =	shalt  }
0x64: {  	_ =	shalt  }
0x65: {  	_ =	shalt  }
0x66: {  	_ =	shalt  }
0x67: {  	_ =	shalt  }
0x68: {  	_ =	shalt  }
0x69: {  	_ =	shalt  }
0x6a: {  	_ =	shalt  }
0x6b: {  	_ =	shalt  }
0x6c: {  	_ =	shalt  }
0x6d: {  	_ =	shalt  }
0x6e: {  	_ =	shalt  }
0x6f: {  	_ =	shalt  }
0x70: {  	_ =	shalt  }
0x71: {  	_ =	shalt  }
0x72: {  	_ =	shalt  }
0x73: {  	_ =	shalt  }
0x74: {  	_ =	shalt  }
0x75: {  	_ =	shalt  }
0x76: {  	_ =	shalt  }
0x77: {  	_ =	shalt  }
0x78: {  	_ =	shalt  }
0x79: {  	_ =	shalt  }
0x7a: {  	_ =	shalt  }
0x7b: {  	_ =	shalt  }
0x7c: {  	_ =	shalt  }
0x7d: {  	_ =	shalt  }
0x7e: {  	_ =	shalt  }
0x7f: {  	_ =	shalt  }
0x80: {  	_ =	shalt  }
0x81: {  	_ =	shalt  }
0x82: {  	_ =	shalt  }
0x83: {  	_ =	shalt  }
0x84: {  	_ =	shalt  }
0x85: {  	_ =	shalt  }
0x86: {  	_ =	shalt  }
0x87: {  	_ =	shalt  }
.Lfunc_end0:
.L_simem_size_0:
called_computation.2_lowered:
.L_overlay_start_0:
0x88: {  	s2 =	sld [smem:$0x3FD9]  }
0x89: {  	s3 =	sld [smem:$0x3FFE];
	_ =	sdelay $0x1  }
0x8a: {  	s1 =	srdreg.scid  }
0x8b: {  	s0 =	sand.u32 $0x1, s1  }
0x8c: {  	s17 =	sshll.u32 s0, $0xA;
	s2 =	sadd.s32 s3, s2  }
0x8d: {  	s2 =	sadd.s32 s2, s17  }
0x8e: {  	[smem:$0x3FBA] =	sst s2  }
0x8f: {  	_ = 	snop  }
0x90: {  	s2 =	sld [smem:$0x3FD0];
	(tm) =	ssettm $0x1  }
0x91: {  	s18 =	sld [smem:$0x3FFB];
	_ =	sdelay $0x3  }
0x92: {  	_ =	strace s18  }
0x93: {  	s3 =	sld [smem:$0x3FFC];
	_ =	sdelay $0x3  }
0x94: {  	_ =	strace s3  }
0x95: {  	s3 =	sld [smem:$0x3FFD];
	_ =	sdelay $0x3  }
0x96: {  	_ =	strace s3  }
0x97: {  	_ =	strace $0x8FFFFFFF  }
0x98: {  	s19 =	sld [smem:$0x3FDB];
	_ =	sdelay $0x1  }
0x99: {  	s4 =	simm.s32 $_scs_section_size  }
0x9a: {  	s5 =	simm.s32 $_size__tile_overlayer_lowered;
	s6 =	simm.s32 $_tile_overlayer_lowered  }
0x9b: {  	s22 =	simm.s32 $0x1BFF;
	s21 =	sshll.u32 s6, $0x1;
	s3 =	sadd.s32 s4, s19  }
0x9c: {  	s7 =	simm.s32 $0x0;
	s20 =	sshll.u32 s5, $0x1;
	s5 =	sadd.s32 s21, s3  }
0x9d: {  	[timem:s7], [sflag:s22] =	dma.local [hbm:s5], s20  }
0x9e: {  	_ =	swait.ge [sflag:s22], s20  }
0x9f: {  	s4 =	ssub.s32 $0x0, s20;
	[sflag:s22] =	ssyncset.done $0x0  }
0xa0: {  	[sflag:s22] =	ssyncadd.s32 s4;
	_ =	sdelay $0x1  }
0xa1: {  	s23 =	simm.s32 $0x1B8B  }
0xa2: {  	_ =	swait.ge [sflag:s23], $0x1  }
0xa3: {  	[sflag:s23] =	ssyncset.done $0x0  }
0xa4: {  	s25 =	simm.s32 $0x1B8E;
	s24 =	sld [smem:$0x3FFE];
	[sflag:s23] =	ssyncadd.s32 $0xFFFFFFFF  }
0xa5: {  	s26 =	simm.s32 $execute0_lowered;
	[smem:$0x3FD2] =	sst s25  }
0xa6: {  	s5 =	sshll.u32 s26, $0x1;
	_ =	strace $0x8000004C;
	[dreg:$0x1] =	wrdreg $0xFFFFFFFF  }
0xa7: {  	s28 =	simm.s32 $_size_execute0_lowered;
	s3 =	sadd.s32 s3, s5;
	[dreg:$0x0] =	wrdreg $0x0  }
0xa8: {  	s5 =	sshll.u32 s28, $0x1;
	[dreg:$0x2] =	wrdreg s3  }
0xa9: {  	[dreg:$0x3] =	wrdreg s5  }
0xaa: {  	[dreg:$0x4] =	wrdreg $0xC0  }
0xab: {  	_ =	task [dreg:s7], $0x5FFFF  }
0xac: {  	[dreg:$0x1] =	wrdreg $0xFFFFFFFF  }
0xad: {  	[dreg:$0x0] =	wrdreg $0x60  }
0xae: {  	[dreg:$0x2] =	wrdreg s24  }
0xaf: {  	[dreg:$0x3] =	wrdreg s2  }
0xb0: {  	[dreg:$0x4] =	wrdreg $0x9  }
0xb1: {  	_ =	task.clear_ibuf [dreg:s7], $0x5FFFF;
	_ =	strace $0x9000004C  }
0xb2: {  	s29 =	simm.s32 $0x9;
	_ =	strace $0x8000004E  }
0xb3: {  	_ =	swait.ge [sflag:s29], $0x1  }
0xb4: {  	[sflag:s29] =	ssyncadd.s32 $0xFFFFFFFF  }
0xb5: {  	_ =	strace $0x9000004E  }
0xb6: {  	_ =	sfence  }
0xb7: {  	s30 =	sld [smem:$0x0];
	_ =	sdelay $0x2  }
0xb8: {  	s31 =	sshll.u32 s1, $0xD;
	s1 =	sshrl.u32 s1, $0x2  }
0xb9: {  	s3 =	sand.u32 $0x4000, s31;
	s1 =	sadd.s32 s1, s30  }
0xba: {  	s0 =	sor.u32 s3, s0;
	s1 =	sshll.u32 s1, $0x11  }
0xbb: {  	s0 =	sor.u32 s1, s0  }
0xbc: {  	s0 =	sadd.s32 $0x8F2B, s0  }
0xbd: {  	[sflag:s0] =	ssyncadd.remote.s32 $0x1  }
0xbe: {  	_ =	sfence.sel $0xFFFF  }
0xbf: {  	[dreg:$0x0] =	wrdreg $0xFFFFFFFF;
	(pc) =	sbr.abs _section_cstart, $3  }
0xc0: {  	[dreg:$0x1] =	wrdreg $0xFFFFFFFF  }
0xc1: {  	_ =	task.clear_ibuf [dreg:s7], $0x2FFFF;
	_ =	strace $0x9FFFFFFF  }
0xc2: {  	(tm) =	ssettm $0x7FFFFFFF  }
0xc3: {  	_ =	shalt  }
tec
execute0_lowered:
.L_overlay_start_1:
0x0: {  	(tag) =	ssettag $0x1  }
0x1: {  	s0 =	rddreg [dreg:$0x0]  }
0x2: {  	s1 =	srdreg.scid;
	s2 =	stileid.u32  }
0x3: {  	s3 =	simm.s32 $0x0;
	s11 =	simm.s32 $0x7;
	s14 =	simm.s32 $0x80  }
0x4: {  	s15 =	simm.s32 $0x5800;
	s16 =	simm.s32 $0xD800;
	s17 =	simm.s32 $0x9800  }
0x5: {  	s18 =	simm.s32 $0x11800;
	s19 =	simm.s32 $0x1;
	s20 =	simm.s32 $0x3  }
0x6: {  	s21 =	simm.s32 $0x15800;
	s22 =	simm.s32 $0x2;
	s23 =	simm.s32 $0x4  }
0x7: {  	s24 =	simm.s32 $0x19800;
	s25 =	simm.s32 $0x5;
	s26 =	simm.s32 $0x6  }
0x8: {  	s28 =	simm.s32 $0x0;
	s1 =	sand.u32 $0x1, s1;
	s2 =	sshll.u32 s2, $0x1  }
0x9: {  	[smem:$0x7FF] =	sst s3;
	s4 =	sadd.s32 $0x42C00, s0;
	s2 =	sor.u32 s1, s2  }
0xa: {  	s9 =	sadd.s32 $0x6A600, s0;
	s1 =	ssub.s32 $0x2, s1;
	s5 =	smul.u32 $0x580, s2  }
0xb: {  	_ =	strace $0x8000004D;
	s6 =	sshrl.u32 s1, $0x1;
	s8 =	smul.u32 $0x29000, s2  }
0xc: {  	s1 =	ssub.s32 s1, s6;
	s7 =	sadd.s32 s5, s0;
	s5 =	sadd.s32 $0x69E00, s0  }
0xd: {  	s10 =	smax.u32 s1, $0x1;
	s6 =	sadd.s32 $0xFC00, s7;
	s7 =	sadd.s32 $0x4C00, s7  }
.LBB2_1:
0xe: {  	[tilespmem:s3], [sflag:$0x7] =	stream.linear.gather [hbm4b:s6+s3], $0x2900, $0x38;
	[tilespmem:$0x1DC00] =	vst v63  }
0xf: {  	_ =	swait.ge [sflag:s11], $0x2900  }
0x10: {  	[sflag:s11] =	ssyncset.done $0x0  }
0x11: {  	s0 =	simm.s32 $0x2C00;
	[sflag:s11] =	ssyncadd.s32 $0xFFFFD700  }
0x12: {  	[tilespmem:s0], [sflag:$0x7] =	stream.linear.gather [hbm4b:s7+s3], $0x2900, $0x38;
	[tilespmem:$0x1DC00] =	vst v63  }
0x13: {  	_ =	swait.ge [sflag:s11], $0x2900  }
0x14: {  	[sflag:s11] =	ssyncset.done $0x0  }
0x15: {  	[sflag:s11] =	ssyncadd.s32 $0xFFFFD700  }
0x16: {  	s1 =	simm.s32 $0x1D800;
	s31 =	rddreg [dreg:$0x1]  }
0x17: {  	[tilespmem:s1], [sflag:$0x7] =	stream.linear.gather [hbm4b:s31+s3], $0x400, $0x38;
	[tilespmem:$0x1DC00] =	vst v63  }
0x18: {  	_ =	swait.ge [sflag:s11], $0x400  }
0x19: {  	[sflag:s11] =	ssyncset.done $0x0  }
0x1a: {  	[sflag:s11] =	ssyncadd.s32 $0xFFFFFC00  }
0x1b: {  	v1 =	vld [tilespmem:$0x1D880];
	_ =	sdelay $0x1  }
0x1c: {  	v2 =	vld [tilespmem:$0x1D900]  }
0x1d: {  	v0 =	vld [tilespmem:$0x1D800]  }
0x1e: {  	s29 =	simm.s32 $0x0;
	v3 =	vld [tilespmem:$0x1D980]  }
.LBB2_2:
0x1f: {  	s0 =	sshll.u32 s29, $0x8  }
0x20: {  	[tilespmem:s15], [sflag:$0x1] =	stream.indirect.gather [hbm4b:s4+s14], $0x80, s0, s14, $0xb8;
	[tilespmem:$0x1DC00] =	vst v63  }
0x21: {  	s1 =	sadd.s32 $0x2C00, s0  }
0x22: {  	[tilespmem:s16], [sflag:$0x3] =	stream.indirect.gather [hbm4b:s4+s14], $0x80, s1, s14, $0xb8;
	[tilespmem:$0x1DC00] =	vst v63  }
0x23: {  	s13 =	sor.u32 $0x80, s0  }
0x24: {  	[tilespmem:s17], [sflag:$0x2] =	stream.indirect.gather [hbm4b:s4+s14], $0x80, s13, s14, $0xb8;
	[tilespmem:$0x1DC00] =	vst v63  }
0x25: {  	s0 =	sadd.s32 $0x2C80, s0  }
0x26: {  	[tilespmem:s18], [sflag:$0x4] =	stream.indirect.gather [hbm4b:s4+s14], $0x80, s0, s14, $0xb8;
	[tilespmem:$0x1DC00] =	vst v63  }
0x27: {  	_ =	swait.ge [sflag:s19], $0x4000  }
0x28: {  	[sflag:s19] =	ssyncset.done $0x0  }
0x29: {  	[sflag:s19] =	ssyncadd.s32 $0xFFFFC000  }
0x2a: {  	_ =	swait.ge [sflag:s20], $0x4000  }
0x2b: {  	[sflag:s20] =	ssyncset.done $0x0  }
0x2c: {  	s30 =	simm.s32 $0x0;
	[sflag:s20] =	ssyncadd.s32 $0xFFFFC000  }
0x2d: {  	v13 =	vld [tilespmem:s30+$0x5800]  }
0x2e: {  	v5 =	vld [tilespmem:s30+$0xD840]  }
0x2f: {  	v6 =	vld [tilespmem:s30+$0x5810]  }
0x30: {  	v7 =	vld [tilespmem:s30+$0xD850]  }
0x31: {  	v4 =	vld [tilespmem:s30+$0x5820]  }
0x32: {  	v8 =	vld [tilespmem:s30+$0xD860]  }
0x33: {  	v19 =	vld [tilespmem:s30+$0x5830];
	v5 =	vadd.f32 v5, v13  }
0x34: {  	v9 =	vld [tilespmem:s30+$0xD870]  }
0x35: {  	v7 =	vadd.f32 v7, v6;
	v10 =	vmul.f32 $2.000000030e-01, v5  }
0x36: {  	vm0 =	vgt.f32 v5, $0.0e+00  }
0x37: {  	v8 =	vadd.f32 v8, v4;
	v11 =	vmul.f32 $2.000000030e-01, v7;
	v5 =	vsel vm0, v5, v10  }
0x38: {  	vm15 =	vgt.f32 v7, $0.0e+00;
	v10 =	vmul.f32 v5, v0  }
0x39: {  	s31 =	simm.s32 $0x80;
	v9 =	vadd.f32 v9, v19;
	v7 =	vsel vm15, v7, v11;
	v11 =	vmul.f32 $2.000000030e-01, v8  }
0x3a: {  	v14 =	vld [tilespmem:s31+$0xD840];
	vm4 =	vgt.f32 v8, $0.0e+00;
	v12 =	vmul.f32 v7, v1;
	v10 =	vadd.f32 $0.0e+00, v10  }
0x3b: {  	v5 =	vld [tilespmem:s31+$0x5800];
	v8 =	vsel vm4, v8, v11;
	v11 =	vmul.f32 $2.000000030e-01, v9  }
0x3c: {  	v15 =	vld [tilespmem:s31+$0xD850];
	vm5 =	vgt.f32 v9, $0.0e+00;
	v10 =	vadd.f32 v12, v10;
	v12 =	vmul.f32 v8, v2  }
0x3d: {  	v7 =	vld [tilespmem:s31+$0x5810];
	v9 =	vsel vm5, v9, v11  }
0x3e: {  	v8 =	vld [tilespmem:s31+$0x5820];
	v9 =	vmul.f32 v9, v3;
	v11 =	vadd.f32 v12, v10  }
0x3f: {  	v12 =	vld [tilespmem:s31+$0xD860]  }
0x40: {  	v14 =	vadd.f32 v14, v5;
	v10 =	vld [tilespmem:s31+$0x5830];
	v9 =	vadd.f32 v9, v11  }
0x41: {  	v11 =	vld [tilespmem:s31+$0xD870]  }
0x42: {  	v15 =	vadd.f32 v15, v7;
	v16 =	vmul.f32 $2.000000030e-01, v14;
	(xrf2) =	vadd.scan.msk.f32 $0xffff, v9  }
0x43: {  	vm6 =	vgt.f32 v14, $0.0e+00  }
0x44: {  	v17 =	vmul.f32 $2.000000030e-01, v15;
	v9 =	vsel vm6, v14, v16;
	v12 =	vadd.f32 v12, v8  }
0x45: {  	s1 =	simm.s32 $0x100;
	vm7 =	vgt.f32 v15, $0.0e+00;
	v14 =	vmul.f32 v9, v0  }
0x46: {  	v18 =	vld [tilespmem:s1+$0xD840];
	v15 =	vsel vm7, v15, v17;
	v16 =	vadd.f32 v11, v10;
	v17 =	vmul.f32 $2.000000030e-01, v12  }
0x47: {  	v15 =	vmul.f32 v15, v1;
	v11 =	vld [tilespmem:s1+$0x5800];
	v14 =	vadd.f32 $0.0e+00, v14;
	vm8 =	vgt.f32 v12, $0.0e+00  }
0x48: {  	v20 =	vld [tilespmem:s1+$0xD850];
	v12 =	vsel vm8, v12, v17;
	v17 =	vmul.f32 $2.000000030e-01, v16  }
0x49: {  	v9 =	vld [tilespmem:s1+$0x5810];
	v14 =	vadd.f32 v15, v14;
	vm9 =	vgt.f32 v16, $0.0e+00;
	v15 =	vmul.f32 v12, v2  }
0x4a: {  	v12 =	vld [tilespmem:s1+$0x5820];
	v16 =	vsel vm9, v16, v17  }
0x4b: {  	v17 =	vld [tilespmem:s1+$0xD860];
	v14 =	vadd.f32 v15, v14;
	v16 =	vmul.f32 v16, v3  }
0x4c: {  	v15 =	vld [tilespmem:s1+$0x5830];
	v18 =	vadd.f32 v18, v11;
	v21, _, _ =	vpop (xrf2)  }
0x4d: {  	v14 =	vadd.f32 v16, v14;
	v16 =	vmul.f32 $1.442695020e+00, v21;
	v21 =	vld [tilespmem:s1+$0xD870]  }
0x4e: {  	v20 =	vadd.f32 v20, v9;
	v22 =	vmul.f32 $2.000000030e-01, v18  }
0x4f: {  	s0 =	simm.s32 $0x180;
	vm10 =	vgt.f32 v18, $0.0e+00;
	(xrf2) =	vadd.scan.msk.f32 $0xffff, v14;
	v16 =	vbroadcast v16, $0xF  }
0x50: {  	v25 =	vld [tilespmem:s0+$0xD850];
	v23 =	vmul.f32 $2.000000030e-01, v20;
	v24 =	vadd.f32 v17, v12;
	v17 =	vsel vm10, v18, v22  }
0x51: {  	vm11 =	vgt.f32 v20, $0.0e+00;
	v14 =	vld [tilespmem:s0+$0x5810];
	(erf) = vpow2.f32 v16;
	v16 =	vmul.f32 v17, v0  }
0x52: {  	v18 =	vsel vm11, v20, v23;
	v22 =	vld [tilespmem:s0+$0xD840];
	v20 =	vmul.f32 $2.000000030e-01, v24;
	v21 =	vadd.f32 v21, v15  }
0x53: {  	v23 =	vmul.f32 v18, v1;
	vm12 =	vgt.f32 v24, $0.0e+00;
	v17 =	vld [tilespmem:s0+$0x5800];
	v16 =	vadd.f32 $0.0e+00, v16  }
0x54: {  	v20 =	vsel vm12, v24, v20;
	v24 =	vmul.f32 $2.000000030e-01, v21  }
0x55: {  	v26 =	vld [tilespmem:s0+$0xD860];
	v20 =	vmul.f32 v20, v2;
	vm13 =	vgt.f32 v21, $0.0e+00;
	v23 =	vadd.f32 v23, v16  }
0x56: {  	v18 =	vld [tilespmem:s0+$0x5820];
	v21 =	vsel vm13, v21, v24  }
0x57: {  	v25 =	vadd.f32 v25, v14;
	v20 =	vadd.f32 v20, v23;
	v21 =	vmul.f32 v21, v3  }
0x58: {  	v27 =	vld [tilespmem:s0+$0xD870];
	v23 =	vadd.f32 v22, v17  }
0x59: {  	v16 =	vld [tilespmem:s0+$0x5830];
	v29 =	vmul.f32 $2.000000030e-01, v25;
	v22, _, _ =	vpop (xrf2);
	v20 =	vadd.f32 v21, v20  }
0x5a: {  	v24 =	vmul.f32 $2.000000030e-01, v23;
	v28 =	vmul.f32 $1.442695020e+00, v22  }
0x5b: {  	vm15 =	vgt.f32 v25, $0.0e+00;
	vm14 =	vgt.f32 v23, $0.0e+00;
	v22 =	vadd.f32 v26, v18;
	v21 =	vpop (erf);
	(xrf2) =	vadd.scan.msk.f32 $0xffff, v20  }
0x5c: {  	s2 =	simm.s32 $0x200;
	v23 =	vsel vm14, v23, v24;
	v28 =	vbroadcast v28, $0xF;
	[tilespmem:s30+$0x15840] =	vst v21;
	v30 =	vmul.f32 v21, v19  }
0x5d: {  	v26 =	vsel vm15, v25, v29;
	v24 =	vmul.f32 v23, v0;
	v19 =	vld [tilespmem:s2+$0x5810]  }
0x5e: {  	s12 =	simm.s32 $0xA00;
	v25 =	vmul.f32 $2.000000030e-01, v22;
	v23 =	vadd.f32 v27, v16;
	v20 =	vld [tilespmem:s2+$0x5800];
	(erf) = vpow2.f32 v28;
	[tilespmem:s30+$0x15830] =	vst v30  }
.LBB2_3:
0x5f: {  	p0 =	sne.s32 s12, $0xFE00;
	v27 =	vld [tilespmem:s2+$0xD840];
	v24 =	vadd.f32 $0.0e+00, v24;
	v26 =	vmul.f32 v26, v1;
	vm0 =	vgt.f32 v22, $0.0e+00  }
0x60: {  	v29 =	vmul.f32 v21, v13;
	v13 =	vmovc v5;
	v5 =	vmovc v11;
	v28 =	vld [tilespmem:s2+$0xD850];
	v22 =	vsel vm0, v22, v25;
	v25 =	vmul.f32 $2.000000030e-01, v23  }
0x61: {  	v11 =	vmovc v17;
	vm0 =	vgt.f32 v23, $0.0e+00;
	v30 =	vld [tilespmem:s2+$0x5820];
	v24 =	vadd.f32 v26, v24;
	v22 =	vmul.f32 v22, v2  }
0x62: {  	v26 =	vld [tilespmem:s2+$0xD860];
	v17 =	vsel vm0, v23, v25;
	[tilespmem:s30+$0x15800] =	vst v29;
	v29 =	vmul.f32 v21, v6;
	v21 =	vmul.f32 v21, v4  }
0x63: {  	v4 =	vmovc v8;
	v8 =	vmovc v12;
	v12 =	vmov v18;
	v25 =	vld [tilespmem:s2+$0x5830];
	v22 =	vadd.f32 v22, v24;
	v24 =	vmul.f32 v17, v3  }
0x64: {  	v6 =	vmovc v7;
	v7 =	vmovc v9;
	v9 =	vmov v14;
	v14 =	vmov v19;
	v23 =	vadd.f32 v27, v20;
	v27 =	vld [tilespmem:s2+$0xD870];
	[tilespmem:s30+$0x15810] =	vst v29  }
0x65: {  	v28 =	vadd.f32 v28, v14;
	v19 =	vadd.f32 v24, v22;
	v18, _, _ =	vpop (xrf2);
	[tilespmem:s30+$0x15820] =	vst v21;
	v17 =	vmov v20;
	s30 =	smov.u32 s31;
	s31 =	smov.u32 s1;
	s1 =	smov.u32 s0  }
.Ltmp0:
0x66: {  	s0 =	smov.u32 s2;
	v20 =	vmul.f32 $2.000000030e-01, v23;
	v24 =	vmul.f32 $1.442695020e+00, v18;
	v18 =	vmov v30;
	(pc) =	sbr.rel @p0 .LBB2_3-.Ltmp0, $4  }
0x67: {  	vm0 =	vgt.f32 v23, $0.0e+00;
	v29 =	vmul.f32 $2.000000030e-01, v28;
	v22 =	vadd.f32 v26, v18;
	(xrf2) =	vadd.scan.msk.f32 $0xffff, v19;
	v21 =	vpop (erf)  }
0x68: {  	s2 =	sshra.s32 s12, $0x2;
	v20 =	vsel vm0, v23, v20;
	v30 =	vbroadcast v24, $0xF;
	v31 =	vmul.f32 v21, v10;
	[tilespmem:s30+$0x15840] =	vst v21;
	v10 =	vmovc v15  }
0x69: {  	vm0 =	vgt.f32 v28, $0.0e+00;
	v15 =	vmovc v16;
	v16 =	vmovc v25;
	v19 =	vld [tilespmem:s2+$0x5810];
	v24 =	vmul.f32 v20, v0;
	v23 =	vadd.f32 v27, v25  }
0x6a: {  	s12 =	sadd.s32 $0x200, s12;
	v26 =	vsel vm0, v28, v29;
	v25 =	vmul.f32 $2.000000030e-01, v22;
	v20 =	vld [tilespmem:s2+$0x5800];
	(erf) = vpow2.f32 v30;
	[tilespmem:s30+$0x15830] =	vst v31  }
0x6b: {  	v27 =	vld [tilespmem:s2+$0xD840];
	_ =	sdelay $0x1  }
0x6c: {  	v28 =	vld [tilespmem:s2+$0xD850];
	v13 =	vmul.f32 v21, v13  }
0x6d: {  	v29 =	vld [tilespmem:s2+$0x5820]  }
0x6e: {  	v30 =	vld [tilespmem:s2+$0xD860];
	v24 =	vadd.f32 $0.0e+00, v24;
	v26 =	vmul.f32 v26, v1;
	vm0 =	vgt.f32 v22, $0.0e+00;
	[tilespmem:s30+$0x15800] =	vst v13  }
0x6f: {  	v13 =	vsel vm0, v22, v25;
	v22 =	vld [tilespmem:s2+$0x5830];
	v25 =	vadd.f32 v27, v20  }
0x70: {  	v24 =	vadd.f32 v26, v24;
	v13 =	vmul.f32 v13, v2;
	v26 =	vld [tilespmem:s2+$0xD870];
	v27 =	vmul.f32 $2.000000030e-01, v23  }
0x71: {  	vm9 =	vgt.f32 v23, $0.0e+00;
	v28 =	vadd.f32 v28, v19;
	v31 =	vmul.f32 $2.000000030e-01, v25  }
0x72: {  	v13 =	vadd.f32 v13, v24;
	v23 =	vsel vm9, v23, v27;
	vm10 =	vgt.f32 v25, $0.0e+00  }
0x73: {  	v27 =	vadd.f32 v30, v29;
	v24 =	vsel vm10, v25, v31;
	v25 =	vmul.f32 $2.000000030e-01, v28  }
0x74: {  	vm11 =	vgt.f32 v28, $0.0e+00;
	v23 =	vmul.f32 v23, v3;
	v24 =	vmul.f32 v24, v0  }
0x75: {  	v26 =	vadd.f32 v26, v22;
	v60 =	vmul.f32 $2.000000030e-01, v27;
	v25 =	vsel vm11, v28, v25  }
0x76: {  	vm12 =	vgt.f32 v27, $0.0e+00;
	v24 =	vadd.f32 $0.0e+00, v24;
	v25 =	vmul.f32 v25, v1  }
0x77: {  	v13 =	vadd.f32 v23, v13;
	v23 =	vsel vm12, v27, v60;
	v27 =	vmul.f32 $2.000000030e-01, v26  }
0x78: {  	vm13 =	vgt.f32 v26, $0.0e+00;
	v23 =	vmul.f32 v23, v2;
	v24 =	vadd.f32 v25, v24  }
0x79: {  	(xrf2) =	vadd.scan.msk.f32 $0xffff, v13;
	v13 =	vsel vm13, v26, v27  }
0x7a: {  	v13 =	vmul.f32 v13, v3;
	v23 =	vadd.f32 v23, v24;
	_ =	sdelay $0x1  }
0x7b: {  	v13 =	vadd.f32 v13, v23;
	_ =	sdelay $0x1  }
0x7c: {  	v23, _, _ =	vpop (xrf2);
	(xrf2) =	vadd.scan.msk.f32 $0xffff, v13  }
0x7d: {  	v13 =	vmul.f32 $1.442695020e+00, v23;
	_ =	sdelay $0x1  }
0x7e: {  	v6 =	vmul.f32 v21, v6;
	v13 =	vbroadcast v13, $0xF;
	_ =	sdelay $0x1  }
0x7f: {  	v23, _, _ =	vpop (xrf2);
	(erf) = vpow2.f32 v13  }
0x80: {  	v4 =	vmul.f32 v21, v4;
	v13 =	vmul.f32 $1.442695020e+00, v23  }
0x81: {  	[tilespmem:s30+$0x15810] =	vst v6;
	v6 =	vpop (erf)  }
0x82: {  	[tilespmem:s30+$0x15820] =	vst v4;
	v4 =	vmul.f32 v6, v10;
	v13 =	vbroadcast v13, $0xF;
	_ =	sdelay $0x1  }
0x83: {  	[tilespmem:s31+$0x15830] =	vst v4;
	v4 =	vmul.f32 v6, v7;
	(erf) = vpow2.f32 v13;
	v10, _, _ =	vpop (xrf2)  }
0x84: {  	v5 =	vmul.f32 v6, v5;
	v10 =	vmul.f32 $1.442695020e+00, v10  }
0x85: {  	[tilespmem:s31+$0x15840] =	vst v6  }
0x86: {  	[tilespmem:s31+$0x15800] =	vst v5;
	v5 =	vmul.f32 v6, v8;
	v6 =	vbroadcast v10, $0xF  }
0x87: {  	[tilespmem:s31+$0x15810] =	vst v4;
	v4 =	vpop (erf)  }
0x88: {  	(erf) = vpow2.f32 v6;
	v6 =	vmul.f32 v4, v11  }
0x89: {  	[tilespmem:s31+$0x15820] =	vst v5;
	v5 =	vmul.f32 v4, v15  }
0x8a: {  	[tilespmem:s1+$0x15840] =	vst v4  }
0x8b: {  	[tilespmem:s1+$0x15830] =	vst v5;
	v5 =	vmul.f32 v4, v9;
	v4 =	vmul.f32 v4, v12  }
0x8c: {  	[tilespmem:s1+$0x15800] =	vst v6;
	v6 =	vpop (erf)  }
0x8d: {  	[tilespmem:s1+$0x15820] =	vst v4;
	v4 =	vmul.f32 v6, v16  }
0x8e: {  	[tilespmem:s1+$0x15810] =	vst v5  }
0x8f: {  	[tilespmem:s0+$0x15830] =	vst v4;
	v4 =	vmul.f32 v6, v14  }
0x90: {  	v5 =	vmul.f32 v6, v17  }
0x91: {  	[tilespmem:s0+$0x15840] =	vst v6  }
0x92: {  	[tilespmem:s0+$0x15800] =	vst v5;
	v5 =	vmul.f32 v6, v18  }
0x93: {  	[tilespmem:s0+$0x15810] =	vst v4;
	v4 =	vpop (erf)  }
0x94: {  	[tilespmem:s0+$0x15820] =	vst v5;
	v5 =	vmul.f32 v4, v22  }
0x95: {  	[tilespmem:s2+$0x15840] =	vst v4;
	v6 =	vmul.f32 v4, v20  }
0x96: {  	[tilespmem:s2+$0x15830] =	vst v5;
	v5 =	vmul.f32 v4, v19  }
0x97: {  	s12 =	sshll.u32 s29, $0xC;
	[tilespmem:s2+$0x15800] =	vst v6;
	v4 =	vmul.f32 v4, v29  }
0x98: {  	s30 =	sadd.s32 s8, s12;
	[tilespmem:s2+$0x15810] =	vst v5  }
0x99: {  	s13 =	simm.s32 $0x0;
	s0 =	sadd.s32 s5, s30;
	[tilespmem:s2+$0x15820] =	vst v4  }
0x9a: {  	[hbm4b:s0+s13] =	stream.linear.scatter [tilespmem:s21], [sflag:$0x5], $0x4000, $0x38;
	[tilespmem:$0x1DC00] =	vst v63  }
0x9b: {  	_ =	swait.ge [sflag:s22], $0x4000  }
0x9c: {  	[sflag:s22] =	ssyncset.done $0x0  }
0x9d: {  	[sflag:s22] =	ssyncadd.s32 $0xFFFFC000  }
0x9e: {  	_ =	swait.ge [sflag:s23], $0x4000  }
0x9f: {  	[sflag:s23] =	ssyncset.done $0x0  }
0xa0: {  	s31 =	simm.s32 $0x0;
	[sflag:s23] =	ssyncadd.s32 $0xFFFFC000  }
0xa1: {  	v13 =	vld [tilespmem:s31+$0x9800]  }
0xa2: {  	v5 =	vld [tilespmem:s31+$0x11840]  }
0xa3: {  	v6 =	vld [tilespmem:s31+$0x9810]  }
0xa4: {  	v7 =	vld [tilespmem:s31+$0x11850]  }
0xa5: {  	v4 =	vld [tilespmem:s31+$0x9820]  }
0xa6: {  	v8 =	vld [tilespmem:s31+$0x11860]  }
0xa7: {  	v19 =	vld [tilespmem:s31+$0x9830];
	v5 =	vadd.f32 v5, v13  }
0xa8: {  	v9 =	vld [tilespmem:s31+$0x11870]  }
0xa9: {  	v7 =	vadd.f32 v7, v6;
	v10 =	vmul.f32 $2.000000030e-01, v5  }
0xaa: {  	vm14 =	vgt.f32 v5, $0.0e+00  }
0xab: {  	v8 =	vadd.f32 v8, v4;
	v11 =	vmul.f32 $2.000000030e-01, v7;
	v5 =	vsel vm14, v5, v10  }
0xac: {  	vm15 =	vgt.f32 v7, $0.0e+00;
	v10 =	vmul.f32 v5, v0  }
0xad: {  	s1 =	simm.s32 $0x80;
	v9 =	vadd.f32 v9, v19;
	v7 =	vsel vm15, v7, v11;
	v11 =	vmul.f32 $2.000000030e-01, v8  }
0xae: {  	v14 =	vld [tilespmem:s1+$0x11840];
	vm4 =	vgt.f32 v8, $0.0e+00;
	v12 =	vmul.f32 v7, v1;
	v10 =	vadd.f32 $0.0e+00, v10  }
0xaf: {  	v5 =	vld [tilespmem:s1+$0x9800];
	v8 =	vsel vm4, v8, v11;
	v11 =	vmul.f32 $2.000000030e-01, v9  }
0xb0: {  	v15 =	vld [tilespmem:s1+$0x11850];
	vm5 =	vgt.f32 v9, $0.0e+00;
	v10 =	vadd.f32 v12, v10;
	v12 =	vmul.f32 v8, v2  }
0xb1: {  	v7 =	vld [tilespmem:s1+$0x9810];
	v9 =	vsel vm5, v9, v11  }
0xb2: {  	v8 =	vld [tilespmem:s1+$0x9820];
	v9 =	vmul.f32 v9, v3;
	v11 =	vadd.f32 v12, v10  }
0xb3: {  	v12 =	vld [tilespmem:s1+$0x11860]  }
0xb4: {  	v14 =	vadd.f32 v14, v5;
	v10 =	vld [tilespmem:s1+$0x9830];
	v9 =	vadd.f32 v9, v11  }
0xb5: {  	v11 =	vld [tilespmem:s1+$0x11870]  }
0xb6: {  	v15 =	vadd.f32 v15, v7;
	v16 =	vmul.f32 $2.000000030e-01, v14;
	(xrf2) =	vadd.scan.msk.f32 $0xffff, v9  }
0xb7: {  	vm6 =	vgt.f32 v14, $0.0e+00  }
0xb8: {  	v17 =	vmul.f32 $2.000000030e-01, v15;
	v9 =	vsel vm6, v14, v16;
	v12 =	vadd.f32 v12, v8  }
0xb9: {  	s0 =	simm.s32 $0x100;
	vm7 =	vgt.f32 v15, $0.0e+00;
	v14 =	vmul.f32 v9, v0  }
0xba: {  	v18 =	vld [tilespmem:s0+$0x11840];
	v15 =	vsel vm7, v15, v17;
	v16 =	vadd.f32 v11, v10;
	v17 =	vmul.f32 $2.000000030e-01, v12  }
0xbb: {  	v15 =	vmul.f32 v15, v1;
	v11 =	vld [tilespmem:s0+$0x9800];
	v14 =	vadd.f32 $0.0e+00, v14;
	vm8 =	vgt.f32 v12, $0.0e+00  }
0xbc: {  	v20 =	vld [tilespmem:s0+$0x11850];
	v12 =	vsel vm8, v12, v17;
	v17 =	vmul.f32 $2.000000030e-01, v16  }
0xbd: {  	v9 =	vld [tilespmem:s0+$0x9810];
	v14 =	vadd.f32 v15, v14;
	vm9 =	vgt.f32 v16, $0.0e+00;
	v15 =	vmul.f32 v12, v2  }
0xbe: {  	v12 =	vld [tilespmem:s0+$0x9820];
	v16 =	vsel vm9, v16, v17  }
0xbf: {  	v17 =	vld [tilespmem:s0+$0x11860];
	v14 =	vadd.f32 v15, v14;
	v16 =	vmul.f32 v16, v3  }
0xc0: {  	v15 =	vld [tilespmem:s0+$0x9830];
	v18 =	vadd.f32 v18, v11;
	v21, _, _ =	vpop (xrf2)  }
0xc1: {  	v14 =	vadd.f32 v16, v14;
	v16 =	vmul.f32 $1.442695020e+00, v21;
	v21 =	vld [tilespmem:s0+$0x11870]  }
0xc2: {  	v20 =	vadd.f32 v20, v9;
	v22 =	vmul.f32 $2.000000030e-01, v18  }
0xc3: {  	s2 =	simm.s32 $0x180;
	vm10 =	vgt.f32 v18, $0.0e+00;
	(xrf2) =	vadd.scan.msk.f32 $0xffff, v14;
	v16 =	vbroadcast v16, $0xF  }
0xc4: {  	v25 =	vld [tilespmem:s2+$0x11850];
	v23 =	vmul.f32 $2.000000030e-01, v20;
	v24 =	vadd.f32 v17, v12;
	v17 =	vsel vm10, v18, v22  }
0xc5: {  	vm11 =	vgt.f32 v20, $0.0e+00;
	v14 =	vld [tilespmem:s2+$0x9810];
	(erf) = vpow2.f32 v16;
	v16 =	vmul.f32 v17, v0  }
0xc6: {  	v18 =	vsel vm11, v20, v23;
	v22 =	vld [tilespmem:s2+$0x11840];
	v20 =	vmul.f32 $2.000000030e-01, v24;
	v21 =	vadd.f32 v21, v15  }
0xc7: {  	v23 =	vmul.f32 v18, v1;
	vm12 =	vgt.f32 v24, $0.0e+00;
	v17 =	vld [tilespmem:s2+$0x9800];
	v16 =	vadd.f32 $0.0e+00, v16  }
0xc8: {  	v20 =	vsel vm12, v24, v20;
	v24 =	vmul.f32 $2.000000030e-01, v21  }
0xc9: {  	v26 =	vld [tilespmem:s2+$0x11860];
	v20 =	vmul.f32 v20, v2;
	vm13 =	vgt.f32 v21, $0.0e+00;
	v23 =	vadd.f32 v23, v16  }
0xca: {  	v18 =	vld [tilespmem:s2+$0x9820];
	v21 =	vsel vm13, v21, v24  }
0xcb: {  	v25 =	vadd.f32 v25, v14;
	v20 =	vadd.f32 v20, v23;
	v21 =	vmul.f32 v21, v3  }
0xcc: {  	v27 =	vld [tilespmem:s2+$0x11870];
	v23 =	vadd.f32 v22, v17  }
0xcd: {  	v16 =	vld [tilespmem:s2+$0x9830];
	v62 =	vmul.f32 $2.000000030e-01, v25;
	v22, _, _ =	vpop (xrf2);
	v20 =	vadd.f32 v21, v20  }
0xce: {  	v24 =	vmul.f32 $2.000000030e-01, v23;
	v61 =	vmul.f32 $1.442695020e+00, v22  }
0xcf: {  	vm15 =	vgt.f32 v25, $0.0e+00;
	vm14 =	vgt.f32 v23, $0.0e+00;
	v22 =	vadd.f32 v26, v18;
	v21 =	vpop (erf);
	(xrf2) =	vadd.scan.msk.f32 $0xffff, v20  }
0xd0: {  	s12 =	simm.s32 $0x200;
	v23 =	vsel vm14, v23, v24;
	v28 =	vbroadcast v61, $0xF;
	[tilespmem:s31+$0x19840] =	vst v21;
	v63 =	vmul.f32 v21, v19  }
0xd1: {  	v26 =	vsel vm15, v25, v62;
	v24 =	vmul.f32 v23, v0;
	v19 =	vld [tilespmem:s12+$0x9810]  }
0xd2: {  	s13 =	simm.s32 $0xA00;
	v25 =	vmul.f32 $2.000000030e-01, v22;
	v23 =	vadd.f32 v27, v16;
	v20 =	vld [tilespmem:s12+$0x9800];
	(erf) = vpow2.f32 v28;
	[tilespmem:s31+$0x19830] =	vst v63  }
.LBB2_5:
0xd3: {  	p0 =	sne.s32 s13, $0xFE00;
	v27 =	vld [tilespmem:s12+$0x11840];
	v24 =	vadd.f32 $0.0e+00, v24;
	v26 =	vmul.f32 v26, v1;
	vm0 =	vgt.f32 v22, $0.0e+00  }
0xd4: {  	v29 =	vmul.f32 v21, v13;
	v13 =	vmovc v5;
	v5 =	vmovc v11;
	v28 =	vld [tilespmem:s12+$0x11850];
	v22 =	vsel vm0, v22, v25;
	v25 =	vmul.f32 $2.000000030e-01, v23  }
0xd5: {  	v11 =	vmovc v17;
	vm0 =	vgt.f32 v23, $0.0e+00;
	v30 =	vld [tilespmem:s12+$0x9820];
	v24 =	vadd.f32 v26, v24;
	v22 =	vmul.f32 v22, v2  }
0xd6: {  	v26 =	vld [tilespmem:s12+$0x11860];
	v17 =	vsel vm0, v23, v25;
	[tilespmem:s31+$0x19800] =	vst v29;
	v29 =	vmul.f32 v21, v6;
	v21 =	vmul.f32 v21, v4  }
0xd7: {  	v4 =	vmovc v8;
	v8 =	vmovc v12;
	v12 =	vmov v18;
	v25 =	vld [tilespmem:s12+$0x9830];
	v22 =	vadd.f32 v22, v24;
	v24 =	vmul.f32 v17, v3  }
0xd8: {  	v6 =	vmovc v7;
	v7 =	vmovc v9;
	v9 =	vmov v14;
	v14 =	vmov v19;
	v23 =	vadd.f32 v27, v20;
	v27 =	vld [tilespmem:s12+$0x11870];
	[tilespmem:s31+$0x19810] =	vst v29  }
0xd9: {  	v28 =	vadd.f32 v28, v14;
	v19 =	vadd.f32 v24, v22;
	v18, _, _ =	vpop (xrf2);
	[tilespmem:s31+$0x19820] =	vst v21;
	v17 =	vmov v20;
	s31 =	smov.u32 s1;
	s1 =	smov.u32 s0;
	s0 =	smov.u32 s2  }
.Ltmp1:
0xda: {  	s2 =	smov.u32 s12;
	v20 =	vmul.f32 $2.000000030e-01, v23;
	v24 =	vmul.f32 $1.442695020e+00, v18;
	v18 =	vmov v30;
	(pc) =	sbr.rel @p0 .LBB2_5-.Ltmp1, $4  }
0xdb: {  	vm0 =	vgt.f32 v23, $0.0e+00;
	v29 =	vmul.f32 $2.000000030e-01, v28;
	v22 =	vadd.f32 v26, v18;
	(xrf2) =	vadd.scan.msk.f32 $0xffff, v19;
	v21 =	vpop (erf)  }
0xdc: {  	s12 =	sshra.s32 s13, $0x2;
	v20 =	vsel vm0, v23, v20;
	v30 =	vbroadcast v24, $0xF;
	v31 =	vmul.f32 v21, v10;
	[tilespmem:s31+$0x19840] =	vst v21;
	v10 =	vmovc v15  }
0xdd: {  	vm0 =	vgt.f32 v28, $0.0e+00;
	v15 =	vmovc v16;
	v16 =	vmovc v25;
	v19 =	vld [tilespmem:s12+$0x9810];
	v24 =	vmul.f32 v20, v0;
	v23 =	vadd.f32 v27, v25  }
0xde: {  	s13 =	sadd.s32 $0x200, s13;
	v26 =	vsel vm0, v28, v29;
	v25 =	vmul.f32 $2.000000030e-01, v22;
	v20 =	vld [tilespmem:s12+$0x9800];
	(erf) = vpow2.f32 v30;
	[tilespmem:s31+$0x19830] =	vst v31  }
0xdf: {  	v27 =	vld [tilespmem:s12+$0x11840];
	_ =	sdelay $0x1  }
0xe0: {  	v28 =	vld [tilespmem:s12+$0x11850];
	v13 =	vmul.f32 v21, v13  }
0xe1: {  	v29 =	vld [tilespmem:s12+$0x9820]  }
0xe2: {  	v30 =	vld [tilespmem:s12+$0x11860];
	v24 =	vadd.f32 $0.0e+00, v24;
	v26 =	vmul.f32 v26, v1;
	vm0 =	vgt.f32 v22, $0.0e+00;
	[tilespmem:s31+$0x19800] =	vst v13  }
0xe3: {  	v45 =	vmul.f32 $2.000000030e-01, v23;
	v42 =	vsel vm0, v22, v25;
	v43 =	vld [tilespmem:s12+$0x9830];
	v44 =	vadd.f32 v27, v20  }
0xe4: {  	vm11 =	vgt.f32 v23, $0.0e+00;
	v24 =	vadd.f32 v26, v24;
	v13 =	vmul.f32 v42, v2;
	v46 =	vld [tilespmem:s12+$0x11870]  }
0xe5: {  	v23 =	vsel vm11, v23, v45;
	v28 =	vadd.f32 v28, v19;
	v31 =	vmul.f32 $2.000000030e-01, v44  }
0xe6: {  	v23 =	vmul.f32 v23, v3;
	v13 =	vadd.f32 v13, v24;
	vm12 =	vgt.f32 v44, $0.0e+00  }
0xe7: {  	v49 =	vadd.f32 v30, v29;
	v48 =	vmul.f32 $2.000000030e-01, v28;
	v47 =	vsel vm12, v44, v31  }
0xe8: {  	v13 =	vadd.f32 v23, v13;
	vm13 =	vgt.f32 v28, $0.0e+00;
	v24 =	vmul.f32 v47, v0  }
0xe9: {  	v50 =	vmul.f32 $2.000000030e-01, v49;
	v26 =	vadd.f32 v46, v43;
	v25 =	vsel vm13, v28, v48  }
0xea: {  	vm14 =	vgt.f32 v49, $0.0e+00;
	v25 =	vmul.f32 v25, v1;
	v24 =	vadd.f32 $0.0e+00, v24  }
0xeb: {  	(xrf2) =	vadd.scan.msk.f32 $0xffff, v13;
	v51 =	vsel vm14, v49, v50;
	v52 =	vmul.f32 $2.000000030e-01, v26  }
0xec: {  	v23 =	vmul.f32 v51, v2;
	vm15 =	vgt.f32 v26, $0.0e+00;
	v24 =	vadd.f32 v25, v24  }
0xed: {  	v53 =	vsel vm15, v26, v52  }
0xee: {  	v13 =	vmul.f32 v53, v3;
	v23 =	vadd.f32 v23, v24;
	_ =	sdelay $0x1  }
0xef: {  	v13 =	vadd.f32 v13, v23  }
0xf0: {  	v54, _, _ =	vpop (xrf2)  }
0xf1: {  	v55 =	vmul.f32 $1.442695020e+00, v54;
	(xrf2) =	vadd.scan.msk.f32 $0xffff, v13;
	_ =	sdelay $0x1  }
0xf2: {  	v13 =	vbroadcast v55, $0xF  }
0xf3: {  	v56, _, _ =	vpop (xrf2)  }
0xf4: {  	v57 =	vmul.f32 $1.442695020e+00, v56;
	(erf) = vpow2.f32 v13  }
0xf5: {  	v4 =	vmul.f32 v21, v4  }
0xf6: {  	v6 =	vmul.f32 v21, v6;
	v58 =	vpop (erf);
	v13 =	vbroadcast v57, $0xF  }
0xf7: {  	[tilespmem:s31+$0x19820] =	vst v4;
	v4 =	vmul.f32 v58, v10  }
0xf8: {  	[tilespmem:s31+$0x19810] =	vst v6;
	(erf) = vpow2.f32 v13  }
0xf9: {  	[tilespmem:s1+$0x19830] =	vst v4;
	v4 =	vmul.f32 v58, v7  }
0xfa: {  	v5 =	vmul.f32 v58, v5;
	v59, _, _ =	vpop (xrf2)  }
0xfb: {  	[tilespmem:s1+$0x19840] =	vst v58;
	v10 =	vmul.f32 $1.442695020e+00, v59  }
0xfc: {  	[tilespmem:s1+$0x19800] =	vst v5;
	v5 =	vmul.f32 v58, v8  }
0xfd: {  	[tilespmem:s1+$0x19810] =	vst v4;
	v4 =	vpop (erf);
	v60 =	vbroadcast v10, $0xF  }
0xfe: {  	[tilespmem:s1+$0x19820] =	vst v5;
	v5 =	vmul.f32 v4, v15  }
0xff: {  	[tilespmem:s0+$0x19840] =	vst v4;
	v61 =	vmul.f32 v4, v11;
	(erf) = vpow2.f32 v60  }
0x100: {  	[tilespmem:s0+$0x19830] =	vst v5;
	v5 =	vmul.f32 v4, v9;
	v4 =	vmul.f32 v4, v12  }
0x101: {  	v62 =	vpop (erf);
	[tilespmem:s0+$0x19800] =	vst v61  }
0x102: {  	[tilespmem:s0+$0x19820] =	vst v4;
	v4 =	vmul.f32 v62, v16  }
0x103: {  	[tilespmem:s0+$0x19810] =	vst v5  }
0x104: {  	[tilespmem:s2+$0x19830] =	vst v4;
	v4 =	vmul.f32 v62, v14  }
0x105: {  	v5 =	vmul.f32 v62, v17  }
0x106: {  	[tilespmem:s2+$0x19840] =	vst v62  }
0x107: {  	[tilespmem:s2+$0x19800] =	vst v5;
	v5 =	vmul.f32 v62, v18  }
0x108: {  	[tilespmem:s2+$0x19810] =	vst v4;
	v4 =	vpop (erf)  }
0x109: {  	[tilespmem:s2+$0x19820] =	vst v5;
	v5 =	vmul.f32 v4, v43  }
0x10a: {  	[tilespmem:s12+$0x19840] =	vst v4;
	v63 =	vmul.f32 v4, v20  }
0x10b: {  	[tilespmem:s12+$0x19830] =	vst v5;
	v5 =	vmul.f32 v4, v19  }
0x10c: {  	[tilespmem:s12+$0x19800] =	vst v63;
	v4 =	vmul.f32 v4, v29  }
0x10d: {  	[tilespmem:s12+$0x19810] =	vst v5  }
0x10e: {  	s29 =	sadd.s32 $0x1, s29;
	s31 =	sadd.s32 s30, s9;
	[tilespmem:s12+$0x19820] =	vst v4  }
0x10f: {  	[hbm4b:s31+s3] =	stream.linear.scatter [tilespmem:s24], [sflag:$0x6], $0x4000, $0x38;
	[tilespmem:$0x1DC00] =	vst v63  }
0x110: {  	p0 =	sne.s32 s29, $0x29;
	_ =	swait.ge [sflag:s25], $0x4000  }
.Ltmp2:
0x111: {  	[sflag:s25] =	ssyncset.done $0x0;
	(pc) =	sbr.rel @p0 .LBB2_2-.Ltmp2, $4  }
0x112: {  	[sflag:s25] =	ssyncadd.s32 $0xFFFFC000  }
0x113: {  	_ =	swait.ge [sflag:s26], $0x4000  }
0x114: {  	[sflag:s26] =	ssyncset.done $0x0  }
0x115: {  	[sflag:s26] =	ssyncadd.s32 $0xFFFFC000  }
0x116: {  	s28 =	sadd.s32 $0x1, s28  }
0x117: {  	p0 =	sne.s32 s28, s10  }
.Ltmp3:
0x118: {  	_ = 	snop;
	(pc) =	sbr.rel @p0 .LBB2_1-.Ltmp3, $1  }
0x119: {  	_ =	sdelay $0x3  }
0x11a: {  	_ =	sfence.sel $0x180000  }
0x11b: {  	[bflag:$0x0] =	sbarrier.arrive $0xFFFF  }
0x11c: {  	_ =	strace $0x9000004D  }
0x11d: {  	s0 =	stileid.u32;
	[bflag:$0x2] =	sbarrier.arrive $0xFFFF  }
0x11e: {  	p0 =	sne.s32 s0, $0x0;
	s0 =	rddreg [dreg:$0x2]  }
0x11f: {  	s0 =	sadd.s32 @!p0 $0x100000, s0  }
0x120: {  	[sflag:s0] =	ssyncadd.tile.s32 @!p0 $0x1;
	_ =	shalt  }
.Lfunc_end2:
_tile_overlayer_lowered:
.L_overlay_start_2:
0x121: {  	(tag) =	ssettag $0x2  }
0x122: {  	s0 =	rddreg [dreg:$0x0];
	s2 =	stileid.u32  }
0x123: {  	s1 =	rddreg [dreg:$0x1];
	p0 =	sne.s32 s2, $0x0  }
0x124: {  	s3 =	rddreg [dreg:$0x2];
	[bflag:$0x3] =	sbarrier.arrive $0xFFFF;
	s2 =	simm.s32 @!p0 $0x1C07  }
0x125: {  	[timem:s3], [sflag:s2] =	dma.local @!p0 [hbm:s0], s1  }
0x126: {  	s0 =	simm.s32 @!p0 $0x7  }
0x127: {  	_ =	swait.ge @!p0 [sflag:s0], s1  }
0x128: {  	s1 =	ssub.s32 @!p0 $0x0, s1;
	[sflag:s0] =	ssyncset.done @!p0 $0x0  }
0x129: {  	[sflag:s0] =	ssyncadd.s32 @!p0 s1  }
0x12a: {  	[bflag:$0x3] =	sbarrier.arrive $0xFFFF  }
0x12b: {  	_ =	shalt  }

// kernel: kernel.24.cloned.1.call-start
scs
__scs_entry_jumppad:
0x0: {  	(pc) =	sbr.rel $0x88, $3  }
0x1: {  	(tag) =	ssettag $0x0;
	lr =	simm.s32 $0x1  }
0x2: {  	[smem:$0x3F93] =	sst lr;
	_ =	strace $0xD0000000  }
0x3: {  	_ = 	snop  }
0x4: {  	_ = 	snop  }
0x5: {  	_ = 	snop  }
0x6: {  	_ = 	snop  }
0x7: {  	_ = 	snop  }
__scs_overlays_trampoline_lowered:
0x8: {  	[smem:$0x3FA2] =	sst s0  }
0x9: {  	[smem:$0x3FA3] =	sst s1  }
0xa: {  	[smem:$0x3FA4] =	sst s2  }
0xb: {  	[smem:$0x3FA5] =	sst s3  }
0xc: {  	[smem:$0x3FA6] =	sst s4  }
0xd: {  	[smem:$0x3FA7] =	sst s5  }
0xe: {  	[smem:$0x3FA8] =	sst s6  }
0xf: {  	[smem:$0x3FA9] =	sst s7  }
0x10: {  	[smem:$0x3FAA] =	sst s8  }
0x11: {  	[smem:$0x3FAB] =	sst s9;
	s0 =	simm.s32 @!p0 $0x0  }
0x12: {  	s1 =	sld [smem:$0x3F91];
	s0 =	simm.s32 @p0 $0x1  }
0x13: {  	[smem:$0x3FAC] =	sst s0;
	s0 =	simm.s32 @!p1 $0x0  }
0x14: {  	s2 =	sld [smem:$0x3F90];
	s0 =	simm.s32 @p1 $0x1  }
0x15: {  	[smem:$0x3FAD] =	sst s0;
	s0 =	simm.s32 @!p2 $0x0  }
0x16: {  	s3 =	sld [smem:$0x3FDB];
	s0 =	simm.s32 @p2 $0x1  }
0x17: {  	s4 =	simm.s32 $0x1BF5;
	[smem:$0x3FAF] =	sst s0  }
0x18: {  	s0 =	sld [smem:$0x3F92];
	_ =	swait.ge [sflag:s4], $0x0  }
0x19: {  	s7 =	sld [smem:$0x3F93]  }
0x1a: {  	s8 =	sadd.s32 $0xFFFFE003, lr  }
0x1b: {  	s9 =	sadd.s32 $0xFFFFFEF7, lr;
	s5 =	simm.s32 $0xFFFFFFFF;
	p2 =	slt.u32 s8, $0xFFFFF086  }
0x1c: {  	p1 =	slt.u32 s9, $0xF7A;
	s5 =	simm.s32 @!p2 $0x0  }
0x1d: {  	s5 =	simm.s32 @p1 $0x1;
	p0 =	seq.s32 s7, s2  }
0x1e: {  	s7 =	smul.u32 @!p0 $0xF7A, s2;
	p2 =	seq.s32 @!p0 s5, $0x0  }
0x1f: {  	s9 =	smul.u32 $0xF7A, s1;
	s8 =	simm.s32 @!p0 $0x1BF5;
	p2 =	por !p2, p0  }
0x20: {  	[sflag:s8] =	ssyncset.s32 @!p0 $0xFFFFF086;
	s6 =	sadd.s32 @!p0 s3, s7;
	s7 =	simm.s32 @!p0 $0x108  }
0x21: {  	s3 =	sadd.s32 s3, s9;
	s6 =	sadd.s32 @!p0 $0x88, s6;
	s7 =	simm.s32 @p2 $0x1082  }
0x22: {  	[simem:s7], [sflag:s8] =	dma.local @!p0 [hbm:s6], $0xF7A  }
0x23: {  	s9 =	sor.u32 $0xD0000000, s2;
	s6 =	simm.s32 $0x108;
	_ =	swait.ge @!p0 [sflag:s8], $0x0  }
0x24: {  	s3 =	sadd.s32 $0x88, s3;
	s6 =	simm.s32 @!p1 $0x1082;
	[sflag:s4] =	ssyncset.s32 $0xFFFFF086  }
0x25: {  	[simem:s6], [sflag:s4] =	dma.local [hbm:s3], $0xF7A  }
0x26: {  	[smem:$0x3F93] =	sst s1;
	(tag) =	ssettag s2;
	_ =	strace s9  }
0x27: {  	s1 =	sld [smem:$0x3FA3]  }
0x28: {  	s2 =	sld [smem:$0x3FA4]  }
0x29: {  	s4 =	sld [smem:$0x3FA6]  }
0x2a: {  	p0 =	seq.s32 s5, $0x0;
	s5 =	sld [smem:$0x3FA7]  }
0x2b: {  	s6 =	sld [smem:$0x3FA8]  }
0x2c: {  	s7 =	sld [smem:$0x3FA9]  }
0x2d: {  	s3 =	simm.s32 $0x108;
	s8 =	sld [smem:$0x3FAA]  }
0x2e: {  	s3 =	simm.s32 @!p0 $0x1082;
	s9 =	sld [smem:$0x3FAB]  }
0x2f: {  	lr =	sadd.s32 s0, s3;
	s0 =	sld [smem:$0x3FA2]  }
0x30: {  	s3 =	sld [smem:$0x3FA5]  }
0x31: {  	[smem:$0x3FAE] =	sst s10  }
0x32: {  	s10 =	sld [smem:$0x3FAC];
	_ =	sdelay $0x3  }
0x33: {  	p0 =	seq.s32 s10, $0x1;
	s10 =	sld [smem:$0x3FAE];
	_ =	sdelay $0x3  }
0x34: {  	[smem:$0x3FAE] =	sst s10  }
0x35: {  	s10 =	sld [smem:$0x3FAD];
	_ =	sdelay $0x3  }
0x36: {  	p1 =	seq.s32 s10, $0x1;
	s10 =	sld [smem:$0x3FAE];
	_ =	sdelay $0x3  }
0x37: {  	[smem:$0x3FAE] =	sst s10  }
0x38: {  	s10 =	sld [smem:$0x3FAF]  }
0x39: {  	_ = 	snop;
	(pc) =	sbr.ind lr, $3  }
0x3a: {  	_ = 	snop  }
0x3b: {  	_ = 	snop  }
0x3c: {  	p2 =	seq.s32 s10, $0x1;
	s10 =	sld [smem:$0x3FAE]  }
0x3d: {  	_ =	shalt  }
0x3e: {  	_ =	shalt  }
0x3f: {  	_ =	shalt  }
0x40: {  	_ =	shalt  }
0x41: {  	_ =	shalt  }
0x42: {  	_ =	shalt  }
0x43: {  	_ =	shalt  }
0x44: {  	_ =	shalt  }
0x45: {  	_ =	shalt  }
0x46: {  	_ =	shalt  }
0x47: {  	_ =	shalt  }
0x48: {  	_ =	shalt  }
0x49: {  	_ =	shalt  }
0x4a: {  	_ =	shalt  }
0x4b: {  	_ =	shalt  }
0x4c: {  	_ =	shalt  }
0x4d: {  	_ =	shalt  }
0x4e: {  	_ =	shalt  }
0x4f: {  	_ =	shalt  }
0x50: {  	_ =	shalt  }
0x51: {  	_ =	shalt  }
0x52: {  	_ =	shalt  }
0x53: {  	_ =	shalt  }
0x54: {  	_ =	shalt  }
0x55: {  	_ =	shalt  }
0x56: {  	_ =	shalt  }
0x57: {  	_ =	shalt  }
0x58: {  	_ =	shalt  }
0x59: {  	_ =	shalt  }
0x5a: {  	_ =	shalt  }
0x5b: {  	_ =	shalt  }
0x5c: {  	_ =	shalt  }
0x5d: {  	_ =	shalt  }
0x5e: {  	_ =	shalt  }
0x5f: {  	_ =	shalt  }
0x60: {  	_ =	shalt  }
0x61: {  	_ =	shalt  }
0x62: {  	_ =	shalt  }
0x63: {  	_ =	shalt  }
0x64: {  	_ =	shalt  }
0x65: {  	_ =	shalt  }
0x66: {  	_ =	shalt  }
0x67: {  	_ =	shalt  }
0x68: {  	_ =	shalt  }
0x69: {  	_ =	shalt  }
0x6a: {  	_ =	shalt  }
0x6b: {  	_ =	shalt  }
0x6c: {  	_ =	shalt  }
0x6d: {  	_ =	shalt  }
0x6e: {  	_ =	shalt  }
0x6f: {  	_ =	shalt  }
0x70: {  	_ =	shalt  }
0x71: {  	_ =	shalt  }
0x72: {  	_ =	shalt  }
0x73: {  	_ =	shalt  }
0x74: {  	_ =	shalt  }
0x75: {  	_ =	shalt  }
0x76: {  	_ =	shalt  }
0x77: {  	_ =	shalt  }
0x78: {  	_ =	shalt  }
0x79: {  	_ =	shalt  }
0x7a: {  	_ =	shalt  }
0x7b: {  	_ =	shalt  }
0x7c: {  	_ =	shalt  }
0x7d: {  	_ =	shalt  }
0x7e: {  	_ =	shalt  }
0x7f: {  	_ =	shalt  }
0x80: {  	_ =	shalt  }
0x81: {  	_ =	shalt  }
0x82: {  	_ =	shalt  }
0x83: {  	_ =	shalt  }
0x84: {  	_ =	shalt  }
0x85: {  	_ =	shalt  }
0x86: {  	_ =	shalt  }
0x87: {  	_ =	shalt  }
.Lfunc_end0:
.L_simem_size_0:
called_computation.3_lowered:
.L_overlay_start_0:
0x88: {  	s2 =	sld [smem:$0x3FD9]  }
0x89: {  	s3 =	sld [smem:$0x3FFE];
	_ =	sdelay $0x1  }
0x8a: {  	s1 =	srdreg.scid  }
0x8b: {  	s0 =	sand.u32 $0x1, s1  }
0x8c: {  	s16 =	sshll.u32 s0, $0xA;
	s2 =	sadd.s32 s3, s2  }
0x8d: {  	s2 =	sadd.s32 s2, s16  }
0x8e: {  	[smem:$0x3FBA] =	sst s2  }
0x8f: {  	_ = 	snop  }
0x90: {  	(tm) =	ssettm $0x1  }
0x91: {  	s17 =	sld [smem:$0x3FFB];
	_ =	sdelay $0x3  }
0x92: {  	_ =	strace s17  }
0x93: {  	s2 =	sld [smem:$0x3FFC];
	_ =	sdelay $0x3  }
0x94: {  	_ =	strace s2  }
0x95: {  	s2 =	sld [smem:$0x3FFD];
	_ =	sdelay $0x3  }
0x96: {  	_ =	strace s2  }
0x97: {  	_ =	strace $0x8FFFFFFF  }
0x98: {  	s18 =	sld [smem:$0x3FDB];
	_ =	sdelay $0x1  }
0x99: {  	s19 =	simm.s32 $_scs_section_size  }
0x9a: {  	s4 =	simm.s32 $_size__tile_overlayer_lowered;
	s5 =	simm.s32 $_tile_overlayer_lowered  }
0x9b: {  	s22 =	simm.s32 $0x1BFF;
	s21 =	sshll.u32 s5, $0x1;
	s2 =	sadd.s32 s19, s18  }
0x9c: {  	s6 =	simm.s32 $0x0;
	s20 =	sshll.u32 s4, $0x1;
	s4 =	sadd.s32 s21, s2  }
0x9d: {  	[timem:s6], [sflag:s22] =	dma.local [hbm:s4], s20  }
0x9e: {  	_ =	swait.ge [sflag:s22], s20  }
0x9f: {  	s3 =	ssub.s32 $0x0, s20;
	[sflag:s22] =	ssyncset.done $0x0  }
0xa0: {  	[sflag:s22] =	ssyncadd.s32 s3;
	_ =	sdelay $0x1  }
0xa1: {  	s23 =	simm.s32 $0x1B8B  }
0xa2: {  	_ =	swait.ge [sflag:s23], $0x1  }
0xa3: {  	[sflag:s23] =	ssyncset.done $0x0  }
0xa4: {  	s25 =	simm.s32 $0x1B8E;
	s24 =	sld [smem:$0x3FFE];
	[sflag:s23] =	ssyncadd.s32 $0xFFFFFFFF  }
0xa5: {  	s26 =	simm.s32 $execute0_lowered;
	[smem:$0x3FD2] =	sst s25  }
0xa6: {  	s4 =	sshll.u32 s26, $0x1;
	_ =	strace $0x8000004F;
	[dreg:$0x1] =	wrdreg $0xFFFFFFFF  }
0xa7: {  	s28 =	simm.s32 $_size_execute0_lowered;
	s2 =	sadd.s32 s2, s4;
	[dreg:$0x0] =	wrdreg $0x0  }
0xa8: {  	s4 =	sshll.u32 s28, $0x1;
	[dreg:$0x2] =	wrdreg s2  }
0xa9: {  	[dreg:$0x3] =	wrdreg s4  }
0xaa: {  	[dreg:$0x4] =	wrdreg $0xC0  }
0xab: {  	_ =	task [dreg:s6], $0x5FFFF  }
0xac: {  	[dreg:$0x1] =	wrdreg $0xFFFFFFFF  }
0xad: {  	[dreg:$0x0] =	wrdreg $0x60  }
0xae: {  	[dreg:$0x2] =	wrdreg s24  }
0xaf: {  	[dreg:$0x3] =	wrdreg $0x2C000  }
0xb0: {  	[dreg:$0x4] =	wrdreg $0x9  }
0xb1: {  	_ =	task.clear_ibuf [dreg:s6], $0x5FFFF;
	_ =	strace $0x9000004F  }
0xb2: {  	s29 =	simm.s32 $0x9;
	_ =	strace $0x80000051  }
0xb3: {  	_ =	swait.ge [sflag:s29], $0x1  }
0xb4: {  	[sflag:s29] =	ssyncadd.s32 $0xFFFFFFFF  }
0xb5: {  	_ =	strace $0x90000051  }
0xb6: {  	_ =	sfence  }
0xb7: {  	s30 =	sld [smem:$0x0];
	_ =	sdelay $0x2  }
0xb8: {  	s31 =	sshll.u32 s1, $0xD;
	s1 =	sshrl.u32 s1, $0x2  }
0xb9: {  	s3 =	sand.u32 $0x4000, s31;
	s1 =	sadd.s32 s1, s30  }
0xba: {  	s0 =	sor.u32 s3, s0;
	s1 =	sshll.u32 s1, $0x11  }
0xbb: {  	s0 =	sor.u32 s1, s0  }
0xbc: {  	s0 =	sadd.s32 $0x8F2B, s0  }
0xbd: {  	[sflag:s0] =	ssyncadd.remote.s32 $0x1  }
0xbe: {  	_ =	sfence.sel $0xFFFF  }
0xbf: {  	[dreg:$0x0] =	wrdreg $0xFFFFFFFF;
	(pc) =	sbr.abs _section_cstart, $3  }
0xc0: {  	[dreg:$0x1] =	wrdreg $0xFFFFFFFF  }
0xc1: {  	_ =	task.clear_ibuf [dreg:s6], $0x2FFFF;
	_ =	strace $0x9FFFFFFF  }
0xc2: {  	(tm) =	ssettm $0x7FFFFFFF  }
0xc3: {  	_ =	shalt  }
tec
execute0_lowered:
.L_overlay_start_1:
0x0: {  	(tag) =	ssettag $0x1  }
0x1: {  	s0 =	stileid.u32;
	s5 =	rddreg [dreg:$0x0]  }
0x2: {  	s1 =	srdreg.scid;
	s2 =	rddreg [dreg:$0x1];
	s3 =	simm.s32 $0x0  }
0x3: {  	s14 =	simm.s32 $0x1;
	s15 =	simm.s32 $0x80;
	s6 =	smul.u32 $0x52000, s0  }
0x4: {  	s16 =	simm.s32 $0x2;
	s17 =	simm.s32 $0x3;
	s8 =	smul.u32 $0x14000, s0  }
0x5: {  	s18 =	simm.s32 $0x4;
	s4 =	sand.u32 $0x1, s1;
	s12 =	smul.u32 $0x50000, s0  }
0x6: {  	s19 =	simm.s32 $0x0;
	s24 =	sshll.u32 s0, $0x1;
	s9 =	smul.u32 $0x140000, s4  }
0x7: {  	[smem:$0x7FF] =	sst s3;
	s1 =	sor.u32 s4, s24;
	s31 =	smul.u32 $0x29000, s4  }
0x8: {  	s30 =	sshll.u32 s0, $0x6;
	s28 =	ssub.s32 $0x2, s4;
	s7 =	smul.u32 $0x580, s1  }
0x9: {  	s1 =	rddreg [dreg:$0x2];
	_ =	strace $0x80000050;
	s10 =	sadd.s32 s6, s5  }
0xa: {  	s26 =	sshrl.u32 s8, $0x3;
	s11 =	sshrl.u32 s28, $0x1;
	s29 =	sshrl.u32 s12, $0x2  }
0xb: {  	s12 =	simm.s32 $0x16C00;
	s8 =	sadd.s32 s8, s9;
	s9 =	ssub.s32 s28, s11  }
0xc: {  	s13 =	sadd.s32 s29, s2;
	s10 =	sadd.s32 s31, s10;
	s11 =	simm.s32 $0x5  }
0xd: {  	s25 =	sadd.s32 s7, s5;
	s8 =	sshrl.u32 s8, $0x3;
	s7 =	sadd.s32 s26, s5  }
0xe: {  	s8 =	sadd.s32 s8, s5;
	s4 =	sadd.s32 $0x1AC00, s7;
	s5 =	sor.u32 $0x1C05, s30  }
0xf: {  	s6 =	sadd.s32 $0x4C00, s25;
	s7 =	sadd.s32 $0x589E00, s8;
	s8 =	smax.u32 s9, $0x1  }
0x10: {  	s9 =	sadd.s32 $0x6A600, s10;
	s10 =	sshrl.u32 s13, $0x3;
	s13 =	simm.s32 $0x1AC00  }
.LBB2_1:
0x11: {  	[spmem:s10], [sflag:s5] =	dma.local [hbm:s4], $0x2800  }
0x12: {  	_ =	swait.ge [sflag:s11], $0x2800  }
0x13: {  	[sflag:s11] =	ssyncset.done $0x0  }
0x14: {  	[sflag:s11] =	ssyncadd.s32 $0xFFFFD800  }
0x15: {  	[tilespmem:s3], [sflag:$0x5] =	stream.linear.gather [hbm4b:s6+s3], $0x2900, $0x38;
	[tilespmem:$0x1EC00] =	vst v63  }
0x16: {  	_ =	swait.ge [sflag:s11], $0x2900  }
0x17: {  	[sflag:s11] =	ssyncset.done $0x0  }
0x18: {  	[sflag:s11] =	ssyncadd.s32 $0xFFFFD700  }
0x19: {  	s20 =	sadd.s32 $0xFFFFF800, s9;
	[bflag:$0x0] =	sbarrier.arrive $0xFFFF  }
0x1a: {  	[tilespmem:s12], [sflag:$0x1] =	stream.linear.gather [hbm4b:s20+s3], $0x4000, $0x38;
	[tilespmem:$0x1EC00] =	vst v63  }
0x1b: {  	_ = 	snop  }
0x1c: {  	[tilespmem:s13], [sflag:$0x2] =	stream.linear.gather [hbm4b:s9+s3], $0x4000, $0x38;
	[tilespmem:$0x1EC00] =	vst v63  }
0x1d: {  	_ =	swait.ge [sflag:s14], $0x4000  }
0x1e: {  	[sflag:s14] =	ssyncset.done $0x0  }
0x1f: {  	s30 =	simm.s32 $0x0;
	[sflag:s14] =	ssyncadd.s32 $0xFFFFC000  }
0x20: {  	[spmem:s2] =	stream.indirect.scatter.add.f32 [tilespmem:s12], [sflag:$0x3], $0x80, s30, s15, $0xb8;
	[tilespmem:$0x1EC00] =	vst v63  }
0x21: {  	_ =	swait.ge [sflag:s16], $0x4000  }
0x22: {  	[sflag:s16] =	ssyncset.done $0x0  }
0x23: {  	s31 =	simm.s32 $0x80;
	[sflag:s16] =	ssyncadd.s32 $0xFFFFC000  }
0x24: {  	[spmem:s2] =	stream.indirect.scatter.add.f32 [tilespmem:s13], [sflag:$0x4], $0x80, s31, s15, $0xb8;
	[tilespmem:$0x1EC00] =	vst v63  }
0x25: {  	_ =	swait.ge [sflag:s17], $0x4000  }
0x26: {  	[sflag:s17] =	ssyncset.done $0x0  }
0x27: {  	[sflag:s17] =	ssyncadd.s32 $0xFFFFC000  }
0x28: {  	s22 =	simm.s32 $0x800;
	_ =	swait.ge [sflag:s18], $0x4000  }
0x29: {  	s21 =	sadd.s32 $0x1000, s9;
	s20 =	simm.s32 $0x400;
	[sflag:s18] =	ssyncset.done $0x0  }
.LBB2_2:
0x2a: {  	p0 =	sne.s32 s22, $0xA000;
	s23 =	sadd.s32 $0xFFFFF800, s21;
	[sflag:s18] =	ssyncadd.s32 $0xFFFFC000  }
0x2b: {  	[tilespmem:s12], [sflag:$0x1] =	stream.linear.gather [hbm4b:s23+s3], $0x4000, $0x38;
	[tilespmem:$0x1EC00] =	vst v63  }
0x2c: {  	s23 =	smov.u32 s22;
	s22 =	sadd.s32 $0x400, s22  }
0x2d: {  	[tilespmem:s13], [sflag:$0x2] =	stream.linear.gather [hbm4b:s21+s3], $0x4000, $0x38;
	[tilespmem:$0x1EC00] =	vst v63  }
0x2e: {  	_ =	swait.ge [sflag:s14], $0x4000  }
0x2f: {  	[sflag:s14] =	ssyncset.done $0x0  }
0x30: {  	s24 =	sshra.s32 s20, $0x2;
	s20 =	smov.u32 s23;
	[sflag:s14] =	ssyncadd.s32 $0xFFFFC000  }
0x31: {  	[spmem:s2] =	stream.indirect.scatter.add.f32 [tilespmem:s12], [sflag:$0x3], $0x80, s24, s15, $0xb8;
	[tilespmem:$0x1EC00] =	vst v63  }
0x32: {  	_ =	swait.ge [sflag:s16], $0x4000  }
0x33: {  	[sflag:s16] =	ssyncset.done $0x0  }
0x34: {  	s23 =	sadd.s32 $0x80, s24;
	[sflag:s16] =	ssyncadd.s32 $0xFFFFC000  }
0x35: {  	[spmem:s2] =	stream.indirect.scatter.add.f32 [tilespmem:s13], [sflag:$0x4], $0x80, s23, s15, $0xb8;
	[tilespmem:$0x1EC00] =	vst v63  }
.Ltmp0:
0x36: {  	_ =	swait.ge [sflag:s17], $0x4000;
	(pc) =	sbr.rel @p0 .LBB2_2-.Ltmp0, $4  }
0x37: {  	[sflag:s17] =	ssyncset.done $0x0  }
0x38: {  	[sflag:s17] =	ssyncadd.s32 $0xFFFFC000  }
0x39: {  	_ =	swait.ge [sflag:s18], $0x4000  }
0x3a: {  	s21 =	sadd.s32 $0x1000, s21;
	[sflag:s18] =	ssyncset.done $0x0  }
0x3b: {  	s22 =	sadd.s32 $0xFFFFF800, s21;
	[sflag:s18] =	ssyncadd.s32 $0xFFFFC000  }
0x3c: {  	[tilespmem:s12], [sflag:$0x1] =	stream.linear.gather [hbm4b:s22+s3], $0x4000, $0x38;
	[tilespmem:$0x1EC00] =	vst v63  }
0x3d: {  	_ = 	snop  }
0x3e: {  	[tilespmem:s13], [sflag:$0x2] =	stream.linear.gather [hbm4b:s21+s3], $0x4000, $0x38;
	[tilespmem:$0x1EC00] =	vst v63  }
0x3f: {  	_ =	swait.ge [sflag:s14], $0x4000  }
0x40: {  	[sflag:s14] =	ssyncset.done $0x0  }
0x41: {  	s20 =	sshra.s32 s20, $0x2;
	[sflag:s14] =	ssyncadd.s32 $0xFFFFC000  }
0x42: {  	[spmem:s2] =	stream.indirect.scatter.add.f32 [tilespmem:s12], [sflag:$0x3], $0x80, s20, s15, $0xb8;
	[tilespmem:$0x1EC00] =	vst v63  }
0x43: {  	_ =	swait.ge [sflag:s16], $0x4000  }
0x44: {  	[sflag:s16] =	ssyncset.done $0x0  }
0x45: {  	s20 =	sadd.s32 $0x80, s20;
	[sflag:s16] =	ssyncadd.s32 $0xFFFFC000  }
0x46: {  	[spmem:s2] =	stream.indirect.scatter.add.f32 [tilespmem:s13], [sflag:$0x4], $0x80, s20, s15, $0xb8;
	[tilespmem:$0x1EC00] =	vst v63  }
0x47: {  	_ =	swait.ge [sflag:s17], $0x4000  }
0x48: {  	[sflag:s17] =	ssyncset.done $0x0  }
0x49: {  	[sflag:s17] =	ssyncadd.s32 $0xFFFFC000  }
0x4a: {  	_ =	swait.ge [sflag:s18], $0x4000  }
0x4b: {  	s19 =	sadd.s32 $0x1, s19;
	[sflag:s18] =	ssyncset.done $0x0  }
0x4c: {  	p0 =	sne.s32 s19, s8;
	[sflag:s18] =	ssyncadd.s32 $0xFFFFC000  }
.Ltmp1:
0x4d: {  	[bflag:$0x0] =	sbarrier.arrive $0xFFFF;
	(pc) =	sbr.rel @p0 .LBB2_1-.Ltmp1, $4  }
0x4e: {  	[hbm:s7], [sflag:s5] =	dma.local [spmem:s10], $0x2800  }
0x4f: {  	_ =	swait.ge [sflag:s11], $0x2800  }
0x50: {  	[sflag:s11] =	ssyncset.done $0x0  }
0x51: {  	[sflag:s11] =	ssyncadd.s32 $0xFFFFD800  }
0x52: {  	_ =	sfence.sel $0x180000  }
0x53: {  	[bflag:$0x0] =	sbarrier.arrive $0xFFFF  }
0x54: {  	p0 =	sne.s32 s0, $0x0;
	_ =	strace $0x90000050  }
0x55: {  	s0 =	sadd.s32 @!p0 $0x100000, s1;
	[bflag:$0x2] =	sbarrier.arrive $0xFFFF  }
0x56: {  	[sflag:s0] =	ssyncadd.tile.s32 @!p0 $0x1;
	_ =	shalt  }
.Lfunc_end2:
_tile_overlayer_lowered:
.L_overlay_start_2:
0x57: {  	(tag) =	ssettag $0x2  }
0x58: {  	s0 =	rddreg [dreg:$0x0];
	s2 =	stileid.u32  }
0x59: {  	s1 =	rddreg [dreg:$0x1];
	p0 =	sne.s32 s2, $0x0  }
0x5a: {  	s3 =	rddreg [dreg:$0x2];
	[bflag:$0x3] =	sbarrier.arrive $0xFFFF;
	s2 =	simm.s32 @!p0 $0x1C05  }
0x5b: {  	[timem:s3], [sflag:s2] =	dma.local @!p0 [hbm:s0], s1  }
0x5c: {  	s0 =	simm.s32 @!p0 $0x5  }
0x5d: {  	_ =	swait.ge @!p0 [sflag:s0], s1  }
0x5e: {  	s1 =	ssub.s32 @!p0 $0x0, s1;
	[sflag:s0] =	ssyncset.done @!p0 $0x0  }
0x5f: {  	[sflag:s0] =	ssyncadd.s32 @!p0 s1  }
0x60: {  	[bflag:$0x3] =	sbarrier.arrive $0xFFFF  }
0x61: {  	_ =	shalt  }

// kernel: kernel.27.cloned.1.call-start
scs
__scs_entry_jumppad:
0x0: {  	(pc) =	sbr.rel $0x88, $3  }
0x1: {  	(tag) =	ssettag $0x0;
	lr =	simm.s32 $0x1  }
0x2: {  	[smem:$0x3F93] =	sst lr;
	_ =	strace $0xD0000000  }
0x3: {  	_ = 	snop  }
0x4: {  	_ = 	snop  }
0x5: {  	_ = 	snop  }
0x6: {  	_ = 	snop  }
0x7: {  	_ = 	snop  }
__scs_overlays_trampoline_lowered:
0x8: {  	[smem:$0x3FA2] =	sst s0  }
0x9: {  	[smem:$0x3FA3] =	sst s1  }
0xa: {  	[smem:$0x3FA4] =	sst s2  }
0xb: {  	[smem:$0x3FA5] =	sst s3  }
0xc: {  	[smem:$0x3FA6] =	sst s4  }
0xd: {  	[smem:$0x3FA7] =	sst s5  }
0xe: {  	[smem:$0x3FA8] =	sst s6  }
0xf: {  	[smem:$0x3FA9] =	sst s7  }
0x10: {  	[smem:$0x3FAA] =	sst s8  }
0x11: {  	[smem:$0x3FAB] =	sst s9;
	s0 =	simm.s32 @!p0 $0x0  }
0x12: {  	s1 =	sld [smem:$0x3F91];
	s0 =	simm.s32 @p0 $0x1  }
0x13: {  	[smem:$0x3FAC] =	sst s0;
	s0 =	simm.s32 @!p1 $0x0  }
0x14: {  	s2 =	sld [smem:$0x3F90];
	s0 =	simm.s32 @p1 $0x1  }
0x15: {  	[smem:$0x3FAD] =	sst s0;
	s0 =	simm.s32 @!p2 $0x0  }
0x16: {  	s3 =	sld [smem:$0x3FDB];
	s0 =	simm.s32 @p2 $0x1  }
0x17: {  	s4 =	simm.s32 $0x1BF5;
	[smem:$0x3FAF] =	sst s0  }
0x18: {  	s0 =	sld [smem:$0x3F92];
	_ =	swait.ge [sflag:s4], $0x0  }
0x19: {  	s7 =	sld [smem:$0x3F93]  }
0x1a: {  	s8 =	sadd.s32 $0xFFFFE003, lr  }
0x1b: {  	s9 =	sadd.s32 $0xFFFFFEF7, lr;
	s5 =	simm.s32 $0xFFFFFFFF;
	p2 =	slt.u32 s8, $0xFFFFF086  }
0x1c: {  	p1 =	slt.u32 s9, $0xF7A;
	s5 =	simm.s32 @!p2 $0x0  }
0x1d: {  	s5 =	simm.s32 @p1 $0x1;
	p0 =	seq.s32 s7, s2  }
0x1e: {  	s7 =	smul.u32 @!p0 $0xF7A, s2;
	p2 =	seq.s32 @!p0 s5, $0x0  }
0x1f: {  	s9 =	smul.u32 $0xF7A, s1;
	s8 =	simm.s32 @!p0 $0x1BF5;
	p2 =	por !p2, p0  }
0x20: {  	[sflag:s8] =	ssyncset.s32 @!p0 $0xFFFFF086;
	s6 =	sadd.s32 @!p0 s3, s7;
	s7 =	simm.s32 @!p0 $0x108  }
0x21: {  	s3 =	sadd.s32 s3, s9;
	s6 =	sadd.s32 @!p0 $0x88, s6;
	s7 =	simm.s32 @p2 $0x1082  }
0x22: {  	[simem:s7], [sflag:s8] =	dma.local @!p0 [hbm:s6], $0xF7A  }
0x23: {  	s9 =	sor.u32 $0xD0000000, s2;
	s6 =	simm.s32 $0x108;
	_ =	swait.ge @!p0 [sflag:s8], $0x0  }
0x24: {  	s3 =	sadd.s32 $0x88, s3;
	s6 =	simm.s32 @!p1 $0x1082;
	[sflag:s4] =	ssyncset.s32 $0xFFFFF086  }
0x25: {  	[simem:s6], [sflag:s4] =	dma.local [hbm:s3], $0xF7A  }
0x26: {  	[smem:$0x3F93] =	sst s1;
	(tag) =	ssettag s2;
	_ =	strace s9  }
0x27: {  	s1 =	sld [smem:$0x3FA3]  }
0x28: {  	s2 =	sld [smem:$0x3FA4]  }
0x29: {  	s4 =	sld [smem:$0x3FA6]  }
0x2a: {  	p0 =	seq.s32 s5, $0x0;
	s5 =	sld [smem:$0x3FA7]  }
0x2b: {  	s6 =	sld [smem:$0x3FA8]  }
0x2c: {  	s7 =	sld [smem:$0x3FA9]  }
0x2d: {  	s3 =	simm.s32 $0x108;
	s8 =	sld [smem:$0x3FAA]  }
0x2e: {  	s3 =	simm.s32 @!p0 $0x1082;
	s9 =	sld [smem:$0x3FAB]  }
0x2f: {  	lr =	sadd.s32 s0, s3;
	s0 =	sld [smem:$0x3FA2]  }
0x30: {  	s3 =	sld [smem:$0x3FA5]  }
0x31: {  	[smem:$0x3FAE] =	sst s10  }
0x32: {  	s10 =	sld [smem:$0x3FAC];
	_ =	sdelay $0x3  }
0x33: {  	p0 =	seq.s32 s10, $0x1;
	s10 =	sld [smem:$0x3FAE];
	_ =	sdelay $0x3  }
0x34: {  	[smem:$0x3FAE] =	sst s10  }
0x35: {  	s10 =	sld [smem:$0x3FAD];
	_ =	sdelay $0x3  }
0x36: {  	p1 =	seq.s32 s10, $0x1;
	s10 =	sld [smem:$0x3FAE];
	_ =	sdelay $0x3  }
0x37: {  	[smem:$0x3FAE] =	sst s10  }
0x38: {  	s10 =	sld [smem:$0x3FAF]  }
0x39: {  	_ = 	snop;
	(pc) =	sbr.ind lr, $3  }
0x3a: {  	_ = 	snop  }
0x3b: {  	_ = 	snop  }
0x3c: {  	p2 =	seq.s32 s10, $0x1;
	s10 =	sld [smem:$0x3FAE]  }
0x3d: {  	_ =	shalt  }
0x3e: {  	_ =	shalt  }
0x3f: {  	_ =	shalt  }
0x40: {  	_ =	shalt  }
0x41: {  	_ =	shalt  }
0x42: {  	_ =	shalt  }
0x43: {  	_ =	shalt  }
0x44: {  	_ =	shalt  }
0x45: {  	_ =	shalt  }
0x46: {  	_ =	shalt  }
0x47: {  	_ =	shalt  }
0x48: {  	_ =	shalt  }
0x49: {  	_ =	shalt  }
0x4a: {  	_ =	shalt  }
0x4b: {  	_ =	shalt  }
0x4c: {  	_ =	shalt  }
0x4d: {  	_ =	shalt  }
0x4e: {  	_ =	shalt  }
0x4f: {  	_ =	shalt  }
0x50: {  	_ =	shalt  }
0x51: {  	_ =	shalt  }
0x52: {  	_ =	shalt  }
0x53: {  	_ =	shalt  }
0x54: {  	_ =	shalt  }
0x55: {  	_ =	shalt  }
0x56: {  	_ =	shalt  }
0x57: {  	_ =	shalt  }
0x58: {  	_ =	shalt  }
0x59: {  	_ =	shalt  }
0x5a: {  	_ =	shalt  }
0x5b: {  	_ =	shalt  }
0x5c: {  	_ =	shalt  }
0x5d: {  	_ =	shalt  }
0x5e: {  	_ =	shalt  }
0x5f: {  	_ =	shalt  }
0x60: {  	_ =	shalt  }
0x61: {  	_ =	shalt  }
0x62: {  	_ =	shalt  }
0x63: {  	_ =	shalt  }
0x64: {  	_ =	shalt  }
0x65: {  	_ =	shalt  }
0x66: {  	_ =	shalt  }
0x67: {  	_ =	shalt  }
0x68: {  	_ =	shalt  }
0x69: {  	_ =	shalt  }
0x6a: {  	_ =	shalt  }
0x6b: {  	_ =	shalt  }
0x6c: {  	_ =	shalt  }
0x6d: {  	_ =	shalt  }
0x6e: {  	_ =	shalt  }
0x6f: {  	_ =	shalt  }
0x70: {  	_ =	shalt  }
0x71: {  	_ =	shalt  }
0x72: {  	_ =	shalt  }
0x73: {  	_ =	shalt  }
0x74: {  	_ =	shalt  }
0x75: {  	_ =	shalt  }
0x76: {  	_ =	shalt  }
0x77: {  	_ =	shalt  }
0x78: {  	_ =	shalt  }
0x79: {  	_ =	shalt  }
0x7a: {  	_ =	shalt  }
0x7b: {  	_ =	shalt  }
0x7c: {  	_ =	shalt  }
0x7d: {  	_ =	shalt  }
0x7e: {  	_ =	shalt  }
0x7f: {  	_ =	shalt  }
0x80: {  	_ =	shalt  }
0x81: {  	_ =	shalt  }
0x82: {  	_ =	shalt  }
0x83: {  	_ =	shalt  }
0x84: {  	_ =	shalt  }
0x85: {  	_ =	shalt  }
0x86: {  	_ =	shalt  }
0x87: {  	_ =	shalt  }
.Lfunc_end0:
.L_simem_size_0:
called_computation.4_lowered:
.L_overlay_start_0:
0x88: {  	s2 =	sld [smem:$0x3FD9]  }
0x89: {  	s3 =	sld [smem:$0x3FFE];
	_ =	sdelay $0x1  }
0x8a: {  	s1 =	srdreg.scid  }
0x8b: {  	s0 =	sand.u32 $0x1, s1  }
0x8c: {  	s17 =	sshll.u32 s0, $0xA;
	s2 =	sadd.s32 s3, s2  }
0x8d: {  	s2 =	sadd.s32 s2, s17  }
0x8e: {  	[smem:$0x3FBA] =	sst s2  }
0x8f: {  	_ = 	snop  }
0x90: {  	s2 =	sld [smem:$0x3FD0];
	(tm) =	ssettm $0x1  }
0x91: {  	s18 =	sld [smem:$0x3FFB];
	_ =	sdelay $0x3  }
0x92: {  	_ =	strace s18  }
0x93: {  	s3 =	sld [smem:$0x3FFC];
	_ =	sdelay $0x3  }
0x94: {  	_ =	strace s3  }
0x95: {  	s3 =	sld [smem:$0x3FFD];
	_ =	sdelay $0x3  }
0x96: {  	_ =	strace s3  }
0x97: {  	_ =	strace $0x8FFFFFFF  }
0x98: {  	s19 =	sld [smem:$0x3FDB];
	_ =	sdelay $0x1  }
0x99: {  	s4 =	simm.s32 $_scs_section_size  }
0x9a: {  	s5 =	simm.s32 $_size__tile_overlayer_lowered;
	s6 =	simm.s32 $_tile_overlayer_lowered  }
0x9b: {  	s22 =	simm.s32 $0x1BFF;
	s21 =	sshll.u32 s6, $0x1;
	s3 =	sadd.s32 s4, s19  }
0x9c: {  	s7 =	simm.s32 $0x0;
	s20 =	sshll.u32 s5, $0x1;
	s5 =	sadd.s32 s21, s3  }
0x9d: {  	[timem:s7], [sflag:s22] =	dma.local [hbm:s5], s20  }
0x9e: {  	_ =	swait.ge [sflag:s22], s20  }
0x9f: {  	s4 =	ssub.s32 $0x0, s20;
	[sflag:s22] =	ssyncset.done $0x0  }
0xa0: {  	[sflag:s22] =	ssyncadd.s32 s4;
	_ =	sdelay $0x1  }
0xa1: {  	s23 =	simm.s32 $0x1B8B  }
0xa2: {  	_ =	swait.ge [sflag:s23], $0x1  }
0xa3: {  	[sflag:s23] =	ssyncset.done $0x0  }
0xa4: {  	s25 =	simm.s32 $0x1B8E;
	s24 =	sld [smem:$0x3FFE];
	[sflag:s23] =	ssyncadd.s32 $0xFFFFFFFF  }
0xa5: {  	s26 =	simm.s32 $execute0_lowered;
	[smem:$0x3FD2] =	sst s25  }
0xa6: {  	s5 =	sshll.u32 s26, $0x1;
	_ =	strace $0x80000052;
	[dreg:$0x1] =	wrdreg $0xFFFFFFFF  }
0xa7: {  	s28 =	simm.s32 $_size_execute0_lowered;
	s3 =	sadd.s32 s3, s5;
	[dreg:$0x0] =	wrdreg $0x0  }
0xa8: {  	s5 =	sshll.u32 s28, $0x1;
	[dreg:$0x2] =	wrdreg s3  }
0xa9: {  	[dreg:$0x3] =	wrdreg s5  }
0xaa: {  	[dreg:$0x4] =	wrdreg $0xC0  }
0xab: {  	_ =	task [dreg:s7], $0x5FFFF  }
0xac: {  	[dreg:$0x1] =	wrdreg $0xFFFFFFFF  }
0xad: {  	[dreg:$0x0] =	wrdreg $0x60  }
0xae: {  	[dreg:$0x2] =	wrdreg s24  }
0xaf: {  	[dreg:$0x3] =	wrdreg s2  }
0xb0: {  	[dreg:$0x4] =	wrdreg $0x9  }
0xb1: {  	_ =	task.clear_ibuf [dreg:s7], $0x5FFFF;
	_ =	strace $0x90000052  }
0xb2: {  	s29 =	simm.s32 $0x9;
	_ =	strace $0x80000054  }
0xb3: {  	_ =	swait.ge [sflag:s29], $0x1  }
0xb4: {  	[sflag:s29] =	ssyncadd.s32 $0xFFFFFFFF  }
0xb5: {  	_ =	strace $0x90000054  }
0xb6: {  	_ =	sfence  }
0xb7: {  	s30 =	sld [smem:$0x0];
	_ =	sdelay $0x2  }
0xb8: {  	s31 =	sshll.u32 s1, $0xD;
	s1 =	sshrl.u32 s1, $0x2  }
0xb9: {  	s3 =	sand.u32 $0x4000, s31;
	s1 =	sadd.s32 s1, s30  }
0xba: {  	s0 =	sor.u32 s3, s0;
	s1 =	sshll.u32 s1, $0x11  }
0xbb: {  	s0 =	sor.u32 s1, s0  }
0xbc: {  	s0 =	sadd.s32 $0x8F2B, s0  }
0xbd: {  	[sflag:s0] =	ssyncadd.remote.s32 $0x1  }
0xbe: {  	_ =	sfence.sel $0xFFFF  }
0xbf: {  	[dreg:$0x0] =	wrdreg $0xFFFFFFFF;
	(pc) =	sbr.abs _section_cstart, $3  }
0xc0: {  	[dreg:$0x1] =	wrdreg $0xFFFFFFFF  }
0xc1: {  	_ =	task.clear_ibuf [dreg:s7], $0x2FFFF;
	_ =	strace $0x9FFFFFFF  }
0xc2: {  	(tm) =	ssettm $0x7FFFFFFF  }
0xc3: {  	_ =	shalt  }
tec
execute0_lowered:
.L_overlay_start_1:
0x0: {  	(tag) =	ssettag $0x1  }
0x1: {  	s0 =	rddreg [dreg:$0x0]  }
0x2: {  	s1 =	srdreg.scid;
	s2 =	stileid.u32  }
0x3: {  	s3 =	simm.s32 $0x0;
	s11 =	simm.s32 $0x7;
	s14 =	simm.s32 $0x80  }
0x4: {  	s15 =	simm.s32 $0x5800;
	s16 =	simm.s32 $0xD800;
	s17 =	simm.s32 $0x9800  }
0x5: {  	s18 =	simm.s32 $0x11800;
	s19 =	simm.s32 $0x1;
	s20 =	simm.s32 $0x3  }
0x6: {  	s21 =	simm.s32 $0x15800;
	s22 =	simm.s32 $0x2;
	s23 =	simm.s32 $0x4  }
0x7: {  	s24 =	simm.s32 $0x19800;
	s1 =	sand.u32 $0x1, s1;
	s2 =	sshll.u32 s2, $0x1  }
0x8: {  	s25 =	simm.s32 $0x5;
	s2 =	sor.u32 s1, s2;
	s1 =	ssub.s32 $0x2, s1  }
0x9: {  	s26 =	simm.s32 $0x6;
	s5 =	smul.u32 $0x580, s2;
	s7 =	sshrl.u32 s1, $0x1  }
0xa: {  	s28 =	simm.s32 $0x0;
	[smem:$0x7FF] =	sst s3;
	s1 =	ssub.s32 s1, s7  }
0xb: {  	s4 =	sadd.s32 $0x42C00, s0;
	s6 =	sadd.s32 s5, s0;
	s31 =	smax.u32 s1, $0x1  }
0xc: {  	_ =	strace $0x80000053;
	s30 =	sadd.s32 $0xFC00, s6;
	[dreg:$0x5] =	wrdreg s31  }
0xd: {  	s9 =	sadd.s32 $0x6A600, s0;
	s6 =	sadd.s32 $0x4C00, s6;
	[dreg:$0x3] =	wrdreg s30  }
0xe: {  	s8 =	smul.u32 $0x29000, s2;
	s5 =	sadd.s32 $0x69E00, s0;
	[dreg:$0x4] =	wrdreg s6  }
.LBB2_1:
0xf: {  	s0 =	rddreg [dreg:$0x3]  }
0x10: {  	[tilespmem:s3], [sflag:$0x7] =	stream.linear.gather [hbm4b:s0+s3], $0x2900, $0x38;
	[tilespmem:$0x1DC00] =	vst v63  }
0x11: {  	_ =	swait.ge [sflag:s11], $0x2900  }
0x12: {  	[sflag:s11] =	ssyncset.done $0x0  }
0x13: {  	s1 =	simm.s32 $0x2C00;
	s13 =	rddreg [dreg:$0x4];
	[sflag:s11] =	ssyncadd.s32 $0xFFFFD700  }
0x14: {  	[tilespmem:s1], [sflag:$0x7] =	stream.linear.gather [hbm4b:s13+s3], $0x2900, $0x38;
	[tilespmem:$0x1DC00] =	vst v63  }
0x15: {  	_ =	swait.ge [sflag:s11], $0x2900  }
0x16: {  	[sflag:s11] =	ssyncset.done $0x0  }
0x17: {  	[sflag:s11] =	ssyncadd.s32 $0xFFFFD700  }
0x18: {  	s31 =	simm.s32 $0x1D800;
	s30 =	rddreg [dreg:$0x1]  }
0x19: {  	[tilespmem:s31], [sflag:$0x7] =	stream.linear.gather [hbm4b:s30+s3], $0x400, $0x38;
	[tilespmem:$0x1DC00] =	vst v63  }
0x1a: {  	_ =	swait.ge [sflag:s11], $0x400  }
0x1b: {  	[sflag:s11] =	ssyncset.done $0x0  }
0x1c: {  	[sflag:s11] =	ssyncadd.s32 $0xFFFFFC00  }
0x1d: {  	v0 =	vld [tilespmem:$0x1D800];
	_ =	sdelay $0x3  }
0x1e: {  	s29 =	simm.s32 $0x0  }
.LBB2_2:
0x1f: {  	s0 =	sshll.u32 s29, $0x8  }
0x20: {  	[tilespmem:s15], [sflag:$0x1] =	stream.indirect.gather [hbm4b:s4+s14], $0x80, s0, s14, $0xb8;
	[tilespmem:$0x1DC00] =	vst v63  }
0x21: {  	s1 =	sadd.s32 $0x2C00, s0  }
0x22: {  	[tilespmem:s16], [sflag:$0x3] =	stream.indirect.gather [hbm4b:s4+s14], $0x80, s1, s14, $0xb8;
	[tilespmem:$0x1DC00] =	vst v63  }
0x23: {  	s13 =	sor.u32 $0x80, s0  }
0x24: {  	[tilespmem:s17], [sflag:$0x2] =	stream.indirect.gather [hbm4b:s4+s14], $0x80, s13, s14, $0xb8;
	[tilespmem:$0x1DC00] =	vst v63  }
0x25: {  	s0 =	sadd.s32 $0x2C80, s0  }
0x26: {  	[tilespmem:s18], [sflag:$0x4] =	stream.indirect.gather [hbm4b:s4+s14], $0x80, s0, s14, $0xb8;
	[tilespmem:$0x1DC00] =	vst v63  }
0x27: {  	_ =	swait.ge [sflag:s19], $0x4000  }
0x28: {  	[sflag:s19] =	ssyncset.done $0x0  }
0x29: {  	[sflag:s19] =	ssyncadd.s32 $0xFFFFC000  }
0x2a: {  	_ =	swait.ge [sflag:s20], $0x4000  }
0x2b: {  	[sflag:s20] =	ssyncset.done $0x0  }
0x2c: {  	s1 =	simm.s32 $0x0;
	[sflag:s20] =	ssyncadd.s32 $0xFFFFC000  }
0x2d: {  	v7 =	vld [tilespmem:s1+$0x5800]  }
0x2e: {  	v1 =	vld [tilespmem:s1+$0xD810];
	_ =	sdelay $0x4  }
0x2f: {  	s30 =	simm.s32 $0x80;
	v1 =	vadd.f32 v1, v7  }
0x30: {  	v2 =	vld [tilespmem:s30+$0x5800]  }
0x31: {  	v4 =	vld [tilespmem:s30+$0xD810];
	v3 =	vmul.f32 $2.000000030e-01, v1  }
0x32: {  	vm0 =	vgt.f32 v1, $0.0e+00  }
0x33: {  	v1 =	vsel vm0, v1, v3  }
0x34: {  	s31 =	simm.s32 $0x100;
	v3 =	vmul.f32 v1, v0  }
0x35: {  	v5 =	vld [tilespmem:s31+$0xD810]  }
0x36: {  	v4 =	vadd.f32 v4, v2;
	v1 =	vld [tilespmem:s31+$0x5800];
	v3 =	vadd.f32 $0.0e+00, v3;
	_ =	sdelay $0x1  }
0x37: {  	(xrf2) =	vadd.scan.msk.f32 $0xffff, v3;
	v3 =	vmul.f32 $2.000000030e-01, v4  }
0x38: {  	vm11 =	vgt.f32 v4, $0.0e+00  }
0x39: {  	v3 =	vsel vm11, v4, v3  }
0x3a: {  	v5 =	vadd.f32 v5, v1;
	v4 =	vmul.f32 v3, v0  }
0x3b: {  	s0 =	simm.s32 $0x200  }
0x3c: {  	s2 =	simm.s32 $0x180;
	v8 =	vld [tilespmem:s0+$0xD810];
	v6 =	vmul.f32 $2.000000030e-01, v5;
	v4 =	vadd.f32 $0.0e+00, v4  }
0x3d: {  	vm12 =	vgt.f32 v5, $0.0e+00;
	v3 =	vld [tilespmem:s2+$0x5800]  }
0x3e: {  	v5 =	vsel vm12, v5, v6;
	(xrf2) =	vadd.scan.msk.f32 $0xffff, v4;
	v4 =	vld [tilespmem:s0+$0x5800]  }
0x3f: {  	v6 =	vld [tilespmem:s2+$0xD810];
	v5 =	vmul.f32 v5, v0;
	_ =	sdelay $0x1  }
0x40: {  	v5 =	vadd.f32 $0.0e+00, v5;
	v9, _, _ =	vpop (xrf2)  }
0x41: {  	v9 =	vmul.f32 $1.442695020e+00, v9  }
0x42: {  	(xrf2) =	vadd.scan.msk.f32 $0xffff, v5;
	v8 =	vadd.f32 v8, v4  }
0x43: {  	v6 =	vadd.f32 v6, v3;
	v9 =	vbroadcast v9, $0xF  }
0x44: {  	v11 =	vmul.f32 $2.000000030e-01, v8  }
0x45: {  	(erf) = vpow2.f32 v9;
	v9 =	vmul.f32 $2.000000030e-01, v6  }
0x46: {  	vm13 =	vgt.f32 v6, $0.0e+00;
	vm14 =	vgt.f32 v8, $0.0e+00  }
0x47: {  	v8 =	vsel vm14, v8, v11;
	v6 =	vsel vm13, v6, v9  }
0x48: {  	s12 =	simm.s32 $0x280;
	v8 =	vmul.f32 v8, v0;
	v6 =	vmul.f32 v6, v0  }
0x49: {  	v10 =	vld [tilespmem:s12+$0xD810]  }
0x4a: {  	v5 =	vld [tilespmem:s12+$0x5800];
	v9, _, _ =	vpop (xrf2);
	v6 =	vadd.f32 $0.0e+00, v6  }
0x4b: {  	v9 =	vmul.f32 $1.442695020e+00, v9  }
0x4c: {  	v11 =	vadd.f32 $0.0e+00, v8;
	v8, _, _ =	vpop (xrf2);
	(xrf2) =	vadd.scan.msk.f32 $0xffff, v6  }
0x4d: {  	v9 =	vbroadcast v9, $0xF  }
0x4e: {  	s13 =	simm.s32 $0x300  }
0x4f: {  	v10 =	vadd.f32 v10, v5;
	v6 =	vld [tilespmem:s13+$0x5800];
	(xrf2) =	vadd.scan.msk.f32 $0xffff, v11;
	(erf) = vpow2.f32 v9  }
0x50: {  	v13 =	vmul.f32 $1.442695020e+00, v8;
	v8 =	vld [tilespmem:s13+$0xD810]  }
0x51: {  	v12 =	vmul.f32 $2.000000030e-01, v10  }
0x52: {  	vm15 =	vgt.f32 v10, $0.0e+00;
	v11 =	vpop (erf)  }
0x53: {  	s6 =	simm.s32 $0xE00;
	v10 =	vsel vm15, v10, v12;
	v9 =	vbroadcast v13, $0xF;
	v7 =	vmul.f32 v11, v7;
	[tilespmem:s1+$0x15810] =	vst v11  }
.LBB2_3:
0x54: {  	s7 =	sshra.s32 s6, $0x2;
	v10 =	vmul.f32 v10, v0;
	v11 =	vmovc v1;
	v1 =	vmovc v3;
	v3 =	vmov v4;
	v4 =	vmov v5;
	p0 =	sne.s32 s6, $0xFE00  }
.Ltmp0:
0x55: {  	s6 =	sadd.s32 $0x200, s6;
	v5 =	vmov v6;
	v12 =	vadd.f32 v8, v6;
	(erf) = vpow2.f32 v9;
	[tilespmem:s1+$0x15800] =	vst v7;
	v6 =	vld [tilespmem:s7+$0x5800];
	(pc) =	sbr.rel @p0 .LBB2_3-.Ltmp0, $4  }
0x56: {  	s1 =	smov.u32 s30;
	s30 =	smov.u32 s31;
	s31 =	smov.u32 s2;
	v8 =	vld [tilespmem:s7+$0xD810];
	v7 =	vadd.f32 $0.0e+00, v10;
	v9, _, _ =	vpop (xrf2)  }
0x57: {  	s2 =	smov.u32 s0;
	s0 =	smov.u32 s12;
	s12 =	smov.u32 s13;
	v10 =	vmul.f32 $2.000000030e-01, v12;
	v9 =	vmul.f32 $1.442695020e+00, v9  }
0x58: {  	s13 =	smov.u32 s7;
	vm0 =	vgt.f32 v12, $0.0e+00;
	(xrf2) =	vadd.scan.msk.f32 $0xffff, v7;
	v13 =	vpop (erf)  }
0x59: {  	v10 =	vsel vm0, v12, v10;
	v9 =	vbroadcast v9, $0xF;
	v7 =	vmul.f32 v13, v2;
	[tilespmem:s1+$0x15810] =	vst v13;
	v2 =	vmovc v11  }
0x5a: {  	_ = 	snop  }
0x5b: {  	v8 =	vadd.f32 v8, v6;
	_ =	sdelay $0x1  }
0x5c: {  	v11 =	vmul.f32 $2.000000030e-01, v8  }
0x5d: {  	vm0 =	vgt.f32 v8, $0.0e+00  }
0x5e: {  	v10 =	vmul.f32 v10, v0;
	v8 =	vsel vm0, v8, v11  }
0x5f: {  	v8 =	vmul.f32 v8, v0  }
0x60: {  	v10 =	vadd.f32 $0.0e+00, v10  }
0x61: {  	v8 =	vadd.f32 $0.0e+00, v8  }
0x62: {  	(xrf2) =	vadd.scan.msk.f32 $0xffff, v10  }
0x63: {  	(xrf2) =	vadd.scan.msk.f32 $0xffff, v8;
	_ =	sdelay $0x1  }
0x64: {  	v8, _, _ =	vpop (xrf2)  }
0x65: {  	v10, _, _ =	vpop (xrf2)  }
0x66: {  	v10 =	vmul.f32 $1.442695020e+00, v10  }
0x67: {  	v8 =	vmul.f32 $1.442695020e+00, v8  }
0x68: {  	(erf) = vpow2.f32 v9;
	v9 =	vbroadcast v10, $0xF  }
0x69: {  	v8 =	vbroadcast v8, $0xF;
	_ =	sdelay $0x1  }
0x6a: {  	(erf) = vpow2.f32 v8;
	v10, _, _ =	vpop (xrf2)  }
0x6b: {  	(erf) = vpow2.f32 v9;
	v9, _, _ =	vpop (xrf2)  }
0x6c: {  	v8 =	vmul.f32 $1.442695020e+00, v10;
	v9 =	vmul.f32 $1.442695020e+00, v9;
	_ =	sdelay $0x1  }
0x6d: {  	v8 =	vbroadcast v8, $0xF;
	_ =	sdelay $0x1  }
0x6e: {  	(erf) = vpow2.f32 v8;
	v8 =	vbroadcast v9, $0xF;
	v9 =	vpop (erf)  }
0x6f: {  	v2 =	vmul.f32 v9, v2  }
0x70: {  	[tilespmem:s1+$0x15800] =	vst v7;
	(erf) = vpow2.f32 v8  }
0x71: {  	v7 =	vpop (erf);
	[tilespmem:s30+$0x15810] =	vst v9  }
0x72: {  	v1 =	vmul.f32 v7, v1;
	[tilespmem:s30+$0x15800] =	vst v2  }
0x73: {  	[tilespmem:s31+$0x15810] =	vst v7;
	v2 =	vpop (erf)  }
0x74: {  	[tilespmem:s31+$0x15800] =	vst v1;
	v1 =	vmul.f32 v2, v3  }
0x75: {  	v3 =	vpop (erf);
	[tilespmem:s2+$0x15810] =	vst v2  }
0x76: {  	[tilespmem:s2+$0x15800] =	vst v1;
	v1 =	vmul.f32 v3, v4  }
0x77: {  	v2 =	vpop (erf);
	[tilespmem:s0+$0x15810] =	vst v3  }
0x78: {  	[tilespmem:s0+$0x15800] =	vst v1;
	v1 =	vmul.f32 v2, v5  }
0x79: {  	[tilespmem:s12+$0x15810] =	vst v2;
	v2 =	vpop (erf)  }
0x7a: {  	[tilespmem:s12+$0x15800] =	vst v1;
	v1 =	vmul.f32 v2, v6;
	s12 =	sshll.u32 s29, $0xC  }
0x7b: {  	[tilespmem:s13+$0x15810] =	vst v2;
	s30 =	sadd.s32 s8, s12  }
0x7c: {  	[tilespmem:s13+$0x15800] =	vst v1;
	s0 =	sadd.s32 s5, s30;
	s13 =	simm.s32 $0x0  }
0x7d: {  	[hbm4b:s0+s13] =	stream.linear.scatter [tilespmem:s21], [sflag:$0x5], $0x4000, $0x38;
	[tilespmem:$0x1DC00] =	vst v63  }
0x7e: {  	_ =	swait.ge [sflag:s22], $0x4000  }
0x7f: {  	[sflag:s22] =	ssyncset.done $0x0  }
0x80: {  	[sflag:s22] =	ssyncadd.s32 $0xFFFFC000  }
0x81: {  	_ =	swait.ge [sflag:s23], $0x4000  }
0x82: {  	[sflag:s23] =	ssyncset.done $0x0  }
0x83: {  	s0 =	simm.s32 $0x0;
	[sflag:s23] =	ssyncadd.s32 $0xFFFFC000  }
0x84: {  	v7 =	vld [tilespmem:s0+$0x9800]  }
0x85: {  	v1 =	vld [tilespmem:s0+$0x11810];
	_ =	sdelay $0x4  }
0x86: {  	s31 =	simm.s32 $0x80;
	v1 =	vadd.f32 v1, v7  }
0x87: {  	v2 =	vld [tilespmem:s31+$0x9800]  }
0x88: {  	v4 =	vld [tilespmem:s31+$0x11810];
	v3 =	vmul.f32 $2.000000030e-01, v1  }
0x89: {  	vm10 =	vgt.f32 v1, $0.0e+00  }
0x8a: {  	v1 =	vsel vm10, v1, v3  }
0x8b: {  	s1 =	simm.s32 $0x100;
	v3 =	vmul.f32 v1, v0  }
0x8c: {  	v5 =	vld [tilespmem:s1+$0x11810]  }
0x8d: {  	v4 =	vadd.f32 v4, v2;
	v1 =	vld [tilespmem:s1+$0x9800];
	v3 =	vadd.f32 $0.0e+00, v3;
	_ =	sdelay $0x1  }
0x8e: {  	(xrf2) =	vadd.scan.msk.f32 $0xffff, v3;
	v3 =	vmul.f32 $2.000000030e-01, v4  }
0x8f: {  	vm11 =	vgt.f32 v4, $0.0e+00  }
0x90: {  	v3 =	vsel vm11, v4, v3  }
0x91: {  	v5 =	vadd.f32 v5, v1;
	v4 =	vmul.f32 v3, v0  }
0x92: {  	s2 =	simm.s32 $0x200  }
0x93: {  	s12 =	simm.s32 $0x180;
	v8 =	vld [tilespmem:s2+$0x11810];
	v6 =	vmul.f32 $2.000000030e-01, v5;
	v4 =	vadd.f32 $0.0e+00, v4  }
0x94: {  	vm12 =	vgt.f32 v5, $0.0e+00;
	v3 =	vld [tilespmem:s12+$0x9800]  }
0x95: {  	v5 =	vsel vm12, v5, v6;
	(xrf2) =	vadd.scan.msk.f32 $0xffff, v4;
	v4 =	vld [tilespmem:s2+$0x9800]  }
0x96: {  	v6 =	vld [tilespmem:s12+$0x11810];
	v5 =	vmul.f32 v5, v0;
	_ =	sdelay $0x1  }
0x97: {  	v5 =	vadd.f32 $0.0e+00, v5;
	v9, _, _ =	vpop (xrf2)  }
0x98: {  	v9 =	vmul.f32 $1.442695020e+00, v9  }
0x99: {  	(xrf2) =	vadd.scan.msk.f32 $0xffff, v5;
	v8 =	vadd.f32 v8, v4  }
0x9a: {  	v6 =	vadd.f32 v6, v3;
	v9 =	vbroadcast v9, $0xF  }
0x9b: {  	v11 =	vmul.f32 $2.000000030e-01, v8  }
0x9c: {  	(erf) = vpow2.f32 v9;
	v9 =	vmul.f32 $2.000000030e-01, v6  }
0x9d: {  	vm13 =	vgt.f32 v6, $0.0e+00;
	vm14 =	vgt.f32 v8, $0.0e+00  }
0x9e: {  	v8 =	vsel vm14, v8, v11;
	v6 =	vsel vm13, v6, v9  }
0x9f: {  	s13 =	simm.s32 $0x280;
	v8 =	vmul.f32 v8, v0;
	v6 =	vmul.f32 v6, v0  }
0xa0: {  	v10 =	vld [tilespmem:s13+$0x11810]  }
0xa1: {  	v5 =	vld [tilespmem:s13+$0x9800];
	v9, _, _ =	vpop (xrf2);
	v6 =	vadd.f32 $0.0e+00, v6  }
0xa2: {  	v9 =	vmul.f32 $1.442695020e+00, v9  }
0xa3: {  	v11 =	vadd.f32 $0.0e+00, v8;
	v8, _, _ =	vpop (xrf2);
	(xrf2) =	vadd.scan.msk.f32 $0xffff, v6  }
0xa4: {  	v9 =	vbroadcast v9, $0xF  }
0xa5: {  	s6 =	simm.s32 $0x300  }
0xa6: {  	v10 =	vadd.f32 v10, v5;
	v6 =	vld [tilespmem:s6+$0x9800];
	(xrf2) =	vadd.scan.msk.f32 $0xffff, v11;
	(erf) = vpow2.f32 v9  }
0xa7: {  	v13 =	vmul.f32 $1.442695020e+00, v8;
	v8 =	vld [tilespmem:s6+$0x11810]  }
0xa8: {  	v12 =	vmul.f32 $2.000000030e-01, v10  }
0xa9: {  	vm15 =	vgt.f32 v10, $0.0e+00;
	v11 =	vpop (erf)  }
0xaa: {  	s7 =	simm.s32 $0xE00;
	v10 =	vsel vm15, v10, v12;
	v9 =	vbroadcast v13, $0xF;
	v7 =	vmul.f32 v11, v7;
	[tilespmem:s0+$0x19810] =	vst v11  }
.LBB2_5:
0xab: {  	s10 =	sshra.s32 s7, $0x2;
	v10 =	vmul.f32 v10, v0;
	v11 =	vmovc v1;
	v1 =	vmovc v3;
	v3 =	vmov v4;
	v4 =	vmov v5;
	p0 =	sne.s32 s7, $0xFE00  }
.Ltmp1:
0xac: {  	s7 =	sadd.s32 $0x200, s7;
	v5 =	vmov v6;
	v12 =	vadd.f32 v8, v6;
	(erf) = vpow2.f32 v9;
	[tilespmem:s0+$0x19800] =	vst v7;
	v6 =	vld [tilespmem:s10+$0x9800];
	(pc) =	sbr.rel @p0 .LBB2_5-.Ltmp1, $4  }
0xad: {  	s0 =	smov.u32 s31;
	s31 =	smov.u32 s1;
	s1 =	smov.u32 s12;
	v8 =	vld [tilespmem:s10+$0x11810];
	v7 =	vadd.f32 $0.0e+00, v10;
	v9, _, _ =	vpop (xrf2)  }
0xae: {  	s12 =	smov.u32 s2;
	s2 =	smov.u32 s13;
	s13 =	smov.u32 s6;
	v10 =	vmul.f32 $2.000000030e-01, v12;
	v9 =	vmul.f32 $1.442695020e+00, v9  }
0xaf: {  	s6 =	smov.u32 s10;
	vm0 =	vgt.f32 v12, $0.0e+00;
	(xrf2) =	vadd.scan.msk.f32 $0xffff, v7;
	v13 =	vpop (erf)  }
0xb0: {  	v10 =	vsel vm0, v12, v10;
	v9 =	vbroadcast v9, $0xF;
	v7 =	vmul.f32 v13, v2;
	[tilespmem:s0+$0x19810] =	vst v13;
	v2 =	vmovc v11  }
0xb1: {  	_ = 	snop  }
0xb2: {  	v8 =	vadd.f32 v8, v6;
	_ =	sdelay $0x1  }
0xb3: {  	v11 =	vmul.f32 $2.000000030e-01, v8  }
0xb4: {  	v10 =	vmul.f32 v10, v0;
	vm0 =	vgt.f32 v8, $0.0e+00  }
0xb5: {  	v8 =	vsel vm0, v8, v11  }
0xb6: {  	v10 =	vadd.f32 $0.0e+00, v10;
	v8 =	vmul.f32 v8, v0;
	_ =	sdelay $0x1  }
0xb7: {  	(xrf2) =	vadd.scan.msk.f32 $0xffff, v10;
	v8 =	vadd.f32 $0.0e+00, v8;
	_ =	sdelay $0x1  }
0xb8: {  	(xrf2) =	vadd.scan.msk.f32 $0xffff, v8;
	_ =	sdelay $0x3  }
0xb9: {  	v55, _, _ =	vpop (xrf2)  }
0xba: {  	v56, _, _ =	vpop (xrf2);
	v8 =	vmul.f32 $1.442695020e+00, v55  }
0xbb: {  	v10 =	vmul.f32 $1.442695020e+00, v56  }
0xbc: {  	(erf) = vpow2.f32 v9;
	v8 =	vbroadcast v8, $0xF  }
0xbd: {  	v57 =	vbroadcast v10, $0xF;
	v58, _, _ =	vpop (xrf2)  }
0xbe: {  	(erf) = vpow2.f32 v8;
	v59 =	vmul.f32 $1.442695020e+00, v58  }
0xbf: {  	(erf) = vpow2.f32 v57;
	v60, _, _ =	vpop (xrf2)  }
0xc0: {  	v8 =	vbroadcast v59, $0xF;
	v9 =	vmul.f32 $1.442695020e+00, v60;
	_ =	sdelay $0x1  }
0xc1: {  	v62 =	vpop (erf);
	(erf) = vpow2.f32 v8;
	v61 =	vbroadcast v9, $0xF  }
0xc2: {  	v2 =	vmul.f32 v62, v2  }
0xc3: {  	[tilespmem:s0+$0x19800] =	vst v7;
	(erf) = vpow2.f32 v61  }
0xc4: {  	[tilespmem:s31+$0x19810] =	vst v62;
	v63 =	vpop (erf)  }
0xc5: {  	[tilespmem:s31+$0x19800] =	vst v2;
	v1 =	vmul.f32 v63, v1  }
0xc6: {  	[tilespmem:s1+$0x19810] =	vst v63;
	v2 =	vpop (erf)  }
0xc7: {  	[tilespmem:s1+$0x19800] =	vst v1;
	v1 =	vmul.f32 v2, v3  }
0xc8: {  	v3 =	vpop (erf);
	[tilespmem:s12+$0x19810] =	vst v2  }
0xc9: {  	[tilespmem:s12+$0x19800] =	vst v1;
	v1 =	vmul.f32 v3, v4  }
0xca: {  	[tilespmem:s2+$0x19810] =	vst v3;
	v2 =	vpop (erf)  }
0xcb: {  	[tilespmem:s2+$0x19800] =	vst v1;
	v1 =	vmul.f32 v2, v5  }
0xcc: {  	[tilespmem:s13+$0x19810] =	vst v2;
	v2 =	vpop (erf)  }
0xcd: {  	[tilespmem:s13+$0x19800] =	vst v1;
	v1 =	vmul.f32 v2, v6  }
0xce: {  	[tilespmem:s6+$0x19810] =	vst v2  }
0xcf: {  	s29 =	sadd.s32 $0x1, s29;
	s31 =	sadd.s32 s30, s9;
	[tilespmem:s6+$0x19800] =	vst v1  }
0xd0: {  	[hbm4b:s31+s3] =	stream.linear.scatter [tilespmem:s24], [sflag:$0x6], $0x4000, $0x38;
	[tilespmem:$0x1DC00] =	vst v63  }
0xd1: {  	p0 =	sne.s32 s29, $0x29;
	_ =	swait.ge [sflag:s25], $0x4000  }
.Ltmp2:
0xd2: {  	[sflag:s25] =	ssyncset.done $0x0;
	(pc) =	sbr.rel @p0 .LBB2_2-.Ltmp2, $4  }
0xd3: {  	[sflag:s25] =	ssyncadd.s32 $0xFFFFC000  }
0xd4: {  	_ =	swait.ge [sflag:s26], $0x4000  }
0xd5: {  	[sflag:s26] =	ssyncset.done $0x0  }
0xd6: {  	[sflag:s26] =	ssyncadd.s32 $0xFFFFC000  }
0xd7: {  	s28 =	sadd.s32 $0x1, s28;
	s0 =	rddreg [dreg:$0x5]  }
0xd8: {  	p0 =	sne.s32 s28, s0  }
.Ltmp3:
0xd9: {  	_ = 	snop;
	(pc) =	sbr.rel @p0 .LBB2_1-.Ltmp3, $1  }
0xda: {  	_ =	sdelay $0x3  }
0xdb: {  	_ =	sfence.sel $0x180000  }
0xdc: {  	[bflag:$0x0] =	sbarrier.arrive $0xFFFF  }
0xdd: {  	_ =	strace $0x90000053  }
0xde: {  	s0 =	stileid.u32;
	[bflag:$0x2] =	sbarrier.arrive $0xFFFF  }
0xdf: {  	p0 =	sne.s32 s0, $0x0;
	s0 =	rddreg [dreg:$0x2]  }
0xe0: {  	s0 =	sadd.s32 @!p0 $0x100000, s0  }
0xe1: {  	[sflag:s0] =	ssyncadd.tile.s32 @!p0 $0x1;
	_ =	shalt  }
.Lfunc_end2:
_tile_overlayer_lowered:
.L_overlay_start_2:
0xe2: {  	(tag) =	ssettag $0x2  }
0xe3: {  	s0 =	rddreg [dreg:$0x0];
	s2 =	stileid.u32  }
0xe4: {  	s1 =	rddreg [dreg:$0x1];
	p0 =	sne.s32 s2, $0x0  }
0xe5: {  	s3 =	rddreg [dreg:$0x2];
	[bflag:$0x3] =	sbarrier.arrive $0xFFFF;
	s2 =	simm.s32 @!p0 $0x1C07  }
0xe6: {  	[timem:s3], [sflag:s2] =	dma.local @!p0 [hbm:s0], s1  }
0xe7: {  	s0 =	simm.s32 @!p0 $0x7  }
0xe8: {  	_ =	swait.ge @!p0 [sflag:s0], s1  }
0xe9: {  	s1 =	ssub.s32 @!p0 $0x0, s1;
	[sflag:s0] =	ssyncset.done @!p0 $0x0  }
0xea: {  	[sflag:s0] =	ssyncadd.s32 @!p0 s1  }
0xeb: {  	[bflag:$0x3] =	sbarrier.arrive $0xFFFF  }
0xec: {  	_ =	shalt  }

// kernel: kernel.30.cloned.1.call-start
scs
__scs_entry_jumppad:
0x0: {  	(pc) =	sbr.rel $0x88, $3  }
0x1: {  	(tag) =	ssettag $0x0;
	lr =	simm.s32 $0x1  }
0x2: {  	[smem:$0x3F93] =	sst lr;
	_ =	strace $0xD0000000  }
0x3: {  	_ = 	snop  }
0x4: {  	_ = 	snop  }
0x5: {  	_ = 	snop  }
0x6: {  	_ = 	snop  }
0x7: {  	_ = 	snop  }
__scs_overlays_trampoline_lowered:
0x8: {  	[smem:$0x3FA2] =	sst s0  }
0x9: {  	[smem:$0x3FA3] =	sst s1  }
0xa: {  	[smem:$0x3FA4] =	sst s2  }
0xb: {  	[smem:$0x3FA5] =	sst s3  }
0xc: {  	[smem:$0x3FA6] =	sst s4  }
0xd: {  	[smem:$0x3FA7] =	sst s5  }
0xe: {  	[smem:$0x3FA8] =	sst s6  }
0xf: {  	[smem:$0x3FA9] =	sst s7  }
0x10: {  	[smem:$0x3FAA] =	sst s8  }
0x11: {  	[smem:$0x3FAB] =	sst s9;
	s0 =	simm.s32 @!p0 $0x0  }
0x12: {  	s1 =	sld [smem:$0x3F91];
	s0 =	simm.s32 @p0 $0x1  }
0x13: {  	[smem:$0x3FAC] =	sst s0;
	s0 =	simm.s32 @!p1 $0x0  }
0x14: {  	s2 =	sld [smem:$0x3F90];
	s0 =	simm.s32 @p1 $0x1  }
0x15: {  	[smem:$0x3FAD] =	sst s0;
	s0 =	simm.s32 @!p2 $0x0  }
0x16: {  	s3 =	sld [smem:$0x3FDB];
	s0 =	simm.s32 @p2 $0x1  }
0x17: {  	s4 =	simm.s32 $0x1BF5;
	[smem:$0x3FAF] =	sst s0  }
0x18: {  	s0 =	sld [smem:$0x3F92];
	_ =	swait.ge [sflag:s4], $0x0  }
0x19: {  	s7 =	sld [smem:$0x3F93]  }
0x1a: {  	s8 =	sadd.s32 $0xFFFFE003, lr  }
0x1b: {  	s9 =	sadd.s32 $0xFFFFFEF7, lr;
	s5 =	simm.s32 $0xFFFFFFFF;
	p2 =	slt.u32 s8, $0xFFFFF086  }
0x1c: {  	p1 =	slt.u32 s9, $0xF7A;
	s5 =	simm.s32 @!p2 $0x0  }
0x1d: {  	s5 =	simm.s32 @p1 $0x1;
	p0 =	seq.s32 s7, s2  }
0x1e: {  	s7 =	smul.u32 @!p0 $0xF7A, s2;
	p2 =	seq.s32 @!p0 s5, $0x0  }
0x1f: {  	s9 =	smul.u32 $0xF7A, s1;
	s8 =	simm.s32 @!p0 $0x1BF5;
	p2 =	por !p2, p0  }
0x20: {  	[sflag:s8] =	ssyncset.s32 @!p0 $0xFFFFF086;
	s6 =	sadd.s32 @!p0 s3, s7;
	s7 =	simm.s32 @!p0 $0x108  }
0x21: {  	s3 =	sadd.s32 s3, s9;
	s6 =	sadd.s32 @!p0 $0x88, s6;
	s7 =	simm.s32 @p2 $0x1082  }
0x22: {  	[simem:s7], [sflag:s8] =	dma.local @!p0 [hbm:s6], $0xF7A  }
0x23: {  	s9 =	sor.u32 $0xD0000000, s2;
	s6 =	simm.s32 $0x108;
	_ =	swait.ge @!p0 [sflag:s8], $0x0  }
0x24: {  	s3 =	sadd.s32 $0x88, s3;
	s6 =	simm.s32 @!p1 $0x1082;
	[sflag:s4] =	ssyncset.s32 $0xFFFFF086  }
0x25: {  	[simem:s6], [sflag:s4] =	dma.local [hbm:s3], $0xF7A  }
0x26: {  	[smem:$0x3F93] =	sst s1;
	(tag) =	ssettag s2;
	_ =	strace s9  }
0x27: {  	s1 =	sld [smem:$0x3FA3]  }
0x28: {  	s2 =	sld [smem:$0x3FA4]  }
0x29: {  	s4 =	sld [smem:$0x3FA6]  }
0x2a: {  	p0 =	seq.s32 s5, $0x0;
	s5 =	sld [smem:$0x3FA7]  }
0x2b: {  	s6 =	sld [smem:$0x3FA8]  }
0x2c: {  	s7 =	sld [smem:$0x3FA9]  }
0x2d: {  	s3 =	simm.s32 $0x108;
	s8 =	sld [smem:$0x3FAA]  }
0x2e: {  	s3 =	simm.s32 @!p0 $0x1082;
	s9 =	sld [smem:$0x3FAB]  }
0x2f: {  	lr =	sadd.s32 s0, s3;
	s0 =	sld [smem:$0x3FA2]  }
0x30: {  	s3 =	sld [smem:$0x3FA5]  }
0x31: {  	[smem:$0x3FAE] =	sst s10  }
0x32: {  	s10 =	sld [smem:$0x3FAC];
	_ =	sdelay $0x3  }
0x33: {  	p0 =	seq.s32 s10, $0x1;
	s10 =	sld [smem:$0x3FAE];
	_ =	sdelay $0x3  }
0x34: {  	[smem:$0x3FAE] =	sst s10  }
0x35: {  	s10 =	sld [smem:$0x3FAD];
	_ =	sdelay $0x3  }
0x36: {  	p1 =	seq.s32 s10, $0x1;
	s10 =	sld [smem:$0x3FAE];
	_ =	sdelay $0x3  }
0x37: {  	[smem:$0x3FAE] =	sst s10  }
0x38: {  	s10 =	sld [smem:$0x3FAF]  }
0x39: {  	_ = 	snop;
	(pc) =	sbr.ind lr, $3  }
0x3a: {  	_ = 	snop  }
0x3b: {  	_ = 	snop  }
0x3c: {  	p2 =	seq.s32 s10, $0x1;
	s10 =	sld [smem:$0x3FAE]  }
0x3d: {  	_ =	shalt  }
0x3e: {  	_ =	shalt  }
0x3f: {  	_ =	shalt  }
0x40: {  	_ =	shalt  }
0x41: {  	_ =	shalt  }
0x42: {  	_ =	shalt  }
0x43: {  	_ =	shalt  }
0x44: {  	_ =	shalt  }
0x45: {  	_ =	shalt  }
0x46: {  	_ =	shalt  }
0x47: {  	_ =	shalt  }
0x48: {  	_ =	shalt  }
0x49: {  	_ =	shalt  }
0x4a: {  	_ =	shalt  }
0x4b: {  	_ =	shalt  }
0x4c: {  	_ =	shalt  }
0x4d: {  	_ =	shalt  }
0x4e: {  	_ =	shalt  }
0x4f: {  	_ =	shalt  }
0x50: {  	_ =	shalt  }
0x51: {  	_ =	shalt  }
0x52: {  	_ =	shalt  }
0x53: {  	_ =	shalt  }
0x54: {  	_ =	shalt  }
0x55: {  	_ =	shalt  }
0x56: {  	_ =	shalt  }
0x57: {  	_ =	shalt  }
0x58: {  	_ =	shalt  }
0x59: {  	_ =	shalt  }
0x5a: {  	_ =	shalt  }
0x5b: {  	_ =	shalt  }
0x5c: {  	_ =	shalt  }
0x5d: {  	_ =	shalt  }
0x5e: {  	_ =	shalt  }
0x5f: {  	_ =	shalt  }
0x60: {  	_ =	shalt  }
0x61: {  	_ =	shalt  }
0x62: {  	_ =	shalt  }
0x63: {  	_ =	shalt  }
0x64: {  	_ =	shalt  }
0x65: {  	_ =	shalt  }
0x66: {  	_ =	shalt  }
0x67: {  	_ =	shalt  }
0x68: {  	_ =	shalt  }
0x69: {  	_ =	shalt  }
0x6a: {  	_ =	shalt  }
0x6b: {  	_ =	shalt  }
0x6c: {  	_ =	shalt  }
0x6d: {  	_ =	shalt  }
0x6e: {  	_ =	shalt  }
0x6f: {  	_ =	shalt  }
0x70: {  	_ =	shalt  }
0x71: {  	_ =	shalt  }
0x72: {  	_ =	shalt  }
0x73: {  	_ =	shalt  }
0x74: {  	_ =	shalt  }
0x75: {  	_ =	shalt  }
0x76: {  	_ =	shalt  }
0x77: {  	_ =	shalt  }
0x78: {  	_ =	shalt  }
0x79: {  	_ =	shalt  }
0x7a: {  	_ =	shalt  }
0x7b: {  	_ =	shalt  }
0x7c: {  	_ =	shalt  }
0x7d: {  	_ =	shalt  }
0x7e: {  	_ =	shalt  }
0x7f: {  	_ =	shalt  }
0x80: {  	_ =	shalt  }
0x81: {  	_ =	shalt  }
0x82: {  	_ =	shalt  }
0x83: {  	_ =	shalt  }
0x84: {  	_ =	shalt  }
0x85: {  	_ =	shalt  }
0x86: {  	_ =	shalt  }
0x87: {  	_ =	shalt  }
.Lfunc_end0:
.L_simem_size_0:
called_computation.5_lowered:
.L_overlay_start_0:
0x88: {  	s2 =	sld [smem:$0x3FD9]  }
0x89: {  	s3 =	sld [smem:$0x3FFE];
	_ =	sdelay $0x1  }
0x8a: {  	s1 =	srdreg.scid  }
0x8b: {  	s0 =	sand.u32 $0x1, s1  }
0x8c: {  	s16 =	sshll.u32 s0, $0xA;
	s2 =	sadd.s32 s3, s2  }
0x8d: {  	s2 =	sadd.s32 s2, s16  }
0x8e: {  	[smem:$0x3FBA] =	sst s2  }
0x8f: {  	_ = 	snop  }
0x90: {  	(tm) =	ssettm $0x1  }
0x91: {  	s17 =	sld [smem:$0x3FFB];
	_ =	sdelay $0x3  }
0x92: {  	_ =	strace s17  }
0x93: {  	s2 =	sld [smem:$0x3FFC];
	_ =	sdelay $0x3  }
0x94: {  	_ =	strace s2  }
0x95: {  	s2 =	sld [smem:$0x3FFD];
	_ =	sdelay $0x3  }
0x96: {  	_ =	strace s2  }
0x97: {  	_ =	strace $0x8FFFFFFF  }
0x98: {  	s18 =	sld [smem:$0x3FDB];
	_ =	sdelay $0x1  }
0x99: {  	s19 =	simm.s32 $_scs_section_size  }
0x9a: {  	s4 =	simm.s32 $_size__tile_overlayer_lowered;
	s5 =	simm.s32 $_tile_overlayer_lowered  }
0x9b: {  	s22 =	simm.s32 $0x1BFF;
	s21 =	sshll.u32 s5, $0x1;
	s2 =	sadd.s32 s19, s18  }
0x9c: {  	s6 =	simm.s32 $0x0;
	s20 =	sshll.u32 s4, $0x1;
	s4 =	sadd.s32 s21, s2  }
0x9d: {  	[timem:s6], [sflag:s22] =	dma.local [hbm:s4], s20  }
0x9e: {  	_ =	swait.ge [sflag:s22], s20  }
0x9f: {  	s3 =	ssub.s32 $0x0, s20;
	[sflag:s22] =	ssyncset.done $0x0  }
0xa0: {  	[sflag:s22] =	ssyncadd.s32 s3;
	_ =	sdelay $0x1  }
0xa1: {  	s23 =	simm.s32 $0x1B8B  }
0xa2: {  	_ =	swait.ge [sflag:s23], $0x1  }
0xa3: {  	[sflag:s23] =	ssyncset.done $0x0  }
0xa4: {  	s25 =	simm.s32 $0x1B8E;
	s24 =	sld [smem:$0x3FFE];
	[sflag:s23] =	ssyncadd.s32 $0xFFFFFFFF  }
0xa5: {  	s26 =	simm.s32 $execute0_lowered;
	[smem:$0x3FD2] =	sst s25  }
0xa6: {  	s4 =	sshll.u32 s26, $0x1;
	_ =	strace $0x80000055;
	[dreg:$0x1] =	wrdreg $0xFFFFFFFF  }
0xa7: {  	s28 =	simm.s32 $_size_execute0_lowered;
	s2 =	sadd.s32 s2, s4;
	[dreg:$0x0] =	wrdreg $0x0  }
0xa8: {  	s4 =	sshll.u32 s28, $0x1;
	[dreg:$0x2] =	wrdreg s2  }
0xa9: {  	[dreg:$0x3] =	wrdreg s4  }
0xaa: {  	[dreg:$0x4] =	wrdreg $0xC0  }
0xab: {  	_ =	task [dreg:s6], $0x5FFFF  }
0xac: {  	[dreg:$0x1] =	wrdreg $0xFFFFFFFF  }
0xad: {  	[dreg:$0x0] =	wrdreg $0x60  }
0xae: {  	[dreg:$0x2] =	wrdreg s24  }
0xaf: {  	[dreg:$0x3] =	wrdreg $0x2C000  }
0xb0: {  	[dreg:$0x4] =	wrdreg $0x9  }
0xb1: {  	_ =	task.clear_ibuf [dreg:s6], $0x5FFFF;
	_ =	strace $0x90000055  }
0xb2: {  	s29 =	simm.s32 $0x9;
	_ =	strace $0x80000057  }
0xb3: {  	_ =	swait.ge [sflag:s29], $0x1  }
0xb4: {  	[sflag:s29] =	ssyncadd.s32 $0xFFFFFFFF  }
0xb5: {  	_ =	strace $0x90000057  }
0xb6: {  	_ =	sfence  }
0xb7: {  	s30 =	sld [smem:$0x0];
	_ =	sdelay $0x2  }
0xb8: {  	s31 =	sshll.u32 s1, $0xD;
	s1 =	sshrl.u32 s1, $0x2  }
0xb9: {  	s3 =	sand.u32 $0x4000, s31;
	s1 =	sadd.s32 s1, s30  }
0xba: {  	s0 =	sor.u32 s3, s0;
	s1 =	sshll.u32 s1, $0x11  }
0xbb: {  	s0 =	sor.u32 s1, s0  }
0xbc: {  	s0 =	sadd.s32 $0x8F2B, s0  }
0xbd: {  	[sflag:s0] =	ssyncadd.remote.s32 $0x1  }
0xbe: {  	_ =	sfence.sel $0xFFFF  }
0xbf: {  	[dreg:$0x0] =	wrdreg $0xFFFFFFFF;
	(pc) =	sbr.abs _section_cstart, $3  }
0xc0: {  	[dreg:$0x1] =	wrdreg $0xFFFFFFFF  }
0xc1: {  	_ =	task.clear_ibuf [dreg:s6], $0x2FFFF;
	_ =	strace $0x9FFFFFFF  }
0xc2: {  	(tm) =	ssettm $0x7FFFFFFF  }
0xc3: {  	_ =	shalt  }
tec
execute0_lowered:
.L_overlay_start_1:
0x0: {  	(tag) =	ssettag $0x1  }
0x1: {  	s0 =	stileid.u32;
	s5 =	rddreg [dreg:$0x0]  }
0x2: {  	s1 =	srdreg.scid;
	s2 =	rddreg [dreg:$0x1];
	s3 =	simm.s32 $0x0  }
0x3: {  	s14 =	simm.s32 $0x1;
	s15 =	simm.s32 $0x80;
	s6 =	smul.u32 $0x52000, s0  }
0x4: {  	s16 =	simm.s32 $0x2;
	s17 =	simm.s32 $0x3;
	s8 =	smul.u32 $0x14000, s0  }
0x5: {  	s18 =	simm.s32 $0x4;
	s4 =	sand.u32 $0x1, s1;
	s12 =	smul.u32 $0x50000, s0  }
0x6: {  	s19 =	simm.s32 $0x0;
	s24 =	sshll.u32 s0, $0x1;
	s9 =	smul.u32 $0x140000, s4  }
0x7: {  	[smem:$0x7FF] =	sst s3;
	s1 =	sor.u32 s4, s24;
	s31 =	smul.u32 $0x29000, s4  }
0x8: {  	s30 =	sshll.u32 s0, $0x6;
	s28 =	ssub.s32 $0x2, s4;
	s7 =	smul.u32 $0x580, s1  }
0x9: {  	s1 =	rddreg [dreg:$0x2];
	_ =	strace $0x80000056;
	s10 =	sadd.s32 s6, s5  }
0xa: {  	s26 =	sshrl.u32 s8, $0x3;
	s11 =	sshrl.u32 s28, $0x1;
	s29 =	sshrl.u32 s12, $0x2  }
0xb: {  	s12 =	simm.s32 $0x16C00;
	s8 =	sadd.s32 s8, s9;
	s9 =	ssub.s32 s28, s11  }
0xc: {  	s13 =	sadd.s32 s29, s2;
	s10 =	sadd.s32 s31, s10;
	s11 =	simm.s32 $0x5  }
0xd: {  	s25 =	sadd.s32 s7, s5;
	s8 =	sshrl.u32 s8, $0x3;
	s7 =	sadd.s32 s26, s5  }
0xe: {  	s8 =	sadd.s32 s8, s5;
	s4 =	sadd.s32 $0x1AC00, s7;
	s5 =	sor.u32 $0x1C05, s30  }
0xf: {  	s6 =	sadd.s32 $0x4C00, s25;
	s7 =	sadd.s32 $0x589E00, s8;
	s8 =	smax.u32 s9, $0x1  }
0x10: {  	s9 =	sadd.s32 $0x6A600, s10;
	s10 =	sshrl.u32 s13, $0x3;
	s13 =	simm.s32 $0x1AC00  }
.LBB2_1:
0x11: {  	[spmem:s10], [sflag:s5] =	dma.local [hbm:s4], $0x2800  }
0x12: {  	_ =	swait.ge [sflag:s11], $0x2800  }
0x13: {  	[sflag:s11] =	ssyncset.done $0x0  }
0x14: {  	[sflag:s11] =	ssyncadd.s32 $0xFFFFD800  }
0x15: {  	[tilespmem:s3], [sflag:$0x5] =	stream.linear.gather [hbm4b:s6+s3], $0x2900, $0x38;
	[tilespmem:$0x1EC00] =	vst v63  }
0x16: {  	_ =	swait.ge [sflag:s11], $0x2900  }
0x17: {  	[sflag:s11] =	ssyncset.done $0x0  }
0x18: {  	[sflag:s11] =	ssyncadd.s32 $0xFFFFD700  }
0x19: {  	s20 =	sadd.s32 $0xFFFFF800, s9;
	[bflag:$0x0] =	sbarrier.arrive $0xFFFF  }
0x1a: {  	[tilespmem:s12], [sflag:$0x1] =	stream.linear.gather [hbm4b:s20+s3], $0x4000, $0x38;
	[tilespmem:$0x1EC00] =	vst v63  }
0x1b: {  	_ = 	snop  }
0x1c: {  	[tilespmem:s13], [sflag:$0x2] =	stream.linear.gather [hbm4b:s9+s3], $0x4000, $0x38;
	[tilespmem:$0x1EC00] =	vst v63  }
0x1d: {  	_ =	swait.ge [sflag:s14], $0x4000  }
0x1e: {  	[sflag:s14] =	ssyncset.done $0x0  }
0x1f: {  	s30 =	simm.s32 $0x0;
	[sflag:s14] =	ssyncadd.s32 $0xFFFFC000  }
0x20: {  	[spmem:s2] =	stream.indirect.scatter.add.f32 [tilespmem:s12], [sflag:$0x3], $0x80, s30, s15, $0xb8;
	[tilespmem:$0x1EC00] =	vst v63  }
0x21: {  	_ =	swait.ge [sflag:s16], $0x4000  }
0x22: {  	[sflag:s16] =	ssyncset.done $0x0  }
0x23: {  	s31 =	simm.s32 $0x80;
	[sflag:s16] =	ssyncadd.s32 $0xFFFFC000  }
0x24: {  	[spmem:s2] =	stream.indirect.scatter.add.f32 [tilespmem:s13], [sflag:$0x4], $0x80, s31, s15, $0xb8;
	[tilespmem:$0x1EC00] =	vst v63  }
0x25: {  	_ =	swait.ge [sflag:s17], $0x4000  }
0x26: {  	[sflag:s17] =	ssyncset.done $0x0  }
0x27: {  	[sflag:s17] =	ssyncadd.s32 $0xFFFFC000  }
0x28: {  	s22 =	simm.s32 $0x800;
	_ =	swait.ge [sflag:s18], $0x4000  }
0x29: {  	s21 =	sadd.s32 $0x1000, s9;
	s20 =	simm.s32 $0x400;
	[sflag:s18] =	ssyncset.done $0x0  }
.LBB2_2:
0x2a: {  	p0 =	sne.s32 s22, $0xA000;
	s23 =	sadd.s32 $0xFFFFF800, s21;
	[sflag:s18] =	ssyncadd.s32 $0xFFFFC000  }
0x2b: {  	[tilespmem:s12], [sflag:$0x1] =	stream.linear.gather [hbm4b:s23+s3], $0x4000, $0x38;
	[tilespmem:$0x1EC00] =	vst v63  }
0x2c: {  	s23 =	smov.u32 s22;
	s22 =	sadd.s32 $0x400, s22  }
0x2d: {  	[tilespmem:s13], [sflag:$0x2] =	stream.linear.gather [hbm4b:s21+s3], $0x4000, $0x38;
	[tilespmem:$0x1EC00] =	vst v63  }
0x2e: {  	_ =	swait.ge [sflag:s14], $0x4000  }
0x2f: {  	[sflag:s14] =	ssyncset.done $0x0  }
0x30: {  	s24 =	sshra.s32 s20, $0x2;
	s20 =	smov.u32 s23;
	[sflag:s14] =	ssyncadd.s32 $0xFFFFC000  }
0x31: {  	[spmem:s2] =	stream.indirect.scatter.add.f32 [tilespmem:s12], [sflag:$0x3], $0x80, s24, s15, $0xb8;
	[tilespmem:$0x1EC00] =	vst v63  }
0x32: {  	_ =	swait.ge [sflag:s16], $0x4000  }
0x33: {  	[sflag:s16] =	ssyncset.done $0x0  }
0x34: {  	s23 =	sadd.s32 $0x80, s24;
	[sflag:s16] =	ssyncadd.s32 $0xFFFFC000  }
0x35: {  	[spmem:s2] =	stream.indirect.scatter.add.f32 [tilespmem:s13], [sflag:$0x4], $0x80, s23, s15, $0xb8;
	[tilespmem:$0x1EC00] =	vst v63  }
.Ltmp0:
0x36: {  	_ =	swait.ge [sflag:s17], $0x4000;
	(pc) =	sbr.rel @p0 .LBB2_2-.Ltmp0, $4  }
0x37: {  	[sflag:s17] =	ssyncset.done $0x0  }
0x38: {  	[sflag:s17] =	ssyncadd.s32 $0xFFFFC000  }
0x39: {  	_ =	swait.ge [sflag:s18], $0x4000  }
0x3a: {  	s21 =	sadd.s32 $0x1000, s21;
	[sflag:s18] =	ssyncset.done $0x0  }
0x3b: {  	s22 =	sadd.s32 $0xFFFFF800, s21;
	[sflag:s18] =	ssyncadd.s32 $0xFFFFC000  }
0x3c: {  	[tilespmem:s12], [sflag:$0x1] =	stream.linear.gather [hbm4b:s22+s3], $0x4000, $0x38;
	[tilespmem:$0x1EC00] =	vst v63  }
0x3d: {  	_ = 	snop  }
0x3e: {  	[tilespmem:s13], [sflag:$0x2] =	stream.linear.gather [hbm4b:s21+s3], $0x4000, $0x38;
	[tilespmem:$0x1EC00] =	vst v63  }
0x3f: {  	_ =	swait.ge [sflag:s14], $0x4000  }
0x40: {  	[sflag:s14] =	ssyncset.done $0x0  }
0x41: {  	s20 =	sshra.s32 s20, $0x2;
	[sflag:s14] =	ssyncadd.s32 $0xFFFFC000  }
0x42: {  	[spmem:s2] =	stream.indirect.scatter.add.f32 [tilespmem:s12], [sflag:$0x3], $0x80, s20, s15, $0xb8;
	[tilespmem:$0x1EC00] =	vst v63  }
0x43: {  	_ =	swait.ge [sflag:s16], $0x4000  }
0x44: {  	[sflag:s16] =	ssyncset.done $0x0  }
0x45: {  	s20 =	sadd.s32 $0x80, s20;
	[sflag:s16] =	ssyncadd.s32 $0xFFFFC000  }
0x46: {  	[spmem:s2] =	stream.indirect.scatter.add.f32 [tilespmem:s13], [sflag:$0x4], $0x80, s20, s15, $0xb8;
	[tilespmem:$0x1EC00] =	vst v63  }
0x47: {  	_ =	swait.ge [sflag:s17], $0x4000  }
0x48: {  	[sflag:s17] =	ssyncset.done $0x0  }
0x49: {  	[sflag:s17] =	ssyncadd.s32 $0xFFFFC000  }
0x4a: {  	_ =	swait.ge [sflag:s18], $0x4000  }
0x4b: {  	s19 =	sadd.s32 $0x1, s19;
	[sflag:s18] =	ssyncset.done $0x0  }
0x4c: {  	p0 =	sne.s32 s19, s8;
	[sflag:s18] =	ssyncadd.s32 $0xFFFFC000  }
.Ltmp1:
0x4d: {  	[bflag:$0x0] =	sbarrier.arrive $0xFFFF;
	(pc) =	sbr.rel @p0 .LBB2_1-.Ltmp1, $4  }
0x4e: {  	[hbm:s7], [sflag:s5] =	dma.local [spmem:s10], $0x2800  }
0x4f: {  	_ =	swait.ge [sflag:s11], $0x2800  }
0x50: {  	[sflag:s11] =	ssyncset.done $0x0  }
0x51: {  	[sflag:s11] =	ssyncadd.s32 $0xFFFFD800  }
0x52: {  	_ =	sfence.sel $0x180000  }
0x53: {  	[bflag:$0x0] =	sbarrier.arrive $0xFFFF  }
0x54: {  	p0 =	sne.s32 s0, $0x0;
	_ =	strace $0x90000056  }
0x55: {  	s0 =	sadd.s32 @!p0 $0x100000, s1;
	[bflag:$0x2] =	sbarrier.arrive $0xFFFF  }
0x56: {  	[sflag:s0] =	ssyncadd.tile.s32 @!p0 $0x1;
	_ =	shalt  }
.Lfunc_end2:
_tile_overlayer_lowered:
.L_overlay_start_2:
0x57: {  	(tag) =	ssettag $0x2  }
0x58: {  	s0 =	rddreg [dreg:$0x0];
	s2 =	stileid.u32  }
0x59: {  	s1 =	rddreg [dreg:$0x1];
	p0 =	sne.s32 s2, $0x0  }
0x5a: {  	s3 =	rddreg [dreg:$0x2];
	[bflag:$0x3] =	sbarrier.arrive $0xFFFF;
	s2 =	simm.s32 @!p0 $0x1C05  }
0x5b: {  	[timem:s3], [sflag:s2] =	dma.local @!p0 [hbm:s0], s1  }
0x5c: {  	s0 =	simm.s32 @!p0 $0x5  }
0x5d: {  	_ =	swait.ge @!p0 [sflag:s0], s1  }
0x5e: {  	s1 =	ssub.s32 @!p0 $0x0, s1;
	[sflag:s0] =	ssyncset.done @!p0 $0x0  }
0x5f: {  	[sflag:s0] =	ssyncadd.s32 @!p0 s1  }
0x60: {  	[bflag:$0x3] =	sbarrier.arrive $0xFFFF  }
0x61: {  	_ =	shalt  }

</sc_bundles>
